<compile_context>
chip_gen: v7x
topology: tpu7x:2x2x1
jax: 0.10.2.dev20260603
libtpu: 0.0.44.dev20260713+nightly
codegen_flags: <defaults>
</compile_context>

<pallas_src>
import jax
import jax.numpy as jnp
from jax import lax
from jax.experimental import pallas as pl
from jax.experimental.pallas import tpu as pltpu, tpu_sc as plsc

BATCH, SEQ, D = 4, 8192, 1024
NC, NS = 2, 16
NW = NC * NS
SEQ_PER_W = SEQ // NW
CH = 8
NCH = SEQ_PER_W // CH
XDEPTH = 3


def _sc_body(x_hbm, emb_hbm, out_hbm, *refs):
    ebufs = refs[0:2]
    xbufs = refs[2:2 + XDEPTH]
    ses = refs[2 + XDEPTH:4 + XDEPTH]
    sxs = refs[4 + XDEPTH:4 + 2 * XDEPTH]
    sos = refs[4 + 2 * XDEPTH:4 + 3 * XDEPTH]

    cid = lax.axis_index("c")
    sid = lax.axis_index("s")
    wid = sid * NC + cid
    seq0 = wid * SEQ_PER_W

    def row(c):
        return seq0 + c * CH

    eld = {}
    xld = {}
    xst = {}
    for c in range(2):
        eld[c] = pltpu.async_copy(
            emb_hbm.at[pl.ds(row(c), CH)], ebufs[c % 2], ses[c % 2])
    for c in range(XDEPTH - 1):
        xld[c] = pltpu.async_copy(
            x_hbm.at[:, pl.ds(row(c), CH)],
            xbufs[c % XDEPTH], sxs[c % XDEPTH])

    for c in range(NCH):
        k = c % XDEPTH
        eld[c].wait()
        xld[c].wait()
        cn = c + XDEPTH - 1
        if cn < NCH:
            if c - 1 >= 0:
                xst[c - 1].wait()
            xld[cn] = pltpu.async_copy(
                x_hbm.at[:, pl.ds(row(cn), CH)],
                xbufs[cn % XDEPTH], sxs[cn % XDEPTH])

        xb = xbufs[k]
        emb_v = ebufs[c % 2]

        @plsc.parallel_loop(0, BATCH)
        def _batch(b):
            @plsc.parallel_loop(0, CH)
            def _row(r):
                @plsc.parallel_loop(0, D, step=16, unroll=8)
                def _add(i):
                    plsc.addupdate(xb.at[b, r, pl.ds(i, 16)],
                                   emb_v[r, pl.ds(i, 16)])

        xst[c] = pltpu.async_copy(
            xb, out_hbm.at[:, pl.ds(row(c), CH)], sos[k])

        if c + 2 < NCH:
            eld[c + 2] = pltpu.async_copy(
                emb_hbm.at[pl.ds(row(c + 2), CH)], ebufs[c % 2], ses[c % 2])

    for c in range(NCH - XDEPTH, NCH):
        xst[c].wait()


def kernel(x, emb):
    mesh = plsc.VectorSubcoreMesh(core_axis_name="c", subcore_axis_name="s")
    return pl.kernel(
        _sc_body,
        out_type=jax.ShapeDtypeStruct((BATCH, SEQ, D), jnp.float32),
        mesh=mesh,
        scratch_types=(
            [pltpu.VMEM((CH, D), jnp.float32)] * 2
            + [pltpu.VMEM((BATCH, CH, D), jnp.float32)] * XDEPTH
            + [pltpu.SemaphoreType.DMA] * (2 + 2 * XDEPTH)
        ),
    )(x, emb)

# --- scband reference (transcript-rebuilt; emitter-appended) ---
"""Pipeline reference for scband-learned-positional-encoding-87222195847704 (READ-ONLY COPY).

The authoritative reference and input builder live on the scoring server;
editing this copy changes nothing except your own understanding.
"""

import jax, jax.numpy as jnp
import numpy as np

D_MODEL = 1024
MAX_LEN = 8192
BATCH = 4
SEQ_LEN = 8192


def setup_inputs(seed: int = 0) -> dict:
    key = jax.random.key(seed)
    k_x, k_emb = jax.random.split(key)
    x = jax.random.normal(k_x, (BATCH, SEQ_LEN, D_MODEL), dtype=jnp.float32)
    # nn.Embedding default init: N(0, 1)
    emb = jax.random.normal(k_emb, (MAX_LEN, D_MODEL), dtype=jnp.float32)
    return {"x": x, "emb": emb}


def reference(x, emb):
    # forward of LearnedPositionalEncoding (eval mode: dropout is identity)
    seq_len = x.shape[1]
    positions = jnp.arange(0, seq_len)[None, :]            # [1, S]
    pos_encoding = jnp.take(emb, positions, axis=0)        # [1, S, d_model]
    out = x + pos_encoding                                  # broadcast over batch
    return out

if __name__ == "__main__":
    import jax
    _d = setup_inputs()
    print(jax.jit(kernel)(*tuple(_d.values())))

</pallas_src>

<mosaic_0001>
#map = affine_map<(d0, d1) -> (0, 0, 0)>
#map1 = affine_map<(d0, d1) -> (0, 0)>
module attributes {stable_mosaic.version = 14 : i64} {
  func.func @_sc_body(%arg0: i32, %arg1: i32, %arg2: memref<4x8192x1024xf32, #tpu.memory_space<hbm>>, %arg3: memref<8192x1024xf32, #tpu.memory_space<hbm>>, %arg4: memref<4x8192x1024xf32, #tpu.memory_space<hbm>>, %arg5: memref<8x1024xf32, #tpu.memory_space<vmem>>, %arg6: memref<8x1024xf32, #tpu.memory_space<vmem>>, %arg7: memref<4x8x1024xf32, #tpu.memory_space<vmem>>, %arg8: memref<4x8x1024xf32, #tpu.memory_space<vmem>>, %arg9: memref<4x8x1024xf32, #tpu.memory_space<vmem>>, %arg10: memref<!tpu.dma_semaphore, #tpu.memory_space<semaphore_mem>>, %arg11: memref<!tpu.dma_semaphore, #tpu.memory_space<semaphore_mem>>, %arg12: memref<!tpu.dma_semaphore, #tpu.memory_space<semaphore_mem>>, %arg13: memref<!tpu.dma_semaphore, #tpu.memory_space<semaphore_mem>>, %arg14: memref<!tpu.dma_semaphore, #tpu.memory_space<semaphore_mem>>, %arg15: memref<!tpu.dma_semaphore, #tpu.memory_space<semaphore_mem>>, %arg16: memref<!tpu.dma_semaphore, #tpu.memory_space<semaphore_mem>>, %arg17: memref<!tpu.dma_semaphore, #tpu.memory_space<semaphore_mem>>) attributes {dimension_semantics = [#tpu.dimension_semantics<core_parallel>, #tpu.dimension_semantics<subcore_parallel>], iteration_bounds = array<i64: 2, 16>, scalar_prefetch = 0 : i64, scratch_operands = 13 : i64, tpu.core_type = #tpu.core_type<sc_vector_subcore>, window_params = [{transform_indices = #map}, {transform_indices = #map1}, {transform_indices = #map}]} {
    %mul3A = arith.constant 2 : i32
    %mul3A_0 = arith.muli %arg1, %mul3A : i32
    %add3A = arith.addi %mul3A_0, %arg0 : i32
    %mul3A_1 = arith.constant 256 : i32
    %mul3A_2 = arith.muli %add3A, %mul3A_1 : i32
    %add3A_3 = arith.constant 0 : i32
    %add3A_4 = arith.addi %mul3A_2, %add3A_3 : i32
    %dma_start3A = arith.constant 0 : i32
    %dma_start3A_5 = tpu.memref_slice %arg3[%add3A_4, %dma_start3A] : memref<8192x1024xf32, #tpu.memory_space<hbm>> -> memref<8x1024xf32, #tpu.memory_space<hbm>>
    %dma_start3A_6 = arith.constant 0 : i32
    %dma_start3A_7 = tpu.memref_slice %arg3[%add3A_4, %dma_start3A_6] : memref<8192x1024xf32, #tpu.memory_space<hbm>> -> memref<8x1024xf32, #tpu.memory_space<hbm>>
    tpu.enqueue_dma source(%dma_start3A_7 : memref<8x1024xf32, #tpu.memory_space<hbm>>) target(%arg5 : memref<8x1024xf32, #tpu.memory_space<vmem>>) target_semaphore(%arg10 : memref<!tpu.dma_semaphore, #tpu.memory_space<semaphore_mem>>)
    %add3A_8 = arith.constant 8 : i32
    %add3A_9 = arith.addi %mul3A_2, %add3A_8 : i32
    %dma_start3A_10 = arith.constant 0 : i32
    %dma_start3A_11 = tpu.memref_slice %arg3[%add3A_9, %dma_start3A_10] : memref<8192x1024xf32, #tpu.memory_space<hbm>> -> memref<8x1024xf32, #tpu.memory_space<hbm>>
    %dma_start3A_12 = arith.constant 0 : i32
    %dma_start3A_13 = tpu.memref_slice %arg3[%add3A_9, %dma_start3A_12] : memref<8192x1024xf32, #tpu.memory_space<hbm>> -> memref<8x1024xf32, #tpu.memory_space<hbm>>
    tpu.enqueue_dma source(%dma_start3A_13 : memref<8x1024xf32, #tpu.memory_space<hbm>>) target(%arg6 : memref<8x1024xf32, #tpu.memory_space<vmem>>) target_semaphore(%arg11 : memref<!tpu.dma_semaphore, #tpu.memory_space<semaphore_mem>>)
    %add3A_14 = arith.constant 0 : i32
    %add3A_15 = arith.addi %mul3A_2, %add3A_14 : i32
    %dma_start3A_16 = arith.constant 0 : i32
    %dma_start3A_17 = arith.constant 0 : i32
    %dma_start3A_18 = tpu.memref_slice %arg2[%dma_start3A_16, %add3A_15, %dma_start3A_17] : memref<4x8192x1024xf32, #tpu.memory_space<hbm>> -> memref<4x8x1024xf32, #tpu.memory_space<hbm>>
    %dma_start3A_19 = arith.constant 0 : i32
    %dma_start3A_20 = arith.constant 0 : i32
    %dma_start3A_21 = tpu.memref_slice %arg2[%dma_start3A_19, %add3A_15, %dma_start3A_20] : memref<4x8192x1024xf32, #tpu.memory_space<hbm>> -> memref<4x8x1024xf32, #tpu.memory_space<hbm>>
    tpu.enqueue_dma source(%dma_start3A_21 : memref<4x8x1024xf32, #tpu.memory_space<hbm>>) target(%arg7 : memref<4x8x1024xf32, #tpu.memory_space<vmem>>) target_semaphore(%arg12 : memref<!tpu.dma_semaphore, #tpu.memory_space<semaphore_mem>>)
    %add3A_22 = arith.constant 8 : i32
    %add3A_23 = arith.addi %mul3A_2, %add3A_22 : i32
    %dma_start3A_24 = arith.constant 0 : i32
    %dma_start3A_25 = arith.constant 0 : i32
    %dma_start3A_26 = tpu.memref_slice %arg2[%dma_start3A_24, %add3A_23, %dma_start3A_25] : memref<4x8192x1024xf32, #tpu.memory_space<hbm>> -> memref<4x8x1024xf32, #tpu.memory_space<hbm>>
    %dma_start3A_27 = arith.constant 0 : i32
    %dma_start3A_28 = arith.constant 0 : i32
    %dma_start3A_29 = tpu.memref_slice %arg2[%dma_start3A_27, %add3A_23, %dma_start3A_28] : memref<4x8192x1024xf32, #tpu.memory_space<hbm>> -> memref<4x8x1024xf32, #tpu.memory_space<hbm>>
    tpu.enqueue_dma source(%dma_start3A_29 : memref<4x8x1024xf32, #tpu.memory_space<hbm>>) target(%arg8 : memref<4x8x1024xf32, #tpu.memory_space<vmem>>) target_semaphore(%arg13 : memref<!tpu.dma_semaphore, #tpu.memory_space<semaphore_mem>>)
    %dma_wait3A = arith.constant 0 : i32
    %dma_wait3A_30 = tpu.memref_slice %arg3[%add3A_4, %dma_wait3A] : memref<8192x1024xf32, #tpu.memory_space<hbm>> -> memref<8x1024xf32, #tpu.memory_space<hbm>>
    %dma_wait3A_31 = arith.constant 0 : i32
    %dma_wait3A_32 = tpu.memref_slice %arg3[%add3A_4, %dma_wait3A_31] : memref<8192x1024xf32, #tpu.memory_space<hbm>> -> memref<8x1024xf32, #tpu.memory_space<hbm>>
    tpu.wait_dma2 semaphore(%arg10 : memref<!tpu.dma_semaphore, #tpu.memory_space<semaphore_mem>>) src(%dma_wait3A_32 : memref<8x1024xf32, #tpu.memory_space<hbm>>) dst(%arg5 : memref<8x1024xf32, #tpu.memory_space<vmem>>)
    %dma_wait3A_33 = arith.constant 0 : i32
    %dma_wait3A_34 = arith.constant 0 : i32
    %dma_wait3A_35 = tpu.memref_slice %arg2[%dma_wait3A_33, %add3A_15, %dma_wait3A_34] : memref<4x8192x1024xf32, #tpu.memory_space<hbm>> -> memref<4x8x1024xf32, #tpu.memory_space<hbm>>
    %dma_wait3A_36 = arith.constant 0 : i32
    %dma_wait3A_37 = arith.constant 0 : i32
    %dma_wait3A_38 = tpu.memref_slice %arg2[%dma_wait3A_36, %add3A_15, %dma_wait3A_37] : memref<4x8192x1024xf32, #tpu.memory_space<hbm>> -> memref<4x8x1024xf32, #tpu.memory_space<hbm>>
    tpu.wait_dma2 semaphore(%arg12 : memref<!tpu.dma_semaphore, #tpu.memory_space<semaphore_mem>>) src(%dma_wait3A_38 : memref<4x8x1024xf32, #tpu.memory_space<hbm>>) dst(%arg7 : memref<4x8x1024xf32, #tpu.memory_space<vmem>>)
    %add3A_39 = arith.constant 16 : i32
    %add3A_40 = arith.addi %mul3A_2, %add3A_39 : i32
    %dma_start3A_41 = arith.constant 0 : i32
    %dma_start3A_42 = arith.constant 0 : i32
    %dma_start3A_43 = tpu.memref_slice %arg2[%dma_start3A_41, %add3A_40, %dma_start3A_42] : memref<4x8192x1024xf32, #tpu.memory_space<hbm>> -> memref<4x8x1024xf32, #tpu.memory_space<hbm>>
    %dma_start3A_44 = arith.constant 0 : i32
    %dma_start3A_45 = arith.constant 0 : i32
    %dma_start3A_46 = tpu.memref_slice %arg2[%dma_start3A_44, %add3A_40, %dma_start3A_45] : memref<4x8192x1024xf32, #tpu.memory_space<hbm>> -> memref<4x8x1024xf32, #tpu.memory_space<hbm>>
    tpu.enqueue_dma source(%dma_start3A_46 : memref<4x8x1024xf32, #tpu.memory_space<hbm>>) target(%arg9 : memref<4x8x1024xf32, #tpu.memory_space<vmem>>) target_semaphore(%arg14 : memref<!tpu.dma_semaphore, #tpu.memory_space<semaphore_mem>>)
    %parallel_loop3A = arith.constant 0 : i32
    %parallel_loop3A_47 = arith.constant 4 : i32
    %parallel_loop3A_48 = arith.constant 1 : i32
    scf.for %parallel_loop3A_1312 = %parallel_loop3A to %parallel_loop3A_47 step %parallel_loop3A_48  : i32 {
      %parallel_loop3A_1313 = arith.constant 0 : i32
      %parallel_loop3A_1314 = arith.constant 8 : i32
      %parallel_loop3A_1315 = arith.constant 1 : i32
      scf.for %parallel_loop3A_1316 = %parallel_loop3A_1313 to %parallel_loop3A_1314 step %parallel_loop3A_1315  : i32 {
        %parallel_loop3A_1317 = arith.constant 0 : i32
        %parallel_loop3A_1318 = arith.constant 1024 : i32
        %parallel_loop3A_1319 = arith.constant 16 : i32
        scf.for %parallel_loop3A_1320 = %parallel_loop3A_1317 to %parallel_loop3A_1318 step %parallel_loop3A_1319  : i32 {
          %parallel_loop3A_1321 = arith.index_cast %parallel_loop3A_1316 : i32 to index
          %parallel_loop3A_1322 = arith.index_cast %parallel_loop3A_1320 : i32 to index
          %parallel_loop3A_1323 = tpu.vector_load %arg5[%parallel_loop3A_1321, %parallel_loop3A_1322] {strides = array<i32>} : memref<8x1024xf32, #tpu.memory_space<vmem>>, vector<1x16xf32>,
          %parallel_loop3A_1324 = vector.shape_cast %parallel_loop3A_1323 : vector<1x16xf32> to vector<16xf32>
          %parallel_loop3A_1325 = arith.index_cast %parallel_loop3A_1312 : i32 to index
          %parallel_loop3A_1326 = arith.index_cast %parallel_loop3A_1316 : i32 to index
          %parallel_loop3A_1327 = arith.index_cast %parallel_loop3A_1320 : i32 to index
          %parallel_loop3A_1328 = tpu.vector_load %arg7[%parallel_loop3A_1325, %parallel_loop3A_1326, %parallel_loop3A_1327] {strides = array<i32>} : memref<4x8x1024xf32, #tpu.memory_space<vmem>>, vector<1x1x16xf32>,
          %parallel_loop3A_1329 = vector.shape_cast %parallel_loop3A_1328 : vector<1x1x16xf32> to vector<16xf32>
          %parallel_loop3A_1330 = vector.shape_cast %parallel_loop3A_1324 : vector<16xf32> to vector<1x1x16xf32>
          tpu.vector_store %arg7[%parallel_loop3A_1325, %parallel_loop3A_1326, %parallel_loop3A_1327], %parallel_loop3A_1330 {add = true, strides = array<i32>} : memref<4x8x1024xf32, #tpu.memory_space<vmem>>, vector<1x1x16xf32>,
        } {sc.loop_unroll_factor = 8 : i64, sc.parallel_access}
      } {sc.loop_unroll_factor = 1 : i64, sc.parallel_access}
    } {sc.loop_unroll_factor = 1 : i64, sc.parallel_access}
    %add3A_49 = arith.constant 0 : i32
    %add3A_50 = arith.addi %mul3A_2, %add3A_49 : i32
    %dma_start3A_51 = arith.constant 0 : i32
    %dma_start3A_52 = arith.constant 0 : i32
    %dma_start3A_53 = tpu.memref_slice %arg4[%dma_start3A_51, %add3A_50, %dma_start3A_52] : memref<4x8192x1024xf32, #tpu.memory_space<hbm>> -> memref<4x8x1024xf32, #tpu.memory_space<hbm>>
    %dma_start3A_54 = arith.constant 0 : i32
    %dma_start3A_55 = arith.constant 0 : i32
    %dma_start3A_56 = tpu.memref_slice %arg4[%dma_start3A_54, %add3A_50, %dma_start3A_55] : memref<4x8192x1024xf32, #tpu.memory_space<hbm>> -> memref<4x8x1024xf32, #tpu.memory_space<hbm>>
    tpu.enqueue_dma source(%arg7 : memref<4x8x1024xf32, #tpu.memory_space<vmem>>) target(%dma_start3A_56 : memref<4x8x1024xf32, #tpu.memory_space<hbm>>) target_semaphore(%arg15 : memref<!tpu.dma_semaphore, #tpu.memory_space<semaphore_mem>>)
    %add3A_57 = arith.constant 16 : i32
    %add3A_58 = arith.addi %mul3A_2, %add3A_57 : i32
    %dma_start3A_59 = arith.constant 0 : i32
    %dma_start3A_60 = tpu.memref_slice %arg3[%add3A_58, %dma_start3A_59] : memref<8192x1024xf32, #tpu.memory_space<hbm>> -> memref<8x1024xf32, #tpu.memory_space<hbm>>
    %dma_start3A_61 = arith.constant 0 : i32
    %dma_start3A_62 = tpu.memref_slice %arg3[%add3A_58, %dma_start3A_61] : memref<8192x1024xf32, #tpu.memory_space<hbm>> -> memref<8x1024xf32, #tpu.memory_space<hbm>>
    tpu.enqueue_dma source(%dma_start3A_62 : memref<8x1024xf32, #tpu.memory_space<hbm>>) target(%arg5 : memref<8x1024xf32, #tpu.memory_space<vmem>>) target_semaphore(%arg10 : memref<!tpu.dma_semaphore, #tpu.memory_space<semaphore_mem>>)
    %dma_wait3A_63 = arith.constant 0 : i32
    %dma_wait3A_64 = tpu.memref_slice %arg3[%add3A_9, %dma_wait3A_63] : memref<8192x1024xf32, #tpu.memory_space<hbm>> -> memref<8x1024xf32, #tpu.memory_space<hbm>>
    %dma_wait3A_65 = arith.constant 0 : i32
    %dma_wait3A_66 = tpu.memref_slice %arg3[%add3A_9, %dma_wait3A_65] : memref<8192x1024xf32, #tpu.memory_space<hbm>> -> memref<8x1024xf32, #tpu.memory_space<hbm>>
    tpu.wait_dma2 semaphore(%arg11 : memref<!tpu.dma_semaphore, #tpu.memory_space<semaphore_mem>>) src(%dma_wait3A_66 : memref<8x1024xf32, #tpu.memory_space<hbm>>) dst(%arg6 : memref<8x1024xf32, #tpu.memory_space<vmem>>)
    %dma_wait3A_67 = arith.constant 0 : i32
    %dma_wait3A_68 = arith.constant 0 : i32
    %dma_wait3A_69 = tpu.memref_slice %arg2[%dma_wait3A_67, %add3A_23, %dma_wait3A_68] : memref<4x8192x1024xf32, #tpu.memory_space<hbm>> -> memref<4x8x1024xf32, #tpu.memory_space<hbm>>
    %dma_wait3A_70 = arith.constant 0 : i32
    %dma_wait3A_71 = arith.constant 0 : i32
    %dma_wait3A_72 = tpu.memref_slice %arg2[%dma_wait3A_70, %add3A_23, %dma_wait3A_71] : memref<4x8192x1024xf32, #tpu.memory_space<hbm>> -> memref<4x8x1024xf32, #tpu.memory_space<hbm>>
    tpu.wait_dma2 semaphore(%arg13 : memref<!tpu.dma_semaphore, #tpu.memory_space<semaphore_mem>>) src(%dma_wait3A_72 : memref<4x8x1024xf32, #tpu.memory_space<hbm>>) dst(%arg8 : memref<4x8x1024xf32, #tpu.memory_space<vmem>>)
    %dma_wait3A_73 = arith.constant 0 : i32
    %dma_wait3A_74 = arith.constant 0 : i32
    %dma_wait3A_75 = tpu.memref_slice %arg4[%dma_wait3A_73, %add3A_50, %dma_wait3A_74] : memref<4x8192x1024xf32, #tpu.memory_space<hbm>> -> memref<4x8x1024xf32, #tpu.memory_space<hbm>>
    %dma_wait3A_76 = arith.constant 0 : i32
    %dma_wait3A_77 = arith.constant 0 : i32
    %dma_wait3A_78 = tpu.memref_slice %arg4[%dma_wait3A_76, %add3A_50, %dma_wait3A_77] : memref<4x8192x1024xf32, #tpu.memory_space<hbm>> -> memref<4x8x1024xf32, #tpu.memory_space<hbm>>
    tpu.wait_dma2 semaphore(%arg15 : memref<!tpu.dma_semaphore, #tpu.memory_space<semaphore_mem>>) src(%arg7 : memref<4x8x1024xf32, #tpu.memory_space<vmem>>) dst(%dma_wait3A_78 : memref<4x8x1024xf32, #tpu.memory_space<hbm>>)
    %add3A_79 = arith.constant 24 : i32
    %add3A_80 = arith.addi %mul3A_2, %add3A_79 : i32
    %dma_start3A_81 = arith.constant 0 : i32
    %dma_start3A_82 = arith.constant 0 : i32
    %dma_start3A_83 = tpu.memref_slice %arg2[%dma_start3A_81, %add3A_80, %dma_start3A_82] : memref<4x8192x1024xf32, #tpu.memory_space<hbm>> -> memref<4x8x1024xf32, #tpu.memory_space<hbm>>
    %dma_start3A_84 = arith.constant 0 : i32
    %dma_start3A_85 = arith.constant 0 : i32
    %dma_start3A_86 = tpu.memref_slice %arg2[%dma_start3A_84, %add3A_80, %dma_start3A_85] : memref<4x8192x1024xf32, #tpu.memory_space<hbm>> -> memref<4x8x1024xf32, #tpu.memory_space<hbm>>
    tpu.enqueue_dma source(%dma_start3A_86 : memref<4x8x1024xf32, #tpu.memory_space<hbm>>) target(%arg7 : memref<4x8x1024xf32, #tpu.memory_space<vmem>>) target_semaphore(%arg12 : memref<!tpu.dma_semaphore, #tpu.memory_space<semaphore_mem>>)
    %parallel_loop3A_87 = arith.constant 0 : i32
    %parallel_loop3A_88 = arith.constant 4 : i32
    %parallel_loop3A_89 = arith.constant 1 : i32
    scf.for %parallel_loop3A_1312 = %parallel_loop3A_87 to %parallel_loop3A_88 step %parallel_loop3A_89  : i32 {
      %parallel_loop3A_1313 = arith.constant 0 : i32
      %parallel_loop3A_1314 = arith.constant 8 : i32
      %parallel_loop3A_1315 = arith.constant 1 : i32
      scf.for %parallel_loop3A_1316 = %parallel_loop3A_1313 to %parallel_loop3A_1314 step %parallel_loop3A_1315  : i32 {
        %parallel_loop3A_1317 = arith.constant 0 : i32
        %parallel_loop3A_1318 = arith.constant 1024 : i32
        %parallel_loop3A_1319 = arith.constant 16 : i32
        scf.for %parallel_loop3A_1320 = %parallel_loop3A_1317 to %parallel_loop3A_1318 step %parallel_loop3A_1319  : i32 {
          %parallel_loop3A_1321 = arith.index_cast %parallel_loop3A_1316 : i32 to index
          %parallel_loop3A_1322 = arith.index_cast %parallel_loop3A_1320 : i32 to index
          %parallel_loop3A_1323 = tpu.vector_load %arg6[%parallel_loop3A_1321, %parallel_loop3A_1322] {strides = array<i32>} : memref<8x1024xf32, #tpu.memory_space<vmem>>, vector<1x16xf32>,
          %parallel_loop3A_1324 = vector.shape_cast %parallel_loop3A_1323 : vector<1x16xf32> to vector<16xf32>
          %parallel_loop3A_1325 = arith.index_cast %parallel_loop3A_1312 : i32 to index
          %parallel_loop3A_1326 = arith.index_cast %parallel_loop3A_1316 : i32 to index
          %parallel_loop3A_1327 = arith.index_cast %parallel_loop3A_1320 : i32 to index
          %parallel_loop3A_1328 = tpu.vector_load %arg8[%parallel_loop3A_1325, %parallel_loop3A_1326, %parallel_loop3A_1327] {strides = array<i32>} : memref<4x8x1024xf32, #tpu.memory_space<vmem>>, vector<1x1x16xf32>,
          %parallel_loop3A_1329 = vector.shape_cast %parallel_loop3A_1328 : vector<1x1x16xf32> to vector<16xf32>
          %parallel_loop3A_1330 = vector.shape_cast %parallel_loop3A_1324 : vector<16xf32> to vector<1x1x16xf32>
          tpu.vector_store %arg8[%parallel_loop3A_1325, %parallel_loop3A_1326, %parallel_loop3A_1327], %parallel_loop3A_1330 {add = true, strides = array<i32>} : memref<4x8x1024xf32, #tpu.memory_space<vmem>>, vector<1x1x16xf32>,
        } {sc.loop_unroll_factor = 8 : i64, sc.parallel_access}
      } {sc.loop_unroll_factor = 1 : i64, sc.parallel_access}
    } {sc.loop_unroll_factor = 1 : i64, sc.parallel_access}
    %add3A_90 = arith.constant 8 : i32
    %add3A_91 = arith.addi %mul3A_2, %add3A_90 : i32
    %dma_start3A_92 = arith.constant 0 : i32
    %dma_start3A_93 = arith.constant 0 : i32
    %dma_start3A_94 = tpu.memref_slice %arg4[%dma_start3A_92, %add3A_91, %dma_start3A_93] : memref<4x8192x1024xf32, #tpu.memory_space<hbm>> -> memref<4x8x1024xf32, #tpu.memory_space<hbm>>
    %dma_start3A_95 = arith.constant 0 : i32
    %dma_start3A_96 = arith.constant 0 : i32
    %dma_start3A_97 = tpu.memref_slice %arg4[%dma_start3A_95, %add3A_91, %dma_start3A_96] : memref<4x8192x1024xf32, #tpu.memory_space<hbm>> -> memref<4x8x1024xf32, #tpu.memory_space<hbm>>
    tpu.enqueue_dma source(%arg8 : memref<4x8x1024xf32, #tpu.memory_space<vmem>>) target(%dma_start3A_97 : memref<4x8x1024xf32, #tpu.memory_space<hbm>>) target_semaphore(%arg16 : memref<!tpu.dma_semaphore, #tpu.memory_space<semaphore_mem>>)
    %add3A_98 = arith.constant 24 : i32
    %add3A_99 = arith.addi %mul3A_2, %add3A_98 : i32
    %dma_start3A_100 = arith.constant 0 : i32
    %dma_start3A_101 = tpu.memref_slice %arg3[%add3A_99, %dma_start3A_100] : memref<8192x1024xf32, #tpu.memory_space<hbm>> -> memref<8x1024xf32, #tpu.memory_space<hbm>>
    %dma_start3A_102 = arith.constant 0 : i32
    %dma_start3A_103 = tpu.memref_slice %arg3[%add3A_99, %dma_start3A_102] : memref<8192x1024xf32, #tpu.memory_space<hbm>> -> memref<8x1024xf32, #tpu.memory_space<hbm>>
    tpu.enqueue_dma source(%dma_start3A_103 : memref<8x1024xf32, #tpu.memory_space<hbm>>) target(%arg6 : memref<8x1024xf32, #tpu.memory_space<vmem>>) target_semaphore(%arg11 : memref<!tpu.dma_semaphore, #tpu.memory_space<semaphore_mem>>)
    %dma_wait3A_104 = arith.constant 0 : i32
    %dma_wait3A_105 = tpu.memref_slice %arg3[%add3A_58, %dma_wait3A_104] : memref<8192x1024xf32, #tpu.memory_space<hbm>> -> memref<8x1024xf32, #tpu.memory_space<hbm>>
    %dma_wait3A_106 = arith.constant 0 : i32
    %dma_wait3A_107 = tpu.memref_slice %arg3[%add3A_58, %dma_wait3A_106] : memref<8192x1024xf32, #tpu.memory_space<hbm>> -> memref<8x1024xf32, #tpu.memory_space<hbm>>
    tpu.wait_dma2 semaphore(%arg10 : memref<!tpu.dma_semaphore, #tpu.memory_space<semaphore_mem>>) src(%dma_wait3A_107 : memref<8x1024xf32, #tpu.memory_space<hbm>>) dst(%arg5 : memref<8x1024xf32, #tpu.memory_space<vmem>>)
    %dma_wait3A_108 = arith.constant 0 : i32
    %dma_wait3A_109 = arith.constant 0 : i32
    %dma_wait3A_110 = tpu.memref_slice %arg2[%dma_wait3A_108, %add3A_40, %dma_wait3A_109] : memref<4x8192x1024xf32, #tpu.memory_space<hbm>> -> memref<4x8x1024xf32, #tpu.memory_space<hbm>>
    %dma_wait3A_111 = arith.constant 0 : i32
    %dma_wait3A_112 = arith.constant 0 : i32
    %dma_wait3A_113 = tpu.memref_slice %arg2[%dma_wait3A_111, %add3A_40, %dma_wait3A_112] : memref<4x8192x1024xf32, #tpu.memory_space<hbm>> -> memref<4x8x1024xf32, #tpu.memory_space<hbm>>
    tpu.wait_dma2 semaphore(%arg14 : memref<!tpu.dma_semaphore, #tpu.memory_space<semaphore_mem>>) src(%dma_wait3A_113 : memref<4x8x1024xf32, #tpu.memory_space<hbm>>) dst(%arg9 : memref<4x8x1024xf32, #tpu.memory_space<vmem>>)
    %dma_wait3A_114 = arith.constant 0 : i32
    %dma_wait3A_115 = arith.constant 0 : i32
    %dma_wait3A_116 = tpu.memref_slice %arg4[%dma_wait3A_114, %add3A_91, %dma_wait3A_115] : memref<4x8192x1024xf32, #tpu.memory_space<hbm>> -> memref<4x8x1024xf32, #tpu.memory_space<hbm>>
    %dma_wait3A_117 = arith.constant 0 : i32
    %dma_wait3A_118 = arith.constant 0 : i32
    %dma_wait3A_119 = tpu.memref_slice %arg4[%dma_wait3A_117, %add3A_91, %dma_wait3A_118] : memref<4x8192x1024xf32, #tpu.memory_space<hbm>> -> memref<4x8x1024xf32, #tpu.memory_space<hbm>>
    tpu.wait_dma2 semaphore(%arg16 : memref<!tpu.dma_semaphore, #tpu.memory_space<semaphore_mem>>) src(%arg8 : memref<4x8x1024xf32, #tpu.memory_space<vmem>>) dst(%dma_wait3A_119 : memref<4x8x1024xf32, #tpu.memory_space<hbm>>)
    %add3A_120 = arith.constant 32 : i32
    %add3A_121 = arith.addi %mul3A_2, %add3A_120 : i32
    %dma_start3A_122 = arith.constant 0 : i32
    %dma_start3A_123 = arith.constant 0 : i32
    %dma_start3A_124 = tpu.memref_slice %arg2[%dma_start3A_122, %add3A_121, %dma_start3A_123] : memref<4x8192x1024xf32, #tpu.memory_space<hbm>> -> memref<4x8x1024xf32, #tpu.memory_space<hbm>>
    %dma_start3A_125 = arith.constant 0 : i32
    %dma_start3A_126 = arith.constant 0 : i32
    %dma_start3A_127 = tpu.memref_slice %arg2[%dma_start3A_125, %add3A_121, %dma_start3A_126] : memref<4x8192x1024xf32, #tpu.memory_space<hbm>> -> memref<4x8x1024xf32, #tpu.memory_space<hbm>>
    tpu.enqueue_dma source(%dma_start3A_127 : memref<4x8x1024xf32, #tpu.memory_space<hbm>>) target(%arg8 : memref<4x8x1024xf32, #tpu.memory_space<vmem>>) target_semaphore(%arg13 : memref<!tpu.dma_semaphore, #tpu.memory_space<semaphore_mem>>)
    %parallel_loop3A_128 = arith.constant 0 : i32
    %parallel_loop3A_129 = arith.constant 4 : i32
    %parallel_loop3A_130 = arith.constant 1 : i32
    scf.for %parallel_loop3A_1312 = %parallel_loop3A_128 to %parallel_loop3A_129 step %parallel_loop3A_130  : i32 {
      %parallel_loop3A_1313 = arith.constant 0 : i32
      %parallel_loop3A_1314 = arith.constant 8 : i32
      %parallel_loop3A_1315 = arith.constant 1 : i32
      scf.for %parallel_loop3A_1316 = %parallel_loop3A_1313 to %parallel_loop3A_1314 step %parallel_loop3A_1315  : i32 {
        %parallel_loop3A_1317 = arith.constant 0 : i32
        %parallel_loop3A_1318 = arith.constant 1024 : i32
        %parallel_loop3A_1319 = arith.constant 16 : i32
        scf.for %parallel_loop3A_1320 = %parallel_loop3A_1317 to %parallel_loop3A_1318 step %parallel_loop3A_1319  : i32 {
          %parallel_loop3A_1321 = arith.index_cast %parallel_loop3A_1316 : i32 to index
          %parallel_loop3A_1322 = arith.index_cast %parallel_loop3A_1320 : i32 to index
          %parallel_loop3A_1323 = tpu.vector_load %arg5[%parallel_loop3A_1321, %parallel_loop3A_1322] {strides = array<i32>} : memref<8x1024xf32, #tpu.memory_space<vmem>>, vector<1x16xf32>,
          %parallel_loop3A_1324 = vector.shape_cast %parallel_loop3A_1323 : vector<1x16xf32> to vector<16xf32>
          %parallel_loop3A_1325 = arith.index_cast %parallel_loop3A_1312 : i32 to index
          %parallel_loop3A_1326 = arith.index_cast %parallel_loop3A_1316 : i32 to index
          %parallel_loop3A_1327 = arith.index_cast %parallel_loop3A_1320 : i32 to index
          %parallel_loop3A_1328 = tpu.vector_load %arg9[%parallel_loop3A_1325, %parallel_loop3A_1326, %parallel_loop3A_1327] {strides = array<i32>} : memref<4x8x1024xf32, #tpu.memory_space<vmem>>, vector<1x1x16xf32>,
          %parallel_loop3A_1329 = vector.shape_cast %parallel_loop3A_1328 : vector<1x1x16xf32> to vector<16xf32>
          %parallel_loop3A_1330 = vector.shape_cast %parallel_loop3A_1324 : vector<16xf32> to vector<1x1x16xf32>
          tpu.vector_store %arg9[%parallel_loop3A_1325, %parallel_loop3A_1326, %parallel_loop3A_1327], %parallel_loop3A_1330 {add = true, strides = array<i32>} : memref<4x8x1024xf32, #tpu.memory_space<vmem>>, vector<1x1x16xf32>,
        } {sc.loop_unroll_factor = 8 : i64, sc.parallel_access}
      } {sc.loop_unroll_factor = 1 : i64, sc.parallel_access}
    } {sc.loop_unroll_factor = 1 : i64, sc.parallel_access}
    %add3A_131 = arith.constant 16 : i32
    %add3A_132 = arith.addi %mul3A_2, %add3A_131 : i32
    %dma_start3A_133 = arith.constant 0 : i32
    %dma_start3A_134 = arith.constant 0 : i32
    %dma_start3A_135 = tpu.memref_slice %arg4[%dma_start3A_133, %add3A_132, %dma_start3A_134] : memref<4x8192x1024xf32, #tpu.memory_space<hbm>> -> memref<4x8x1024xf32, #tpu.memory_space<hbm>>
    %dma_start3A_136 = arith.constant 0 : i32
    %dma_start3A_137 = arith.constant 0 : i32
    %dma_start3A_138 = tpu.memref_slice %arg4[%dma_start3A_136, %add3A_132, %dma_start3A_137] : memref<4x8192x1024xf32, #tpu.memory_space<hbm>> -> memref<4x8x1024xf32, #tpu.memory_space<hbm>>
    tpu.enqueue_dma source(%arg9 : memref<4x8x1024xf32, #tpu.memory_space<vmem>>) target(%dma_start3A_138 : memref<4x8x1024xf32, #tpu.memory_space<hbm>>) target_semaphore(%arg17 : memref<!tpu.dma_semaphore, #tpu.memory_space<semaphore_mem>>)
    %add3A_139 = arith.constant 32 : i32
    %add3A_140 = arith.addi %mul3A_2, %add3A_139 : i32
    %dma_start3A_141 = arith.constant 0 : i32
    %dma_start3A_142 = tpu.memref_slice %arg3[%add3A_140, %dma_start3A_141] : memref<8192x1024xf32, #tpu.memory_space<hbm>> -> memref<8x1024xf32, #tpu.memory_space<hbm>>
    %dma_start3A_143 = arith.constant 0 : i32
    %dma_start3A_144 = tpu.memref_slice %arg3[%add3A_140, %dma_start3A_143] : memref<8192x1024xf32, #tpu.memory_space<hbm>> -> memref<8x1024xf32, #tpu.memory_space<hbm>>
    tpu.enqueue_dma source(%dma_start3A_144 : memref<8x1024xf32, #tpu.memory_space<hbm>>) target(%arg5 : memref<8x1024xf32, #tpu.memory_space<vmem>>) target_semaphore(%arg10 : memref<!tpu.dma_semaphore, #tpu.memory_space<semaphore_mem>>)
    %dma_wait3A_145 = arith.constant 0 : i32
    %dma_wait3A_146 = tpu.memref_slice %arg3[%add3A_99, %dma_wait3A_145] : memref<8192x1024xf32, #tpu.memory_space<hbm>> -> memref<8x1024xf32, #tpu.memory_space<hbm>>
    %dma_wait3A_147 = arith.constant 0 : i32
    %dma_wait3A_148 = tpu.memref_slice %arg3[%add3A_99, %dma_wait3A_147] : memref<8192x1024xf32, #tpu.memory_space<hbm>> -> memref<8x1024xf32, #tpu.memory_space<hbm>>
    tpu.wait_dma2 semaphore(%arg11 : memref<!tpu.dma_semaphore, #tpu.memory_space<semaphore_mem>>) src(%dma_wait3A_148 : memref<8x1024xf32, #tpu.memory_space<hbm>>) dst(%arg6 : memref<8x1024xf32, #tpu.memory_space<vmem>>)
    %dma_wait3A_149 = arith.constant 0 : i32
    %dma_wait3A_150 = arith.constant 0 : i32
    %dma_wait3A_151 = tpu.memref_slice %arg2[%dma_wait3A_149, %add3A_80, %dma_wait3A_150] : memref<4x8192x1024xf32, #tpu.memory_space<hbm>> -> memref<4x8x1024xf32, #tpu.memory_space<hbm>>
    %dma_wait3A_152 = arith.constant 0 : i32
    %dma_wait3A_153 = arith.constant 0 : i32
    %dma_wait3A_154 = tpu.memref_slice %arg2[%dma_wait3A_152, %add3A_80, %dma_wait3A_153] : memref<4x8192x1024xf32, #tpu.memory_space<hbm>> -> memref<4x8x1024xf32, #tpu.memory_space<hbm>>
    tpu.wait_dma2 semaphore(%arg12 : memref<!tpu.dma_semaphore, #tpu.memory_space<semaphore_mem>>) src(%dma_wait3A_154 : memref<4x8x1024xf32, #tpu.memory_space<hbm>>) dst(%arg7 : memref<4x8x1024xf32, #tpu.memory_space<vmem>>)
    %dma_wait3A_155 = arith.constant 0 : i32
    %dma_wait3A_156 = arith.constant 0 : i32
    %dma_wait3A_157 = tpu.memref_slice %arg4[%dma_wait3A_155, %add3A_132, %dma_wait3A_156] : memref<4x8192x1024xf32, #tpu.memory_space<hbm>> -> memref<4x8x1024xf32, #tpu.memory_space<hbm>>
    %dma_wait3A_158 = arith.constant 0 : i32
    %dma_wait3A_159 = arith.constant 0 : i32
    %dma_wait3A_160 = tpu.memref_slice %arg4[%dma_wait3A_158, %add3A_132, %dma_wait3A_159] : memref<4x8192x1024xf32, #tpu.memory_space<hbm>> -> memref<4x8x1024xf32, #tpu.memory_space<hbm>>
    tpu.wait_dma2 semaphore(%arg17 : memref<!tpu.dma_semaphore, #tpu.memory_space<semaphore_mem>>) src(%arg9 : memref<4x8x1024xf32, #tpu.memory_space<vmem>>) dst(%dma_wait3A_160 : memref<4x8x1024xf32, #tpu.memory_space<hbm>>)
    %add3A_161 = arith.constant 40 : i32
    %add3A_162 = arith.addi %mul3A_2, %add3A_161 : i32
    %dma_start3A_163 = arith.constant 0 : i32
    %dma_start3A_164 = arith.constant 0 : i32
    %dma_start3A_165 = tpu.memref_slice %arg2[%dma_start3A_163, %add3A_162, %dma_start3A_164] : memref<4x8192x1024xf32, #tpu.memory_space<hbm>> -> memref<4x8x1024xf32, #tpu.memory_space<hbm>>
    %dma_start3A_166 = arith.constant 0 : i32
    %dma_start3A_167 = arith.constant 0 : i32
    %dma_start3A_168 = tpu.memref_slice %arg2[%dma_start3A_166, %add3A_162, %dma_start3A_167] : memref<4x8192x1024xf32, #tpu.memory_space<hbm>> -> memref<4x8x1024xf32, #tpu.memory_space<hbm>>
    tpu.enqueue_dma source(%dma_start3A_168 : memref<4x8x1024xf32, #tpu.memory_space<hbm>>) target(%arg9 : memref<4x8x1024xf32, #tpu.memory_space<vmem>>) target_semaphore(%arg14 : memref<!tpu.dma_semaphore, #tpu.memory_space<semaphore_mem>>)
    %parallel_loop3A_169 = arith.constant 0 : i32
    %parallel_loop3A_170 = arith.constant 4 : i32
    %parallel_loop3A_171 = arith.constant 1 : i32
    scf.for %parallel_loop3A_1312 = %parallel_loop3A_169 to %parallel_loop3A_170 step %parallel_loop3A_171  : i32 {
      %parallel_loop3A_1313 = arith.constant 0 : i32
      %parallel_loop3A_1314 = arith.constant 8 : i32
      %parallel_loop3A_1315 = arith.constant 1 : i32
      scf.for %parallel_loop3A_1316 = %parallel_loop3A_1313 to %parallel_loop3A_1314 step %parallel_loop3A_1315  : i32 {
        %parallel_loop3A_1317 = arith.constant 0 : i32
        %parallel_loop3A_1318 = arith.constant 1024 : i32
        %parallel_loop3A_1319 = arith.constant 16 : i32
        scf.for %parallel_loop3A_1320 = %parallel_loop3A_1317 to %parallel_loop3A_1318 step %parallel_loop3A_1319  : i32 {
          %parallel_loop3A_1321 = arith.index_cast %parallel_loop3A_1316 : i32 to index
          %parallel_loop3A_1322 = arith.index_cast %parallel_loop3A_1320 : i32 to index
          %parallel_loop3A_1323 = tpu.vector_load %arg6[%parallel_loop3A_1321, %parallel_loop3A_1322] {strides = array<i32>} : memref<8x1024xf32, #tpu.memory_space<vmem>>, vector<1x16xf32>,
          %parallel_loop3A_1324 = vector.shape_cast %parallel_loop3A_1323 : vector<1x16xf32> to vector<16xf32>
          %parallel_loop3A_1325 = arith.index_cast %parallel_loop3A_1312 : i32 to index
          %parallel_loop3A_1326 = arith.index_cast %parallel_loop3A_1316 : i32 to index
          %parallel_loop3A_1327 = arith.index_cast %parallel_loop3A_1320 : i32 to index
          %parallel_loop3A_1328 = tpu.vector_load %arg7[%parallel_loop3A_1325, %parallel_loop3A_1326, %parallel_loop3A_1327] {strides = array<i32>} : memref<4x8x1024xf32, #tpu.memory_space<vmem>>, vector<1x1x16xf32>,
          %parallel_loop3A_1329 = vector.shape_cast %parallel_loop3A_1328 : vector<1x1x16xf32> to vector<16xf32>
          %parallel_loop3A_1330 = vector.shape_cast %parallel_loop3A_1324 : vector<16xf32> to vector<1x1x16xf32>
          tpu.vector_store %arg7[%parallel_loop3A_1325, %parallel_loop3A_1326, %parallel_loop3A_1327], %parallel_loop3A_1330 {add = true, strides = array<i32>} : memref<4x8x1024xf32, #tpu.memory_space<vmem>>, vector<1x1x16xf32>,
        } {sc.loop_unroll_factor = 8 : i64, sc.parallel_access}
      } {sc.loop_unroll_factor = 1 : i64, sc.parallel_access}
    } {sc.loop_unroll_factor = 1 : i64, sc.parallel_access}
    %add3A_172 = arith.constant 24 : i32
    %add3A_173 = arith.addi %mul3A_2, %add3A_172 : i32
    %dma_start3A_174 = arith.constant 0 : i32
    %dma_start3A_175 = arith.constant 0 : i32
    %dma_start3A_176 = tpu.memref_slice %arg4[%dma_start3A_174, %add3A_173, %dma_start3A_175] : memref<4x8192x1024xf32, #tpu.memory_space<hbm>> -> memref<4x8x1024xf32, #tpu.memory_space<hbm>>
    %dma_start3A_177 = arith.constant 0 : i32
    %dma_start3A_178 = arith.constant 0 : i32
    %dma_start3A_179 = tpu.memref_slice %arg4[%dma_start3A_177, %add3A_173, %dma_start3A_178] : memref<4x8192x1024xf32, #tpu.memory_space<hbm>> -> memref<4x8x1024xf32, #tpu.memory_space<hbm>>
    tpu.enqueue_dma source(%arg7 : memref<4x8x1024xf32, #tpu.memory_space<vmem>>) target(%dma_start3A_179 : memref<4x8x1024xf32, #tpu.memory_space<hbm>>) target_semaphore(%arg15 : memref<!tpu.dma_semaphore, #tpu.memory_space<semaphore_mem>>)
    %add3A_180 = arith.constant 40 : i32
    %add3A_181 = arith.addi %mul3A_2, %add3A_180 : i32
    %dma_start3A_182 = arith.constant 0 : i32
    %dma_start3A_183 = tpu.memref_slice %arg3[%add3A_181, %dma_start3A_182] : memref<8192x1024xf32, #tpu.memory_space<hbm>> -> memref<8x1024xf32, #tpu.memory_space<hbm>>
    %dma_start3A_184 = arith.constant 0 : i32
    %dma_start3A_185 = tpu.memref_slice %arg3[%add3A_181, %dma_start3A_184] : memref<8192x1024xf32, #tpu.memory_space<hbm>> -> memref<8x1024xf32, #tpu.memory_space<hbm>>
    tpu.enqueue_dma source(%dma_start3A_185 : memref<8x1024xf32, #tpu.memory_space<hbm>>) target(%arg6 : memref<8x1024xf32, #tpu.memory_space<vmem>>) target_semaphore(%arg11 : memref<!tpu.dma_semaphore, #tpu.memory_space<semaphore_mem>>)
    %dma_wait3A_186 = arith.constant 0 : i32
    %dma_wait3A_187 = tpu.memref_slice %arg3[%add3A_140, %dma_wait3A_186] : memref<8192x1024xf32, #tpu.memory_space<hbm>> -> memref<8x1024xf32, #tpu.memory_space<hbm>>
    %dma_wait3A_188 = arith.constant 0 : i32
    %dma_wait3A_189 = tpu.memref_slice %arg3[%add3A_140, %dma_wait3A_188] : memref<8192x1024xf32, #tpu.memory_space<hbm>> -> memref<8x1024xf32, #tpu.memory_space<hbm>>
    tpu.wait_dma2 semaphore(%arg10 : memref<!tpu.dma_semaphore, #tpu.memory_space<semaphore_mem>>) src(%dma_wait3A_189 : memref<8x1024xf32, #tpu.memory_space<hbm>>) dst(%arg5 : memref<8x1024xf32, #tpu.memory_space<vmem>>)
    %dma_wait3A_190 = arith.constant 0 : i32
    %dma_wait3A_191 = arith.constant 0 : i32
    %dma_wait3A_192 = tpu.memref_slice %arg2[%dma_wait3A_190, %add3A_121, %dma_wait3A_191] : memref<4x8192x1024xf32, #tpu.memory_space<hbm>> -> memref<4x8x1024xf32, #tpu.memory_space<hbm>>
    %dma_wait3A_193 = arith.constant 0 : i32
    %dma_wait3A_194 = arith.constant 0 : i32
    %dma_wait3A_195 = tpu.memref_slice %arg2[%dma_wait3A_193, %add3A_121, %dma_wait3A_194] : memref<4x8192x1024xf32, #tpu.memory_space<hbm>> -> memref<4x8x1024xf32, #tpu.memory_space<hbm>>
    tpu.wait_dma2 semaphore(%arg13 : memref<!tpu.dma_semaphore, #tpu.memory_space<semaphore_mem>>) src(%dma_wait3A_195 : memref<4x8x1024xf32, #tpu.memory_space<hbm>>) dst(%arg8 : memref<4x8x1024xf32, #tpu.memory_space<vmem>>)
    %dma_wait3A_196 = arith.constant 0 : i32
    %dma_wait3A_197 = arith.constant 0 : i32
    %dma_wait3A_198 = tpu.memref_slice %arg4[%dma_wait3A_196, %add3A_173, %dma_wait3A_197] : memref<4x8192x1024xf32, #tpu.memory_space<hbm>> -> memref<4x8x1024xf32, #tpu.memory_space<hbm>>
    %dma_wait3A_199 = arith.constant 0 : i32
    %dma_wait3A_200 = arith.constant 0 : i32
    %dma_wait3A_201 = tpu.memref_slice %arg4[%dma_wait3A_199, %add3A_173, %dma_wait3A_200] : memref<4x8192x1024xf32, #tpu.memory_space<hbm>> -> memref<4x8x1024xf32, #tpu.memory_space<hbm>>
    tpu.wait_dma2 semaphore(%arg15 : memref<!tpu.dma_semaphore, #tpu.memory_space<semaphore_mem>>) src(%arg7 : memref<4x8x1024xf32, #tpu.memory_space<vmem>>) dst(%dma_wait3A_201 : memref<4x8x1024xf32, #tpu.memory_space<hbm>>)
    %add3A_202 = arith.constant 48 : i32
    %add3A_203 = arith.addi %mul3A_2, %add3A_202 : i32
    %dma_start3A_204 = arith.constant 0 : i32
    %dma_start3A_205 = arith.constant 0 : i32
    %dma_start3A_206 = tpu.memref_slice %arg2[%dma_start3A_204, %add3A_203, %dma_start3A_205] : memref<4x8192x1024xf32, #tpu.memory_space<hbm>> -> memref<4x8x1024xf32, #tpu.memory_space<hbm>>
    %dma_start3A_207 = arith.constant 0 : i32
    %dma_start3A_208 = arith.constant 0 : i32
    %dma_start3A_209 = tpu.memref_slice %arg2[%dma_start3A_207, %add3A_203, %dma_start3A_208] : memref<4x8192x1024xf32, #tpu.memory_space<hbm>> -> memref<4x8x1024xf32, #tpu.memory_space<hbm>>
    tpu.enqueue_dma source(%dma_start3A_209 : memref<4x8x1024xf32, #tpu.memory_space<hbm>>) target(%arg7 : memref<4x8x1024xf32, #tpu.memory_space<vmem>>) target_semaphore(%arg12 : memref<!tpu.dma_semaphore, #tpu.memory_space<semaphore_mem>>)
    %parallel_loop3A_210 = arith.constant 0 : i32
    %parallel_loop3A_211 = arith.constant 4 : i32
    %parallel_loop3A_212 = arith.constant 1 : i32
    scf.for %parallel_loop3A_1312 = %parallel_loop3A_210 to %parallel_loop3A_211 step %parallel_loop3A_212  : i32 {
      %parallel_loop3A_1313 = arith.constant 0 : i32
      %parallel_loop3A_1314 = arith.constant 8 : i32
      %parallel_loop3A_1315 = arith.constant 1 : i32
      scf.for %parallel_loop3A_1316 = %parallel_loop3A_1313 to %parallel_loop3A_1314 step %parallel_loop3A_1315  : i32 {
        %parallel_loop3A_1317 = arith.constant 0 : i32
        %parallel_loop3A_1318 = arith.constant 1024 : i32
        %parallel_loop3A_1319 = arith.constant 16 : i32
        scf.for %parallel_loop3A_1320 = %parallel_loop3A_1317 to %parallel_loop3A_1318 step %parallel_loop3A_1319  : i32 {
          %parallel_loop3A_1321 = arith.index_cast %parallel_loop3A_1316 : i32 to index
          %parallel_loop3A_1322 = arith.index_cast %parallel_loop3A_1320 : i32 to index
          %parallel_loop3A_1323 = tpu.vector_load %arg5[%parallel_loop3A_1321, %parallel_loop3A_1322] {strides = array<i32>} : memref<8x1024xf32, #tpu.memory_space<vmem>>, vector<1x16xf32>,
          %parallel_loop3A_1324 = vector.shape_cast %parallel_loop3A_1323 : vector<1x16xf32> to vector<16xf32>
          %parallel_loop3A_1325 = arith.index_cast %parallel_loop3A_1312 : i32 to index
          %parallel_loop3A_1326 = arith.index_cast %parallel_loop3A_1316 : i32 to index
          %parallel_loop3A_1327 = arith.index_cast %parallel_loop3A_1320 : i32 to index
          %parallel_loop3A_1328 = tpu.vector_load %arg8[%parallel_loop3A_1325, %parallel_loop3A_1326, %parallel_loop3A_1327] {strides = array<i32>} : memref<4x8x1024xf32, #tpu.memory_space<vmem>>, vector<1x1x16xf32>,
          %parallel_loop3A_1329 = vector.shape_cast %parallel_loop3A_1328 : vector<1x1x16xf32> to vector<16xf32>
          %parallel_loop3A_1330 = vector.shape_cast %parallel_loop3A_1324 : vector<16xf32> to vector<1x1x16xf32>
          tpu.vector_store %arg8[%parallel_loop3A_1325, %parallel_loop3A_1326, %parallel_loop3A_1327], %parallel_loop3A_1330 {add = true, strides = array<i32>} : memref<4x8x1024xf32, #tpu.memory_space<vmem>>, vector<1x1x16xf32>,
        } {sc.loop_unroll_factor = 8 : i64, sc.parallel_access}
      } {sc.loop_unroll_factor = 1 : i64, sc.parallel_access}
    } {sc.loop_unroll_factor = 1 : i64, sc.parallel_access}
    %add3A_213 = arith.constant 32 : i32
    %add3A_214 = arith.addi %mul3A_2, %add3A_213 : i32
    %dma_start3A_215 = arith.constant 0 : i32
    %dma_start3A_216 = arith.constant 0 : i32
    %dma_start3A_217 = tpu.memref_slice %arg4[%dma_start3A_215, %add3A_214, %dma_start3A_216] : memref<4x8192x1024xf32, #tpu.memory_space<hbm>> -> memref<4x8x1024xf32, #tpu.memory_space<hbm>>
    %dma_start3A_218 = arith.constant 0 : i32
    %dma_start3A_219 = arith.constant 0 : i32
    %dma_start3A_220 = tpu.memref_slice %arg4[%dma_start3A_218, %add3A_214, %dma_start3A_219] : memref<4x8192x1024xf32, #tpu.memory_space<hbm>> -> memref<4x8x1024xf32, #tpu.memory_space<hbm>>
    tpu.enqueue_dma source(%arg8 : memref<4x8x1024xf32, #tpu.memory_space<vmem>>) target(%dma_start3A_220 : memref<4x8x1024xf32, #tpu.memory_space<hbm>>) target_semaphore(%arg16 : memref<!tpu.dma_semaphore, #tpu.memory_space<semaphore_mem>>)
    %add3A_221 = arith.constant 48 : i32
    %add3A_222 = arith.addi %mul3A_2, %add3A_221 : i32
    %dma_start3A_223 = arith.constant 0 : i32
    %dma_start3A_224 = tpu.memref_slice %arg3[%add3A_222, %dma_start3A_223] : memref<8192x1024xf32, #tpu.memory_space<hbm>> -> memref<8x1024xf32, #tpu.memory_space<hbm>>
    %dma_start3A_225 = arith.constant 0 : i32
    %dma_start3A_226 = tpu.memref_slice %arg3[%add3A_222, %dma_start3A_225] : memref<8192x1024xf32, #tpu.memory_space<hbm>> -> memref<8x1024xf32, #tpu.memory_space<hbm>>
    tpu.enqueue_dma source(%dma_start3A_226 : memref<8x1024xf32, #tpu.memory_space<hbm>>) target(%arg5 : memref<8x1024xf32, #tpu.memory_space<vmem>>) target_semaphore(%arg10 : memref<!tpu.dma_semaphore, #tpu.memory_space<semaphore_mem>>)
    %dma_wait3A_227 = arith.constant 0 : i32
    %dma_wait3A_228 = tpu.memref_slice %arg3[%add3A_181, %dma_wait3A_227] : memref<8192x1024xf32, #tpu.memory_space<hbm>> -> memref<8x1024xf32, #tpu.memory_space<hbm>>
    %dma_wait3A_229 = arith.constant 0 : i32
    %dma_wait3A_230 = tpu.memref_slice %arg3[%add3A_181, %dma_wait3A_229] : memref<8192x1024xf32, #tpu.memory_space<hbm>> -> memref<8x1024xf32, #tpu.memory_space<hbm>>
    tpu.wait_dma2 semaphore(%arg11 : memref<!tpu.dma_semaphore, #tpu.memory_space<semaphore_mem>>) src(%dma_wait3A_230 : memref<8x1024xf32, #tpu.memory_space<hbm>>) dst(%arg6 : memref<8x1024xf32, #tpu.memory_space<vmem>>)
    %dma_wait3A_231 = arith.constant 0 : i32
    %dma_wait3A_232 = arith.constant 0 : i32
    %dma_wait3A_233 = tpu.memref_slice %arg2[%dma_wait3A_231, %add3A_162, %dma_wait3A_232] : memref<4x8192x1024xf32, #tpu.memory_space<hbm>> -> memref<4x8x1024xf32, #tpu.memory_space<hbm>>
    %dma_wait3A_234 = arith.constant 0 : i32
    %dma_wait3A_235 = arith.constant 0 : i32
    %dma_wait3A_236 = tpu.memref_slice %arg2[%dma_wait3A_234, %add3A_162, %dma_wait3A_235] : memref<4x8192x1024xf32, #tpu.memory_space<hbm>> -> memref<4x8x1024xf32, #tpu.memory_space<hbm>>
    tpu.wait_dma2 semaphore(%arg14 : memref<!tpu.dma_semaphore, #tpu.memory_space<semaphore_mem>>) src(%dma_wait3A_236 : memref<4x8x1024xf32, #tpu.memory_space<hbm>>) dst(%arg9 : memref<4x8x1024xf32, #tpu.memory_space<vmem>>)
    %dma_wait3A_237 = arith.constant 0 : i32
    %dma_wait3A_238 = arith.constant 0 : i32
    %dma_wait3A_239 = tpu.memref_slice %arg4[%dma_wait3A_237, %add3A_214, %dma_wait3A_238] : memref<4x8192x1024xf32, #tpu.memory_space<hbm>> -> memref<4x8x1024xf32, #tpu.memory_space<hbm>>
    %dma_wait3A_240 = arith.constant 0 : i32
    %dma_wait3A_241 = arith.constant 0 : i32
    %dma_wait3A_242 = tpu.memref_slice %arg4[%dma_wait3A_240, %add3A_214, %dma_wait3A_241] : memref<4x8192x1024xf32, #tpu.memory_space<hbm>> -> memref<4x8x1024xf32, #tpu.memory_space<hbm>>
    tpu.wait_dma2 semaphore(%arg16 : memref<!tpu.dma_semaphore, #tpu.memory_space<semaphore_mem>>) src(%arg8 : memref<4x8x1024xf32, #tpu.memory_space<vmem>>) dst(%dma_wait3A_242 : memref<4x8x1024xf32, #tpu.memory_space<hbm>>)
    %add3A_243 = arith.constant 56 : i32
    %add3A_244 = arith.addi %mul3A_2, %add3A_243 : i32
    %dma_start3A_245 = arith.constant 0 : i32
    %dma_start3A_246 = arith.constant 0 : i32
    %dma_start3A_247 = tpu.memref_slice %arg2[%dma_start3A_245, %add3A_244, %dma_start3A_246] : memref<4x8192x1024xf32, #tpu.memory_space<hbm>> -> memref<4x8x1024xf32, #tpu.memory_space<hbm>>
    %dma_start3A_248 = arith.constant 0 : i32
    %dma_start3A_249 = arith.constant 0 : i32
    %dma_start3A_250 = tpu.memref_slice %arg2[%dma_start3A_248, %add3A_244, %dma_start3A_249] : memref<4x8192x1024xf32, #tpu.memory_space<hbm>> -> memref<4x8x1024xf32, #tpu.memory_space<hbm>>
    tpu.enqueue_dma source(%dma_start3A_250 : memref<4x8x1024xf32, #tpu.memory_space<hbm>>) target(%arg8 : memref<4x8x1024xf32, #tpu.memory_space<vmem>>) target_semaphore(%arg13 : memref<!tpu.dma_semaphore, #tpu.memory_space<semaphore_mem>>)
    %parallel_loop3A_251 = arith.constant 0 : i32
    %parallel_loop3A_252 = arith.constant 4 : i32
    %parallel_loop3A_253 = arith.constant 1 : i32
    scf.for %parallel_loop3A_1312 = %parallel_loop3A_251 to %parallel_loop3A_252 step %parallel_loop3A_253  : i32 {
      %parallel_loop3A_1313 = arith.constant 0 : i32
      %parallel_loop3A_1314 = arith.constant 8 : i32
      %parallel_loop3A_1315 = arith.constant 1 : i32
      scf.for %parallel_loop3A_1316 = %parallel_loop3A_1313 to %parallel_loop3A_1314 step %parallel_loop3A_1315  : i32 {
        %parallel_loop3A_1317 = arith.constant 0 : i32
        %parallel_loop3A_1318 = arith.constant 1024 : i32
        %parallel_loop3A_1319 = arith.constant 16 : i32
        scf.for %parallel_loop3A_1320 = %parallel_loop3A_1317 to %parallel_loop3A_1318 step %parallel_loop3A_1319  : i32 {
          %parallel_loop3A_1321 = arith.index_cast %parallel_loop3A_1316 : i32 to index
          %parallel_loop3A_1322 = arith.index_cast %parallel_loop3A_1320 : i32 to index
          %parallel_loop3A_1323 = tpu.vector_load %arg6[%parallel_loop3A_1321, %parallel_loop3A_1322] {strides = array<i32>} : memref<8x1024xf32, #tpu.memory_space<vmem>>, vector<1x16xf32>,
          %parallel_loop3A_1324 = vector.shape_cast %parallel_loop3A_1323 : vector<1x16xf32> to vector<16xf32>
          %parallel_loop3A_1325 = arith.index_cast %parallel_loop3A_1312 : i32 to index
          %parallel_loop3A_1326 = arith.index_cast %parallel_loop3A_1316 : i32 to index
          %parallel_loop3A_1327 = arith.index_cast %parallel_loop3A_1320 : i32 to index
          %parallel_loop3A_1328 = tpu.vector_load %arg9[%parallel_loop3A_1325, %parallel_loop3A_1326, %parallel_loop3A_1327] {strides = array<i32>} : memref<4x8x1024xf32, #tpu.memory_space<vmem>>, vector<1x1x16xf32>,
          %parallel_loop3A_1329 = vector.shape_cast %parallel_loop3A_1328 : vector<1x1x16xf32> to vector<16xf32>
          %parallel_loop3A_1330 = vector.shape_cast %parallel_loop3A_1324 : vector<16xf32> to vector<1x1x16xf32>
          tpu.vector_store %arg9[%parallel_loop3A_1325, %parallel_loop3A_1326, %parallel_loop3A_1327], %parallel_loop3A_1330 {add = true, strides = array<i32>} : memref<4x8x1024xf32, #tpu.memory_space<vmem>>, vector<1x1x16xf32>,
        } {sc.loop_unroll_factor = 8 : i64, sc.parallel_access}
      } {sc.loop_unroll_factor = 1 : i64, sc.parallel_access}
    } {sc.loop_unroll_factor = 1 : i64, sc.parallel_access}
    %add3A_254 = arith.constant 40 : i32
    %add3A_255 = arith.addi %mul3A_2, %add3A_254 : i32
    %dma_start3A_256 = arith.constant 0 : i32
    %dma_start3A_257 = arith.constant 0 : i32
    %dma_start3A_258 = tpu.memref_slice %arg4[%dma_start3A_256, %add3A_255, %dma_start3A_257] : memref<4x8192x1024xf32, #tpu.memory_space<hbm>> -> memref<4x8x1024xf32, #tpu.memory_space<hbm>>
    %dma_start3A_259 = arith.constant 0 : i32
    %dma_start3A_260 = arith.constant 0 : i32
    %dma_start3A_261 = tpu.memref_slice %arg4[%dma_start3A_259, %add3A_255, %dma_start3A_260] : memref<4x8192x1024xf32, #tpu.memory_space<hbm>> -> memref<4x8x1024xf32, #tpu.memory_space<hbm>>
    tpu.enqueue_dma source(%arg9 : memref<4x8x1024xf32, #tpu.memory_space<vmem>>) target(%dma_start3A_261 : memref<4x8x1024xf32, #tpu.memory_space<hbm>>) target_semaphore(%arg17 : memref<!tpu.dma_semaphore, #tpu.memory_space<semaphore_mem>>)
    %add3A_262 = arith.constant 56 : i32
    %add3A_263 = arith.addi %mul3A_2, %add3A_262 : i32
    %dma_start3A_264 = arith.constant 0 : i32
    %dma_start3A_265 = tpu.memref_slice %arg3[%add3A_263, %dma_start3A_264] : memref<8192x1024xf32, #tpu.memory_space<hbm>> -> memref<8x1024xf32, #tpu.memory_space<hbm>>
    %dma_start3A_266 = arith.constant 0 : i32
    %dma_start3A_267 = tpu.memref_slice %arg3[%add3A_263, %dma_start3A_266] : memref<8192x1024xf32, #tpu.memory_space<hbm>> -> memref<8x1024xf32, #tpu.memory_space<hbm>>
    tpu.enqueue_dma source(%dma_start3A_267 : memref<8x1024xf32, #tpu.memory_space<hbm>>) target(%arg6 : memref<8x1024xf32, #tpu.memory_space<vmem>>) target_semaphore(%arg11 : memref<!tpu.dma_semaphore, #tpu.memory_space<semaphore_mem>>)
    %dma_wait3A_268 = arith.constant 0 : i32
    %dma_wait3A_269 = tpu.memref_slice %arg3[%add3A_222, %dma_wait3A_268] : memref<8192x1024xf32, #tpu.memory_space<hbm>> -> memref<8x1024xf32, #tpu.memory_space<hbm>>
    %dma_wait3A_270 = arith.constant 0 : i32
    %dma_wait3A_271 = tpu.memref_slice %arg3[%add3A_222, %dma_wait3A_270] : memref<8192x1024xf32, #tpu.memory_space<hbm>> -> memref<8x1024xf32, #tpu.memory_space<hbm>>
    tpu.wait_dma2 semaphore(%arg10 : memref<!tpu.dma_semaphore, #tpu.memory_space<semaphore_mem>>) src(%dma_wait3A_271 : memref<8x1024xf32, #tpu.memory_space<hbm>>) dst(%arg5 : memref<8x1024xf32, #tpu.memory_space<vmem>>)
    %dma_wait3A_272 = arith.constant 0 : i32
    %dma_wait3A_273 = arith.constant 0 : i32
    %dma_wait3A_274 = tpu.memref_slice %arg2[%dma_wait3A_272, %add3A_203, %dma_wait3A_273] : memref<4x8192x1024xf32, #tpu.memory_space<hbm>> -> memref<4x8x1024xf32, #tpu.memory_space<hbm>>
    %dma_wait3A_275 = arith.constant 0 : i32
    %dma_wait3A_276 = arith.constant 0 : i32
    %dma_wait3A_277 = tpu.memref_slice %arg2[%dma_wait3A_275, %add3A_203, %dma_wait3A_276] : memref<4x8192x1024xf32, #tpu.memory_space<hbm>> -> memref<4x8x1024xf32, #tpu.memory_space<hbm>>
    tpu.wait_dma2 semaphore(%arg12 : memref<!tpu.dma_semaphore, #tpu.memory_space<semaphore_mem>>) src(%dma_wait3A_277 : memref<4x8x1024xf32, #tpu.memory_space<hbm>>) dst(%arg7 : memref<4x8x1024xf32, #tpu.memory_space<vmem>>)
    %dma_wait3A_278 = arith.constant 0 : i32
    %dma_wait3A_279 = arith.constant 0 : i32
    %dma_wait3A_280 = tpu.memref_slice %arg4[%dma_wait3A_278, %add3A_255, %dma_wait3A_279] : memref<4x8192x1024xf32, #tpu.memory_space<hbm>> -> memref<4x8x1024xf32, #tpu.memory_space<hbm>>
    %dma_wait3A_281 = arith.constant 0 : i32
    %dma_wait3A_282 = arith.constant 0 : i32
    %dma_wait3A_283 = tpu.memref_slice %arg4[%dma_wait3A_281, %add3A_255, %dma_wait3A_282] : memref<4x8192x1024xf32, #tpu.memory_space<hbm>> -> memref<4x8x1024xf32, #tpu.memory_space<hbm>>
    tpu.wait_dma2 semaphore(%arg17 : memref<!tpu.dma_semaphore, #tpu.memory_space<semaphore_mem>>) src(%arg9 : memref<4x8x1024xf32, #tpu.memory_space<vmem>>) dst(%dma_wait3A_283 : memref<4x8x1024xf32, #tpu.memory_space<hbm>>)
    %add3A_284 = arith.constant 64 : i32
    %add3A_285 = arith.addi %mul3A_2, %add3A_284 : i32
    %dma_start3A_286 = arith.constant 0 : i32
    %dma_start3A_287 = arith.constant 0 : i32
    %dma_start3A_288 = tpu.memref_slice %arg2[%dma_start3A_286, %add3A_285, %dma_start3A_287] : memref<4x8192x1024xf32, #tpu.memory_space<hbm>> -> memref<4x8x1024xf32, #tpu.memory_space<hbm>>
    %dma_start3A_289 = arith.constant 0 : i32
    %dma_start3A_290 = arith.constant 0 : i32
    %dma_start3A_291 = tpu.memref_slice %arg2[%dma_start3A_289, %add3A_285, %dma_start3A_290] : memref<4x8192x1024xf32, #tpu.memory_space<hbm>> -> memref<4x8x1024xf32, #tpu.memory_space<hbm>>
    tpu.enqueue_dma source(%dma_start3A_291 : memref<4x8x1024xf32, #tpu.memory_space<hbm>>) target(%arg9 : memref<4x8x1024xf32, #tpu.memory_space<vmem>>) target_semaphore(%arg14 : memref<!tpu.dma_semaphore, #tpu.memory_space<semaphore_mem>>)
    %parallel_loop3A_292 = arith.constant 0 : i32
    %parallel_loop3A_293 = arith.constant 4 : i32
    %parallel_loop3A_294 = arith.constant 1 : i32
    scf.for %parallel_loop3A_1312 = %parallel_loop3A_292 to %parallel_loop3A_293 step %parallel_loop3A_294  : i32 {
      %parallel_loop3A_1313 = arith.constant 0 : i32
      %parallel_loop3A_1314 = arith.constant 8 : i32
      %parallel_loop3A_1315 = arith.constant 1 : i32
      scf.for %parallel_loop3A_1316 = %parallel_loop3A_1313 to %parallel_loop3A_1314 step %parallel_loop3A_1315  : i32 {
        %parallel_loop3A_1317 = arith.constant 0 : i32
        %parallel_loop3A_1318 = arith.constant 1024 : i32
        %parallel_loop3A_1319 = arith.constant 16 : i32
        scf.for %parallel_loop3A_1320 = %parallel_loop3A_1317 to %parallel_loop3A_1318 step %parallel_loop3A_1319  : i32 {
          %parallel_loop3A_1321 = arith.index_cast %parallel_loop3A_1316 : i32 to index
          %parallel_loop3A_1322 = arith.index_cast %parallel_loop3A_1320 : i32 to index
          %parallel_loop3A_1323 = tpu.vector_load %arg5[%parallel_loop3A_1321, %parallel_loop3A_1322] {strides = array<i32>} : memref<8x1024xf32, #tpu.memory_space<vmem>>, vector<1x16xf32>,
          %parallel_loop3A_1324 = vector.shape_cast %parallel_loop3A_1323 : vector<1x16xf32> to vector<16xf32>
          %parallel_loop3A_1325 = arith.index_cast %parallel_loop3A_1312 : i32 to index
          %parallel_loop3A_1326 = arith.index_cast %parallel_loop3A_1316 : i32 to index
          %parallel_loop3A_1327 = arith.index_cast %parallel_loop3A_1320 : i32 to index
          %parallel_loop3A_1328 = tpu.vector_load %arg7[%parallel_loop3A_1325, %parallel_loop3A_1326, %parallel_loop3A_1327] {strides = array<i32>} : memref<4x8x1024xf32, #tpu.memory_space<vmem>>, vector<1x1x16xf32>,
          %parallel_loop3A_1329 = vector.shape_cast %parallel_loop3A_1328 : vector<1x1x16xf32> to vector<16xf32>
          %parallel_loop3A_1330 = vector.shape_cast %parallel_loop3A_1324 : vector<16xf32> to vector<1x1x16xf32>
          tpu.vector_store %arg7[%parallel_loop3A_1325, %parallel_loop3A_1326, %parallel_loop3A_1327], %parallel_loop3A_1330 {add = true, strides = array<i32>} : memref<4x8x1024xf32, #tpu.memory_space<vmem>>, vector<1x1x16xf32>,
        } {sc.loop_unroll_factor = 8 : i64, sc.parallel_access}
      } {sc.loop_unroll_factor = 1 : i64, sc.parallel_access}
    } {sc.loop_unroll_factor = 1 : i64, sc.parallel_access}
    %add3A_295 = arith.constant 48 : i32
    %add3A_296 = arith.addi %mul3A_2, %add3A_295 : i32
    %dma_start3A_297 = arith.constant 0 : i32
    %dma_start3A_298 = arith.constant 0 : i32
    %dma_start3A_299 = tpu.memref_slice %arg4[%dma_start3A_297, %add3A_296, %dma_start3A_298] : memref<4x8192x1024xf32, #tpu.memory_space<hbm>> -> memref<4x8x1024xf32, #tpu.memory_space<hbm>>
    %dma_start3A_300 = arith.constant 0 : i32
    %dma_start3A_301 = arith.constant 0 : i32
    %dma_start3A_302 = tpu.memref_slice %arg4[%dma_start3A_300, %add3A_296, %dma_start3A_301] : memref<4x8192x1024xf32, #tpu.memory_space<hbm>> -> memref<4x8x1024xf32, #tpu.memory_space<hbm>>
    tpu.enqueue_dma source(%arg7 : memref<4x8x1024xf32, #tpu.memory_space<vmem>>) target(%dma_start3A_302 : memref<4x8x1024xf32, #tpu.memory_space<hbm>>) target_semaphore(%arg15 : memref<!tpu.dma_semaphore, #tpu.memory_space<semaphore_mem>>)
    %add3A_303 = arith.constant 64 : i32
    %add3A_304 = arith.addi %mul3A_2, %add3A_303 : i32
    %dma_start3A_305 = arith.constant 0 : i32
    %dma_start3A_306 = tpu.memref_slice %arg3[%add3A_304, %dma_start3A_305] : memref<8192x1024xf32, #tpu.memory_space<hbm>> -> memref<8x1024xf32, #tpu.memory_space<hbm>>
    %dma_start3A_307 = arith.constant 0 : i32
    %dma_start3A_308 = tpu.memref_slice %arg3[%add3A_304, %dma_start3A_307] : memref<8192x1024xf32, #tpu.memory_space<hbm>> -> memref<8x1024xf32, #tpu.memory_space<hbm>>
    tpu.enqueue_dma source(%dma_start3A_308 : memref<8x1024xf32, #tpu.memory_space<hbm>>) target(%arg5 : memref<8x1024xf32, #tpu.memory_space<vmem>>) target_semaphore(%arg10 : memref<!tpu.dma_semaphore, #tpu.memory_space<semaphore_mem>>)
    %dma_wait3A_309 = arith.constant 0 : i32
    %dma_wait3A_310 = tpu.memref_slice %arg3[%add3A_263, %dma_wait3A_309] : memref<8192x1024xf32, #tpu.memory_space<hbm>> -> memref<8x1024xf32, #tpu.memory_space<hbm>>
    %dma_wait3A_311 = arith.constant 0 : i32
    %dma_wait3A_312 = tpu.memref_slice %arg3[%add3A_263, %dma_wait3A_311] : memref<8192x1024xf32, #tpu.memory_space<hbm>> -> memref<8x1024xf32, #tpu.memory_space<hbm>>
    tpu.wait_dma2 semaphore(%arg11 : memref<!tpu.dma_semaphore, #tpu.memory_space<semaphore_mem>>) src(%dma_wait3A_312 : memref<8x1024xf32, #tpu.memory_space<hbm>>) dst(%arg6 : memref<8x1024xf32, #tpu.memory_space<vmem>>)
    %dma_wait3A_313 = arith.constant 0 : i32
    %dma_wait3A_314 = arith.constant 0 : i32
    %dma_wait3A_315 = tpu.memref_slice %arg2[%dma_wait3A_313, %add3A_244, %dma_wait3A_314] : memref<4x8192x1024xf32, #tpu.memory_space<hbm>> -> memref<4x8x1024xf32, #tpu.memory_space<hbm>>
    %dma_wait3A_316 = arith.constant 0 : i32
    %dma_wait3A_317 = arith.constant 0 : i32
    %dma_wait3A_318 = tpu.memref_slice %arg2[%dma_wait3A_316, %add3A_244, %dma_wait3A_317] : memref<4x8192x1024xf32, #tpu.memory_space<hbm>> -> memref<4x8x1024xf32, #tpu.memory_space<hbm>>
    tpu.wait_dma2 semaphore(%arg13 : memref<!tpu.dma_semaphore, #tpu.memory_space<semaphore_mem>>) src(%dma_wait3A_318 : memref<4x8x1024xf32, #tpu.memory_space<hbm>>) dst(%arg8 : memref<4x8x1024xf32, #tpu.memory_space<vmem>>)
    %dma_wait3A_319 = arith.constant 0 : i32
    %dma_wait3A_320 = arith.constant 0 : i32
    %dma_wait3A_321 = tpu.memref_slice %arg4[%dma_wait3A_319, %add3A_296, %dma_wait3A_320] : memref<4x8192x1024xf32, #tpu.memory_space<hbm>> -> memref<4x8x1024xf32, #tpu.memory_space<hbm>>
    %dma_wait3A_322 = arith.constant 0 : i32
    %dma_wait3A_323 = arith.constant 0 : i32
    %dma_wait3A_324 = tpu.memref_slice %arg4[%dma_wait3A_322, %add3A_296, %dma_wait3A_323] : memref<4x8192x1024xf32, #tpu.memory_space<hbm>> -> memref<4x8x1024xf32, #tpu.memory_space<hbm>>
    tpu.wait_dma2 semaphore(%arg15 : memref<!tpu.dma_semaphore, #tpu.memory_space<semaphore_mem>>) src(%arg7 : memref<4x8x1024xf32, #tpu.memory_space<vmem>>) dst(%dma_wait3A_324 : memref<4x8x1024xf32, #tpu.memory_space<hbm>>)
    %add3A_325 = arith.constant 72 : i32
    %add3A_326 = arith.addi %mul3A_2, %add3A_325 : i32
    %dma_start3A_327 = arith.constant 0 : i32
    %dma_start3A_328 = arith.constant 0 : i32
    %dma_start3A_329 = tpu.memref_slice %arg2[%dma_start3A_327, %add3A_326, %dma_start3A_328] : memref<4x8192x1024xf32, #tpu.memory_space<hbm>> -> memref<4x8x1024xf32, #tpu.memory_space<hbm>>
    %dma_start3A_330 = arith.constant 0 : i32
    %dma_start3A_331 = arith.constant 0 : i32
    %dma_start3A_332 = tpu.memref_slice %arg2[%dma_start3A_330, %add3A_326, %dma_start3A_331] : memref<4x8192x1024xf32, #tpu.memory_space<hbm>> -> memref<4x8x1024xf32, #tpu.memory_space<hbm>>
    tpu.enqueue_dma source(%dma_start3A_332 : memref<4x8x1024xf32, #tpu.memory_space<hbm>>) target(%arg7 : memref<4x8x1024xf32, #tpu.memory_space<vmem>>) target_semaphore(%arg12 : memref<!tpu.dma_semaphore, #tpu.memory_space<semaphore_mem>>)
    %parallel_loop3A_333 = arith.constant 0 : i32
    %parallel_loop3A_334 = arith.constant 4 : i32
    %parallel_loop3A_335 = arith.constant 1 : i32
    scf.for %parallel_loop3A_1312 = %parallel_loop3A_333 to %parallel_loop3A_334 step %parallel_loop3A_335  : i32 {
      %parallel_loop3A_1313 = arith.constant 0 : i32
      %parallel_loop3A_1314 = arith.constant 8 : i32
      %parallel_loop3A_1315 = arith.constant 1 : i32
      scf.for %parallel_loop3A_1316 = %parallel_loop3A_1313 to %parallel_loop3A_1314 step %parallel_loop3A_1315  : i32 {
        %parallel_loop3A_1317 = arith.constant 0 : i32
        %parallel_loop3A_1318 = arith.constant 1024 : i32
        %parallel_loop3A_1319 = arith.constant 16 : i32
        scf.for %parallel_loop3A_1320 = %parallel_loop3A_1317 to %parallel_loop3A_1318 step %parallel_loop3A_1319  : i32 {
          %parallel_loop3A_1321 = arith.index_cast %parallel_loop3A_1316 : i32 to index
          %parallel_loop3A_1322 = arith.index_cast %parallel_loop3A_1320 : i32 to index
          %parallel_loop3A_1323 = tpu.vector_load %arg6[%parallel_loop3A_1321, %parallel_loop3A_1322] {strides = array<i32>} : memref<8x1024xf32, #tpu.memory_space<vmem>>, vector<1x16xf32>,
          %parallel_loop3A_1324 = vector.shape_cast %parallel_loop3A_1323 : vector<1x16xf32> to vector<16xf32>
          %parallel_loop3A_1325 = arith.index_cast %parallel_loop3A_1312 : i32 to index
          %parallel_loop3A_1326 = arith.index_cast %parallel_loop3A_1316 : i32 to index
          %parallel_loop3A_1327 = arith.index_cast %parallel_loop3A_1320 : i32 to index
          %parallel_loop3A_1328 = tpu.vector_load %arg8[%parallel_loop3A_1325, %parallel_loop3A_1326, %parallel_loop3A_1327] {strides = array<i32>} : memref<4x8x1024xf32, #tpu.memory_space<vmem>>, vector<1x1x16xf32>,
          %parallel_loop3A_1329 = vector.shape_cast %parallel_loop3A_1328 : vector<1x1x16xf32> to vector<16xf32>
          %parallel_loop3A_1330 = vector.shape_cast %parallel_loop3A_1324 : vector<16xf32> to vector<1x1x16xf32>
          tpu.vector_store %arg8[%parallel_loop3A_1325, %parallel_loop3A_1326, %parallel_loop3A_1327], %parallel_loop3A_1330 {add = true, strides = array<i32>} : memref<4x8x1024xf32, #tpu.memory_space<vmem>>, vector<1x1x16xf32>,
        } {sc.loop_unroll_factor = 8 : i64, sc.parallel_access}
      } {sc.loop_unroll_factor = 1 : i64, sc.parallel_access}
    } {sc.loop_unroll_factor = 1 : i64, sc.parallel_access}
    %add3A_336 = arith.constant 56 : i32
    %add3A_337 = arith.addi %mul3A_2, %add3A_336 : i32
    %dma_start3A_338 = arith.constant 0 : i32
    %dma_start3A_339 = arith.constant 0 : i32
    %dma_start3A_340 = tpu.memref_slice %arg4[%dma_start3A_338, %add3A_337, %dma_start3A_339] : memref<4x8192x1024xf32, #tpu.memory_space<hbm>> -> memref<4x8x1024xf32, #tpu.memory_space<hbm>>
    %dma_start3A_341 = arith.constant 0 : i32
    %dma_start3A_342 = arith.constant 0 : i32
    %dma_start3A_343 = tpu.memref_slice %arg4[%dma_start3A_341, %add3A_337, %dma_start3A_342] : memref<4x8192x1024xf32, #tpu.memory_space<hbm>> -> memref<4x8x1024xf32, #tpu.memory_space<hbm>>
    tpu.enqueue_dma source(%arg8 : memref<4x8x1024xf32, #tpu.memory_space<vmem>>) target(%dma_start3A_343 : memref<4x8x1024xf32, #tpu.memory_space<hbm>>) target_semaphore(%arg16 : memref<!tpu.dma_semaphore, #tpu.memory_space<semaphore_mem>>)
    %add3A_344 = arith.constant 72 : i32
    %add3A_345 = arith.addi %mul3A_2, %add3A_344 : i32
    %dma_start3A_346 = arith.constant 0 : i32
    %dma_start3A_347 = tpu.memref_slice %arg3[%add3A_345, %dma_start3A_346] : memref<8192x1024xf32, #tpu.memory_space<hbm>> -> memref<8x1024xf32, #tpu.memory_space<hbm>>
    %dma_start3A_348 = arith.constant 0 : i32
    %dma_start3A_349 = tpu.memref_slice %arg3[%add3A_345, %dma_start3A_348] : memref<8192x1024xf32, #tpu.memory_space<hbm>> -> memref<8x1024xf32, #tpu.memory_space<hbm>>
    tpu.enqueue_dma source(%dma_start3A_349 : memref<8x1024xf32, #tpu.memory_space<hbm>>) target(%arg6 : memref<8x1024xf32, #tpu.memory_space<vmem>>) target_semaphore(%arg11 : memref<!tpu.dma_semaphore, #tpu.memory_space<semaphore_mem>>)
    %dma_wait3A_350 = arith.constant 0 : i32
    %dma_wait3A_351 = tpu.memref_slice %arg3[%add3A_304, %dma_wait3A_350] : memref<8192x1024xf32, #tpu.memory_space<hbm>> -> memref<8x1024xf32, #tpu.memory_space<hbm>>
    %dma_wait3A_352 = arith.constant 0 : i32
    %dma_wait3A_353 = tpu.memref_slice %arg3[%add3A_304, %dma_wait3A_352] : memref<8192x1024xf32, #tpu.memory_space<hbm>> -> memref<8x1024xf32, #tpu.memory_space<hbm>>
    tpu.wait_dma2 semaphore(%arg10 : memref<!tpu.dma_semaphore, #tpu.memory_space<semaphore_mem>>) src(%dma_wait3A_353 : memref<8x1024xf32, #tpu.memory_space<hbm>>) dst(%arg5 : memref<8x1024xf32, #tpu.memory_space<vmem>>)
    %dma_wait3A_354 = arith.constant 0 : i32
    %dma_wait3A_355 = arith.constant 0 : i32
    %dma_wait3A_356 = tpu.memref_slice %arg2[%dma_wait3A_354, %add3A_285, %dma_wait3A_355] : memref<4x8192x1024xf32, #tpu.memory_space<hbm>> -> memref<4x8x1024xf32, #tpu.memory_space<hbm>>
    %dma_wait3A_357 = arith.constant 0 : i32
    %dma_wait3A_358 = arith.constant 0 : i32
    %dma_wait3A_359 = tpu.memref_slice %arg2[%dma_wait3A_357, %add3A_285, %dma_wait3A_358] : memref<4x8192x1024xf32, #tpu.memory_space<hbm>> -> memref<4x8x1024xf32, #tpu.memory_space<hbm>>
    tpu.wait_dma2 semaphore(%arg14 : memref<!tpu.dma_semaphore, #tpu.memory_space<semaphore_mem>>) src(%dma_wait3A_359 : memref<4x8x1024xf32, #tpu.memory_space<hbm>>) dst(%arg9 : memref<4x8x1024xf32, #tpu.memory_space<vmem>>)
    %dma_wait3A_360 = arith.constant 0 : i32
    %dma_wait3A_361 = arith.constant 0 : i32
    %dma_wait3A_362 = tpu.memref_slice %arg4[%dma_wait3A_360, %add3A_337, %dma_wait3A_361] : memref<4x8192x1024xf32, #tpu.memory_space<hbm>> -> memref<4x8x1024xf32, #tpu.memory_space<hbm>>
    %dma_wait3A_363 = arith.constant 0 : i32
    %dma_wait3A_364 = arith.constant 0 : i32
    %dma_wait3A_365 = tpu.memref_slice %arg4[%dma_wait3A_363, %add3A_337, %dma_wait3A_364] : memref<4x8192x1024xf32, #tpu.memory_space<hbm>> -> memref<4x8x1024xf32, #tpu.memory_space<hbm>>
    tpu.wait_dma2 semaphore(%arg16 : memref<!tpu.dma_semaphore, #tpu.memory_space<semaphore_mem>>) src(%arg8 : memref<4x8x1024xf32, #tpu.memory_space<vmem>>) dst(%dma_wait3A_365 : memref<4x8x1024xf32, #tpu.memory_space<hbm>>)
    %add3A_366 = arith.constant 80 : i32
    %add3A_367 = arith.addi %mul3A_2, %add3A_366 : i32
    %dma_start3A_368 = arith.constant 0 : i32
    %dma_start3A_369 = arith.constant 0 : i32
    %dma_start3A_370 = tpu.memref_slice %arg2[%dma_start3A_368, %add3A_367, %dma_start3A_369] : memref<4x8192x1024xf32, #tpu.memory_space<hbm>> -> memref<4x8x1024xf32, #tpu.memory_space<hbm>>
    %dma_start3A_371 = arith.constant 0 : i32
    %dma_start3A_372 = arith.constant 0 : i32
    %dma_start3A_373 = tpu.memref_slice %arg2[%dma_start3A_371, %add3A_367, %dma_start3A_372] : memref<4x8192x1024xf32, #tpu.memory_space<hbm>> -> memref<4x8x1024xf32, #tpu.memory_space<hbm>>
    tpu.enqueue_dma source(%dma_start3A_373 : memref<4x8x1024xf32, #tpu.memory_space<hbm>>) target(%arg8 : memref<4x8x1024xf32, #tpu.memory_space<vmem>>) target_semaphore(%arg13 : memref<!tpu.dma_semaphore, #tpu.memory_space<semaphore_mem>>)
    %parallel_loop3A_374 = arith.constant 0 : i32
    %parallel_loop3A_375 = arith.constant 4 : i32
    %parallel_loop3A_376 = arith.constant 1 : i32
    scf.for %parallel_loop3A_1312 = %parallel_loop3A_374 to %parallel_loop3A_375 step %parallel_loop3A_376  : i32 {
      %parallel_loop3A_1313 = arith.constant 0 : i32
      %parallel_loop3A_1314 = arith.constant 8 : i32
      %parallel_loop3A_1315 = arith.constant 1 : i32
      scf.for %parallel_loop3A_1316 = %parallel_loop3A_1313 to %parallel_loop3A_1314 step %parallel_loop3A_1315  : i32 {
        %parallel_loop3A_1317 = arith.constant 0 : i32
        %parallel_loop3A_1318 = arith.constant 1024 : i32
        %parallel_loop3A_1319 = arith.constant 16 : i32
        scf.for %parallel_loop3A_1320 = %parallel_loop3A_1317 to %parallel_loop3A_1318 step %parallel_loop3A_1319  : i32 {
          %parallel_loop3A_1321 = arith.index_cast %parallel_loop3A_1316 : i32 to index
          %parallel_loop3A_1322 = arith.index_cast %parallel_loop3A_1320 : i32 to index
          %parallel_loop3A_1323 = tpu.vector_load %arg5[%parallel_loop3A_1321, %parallel_loop3A_1322] {strides = array<i32>} : memref<8x1024xf32, #tpu.memory_space<vmem>>, vector<1x16xf32>,
          %parallel_loop3A_1324 = vector.shape_cast %parallel_loop3A_1323 : vector<1x16xf32> to vector<16xf32>
          %parallel_loop3A_1325 = arith.index_cast %parallel_loop3A_1312 : i32 to index
          %parallel_loop3A_1326 = arith.index_cast %parallel_loop3A_1316 : i32 to index
          %parallel_loop3A_1327 = arith.index_cast %parallel_loop3A_1320 : i32 to index
          %parallel_loop3A_1328 = tpu.vector_load %arg9[%parallel_loop3A_1325, %parallel_loop3A_1326, %parallel_loop3A_1327] {strides = array<i32>} : memref<4x8x1024xf32, #tpu.memory_space<vmem>>, vector<1x1x16xf32>,
          %parallel_loop3A_1329 = vector.shape_cast %parallel_loop3A_1328 : vector<1x1x16xf32> to vector<16xf32>
          %parallel_loop3A_1330 = vector.shape_cast %parallel_loop3A_1324 : vector<16xf32> to vector<1x1x16xf32>
          tpu.vector_store %arg9[%parallel_loop3A_1325, %parallel_loop3A_1326, %parallel_loop3A_1327], %parallel_loop3A_1330 {add = true, strides = array<i32>} : memref<4x8x1024xf32, #tpu.memory_space<vmem>>, vector<1x1x16xf32>,
        } {sc.loop_unroll_factor = 8 : i64, sc.parallel_access}
      } {sc.loop_unroll_factor = 1 : i64, sc.parallel_access}
    } {sc.loop_unroll_factor = 1 : i64, sc.parallel_access}
    %add3A_377 = arith.constant 64 : i32
    %add3A_378 = arith.addi %mul3A_2, %add3A_377 : i32
    %dma_start3A_379 = arith.constant 0 : i32
    %dma_start3A_380 = arith.constant 0 : i32
    %dma_start3A_381 = tpu.memref_slice %arg4[%dma_start3A_379, %add3A_378, %dma_start3A_380] : memref<4x8192x1024xf32, #tpu.memory_space<hbm>> -> memref<4x8x1024xf32, #tpu.memory_space<hbm>>
    %dma_start3A_382 = arith.constant 0 : i32
    %dma_start3A_383 = arith.constant 0 : i32
    %dma_start3A_384 = tpu.memref_slice %arg4[%dma_start3A_382, %add3A_378, %dma_start3A_383] : memref<4x8192x1024xf32, #tpu.memory_space<hbm>> -> memref<4x8x1024xf32, #tpu.memory_space<hbm>>
    tpu.enqueue_dma source(%arg9 : memref<4x8x1024xf32, #tpu.memory_space<vmem>>) target(%dma_start3A_384 : memref<4x8x1024xf32, #tpu.memory_space<hbm>>) target_semaphore(%arg17 : memref<!tpu.dma_semaphore, #tpu.memory_space<semaphore_mem>>)
    %add3A_385 = arith.constant 80 : i32
    %add3A_386 = arith.addi %mul3A_2, %add3A_385 : i32
    %dma_start3A_387 = arith.constant 0 : i32
    %dma_start3A_388 = tpu.memref_slice %arg3[%add3A_386, %dma_start3A_387] : memref<8192x1024xf32, #tpu.memory_space<hbm>> -> memref<8x1024xf32, #tpu.memory_space<hbm>>
    %dma_start3A_389 = arith.constant 0 : i32
    %dma_start3A_390 = tpu.memref_slice %arg3[%add3A_386, %dma_start3A_389] : memref<8192x1024xf32, #tpu.memory_space<hbm>> -> memref<8x1024xf32, #tpu.memory_space<hbm>>
    tpu.enqueue_dma source(%dma_start3A_390 : memref<8x1024xf32, #tpu.memory_space<hbm>>) target(%arg5 : memref<8x1024xf32, #tpu.memory_space<vmem>>) target_semaphore(%arg10 : memref<!tpu.dma_semaphore, #tpu.memory_space<semaphore_mem>>)
    %dma_wait3A_391 = arith.constant 0 : i32
    %dma_wait3A_392 = tpu.memref_slice %arg3[%add3A_345, %dma_wait3A_391] : memref<8192x1024xf32, #tpu.memory_space<hbm>> -> memref<8x1024xf32, #tpu.memory_space<hbm>>
    %dma_wait3A_393 = arith.constant 0 : i32
    %dma_wait3A_394 = tpu.memref_slice %arg3[%add3A_345, %dma_wait3A_393] : memref<8192x1024xf32, #tpu.memory_space<hbm>> -> memref<8x1024xf32, #tpu.memory_space<hbm>>
    tpu.wait_dma2 semaphore(%arg11 : memref<!tpu.dma_semaphore, #tpu.memory_space<semaphore_mem>>) src(%dma_wait3A_394 : memref<8x1024xf32, #tpu.memory_space<hbm>>) dst(%arg6 : memref<8x1024xf32, #tpu.memory_space<vmem>>)
    %dma_wait3A_395 = arith.constant 0 : i32
    %dma_wait3A_396 = arith.constant 0 : i32
    %dma_wait3A_397 = tpu.memref_slice %arg2[%dma_wait3A_395, %add3A_326, %dma_wait3A_396] : memref<4x8192x1024xf32, #tpu.memory_space<hbm>> -> memref<4x8x1024xf32, #tpu.memory_space<hbm>>
    %dma_wait3A_398 = arith.constant 0 : i32
    %dma_wait3A_399 = arith.constant 0 : i32
    %dma_wait3A_400 = tpu.memref_slice %arg2[%dma_wait3A_398, %add3A_326, %dma_wait3A_399] : memref<4x8192x1024xf32, #tpu.memory_space<hbm>> -> memref<4x8x1024xf32, #tpu.memory_space<hbm>>
    tpu.wait_dma2 semaphore(%arg12 : memref<!tpu.dma_semaphore, #tpu.memory_space<semaphore_mem>>) src(%dma_wait3A_400 : memref<4x8x1024xf32, #tpu.memory_space<hbm>>) dst(%arg7 : memref<4x8x1024xf32, #tpu.memory_space<vmem>>)
    %dma_wait3A_401 = arith.constant 0 : i32
    %dma_wait3A_402 = arith.constant 0 : i32
    %dma_wait3A_403 = tpu.memref_slice %arg4[%dma_wait3A_401, %add3A_378, %dma_wait3A_402] : memref<4x8192x1024xf32, #tpu.memory_space<hbm>> -> memref<4x8x1024xf32, #tpu.memory_space<hbm>>
    %dma_wait3A_404 = arith.constant 0 : i32
    %dma_wait3A_405 = arith.constant 0 : i32
    %dma_wait3A_406 = tpu.memref_slice %arg4[%dma_wait3A_404, %add3A_378, %dma_wait3A_405] : memref<4x8192x1024xf32, #tpu.memory_space<hbm>> -> memref<4x8x1024xf32, #tpu.memory_space<hbm>>
    tpu.wait_dma2 semaphore(%arg17 : memref<!tpu.dma_semaphore, #tpu.memory_space<semaphore_mem>>) src(%arg9 : memref<4x8x1024xf32, #tpu.memory_space<vmem>>) dst(%dma_wait3A_406 : memref<4x8x1024xf32, #tpu.memory_space<hbm>>)
    %add3A_407 = arith.constant 88 : i32
    %add3A_408 = arith.addi %mul3A_2, %add3A_407 : i32
    %dma_start3A_409 = arith.constant 0 : i32
    %dma_start3A_410 = arith.constant 0 : i32
    %dma_start3A_411 = tpu.memref_slice %arg2[%dma_start3A_409, %add3A_408, %dma_start3A_410] : memref<4x8192x1024xf32, #tpu.memory_space<hbm>> -> memref<4x8x1024xf32, #tpu.memory_space<hbm>>
    %dma_start3A_412 = arith.constant 0 : i32
    %dma_start3A_413 = arith.constant 0 : i32
    %dma_start3A_414 = tpu.memref_slice %arg2[%dma_start3A_412, %add3A_408, %dma_start3A_413] : memref<4x8192x1024xf32, #tpu.memory_space<hbm>> -> memref<4x8x1024xf32, #tpu.memory_space<hbm>>
    tpu.enqueue_dma source(%dma_start3A_414 : memref<4x8x1024xf32, #tpu.memory_space<hbm>>) target(%arg9 : memref<4x8x1024xf32, #tpu.memory_space<vmem>>) target_semaphore(%arg14 : memref<!tpu.dma_semaphore, #tpu.memory_space<semaphore_mem>>)
    %parallel_loop3A_415 = arith.constant 0 : i32
    %parallel_loop3A_416 = arith.constant 4 : i32
    %parallel_loop3A_417 = arith.constant 1 : i32
    scf.for %parallel_loop3A_1312 = %parallel_loop3A_415 to %parallel_loop3A_416 step %parallel_loop3A_417  : i32 {
      %parallel_loop3A_1313 = arith.constant 0 : i32
      %parallel_loop3A_1314 = arith.constant 8 : i32
      %parallel_loop3A_1315 = arith.constant 1 : i32
      scf.for %parallel_loop3A_1316 = %parallel_loop3A_1313 to %parallel_loop3A_1314 step %parallel_loop3A_1315  : i32 {
        %parallel_loop3A_1317 = arith.constant 0 : i32
        %parallel_loop3A_1318 = arith.constant 1024 : i32
        %parallel_loop3A_1319 = arith.constant 16 : i32
        scf.for %parallel_loop3A_1320 = %parallel_loop3A_1317 to %parallel_loop3A_1318 step %parallel_loop3A_1319  : i32 {
          %parallel_loop3A_1321 = arith.index_cast %parallel_loop3A_1316 : i32 to index
          %parallel_loop3A_1322 = arith.index_cast %parallel_loop3A_1320 : i32 to index
          %parallel_loop3A_1323 = tpu.vector_load %arg6[%parallel_loop3A_1321, %parallel_loop3A_1322] {strides = array<i32>} : memref<8x1024xf32, #tpu.memory_space<vmem>>, vector<1x16xf32>,
          %parallel_loop3A_1324 = vector.shape_cast %parallel_loop3A_1323 : vector<1x16xf32> to vector<16xf32>
          %parallel_loop3A_1325 = arith.index_cast %parallel_loop3A_1312 : i32 to index
          %parallel_loop3A_1326 = arith.index_cast %parallel_loop3A_1316 : i32 to index
          %parallel_loop3A_1327 = arith.index_cast %parallel_loop3A_1320 : i32 to index
          %parallel_loop3A_1328 = tpu.vector_load %arg7[%parallel_loop3A_1325, %parallel_loop3A_1326, %parallel_loop3A_1327] {strides = array<i32>} : memref<4x8x1024xf32, #tpu.memory_space<vmem>>, vector<1x1x16xf32>,
          %parallel_loop3A_1329 = vector.shape_cast %parallel_loop3A_1328 : vector<1x1x16xf32> to vector<16xf32>
          %parallel_loop3A_1330 = vector.shape_cast %parallel_loop3A_1324 : vector<16xf32> to vector<1x1x16xf32>
          tpu.vector_store %arg7[%parallel_loop3A_1325, %parallel_loop3A_1326, %parallel_loop3A_1327], %parallel_loop3A_1330 {add = true, strides = array<i32>} : memref<4x8x1024xf32, #tpu.memory_space<vmem>>, vector<1x1x16xf32>,
        } {sc.loop_unroll_factor = 8 : i64, sc.parallel_access}
      } {sc.loop_unroll_factor = 1 : i64, sc.parallel_access}
    } {sc.loop_unroll_factor = 1 : i64, sc.parallel_access}
    %add3A_418 = arith.constant 72 : i32
    %add3A_419 = arith.addi %mul3A_2, %add3A_418 : i32
    %dma_start3A_420 = arith.constant 0 : i32
    %dma_start3A_421 = arith.constant 0 : i32
    %dma_start3A_422 = tpu.memref_slice %arg4[%dma_start3A_420, %add3A_419, %dma_start3A_421] : memref<4x8192x1024xf32, #tpu.memory_space<hbm>> -> memref<4x8x1024xf32, #tpu.memory_space<hbm>>
    %dma_start3A_423 = arith.constant 0 : i32
    %dma_start3A_424 = arith.constant 0 : i32
    %dma_start3A_425 = tpu.memref_slice %arg4[%dma_start3A_423, %add3A_419, %dma_start3A_424] : memref<4x8192x1024xf32, #tpu.memory_space<hbm>> -> memref<4x8x1024xf32, #tpu.memory_space<hbm>>
    tpu.enqueue_dma source(%arg7 : memref<4x8x1024xf32, #tpu.memory_space<vmem>>) target(%dma_start3A_425 : memref<4x8x1024xf32, #tpu.memory_space<hbm>>) target_semaphore(%arg15 : memref<!tpu.dma_semaphore, #tpu.memory_space<semaphore_mem>>)
    %add3A_426 = arith.constant 88 : i32
    %add3A_427 = arith.addi %mul3A_2, %add3A_426 : i32
    %dma_start3A_428 = arith.constant 0 : i32
    %dma_start3A_429 = tpu.memref_slice %arg3[%add3A_427, %dma_start3A_428] : memref<8192x1024xf32, #tpu.memory_space<hbm>> -> memref<8x1024xf32, #tpu.memory_space<hbm>>
    %dma_start3A_430 = arith.constant 0 : i32
    %dma_start3A_431 = tpu.memref_slice %arg3[%add3A_427, %dma_start3A_430] : memref<8192x1024xf32, #tpu.memory_space<hbm>> -> memref<8x1024xf32, #tpu.memory_space<hbm>>
    tpu.enqueue_dma source(%dma_start3A_431 : memref<8x1024xf32, #tpu.memory_space<hbm>>) target(%arg6 : memref<8x1024xf32, #tpu.memory_space<vmem>>) target_semaphore(%arg11 : memref<!tpu.dma_semaphore, #tpu.memory_space<semaphore_mem>>)
    %dma_wait3A_432 = arith.constant 0 : i32
    %dma_wait3A_433 = tpu.memref_slice %arg3[%add3A_386, %dma_wait3A_432] : memref<8192x1024xf32, #tpu.memory_space<hbm>> -> memref<8x1024xf32, #tpu.memory_space<hbm>>
    %dma_wait3A_434 = arith.constant 0 : i32
    %dma_wait3A_435 = tpu.memref_slice %arg3[%add3A_386, %dma_wait3A_434] : memref<8192x1024xf32, #tpu.memory_space<hbm>> -> memref<8x1024xf32, #tpu.memory_space<hbm>>
    tpu.wait_dma2 semaphore(%arg10 : memref<!tpu.dma_semaphore, #tpu.memory_space<semaphore_mem>>) src(%dma_wait3A_435 : memref<8x1024xf32, #tpu.memory_space<hbm>>) dst(%arg5 : memref<8x1024xf32, #tpu.memory_space<vmem>>)
    %dma_wait3A_436 = arith.constant 0 : i32
    %dma_wait3A_437 = arith.constant 0 : i32
    %dma_wait3A_438 = tpu.memref_slice %arg2[%dma_wait3A_436, %add3A_367, %dma_wait3A_437] : memref<4x8192x1024xf32, #tpu.memory_space<hbm>> -> memref<4x8x1024xf32, #tpu.memory_space<hbm>>
    %dma_wait3A_439 = arith.constant 0 : i32
    %dma_wait3A_440 = arith.constant 0 : i32
    %dma_wait3A_441 = tpu.memref_slice %arg2[%dma_wait3A_439, %add3A_367, %dma_wait3A_440] : memref<4x8192x1024xf32, #tpu.memory_space<hbm>> -> memref<4x8x1024xf32, #tpu.memory_space<hbm>>
    tpu.wait_dma2 semaphore(%arg13 : memref<!tpu.dma_semaphore, #tpu.memory_space<semaphore_mem>>) src(%dma_wait3A_441 : memref<4x8x1024xf32, #tpu.memory_space<hbm>>) dst(%arg8 : memref<4x8x1024xf32, #tpu.memory_space<vmem>>)
    %dma_wait3A_442 = arith.constant 0 : i32
    %dma_wait3A_443 = arith.constant 0 : i32
    %dma_wait3A_444 = tpu.memref_slice %arg4[%dma_wait3A_442, %add3A_419, %dma_wait3A_443] : memref<4x8192x1024xf32, #tpu.memory_space<hbm>> -> memref<4x8x1024xf32, #tpu.memory_space<hbm>>
    %dma_wait3A_445 = arith.constant 0 : i32
    %dma_wait3A_446 = arith.constant 0 : i32
    %dma_wait3A_447 = tpu.memref_slice %arg4[%dma_wait3A_445, %add3A_419, %dma_wait3A_446] : memref<4x8192x1024xf32, #tpu.memory_space<hbm>> -> memref<4x8x1024xf32, #tpu.memory_space<hbm>>
    tpu.wait_dma2 semaphore(%arg15 : memref<!tpu.dma_semaphore, #tpu.memory_space<semaphore_mem>>) src(%arg7 : memref<4x8x1024xf32, #tpu.memory_space<vmem>>) dst(%dma_wait3A_447 : memref<4x8x1024xf32, #tpu.memory_space<hbm>>)
    %add3A_448 = arith.constant 96 : i32
    %add3A_449 = arith.addi %mul3A_2, %add3A_448 : i32
    %dma_start3A_450 = arith.constant 0 : i32
    %dma_start3A_451 = arith.constant 0 : i32
    %dma_start3A_452 = tpu.memref_slice %arg2[%dma_start3A_450, %add3A_449, %dma_start3A_451] : memref<4x8192x1024xf32, #tpu.memory_space<hbm>> -> memref<4x8x1024xf32, #tpu.memory_space<hbm>>
    %dma_start3A_453 = arith.constant 0 : i32
    %dma_start3A_454 = arith.constant 0 : i32
    %dma_start3A_455 = tpu.memref_slice %arg2[%dma_start3A_453, %add3A_449, %dma_start3A_454] : memref<4x8192x1024xf32, #tpu.memory_space<hbm>> -> memref<4x8x1024xf32, #tpu.memory_space<hbm>>
    tpu.enqueue_dma source(%dma_start3A_455 : memref<4x8x1024xf32, #tpu.memory_space<hbm>>) target(%arg7 : memref<4x8x1024xf32, #tpu.memory_space<vmem>>) target_semaphore(%arg12 : memref<!tpu.dma_semaphore, #tpu.memory_space<semaphore_mem>>)
    %parallel_loop3A_456 = arith.constant 0 : i32
    %parallel_loop3A_457 = arith.constant 4 : i32
    %parallel_loop3A_458 = arith.constant 1 : i32
    scf.for %parallel_loop3A_1312 = %parallel_loop3A_456 to %parallel_loop3A_457 step %parallel_loop3A_458  : i32 {
      %parallel_loop3A_1313 = arith.constant 0 : i32
      %parallel_loop3A_1314 = arith.constant 8 : i32
      %parallel_loop3A_1315 = arith.constant 1 : i32
      scf.for %parallel_loop3A_1316 = %parallel_loop3A_1313 to %parallel_loop3A_1314 step %parallel_loop3A_1315  : i32 {
        %parallel_loop3A_1317 = arith.constant 0 : i32
        %parallel_loop3A_1318 = arith.constant 1024 : i32
        %parallel_loop3A_1319 = arith.constant 16 : i32
        scf.for %parallel_loop3A_1320 = %parallel_loop3A_1317 to %parallel_loop3A_1318 step %parallel_loop3A_1319  : i32 {
          %parallel_loop3A_1321 = arith.index_cast %parallel_loop3A_1316 : i32 to index
          %parallel_loop3A_1322 = arith.index_cast %parallel_loop3A_1320 : i32 to index
          %parallel_loop3A_1323 = tpu.vector_load %arg5[%parallel_loop3A_1321, %parallel_loop3A_1322] {strides = array<i32>} : memref<8x1024xf32, #tpu.memory_space<vmem>>, vector<1x16xf32>,
          %parallel_loop3A_1324 = vector.shape_cast %parallel_loop3A_1323 : vector<1x16xf32> to vector<16xf32>
          %parallel_loop3A_1325 = arith.index_cast %parallel_loop3A_1312 : i32 to index
          %parallel_loop3A_1326 = arith.index_cast %parallel_loop3A_1316 : i32 to index
          %parallel_loop3A_1327 = arith.index_cast %parallel_loop3A_1320 : i32 to index
          %parallel_loop3A_1328 = tpu.vector_load %arg8[%parallel_loop3A_1325, %parallel_loop3A_1326, %parallel_loop3A_1327] {strides = array<i32>} : memref<4x8x1024xf32, #tpu.memory_space<vmem>>, vector<1x1x16xf32>,
          %parallel_loop3A_1329 = vector.shape_cast %parallel_loop3A_1328 : vector<1x1x16xf32> to vector<16xf32>
          %parallel_loop3A_1330 = vector.shape_cast %parallel_loop3A_1324 : vector<16xf32> to vector<1x1x16xf32>
          tpu.vector_store %arg8[%parallel_loop3A_1325, %parallel_loop3A_1326, %parallel_loop3A_1327], %parallel_loop3A_1330 {add = true, strides = array<i32>} : memref<4x8x1024xf32, #tpu.memory_space<vmem>>, vector<1x1x16xf32>,
        } {sc.loop_unroll_factor = 8 : i64, sc.parallel_access}
      } {sc.loop_unroll_factor = 1 : i64, sc.parallel_access}
    } {sc.loop_unroll_factor = 1 : i64, sc.parallel_access}
    %add3A_459 = arith.constant 80 : i32
    %add3A_460 = arith.addi %mul3A_2, %add3A_459 : i32
    %dma_start3A_461 = arith.constant 0 : i32
    %dma_start3A_462 = arith.constant 0 : i32
    %dma_start3A_463 = tpu.memref_slice %arg4[%dma_start3A_461, %add3A_460, %dma_start3A_462] : memref<4x8192x1024xf32, #tpu.memory_space<hbm>> -> memref<4x8x1024xf32, #tpu.memory_space<hbm>>
    %dma_start3A_464 = arith.constant 0 : i32
    %dma_start3A_465 = arith.constant 0 : i32
    %dma_start3A_466 = tpu.memref_slice %arg4[%dma_start3A_464, %add3A_460, %dma_start3A_465] : memref<4x8192x1024xf32, #tpu.memory_space<hbm>> -> memref<4x8x1024xf32, #tpu.memory_space<hbm>>
    tpu.enqueue_dma source(%arg8 : memref<4x8x1024xf32, #tpu.memory_space<vmem>>) target(%dma_start3A_466 : memref<4x8x1024xf32, #tpu.memory_space<hbm>>) target_semaphore(%arg16 : memref<!tpu.dma_semaphore, #tpu.memory_space<semaphore_mem>>)
    %add3A_467 = arith.constant 96 : i32
    %add3A_468 = arith.addi %mul3A_2, %add3A_467 : i32
    %dma_start3A_469 = arith.constant 0 : i32
    %dma_start3A_470 = tpu.memref_slice %arg3[%add3A_468, %dma_start3A_469] : memref<8192x1024xf32, #tpu.memory_space<hbm>> -> memref<8x1024xf32, #tpu.memory_space<hbm>>
    %dma_start3A_471 = arith.constant 0 : i32
    %dma_start3A_472 = tpu.memref_slice %arg3[%add3A_468, %dma_start3A_471] : memref<8192x1024xf32, #tpu.memory_space<hbm>> -> memref<8x1024xf32, #tpu.memory_space<hbm>>
    tpu.enqueue_dma source(%dma_start3A_472 : memref<8x1024xf32, #tpu.memory_space<hbm>>) target(%arg5 : memref<8x1024xf32, #tpu.memory_space<vmem>>) target_semaphore(%arg10 : memref<!tpu.dma_semaphore, #tpu.memory_space<semaphore_mem>>)
    %dma_wait3A_473 = arith.constant 0 : i32
    %dma_wait3A_474 = tpu.memref_slice %arg3[%add3A_427, %dma_wait3A_473] : memref<8192x1024xf32, #tpu.memory_space<hbm>> -> memref<8x1024xf32, #tpu.memory_space<hbm>>
    %dma_wait3A_475 = arith.constant 0 : i32
    %dma_wait3A_476 = tpu.memref_slice %arg3[%add3A_427, %dma_wait3A_475] : memref<8192x1024xf32, #tpu.memory_space<hbm>> -> memref<8x1024xf32, #tpu.memory_space<hbm>>
    tpu.wait_dma2 semaphore(%arg11 : memref<!tpu.dma_semaphore, #tpu.memory_space<semaphore_mem>>) src(%dma_wait3A_476 : memref<8x1024xf32, #tpu.memory_space<hbm>>) dst(%arg6 : memref<8x1024xf32, #tpu.memory_space<vmem>>)
    %dma_wait3A_477 = arith.constant 0 : i32
    %dma_wait3A_478 = arith.constant 0 : i32
    %dma_wait3A_479 = tpu.memref_slice %arg2[%dma_wait3A_477, %add3A_408, %dma_wait3A_478] : memref<4x8192x1024xf32, #tpu.memory_space<hbm>> -> memref<4x8x1024xf32, #tpu.memory_space<hbm>>
    %dma_wait3A_480 = arith.constant 0 : i32
    %dma_wait3A_481 = arith.constant 0 : i32
    %dma_wait3A_482 = tpu.memref_slice %arg2[%dma_wait3A_480, %add3A_408, %dma_wait3A_481] : memref<4x8192x1024xf32, #tpu.memory_space<hbm>> -> memref<4x8x1024xf32, #tpu.memory_space<hbm>>
    tpu.wait_dma2 semaphore(%arg14 : memref<!tpu.dma_semaphore, #tpu.memory_space<semaphore_mem>>) src(%dma_wait3A_482 : memref<4x8x1024xf32, #tpu.memory_space<hbm>>) dst(%arg9 : memref<4x8x1024xf32, #tpu.memory_space<vmem>>)
    %dma_wait3A_483 = arith.constant 0 : i32
    %dma_wait3A_484 = arith.constant 0 : i32
    %dma_wait3A_485 = tpu.memref_slice %arg4[%dma_wait3A_483, %add3A_460, %dma_wait3A_484] : memref<4x8192x1024xf32, #tpu.memory_space<hbm>> -> memref<4x8x1024xf32, #tpu.memory_space<hbm>>
    %dma_wait3A_486 = arith.constant 0 : i32
    %dma_wait3A_487 = arith.constant 0 : i32
    %dma_wait3A_488 = tpu.memref_slice %arg4[%dma_wait3A_486, %add3A_460, %dma_wait3A_487] : memref<4x8192x1024xf32, #tpu.memory_space<hbm>> -> memref<4x8x1024xf32, #tpu.memory_space<hbm>>
    tpu.wait_dma2 semaphore(%arg16 : memref<!tpu.dma_semaphore, #tpu.memory_space<semaphore_mem>>) src(%arg8 : memref<4x8x1024xf32, #tpu.memory_space<vmem>>) dst(%dma_wait3A_488 : memref<4x8x1024xf32, #tpu.memory_space<hbm>>)
    %add3A_489 = arith.constant 104 : i32
    %add3A_490 = arith.addi %mul3A_2, %add3A_489 : i32
    %dma_start3A_491 = arith.constant 0 : i32
    %dma_start3A_492 = arith.constant 0 : i32
    %dma_start3A_493 = tpu.memref_slice %arg2[%dma_start3A_491, %add3A_490, %dma_start3A_492] : memref<4x8192x1024xf32, #tpu.memory_space<hbm>> -> memref<4x8x1024xf32, #tpu.memory_space<hbm>>
    %dma_start3A_494 = arith.constant 0 : i32
    %dma_start3A_495 = arith.constant 0 : i32
    %dma_start3A_496 = tpu.memref_slice %arg2[%dma_start3A_494, %add3A_490, %dma_start3A_495] : memref<4x8192x1024xf32, #tpu.memory_space<hbm>> -> memref<4x8x1024xf32, #tpu.memory_space<hbm>>
    tpu.enqueue_dma source(%dma_start3A_496 : memref<4x8x1024xf32, #tpu.memory_space<hbm>>) target(%arg8 : memref<4x8x1024xf32, #tpu.memory_space<vmem>>) target_semaphore(%arg13 : memref<!tpu.dma_semaphore, #tpu.memory_space<semaphore_mem>>)
    %parallel_loop3A_497 = arith.constant 0 : i32
    %parallel_loop3A_498 = arith.constant 4 : i32
    %parallel_loop3A_499 = arith.constant 1 : i32
    scf.for %parallel_loop3A_1312 = %parallel_loop3A_497 to %parallel_loop3A_498 step %parallel_loop3A_499  : i32 {
      %parallel_loop3A_1313 = arith.constant 0 : i32
      %parallel_loop3A_1314 = arith.constant 8 : i32
      %parallel_loop3A_1315 = arith.constant 1 : i32
      scf.for %parallel_loop3A_1316 = %parallel_loop3A_1313 to %parallel_loop3A_1314 step %parallel_loop3A_1315  : i32 {
        %parallel_loop3A_1317 = arith.constant 0 : i32
        %parallel_loop3A_1318 = arith.constant 1024 : i32
        %parallel_loop3A_1319 = arith.constant 16 : i32
        scf.for %parallel_loop3A_1320 = %parallel_loop3A_1317 to %parallel_loop3A_1318 step %parallel_loop3A_1319  : i32 {
          %parallel_loop3A_1321 = arith.index_cast %parallel_loop3A_1316 : i32 to index
          %parallel_loop3A_1322 = arith.index_cast %parallel_loop3A_1320 : i32 to index
          %parallel_loop3A_1323 = tpu.vector_load %arg6[%parallel_loop3A_1321, %parallel_loop3A_1322] {strides = array<i32>} : memref<8x1024xf32, #tpu.memory_space<vmem>>, vector<1x16xf32>,
          %parallel_loop3A_1324 = vector.shape_cast %parallel_loop3A_1323 : vector<1x16xf32> to vector<16xf32>
          %parallel_loop3A_1325 = arith.index_cast %parallel_loop3A_1312 : i32 to index
          %parallel_loop3A_1326 = arith.index_cast %parallel_loop3A_1316 : i32 to index
          %parallel_loop3A_1327 = arith.index_cast %parallel_loop3A_1320 : i32 to index
          %parallel_loop3A_1328 = tpu.vector_load %arg9[%parallel_loop3A_1325, %parallel_loop3A_1326, %parallel_loop3A_1327] {strides = array<i32>} : memref<4x8x1024xf32, #tpu.memory_space<vmem>>, vector<1x1x16xf32>,
          %parallel_loop3A_1329 = vector.shape_cast %parallel_loop3A_1328 : vector<1x1x16xf32> to vector<16xf32>
          %parallel_loop3A_1330 = vector.shape_cast %parallel_loop3A_1324 : vector<16xf32> to vector<1x1x16xf32>
          tpu.vector_store %arg9[%parallel_loop3A_1325, %parallel_loop3A_1326, %parallel_loop3A_1327], %parallel_loop3A_1330 {add = true, strides = array<i32>} : memref<4x8x1024xf32, #tpu.memory_space<vmem>>, vector<1x1x16xf32>,
        } {sc.loop_unroll_factor = 8 : i64, sc.parallel_access}
      } {sc.loop_unroll_factor = 1 : i64, sc.parallel_access}
    } {sc.loop_unroll_factor = 1 : i64, sc.parallel_access}
    %add3A_500 = arith.constant 88 : i32
    %add3A_501 = arith.addi %mul3A_2, %add3A_500 : i32
    %dma_start3A_502 = arith.constant 0 : i32
    %dma_start3A_503 = arith.constant 0 : i32
    %dma_start3A_504 = tpu.memref_slice %arg4[%dma_start3A_502, %add3A_501, %dma_start3A_503] : memref<4x8192x1024xf32, #tpu.memory_space<hbm>> -> memref<4x8x1024xf32, #tpu.memory_space<hbm>>
    %dma_start3A_505 = arith.constant 0 : i32
    %dma_start3A_506 = arith.constant 0 : i32
    %dma_start3A_507 = tpu.memref_slice %arg4[%dma_start3A_505, %add3A_501, %dma_start3A_506] : memref<4x8192x1024xf32, #tpu.memory_space<hbm>> -> memref<4x8x1024xf32, #tpu.memory_space<hbm>>
    tpu.enqueue_dma source(%arg9 : memref<4x8x1024xf32, #tpu.memory_space<vmem>>) target(%dma_start3A_507 : memref<4x8x1024xf32, #tpu.memory_space<hbm>>) target_semaphore(%arg17 : memref<!tpu.dma_semaphore, #tpu.memory_space<semaphore_mem>>)
    %add3A_508 = arith.constant 104 : i32
    %add3A_509 = arith.addi %mul3A_2, %add3A_508 : i32
    %dma_start3A_510 = arith.constant 0 : i32
    %dma_start3A_511 = tpu.memref_slice %arg3[%add3A_509, %dma_start3A_510] : memref<8192x1024xf32, #tpu.memory_space<hbm>> -> memref<8x1024xf32, #tpu.memory_space<hbm>>
    %dma_start3A_512 = arith.constant 0 : i32
    %dma_start3A_513 = tpu.memref_slice %arg3[%add3A_509, %dma_start3A_512] : memref<8192x1024xf32, #tpu.memory_space<hbm>> -> memref<8x1024xf32, #tpu.memory_space<hbm>>
    tpu.enqueue_dma source(%dma_start3A_513 : memref<8x1024xf32, #tpu.memory_space<hbm>>) target(%arg6 : memref<8x1024xf32, #tpu.memory_space<vmem>>) target_semaphore(%arg11 : memref<!tpu.dma_semaphore, #tpu.memory_space<semaphore_mem>>)
    %dma_wait3A_514 = arith.constant 0 : i32
    %dma_wait3A_515 = tpu.memref_slice %arg3[%add3A_468, %dma_wait3A_514] : memref<8192x1024xf32, #tpu.memory_space<hbm>> -> memref<8x1024xf32, #tpu.memory_space<hbm>>
    %dma_wait3A_516 = arith.constant 0 : i32
    %dma_wait3A_517 = tpu.memref_slice %arg3[%add3A_468, %dma_wait3A_516] : memref<8192x1024xf32, #tpu.memory_space<hbm>> -> memref<8x1024xf32, #tpu.memory_space<hbm>>
    tpu.wait_dma2 semaphore(%arg10 : memref<!tpu.dma_semaphore, #tpu.memory_space<semaphore_mem>>) src(%dma_wait3A_517 : memref<8x1024xf32, #tpu.memory_space<hbm>>) dst(%arg5 : memref<8x1024xf32, #tpu.memory_space<vmem>>)
    %dma_wait3A_518 = arith.constant 0 : i32
    %dma_wait3A_519 = arith.constant 0 : i32
    %dma_wait3A_520 = tpu.memref_slice %arg2[%dma_wait3A_518, %add3A_449, %dma_wait3A_519] : memref<4x8192x1024xf32, #tpu.memory_space<hbm>> -> memref<4x8x1024xf32, #tpu.memory_space<hbm>>
    %dma_wait3A_521 = arith.constant 0 : i32
    %dma_wait3A_522 = arith.constant 0 : i32
    %dma_wait3A_523 = tpu.memref_slice %arg2[%dma_wait3A_521, %add3A_449, %dma_wait3A_522] : memref<4x8192x1024xf32, #tpu.memory_space<hbm>> -> memref<4x8x1024xf32, #tpu.memory_space<hbm>>
    tpu.wait_dma2 semaphore(%arg12 : memref<!tpu.dma_semaphore, #tpu.memory_space<semaphore_mem>>) src(%dma_wait3A_523 : memref<4x8x1024xf32, #tpu.memory_space<hbm>>) dst(%arg7 : memref<4x8x1024xf32, #tpu.memory_space<vmem>>)
    %dma_wait3A_524 = arith.constant 0 : i32
    %dma_wait3A_525 = arith.constant 0 : i32
    %dma_wait3A_526 = tpu.memref_slice %arg4[%dma_wait3A_524, %add3A_501, %dma_wait3A_525] : memref<4x8192x1024xf32, #tpu.memory_space<hbm>> -> memref<4x8x1024xf32, #tpu.memory_space<hbm>>
    %dma_wait3A_527 = arith.constant 0 : i32
    %dma_wait3A_528 = arith.constant 0 : i32
    %dma_wait3A_529 = tpu.memref_slice %arg4[%dma_wait3A_527, %add3A_501, %dma_wait3A_528] : memref<4x8192x1024xf32, #tpu.memory_space<hbm>> -> memref<4x8x1024xf32, #tpu.memory_space<hbm>>
    tpu.wait_dma2 semaphore(%arg17 : memref<!tpu.dma_semaphore, #tpu.memory_space<semaphore_mem>>) src(%arg9 : memref<4x8x1024xf32, #tpu.memory_space<vmem>>) dst(%dma_wait3A_529 : memref<4x8x1024xf32, #tpu.memory_space<hbm>>)
    %add3A_530 = arith.constant 112 : i32
    %add3A_531 = arith.addi %mul3A_2, %add3A_530 : i32
    %dma_start3A_532 = arith.constant 0 : i32
    %dma_start3A_533 = arith.constant 0 : i32
    %dma_start3A_534 = tpu.memref_slice %arg2[%dma_start3A_532, %add3A_531, %dma_start3A_533] : memref<4x8192x1024xf32, #tpu.memory_space<hbm>> -> memref<4x8x1024xf32, #tpu.memory_space<hbm>>
    %dma_start3A_535 = arith.constant 0 : i32
    %dma_start3A_536 = arith.constant 0 : i32
    %dma_start3A_537 = tpu.memref_slice %arg2[%dma_start3A_535, %add3A_531, %dma_start3A_536] : memref<4x8192x1024xf32, #tpu.memory_space<hbm>> -> memref<4x8x1024xf32, #tpu.memory_space<hbm>>
    tpu.enqueue_dma source(%dma_start3A_537 : memref<4x8x1024xf32, #tpu.memory_space<hbm>>) target(%arg9 : memref<4x8x1024xf32, #tpu.memory_space<vmem>>) target_semaphore(%arg14 : memref<!tpu.dma_semaphore, #tpu.memory_space<semaphore_mem>>)
    %parallel_loop3A_538 = arith.constant 0 : i32
    %parallel_loop3A_539 = arith.constant 4 : i32
    %parallel_loop3A_540 = arith.constant 1 : i32
    scf.for %parallel_loop3A_1312 = %parallel_loop3A_538 to %parallel_loop3A_539 step %parallel_loop3A_540  : i32 {
      %parallel_loop3A_1313 = arith.constant 0 : i32
      %parallel_loop3A_1314 = arith.constant 8 : i32
      %parallel_loop3A_1315 = arith.constant 1 : i32
      scf.for %parallel_loop3A_1316 = %parallel_loop3A_1313 to %parallel_loop3A_1314 step %parallel_loop3A_1315  : i32 {
        %parallel_loop3A_1317 = arith.constant 0 : i32
        %parallel_loop3A_1318 = arith.constant 1024 : i32
        %parallel_loop3A_1319 = arith.constant 16 : i32
        scf.for %parallel_loop3A_1320 = %parallel_loop3A_1317 to %parallel_loop3A_1318 step %parallel_loop3A_1319  : i32 {
          %parallel_loop3A_1321 = arith.index_cast %parallel_loop3A_1316 : i32 to index
          %parallel_loop3A_1322 = arith.index_cast %parallel_loop3A_1320 : i32 to index
          %parallel_loop3A_1323 = tpu.vector_load %arg5[%parallel_loop3A_1321, %parallel_loop3A_1322] {strides = array<i32>} : memref<8x1024xf32, #tpu.memory_space<vmem>>, vector<1x16xf32>,
          %parallel_loop3A_1324 = vector.shape_cast %parallel_loop3A_1323 : vector<1x16xf32> to vector<16xf32>
          %parallel_loop3A_1325 = arith.index_cast %parallel_loop3A_1312 : i32 to index
          %parallel_loop3A_1326 = arith.index_cast %parallel_loop3A_1316 : i32 to index
          %parallel_loop3A_1327 = arith.index_cast %parallel_loop3A_1320 : i32 to index
          %parallel_loop3A_1328 = tpu.vector_load %arg7[%parallel_loop3A_1325, %parallel_loop3A_1326, %parallel_loop3A_1327] {strides = array<i32>} : memref<4x8x1024xf32, #tpu.memory_space<vmem>>, vector<1x1x16xf32>,
          %parallel_loop3A_1329 = vector.shape_cast %parallel_loop3A_1328 : vector<1x1x16xf32> to vector<16xf32>
          %parallel_loop3A_1330 = vector.shape_cast %parallel_loop3A_1324 : vector<16xf32> to vector<1x1x16xf32>
          tpu.vector_store %arg7[%parallel_loop3A_1325, %parallel_loop3A_1326, %parallel_loop3A_1327], %parallel_loop3A_1330 {add = true, strides = array<i32>} : memref<4x8x1024xf32, #tpu.memory_space<vmem>>, vector<1x1x16xf32>,
        } {sc.loop_unroll_factor = 8 : i64, sc.parallel_access}
      } {sc.loop_unroll_factor = 1 : i64, sc.parallel_access}
    } {sc.loop_unroll_factor = 1 : i64, sc.parallel_access}
    %add3A_541 = arith.constant 96 : i32
    %add3A_542 = arith.addi %mul3A_2, %add3A_541 : i32
    %dma_start3A_543 = arith.constant 0 : i32
    %dma_start3A_544 = arith.constant 0 : i32
    %dma_start3A_545 = tpu.memref_slice %arg4[%dma_start3A_543, %add3A_542, %dma_start3A_544] : memref<4x8192x1024xf32, #tpu.memory_space<hbm>> -> memref<4x8x1024xf32, #tpu.memory_space<hbm>>
    %dma_start3A_546 = arith.constant 0 : i32
    %dma_start3A_547 = arith.constant 0 : i32
    %dma_start3A_548 = tpu.memref_slice %arg4[%dma_start3A_546, %add3A_542, %dma_start3A_547] : memref<4x8192x1024xf32, #tpu.memory_space<hbm>> -> memref<4x8x1024xf32, #tpu.memory_space<hbm>>
    tpu.enqueue_dma source(%arg7 : memref<4x8x1024xf32, #tpu.memory_space<vmem>>) target(%dma_start3A_548 : memref<4x8x1024xf32, #tpu.memory_space<hbm>>) target_semaphore(%arg15 : memref<!tpu.dma_semaphore, #tpu.memory_space<semaphore_mem>>)
    %add3A_549 = arith.constant 112 : i32
    %add3A_550 = arith.addi %mul3A_2, %add3A_549 : i32
    %dma_start3A_551 = arith.constant 0 : i32
    %dma_start3A_552 = tpu.memref_slice %arg3[%add3A_550, %dma_start3A_551] : memref<8192x1024xf32, #tpu.memory_space<hbm>> -> memref<8x1024xf32, #tpu.memory_space<hbm>>
    %dma_start3A_553 = arith.constant 0 : i32
    %dma_start3A_554 = tpu.memref_slice %arg3[%add3A_550, %dma_start3A_553] : memref<8192x1024xf32, #tpu.memory_space<hbm>> -> memref<8x1024xf32, #tpu.memory_space<hbm>>
    tpu.enqueue_dma source(%dma_start3A_554 : memref<8x1024xf32, #tpu.memory_space<hbm>>) target(%arg5 : memref<8x1024xf32, #tpu.memory_space<vmem>>) target_semaphore(%arg10 : memref<!tpu.dma_semaphore, #tpu.memory_space<semaphore_mem>>)
    %dma_wait3A_555 = arith.constant 0 : i32
    %dma_wait3A_556 = tpu.memref_slice %arg3[%add3A_509, %dma_wait3A_555] : memref<8192x1024xf32, #tpu.memory_space<hbm>> -> memref<8x1024xf32, #tpu.memory_space<hbm>>
    %dma_wait3A_557 = arith.constant 0 : i32
    %dma_wait3A_558 = tpu.memref_slice %arg3[%add3A_509, %dma_wait3A_557] : memref<8192x1024xf32, #tpu.memory_space<hbm>> -> memref<8x1024xf32, #tpu.memory_space<hbm>>
    tpu.wait_dma2 semaphore(%arg11 : memref<!tpu.dma_semaphore, #tpu.memory_space<semaphore_mem>>) src(%dma_wait3A_558 : memref<8x1024xf32, #tpu.memory_space<hbm>>) dst(%arg6 : memref<8x1024xf32, #tpu.memory_space<vmem>>)
    %dma_wait3A_559 = arith.constant 0 : i32
    %dma_wait3A_560 = arith.constant 0 : i32
    %dma_wait3A_561 = tpu.memref_slice %arg2[%dma_wait3A_559, %add3A_490, %dma_wait3A_560] : memref<4x8192x1024xf32, #tpu.memory_space<hbm>> -> memref<4x8x1024xf32, #tpu.memory_space<hbm>>
    %dma_wait3A_562 = arith.constant 0 : i32
    %dma_wait3A_563 = arith.constant 0 : i32
    %dma_wait3A_564 = tpu.memref_slice %arg2[%dma_wait3A_562, %add3A_490, %dma_wait3A_563] : memref<4x8192x1024xf32, #tpu.memory_space<hbm>> -> memref<4x8x1024xf32, #tpu.memory_space<hbm>>
    tpu.wait_dma2 semaphore(%arg13 : memref<!tpu.dma_semaphore, #tpu.memory_space<semaphore_mem>>) src(%dma_wait3A_564 : memref<4x8x1024xf32, #tpu.memory_space<hbm>>) dst(%arg8 : memref<4x8x1024xf32, #tpu.memory_space<vmem>>)
    %dma_wait3A_565 = arith.constant 0 : i32
    %dma_wait3A_566 = arith.constant 0 : i32
    %dma_wait3A_567 = tpu.memref_slice %arg4[%dma_wait3A_565, %add3A_542, %dma_wait3A_566] : memref<4x8192x1024xf32, #tpu.memory_space<hbm>> -> memref<4x8x1024xf32, #tpu.memory_space<hbm>>
    %dma_wait3A_568 = arith.constant 0 : i32
    %dma_wait3A_569 = arith.constant 0 : i32
    %dma_wait3A_570 = tpu.memref_slice %arg4[%dma_wait3A_568, %add3A_542, %dma_wait3A_569] : memref<4x8192x1024xf32, #tpu.memory_space<hbm>> -> memref<4x8x1024xf32, #tpu.memory_space<hbm>>
    tpu.wait_dma2 semaphore(%arg15 : memref<!tpu.dma_semaphore, #tpu.memory_space<semaphore_mem>>) src(%arg7 : memref<4x8x1024xf32, #tpu.memory_space<vmem>>) dst(%dma_wait3A_570 : memref<4x8x1024xf32, #tpu.memory_space<hbm>>)
    %add3A_571 = arith.constant 120 : i32
    %add3A_572 = arith.addi %mul3A_2, %add3A_571 : i32
    %dma_start3A_573 = arith.constant 0 : i32
    %dma_start3A_574 = arith.constant 0 : i32
    %dma_start3A_575 = tpu.memref_slice %arg2[%dma_start3A_573, %add3A_572, %dma_start3A_574] : memref<4x8192x1024xf32, #tpu.memory_space<hbm>> -> memref<4x8x1024xf32, #tpu.memory_space<hbm>>
    %dma_start3A_576 = arith.constant 0 : i32
    %dma_start3A_577 = arith.constant 0 : i32
    %dma_start3A_578 = tpu.memref_slice %arg2[%dma_start3A_576, %add3A_572, %dma_start3A_577] : memref<4x8192x1024xf32, #tpu.memory_space<hbm>> -> memref<4x8x1024xf32, #tpu.memory_space<hbm>>
    tpu.enqueue_dma source(%dma_start3A_578 : memref<4x8x1024xf32, #tpu.memory_space<hbm>>) target(%arg7 : memref<4x8x1024xf32, #tpu.memory_space<vmem>>) target_semaphore(%arg12 : memref<!tpu.dma_semaphore, #tpu.memory_space<semaphore_mem>>)
    %parallel_loop3A_579 = arith.constant 0 : i32
    %parallel_loop3A_580 = arith.constant 4 : i32
    %parallel_loop3A_581 = arith.constant 1 : i32
    scf.for %parallel_loop3A_1312 = %parallel_loop3A_579 to %parallel_loop3A_580 step %parallel_loop3A_581  : i32 {
      %parallel_loop3A_1313 = arith.constant 0 : i32
      %parallel_loop3A_1314 = arith.constant 8 : i32
      %parallel_loop3A_1315 = arith.constant 1 : i32
      scf.for %parallel_loop3A_1316 = %parallel_loop3A_1313 to %parallel_loop3A_1314 step %parallel_loop3A_1315  : i32 {
        %parallel_loop3A_1317 = arith.constant 0 : i32
        %parallel_loop3A_1318 = arith.constant 1024 : i32
        %parallel_loop3A_1319 = arith.constant 16 : i32
        scf.for %parallel_loop3A_1320 = %parallel_loop3A_1317 to %parallel_loop3A_1318 step %parallel_loop3A_1319  : i32 {
          %parallel_loop3A_1321 = arith.index_cast %parallel_loop3A_1316 : i32 to index
          %parallel_loop3A_1322 = arith.index_cast %parallel_loop3A_1320 : i32 to index
          %parallel_loop3A_1323 = tpu.vector_load %arg6[%parallel_loop3A_1321, %parallel_loop3A_1322] {strides = array<i32>} : memref<8x1024xf32, #tpu.memory_space<vmem>>, vector<1x16xf32>,
          %parallel_loop3A_1324 = vector.shape_cast %parallel_loop3A_1323 : vector<1x16xf32> to vector<16xf32>
          %parallel_loop3A_1325 = arith.index_cast %parallel_loop3A_1312 : i32 to index
          %parallel_loop3A_1326 = arith.index_cast %parallel_loop3A_1316 : i32 to index
          %parallel_loop3A_1327 = arith.index_cast %parallel_loop3A_1320 : i32 to index
          %parallel_loop3A_1328 = tpu.vector_load %arg8[%parallel_loop3A_1325, %parallel_loop3A_1326, %parallel_loop3A_1327] {strides = array<i32>} : memref<4x8x1024xf32, #tpu.memory_space<vmem>>, vector<1x1x16xf32>,
          %parallel_loop3A_1329 = vector.shape_cast %parallel_loop3A_1328 : vector<1x1x16xf32> to vector<16xf32>
          %parallel_loop3A_1330 = vector.shape_cast %parallel_loop3A_1324 : vector<16xf32> to vector<1x1x16xf32>
          tpu.vector_store %arg8[%parallel_loop3A_1325, %parallel_loop3A_1326, %parallel_loop3A_1327], %parallel_loop3A_1330 {add = true, strides = array<i32>} : memref<4x8x1024xf32, #tpu.memory_space<vmem>>, vector<1x1x16xf32>,
        } {sc.loop_unroll_factor = 8 : i64, sc.parallel_access}
      } {sc.loop_unroll_factor = 1 : i64, sc.parallel_access}
    } {sc.loop_unroll_factor = 1 : i64, sc.parallel_access}
    %add3A_582 = arith.constant 104 : i32
    %add3A_583 = arith.addi %mul3A_2, %add3A_582 : i32
    %dma_start3A_584 = arith.constant 0 : i32
    %dma_start3A_585 = arith.constant 0 : i32
    %dma_start3A_586 = tpu.memref_slice %arg4[%dma_start3A_584, %add3A_583, %dma_start3A_585] : memref<4x8192x1024xf32, #tpu.memory_space<hbm>> -> memref<4x8x1024xf32, #tpu.memory_space<hbm>>
    %dma_start3A_587 = arith.constant 0 : i32
    %dma_start3A_588 = arith.constant 0 : i32
    %dma_start3A_589 = tpu.memref_slice %arg4[%dma_start3A_587, %add3A_583, %dma_start3A_588] : memref<4x8192x1024xf32, #tpu.memory_space<hbm>> -> memref<4x8x1024xf32, #tpu.memory_space<hbm>>
    tpu.enqueue_dma source(%arg8 : memref<4x8x1024xf32, #tpu.memory_space<vmem>>) target(%dma_start3A_589 : memref<4x8x1024xf32, #tpu.memory_space<hbm>>) target_semaphore(%arg16 : memref<!tpu.dma_semaphore, #tpu.memory_space<semaphore_mem>>)
    %add3A_590 = arith.constant 120 : i32
    %add3A_591 = arith.addi %mul3A_2, %add3A_590 : i32
    %dma_start3A_592 = arith.constant 0 : i32
    %dma_start3A_593 = tpu.memref_slice %arg3[%add3A_591, %dma_start3A_592] : memref<8192x1024xf32, #tpu.memory_space<hbm>> -> memref<8x1024xf32, #tpu.memory_space<hbm>>
    %dma_start3A_594 = arith.constant 0 : i32
    %dma_start3A_595 = tpu.memref_slice %arg3[%add3A_591, %dma_start3A_594] : memref<8192x1024xf32, #tpu.memory_space<hbm>> -> memref<8x1024xf32, #tpu.memory_space<hbm>>
    tpu.enqueue_dma source(%dma_start3A_595 : memref<8x1024xf32, #tpu.memory_space<hbm>>) target(%arg6 : memref<8x1024xf32, #tpu.memory_space<vmem>>) target_semaphore(%arg11 : memref<!tpu.dma_semaphore, #tpu.memory_space<semaphore_mem>>)
    %dma_wait3A_596 = arith.constant 0 : i32
    %dma_wait3A_597 = tpu.memref_slice %arg3[%add3A_550, %dma_wait3A_596] : memref<8192x1024xf32, #tpu.memory_space<hbm>> -> memref<8x1024xf32, #tpu.memory_space<hbm>>
    %dma_wait3A_598 = arith.constant 0 : i32
    %dma_wait3A_599 = tpu.memref_slice %arg3[%add3A_550, %dma_wait3A_598] : memref<8192x1024xf32, #tpu.memory_space<hbm>> -> memref<8x1024xf32, #tpu.memory_space<hbm>>
    tpu.wait_dma2 semaphore(%arg10 : memref<!tpu.dma_semaphore, #tpu.memory_space<semaphore_mem>>) src(%dma_wait3A_599 : memref<8x1024xf32, #tpu.memory_space<hbm>>) dst(%arg5 : memref<8x1024xf32, #tpu.memory_space<vmem>>)
    %dma_wait3A_600 = arith.constant 0 : i32
    %dma_wait3A_601 = arith.constant 0 : i32
    %dma_wait3A_602 = tpu.memref_slice %arg2[%dma_wait3A_600, %add3A_531, %dma_wait3A_601] : memref<4x8192x1024xf32, #tpu.memory_space<hbm>> -> memref<4x8x1024xf32, #tpu.memory_space<hbm>>
    %dma_wait3A_603 = arith.constant 0 : i32
    %dma_wait3A_604 = arith.constant 0 : i32
    %dma_wait3A_605 = tpu.memref_slice %arg2[%dma_wait3A_603, %add3A_531, %dma_wait3A_604] : memref<4x8192x1024xf32, #tpu.memory_space<hbm>> -> memref<4x8x1024xf32, #tpu.memory_space<hbm>>
    tpu.wait_dma2 semaphore(%arg14 : memref<!tpu.dma_semaphore, #tpu.memory_space<semaphore_mem>>) src(%dma_wait3A_605 : memref<4x8x1024xf32, #tpu.memory_space<hbm>>) dst(%arg9 : memref<4x8x1024xf32, #tpu.memory_space<vmem>>)
    %dma_wait3A_606 = arith.constant 0 : i32
    %dma_wait3A_607 = arith.constant 0 : i32
    %dma_wait3A_608 = tpu.memref_slice %arg4[%dma_wait3A_606, %add3A_583, %dma_wait3A_607] : memref<4x8192x1024xf32, #tpu.memory_space<hbm>> -> memref<4x8x1024xf32, #tpu.memory_space<hbm>>
    %dma_wait3A_609 = arith.constant 0 : i32
    %dma_wait3A_610 = arith.constant 0 : i32
    %dma_wait3A_611 = tpu.memref_slice %arg4[%dma_wait3A_609, %add3A_583, %dma_wait3A_610] : memref<4x8192x1024xf32, #tpu.memory_space<hbm>> -> memref<4x8x1024xf32, #tpu.memory_space<hbm>>
    tpu.wait_dma2 semaphore(%arg16 : memref<!tpu.dma_semaphore, #tpu.memory_space<semaphore_mem>>) src(%arg8 : memref<4x8x1024xf32, #tpu.memory_space<vmem>>) dst(%dma_wait3A_611 : memref<4x8x1024xf32, #tpu.memory_space<hbm>>)
    %add3A_612 = arith.constant 128 : i32
    %add3A_613 = arith.addi %mul3A_2, %add3A_612 : i32
    %dma_start3A_614 = arith.constant 0 : i32
    %dma_start3A_615 = arith.constant 0 : i32
    %dma_start3A_616 = tpu.memref_slice %arg2[%dma_start3A_614, %add3A_613, %dma_start3A_615] : memref<4x8192x1024xf32, #tpu.memory_space<hbm>> -> memref<4x8x1024xf32, #tpu.memory_space<hbm>>
    %dma_start3A_617 = arith.constant 0 : i32
    %dma_start3A_618 = arith.constant 0 : i32
    %dma_start3A_619 = tpu.memref_slice %arg2[%dma_start3A_617, %add3A_613, %dma_start3A_618] : memref<4x8192x1024xf32, #tpu.memory_space<hbm>> -> memref<4x8x1024xf32, #tpu.memory_space<hbm>>
    tpu.enqueue_dma source(%dma_start3A_619 : memref<4x8x1024xf32, #tpu.memory_space<hbm>>) target(%arg8 : memref<4x8x1024xf32, #tpu.memory_space<vmem>>) target_semaphore(%arg13 : memref<!tpu.dma_semaphore, #tpu.memory_space<semaphore_mem>>)
    %parallel_loop3A_620 = arith.constant 0 : i32
    %parallel_loop3A_621 = arith.constant 4 : i32
    %parallel_loop3A_622 = arith.constant 1 : i32
    scf.for %parallel_loop3A_1312 = %parallel_loop3A_620 to %parallel_loop3A_621 step %parallel_loop3A_622  : i32 {
      %parallel_loop3A_1313 = arith.constant 0 : i32
      %parallel_loop3A_1314 = arith.constant 8 : i32
      %parallel_loop3A_1315 = arith.constant 1 : i32
      scf.for %parallel_loop3A_1316 = %parallel_loop3A_1313 to %parallel_loop3A_1314 step %parallel_loop3A_1315  : i32 {
        %parallel_loop3A_1317 = arith.constant 0 : i32
        %parallel_loop3A_1318 = arith.constant 1024 : i32
        %parallel_loop3A_1319 = arith.constant 16 : i32
        scf.for %parallel_loop3A_1320 = %parallel_loop3A_1317 to %parallel_loop3A_1318 step %parallel_loop3A_1319  : i32 {
          %parallel_loop3A_1321 = arith.index_cast %parallel_loop3A_1316 : i32 to index
          %parallel_loop3A_1322 = arith.index_cast %parallel_loop3A_1320 : i32 to index
          %parallel_loop3A_1323 = tpu.vector_load %arg5[%parallel_loop3A_1321, %parallel_loop3A_1322] {strides = array<i32>} : memref<8x1024xf32, #tpu.memory_space<vmem>>, vector<1x16xf32>,
          %parallel_loop3A_1324 = vector.shape_cast %parallel_loop3A_1323 : vector<1x16xf32> to vector<16xf32>
          %parallel_loop3A_1325 = arith.index_cast %parallel_loop3A_1312 : i32 to index
          %parallel_loop3A_1326 = arith.index_cast %parallel_loop3A_1316 : i32 to index
          %parallel_loop3A_1327 = arith.index_cast %parallel_loop3A_1320 : i32 to index
          %parallel_loop3A_1328 = tpu.vector_load %arg9[%parallel_loop3A_1325, %parallel_loop3A_1326, %parallel_loop3A_1327] {strides = array<i32>} : memref<4x8x1024xf32, #tpu.memory_space<vmem>>, vector<1x1x16xf32>,
          %parallel_loop3A_1329 = vector.shape_cast %parallel_loop3A_1328 : vector<1x1x16xf32> to vector<16xf32>
          %parallel_loop3A_1330 = vector.shape_cast %parallel_loop3A_1324 : vector<16xf32> to vector<1x1x16xf32>
          tpu.vector_store %arg9[%parallel_loop3A_1325, %parallel_loop3A_1326, %parallel_loop3A_1327], %parallel_loop3A_1330 {add = true, strides = array<i32>} : memref<4x8x1024xf32, #tpu.memory_space<vmem>>, vector<1x1x16xf32>,
        } {sc.loop_unroll_factor = 8 : i64, sc.parallel_access}
      } {sc.loop_unroll_factor = 1 : i64, sc.parallel_access}
    } {sc.loop_unroll_factor = 1 : i64, sc.parallel_access}
    %add3A_623 = arith.constant 112 : i32
    %add3A_624 = arith.addi %mul3A_2, %add3A_623 : i32
    %dma_start3A_625 = arith.constant 0 : i32
    %dma_start3A_626 = arith.constant 0 : i32
    %dma_start3A_627 = tpu.memref_slice %arg4[%dma_start3A_625, %add3A_624, %dma_start3A_626] : memref<4x8192x1024xf32, #tpu.memory_space<hbm>> -> memref<4x8x1024xf32, #tpu.memory_space<hbm>>
    %dma_start3A_628 = arith.constant 0 : i32
    %dma_start3A_629 = arith.constant 0 : i32
    %dma_start3A_630 = tpu.memref_slice %arg4[%dma_start3A_628, %add3A_624, %dma_start3A_629] : memref<4x8192x1024xf32, #tpu.memory_space<hbm>> -> memref<4x8x1024xf32, #tpu.memory_space<hbm>>
    tpu.enqueue_dma source(%arg9 : memref<4x8x1024xf32, #tpu.memory_space<vmem>>) target(%dma_start3A_630 : memref<4x8x1024xf32, #tpu.memory_space<hbm>>) target_semaphore(%arg17 : memref<!tpu.dma_semaphore, #tpu.memory_space<semaphore_mem>>)
    %add3A_631 = arith.constant 128 : i32
    %add3A_632 = arith.addi %mul3A_2, %add3A_631 : i32
    %dma_start3A_633 = arith.constant 0 : i32
    %dma_start3A_634 = tpu.memref_slice %arg3[%add3A_632, %dma_start3A_633] : memref<8192x1024xf32, #tpu.memory_space<hbm>> -> memref<8x1024xf32, #tpu.memory_space<hbm>>
    %dma_start3A_635 = arith.constant 0 : i32
    %dma_start3A_636 = tpu.memref_slice %arg3[%add3A_632, %dma_start3A_635] : memref<8192x1024xf32, #tpu.memory_space<hbm>> -> memref<8x1024xf32, #tpu.memory_space<hbm>>
    tpu.enqueue_dma source(%dma_start3A_636 : memref<8x1024xf32, #tpu.memory_space<hbm>>) target(%arg5 : memref<8x1024xf32, #tpu.memory_space<vmem>>) target_semaphore(%arg10 : memref<!tpu.dma_semaphore, #tpu.memory_space<semaphore_mem>>)
    %dma_wait3A_637 = arith.constant 0 : i32
    %dma_wait3A_638 = tpu.memref_slice %arg3[%add3A_591, %dma_wait3A_637] : memref<8192x1024xf32, #tpu.memory_space<hbm>> -> memref<8x1024xf32, #tpu.memory_space<hbm>>
    %dma_wait3A_639 = arith.constant 0 : i32
    %dma_wait3A_640 = tpu.memref_slice %arg3[%add3A_591, %dma_wait3A_639] : memref<8192x1024xf32, #tpu.memory_space<hbm>> -> memref<8x1024xf32, #tpu.memory_space<hbm>>
    tpu.wait_dma2 semaphore(%arg11 : memref<!tpu.dma_semaphore, #tpu.memory_space<semaphore_mem>>) src(%dma_wait3A_640 : memref<8x1024xf32, #tpu.memory_space<hbm>>) dst(%arg6 : memref<8x1024xf32, #tpu.memory_space<vmem>>)
    %dma_wait3A_641 = arith.constant 0 : i32
    %dma_wait3A_642 = arith.constant 0 : i32
    %dma_wait3A_643 = tpu.memref_slice %arg2[%dma_wait3A_641, %add3A_572, %dma_wait3A_642] : memref<4x8192x1024xf32, #tpu.memory_space<hbm>> -> memref<4x8x1024xf32, #tpu.memory_space<hbm>>
    %dma_wait3A_644 = arith.constant 0 : i32
    %dma_wait3A_645 = arith.constant 0 : i32
    %dma_wait3A_646 = tpu.memref_slice %arg2[%dma_wait3A_644, %add3A_572, %dma_wait3A_645] : memref<4x8192x1024xf32, #tpu.memory_space<hbm>> -> memref<4x8x1024xf32, #tpu.memory_space<hbm>>
    tpu.wait_dma2 semaphore(%arg12 : memref<!tpu.dma_semaphore, #tpu.memory_space<semaphore_mem>>) src(%dma_wait3A_646 : memref<4x8x1024xf32, #tpu.memory_space<hbm>>) dst(%arg7 : memref<4x8x1024xf32, #tpu.memory_space<vmem>>)
    %dma_wait3A_647 = arith.constant 0 : i32
    %dma_wait3A_648 = arith.constant 0 : i32
    %dma_wait3A_649 = tpu.memref_slice %arg4[%dma_wait3A_647, %add3A_624, %dma_wait3A_648] : memref<4x8192x1024xf32, #tpu.memory_space<hbm>> -> memref<4x8x1024xf32, #tpu.memory_space<hbm>>
    %dma_wait3A_650 = arith.constant 0 : i32
    %dma_wait3A_651 = arith.constant 0 : i32
    %dma_wait3A_652 = tpu.memref_slice %arg4[%dma_wait3A_650, %add3A_624, %dma_wait3A_651] : memref<4x8192x1024xf32, #tpu.memory_space<hbm>> -> memref<4x8x1024xf32, #tpu.memory_space<hbm>>
    tpu.wait_dma2 semaphore(%arg17 : memref<!tpu.dma_semaphore, #tpu.memory_space<semaphore_mem>>) src(%arg9 : memref<4x8x1024xf32, #tpu.memory_space<vmem>>) dst(%dma_wait3A_652 : memref<4x8x1024xf32, #tpu.memory_space<hbm>>)
    %add3A_653 = arith.constant 136 : i32
    %add3A_654 = arith.addi %mul3A_2, %add3A_653 : i32
    %dma_start3A_655 = arith.constant 0 : i32
    %dma_start3A_656 = arith.constant 0 : i32
    %dma_start3A_657 = tpu.memref_slice %arg2[%dma_start3A_655, %add3A_654, %dma_start3A_656] : memref<4x8192x1024xf32, #tpu.memory_space<hbm>> -> memref<4x8x1024xf32, #tpu.memory_space<hbm>>
    %dma_start3A_658 = arith.constant 0 : i32
    %dma_start3A_659 = arith.constant 0 : i32
    %dma_start3A_660 = tpu.memref_slice %arg2[%dma_start3A_658, %add3A_654, %dma_start3A_659] : memref<4x8192x1024xf32, #tpu.memory_space<hbm>> -> memref<4x8x1024xf32, #tpu.memory_space<hbm>>
    tpu.enqueue_dma source(%dma_start3A_660 : memref<4x8x1024xf32, #tpu.memory_space<hbm>>) target(%arg9 : memref<4x8x1024xf32, #tpu.memory_space<vmem>>) target_semaphore(%arg14 : memref<!tpu.dma_semaphore, #tpu.memory_space<semaphore_mem>>)
    %parallel_loop3A_661 = arith.constant 0 : i32
    %parallel_loop3A_662 = arith.constant 4 : i32
    %parallel_loop3A_663 = arith.constant 1 : i32
    scf.for %parallel_loop3A_1312 = %parallel_loop3A_661 to %parallel_loop3A_662 step %parallel_loop3A_663  : i32 {
      %parallel_loop3A_1313 = arith.constant 0 : i32
      %parallel_loop3A_1314 = arith.constant 8 : i32
      %parallel_loop3A_1315 = arith.constant 1 : i32
      scf.for %parallel_loop3A_1316 = %parallel_loop3A_1313 to %parallel_loop3A_1314 step %parallel_loop3A_1315  : i32 {
        %parallel_loop3A_1317 = arith.constant 0 : i32
        %parallel_loop3A_1318 = arith.constant 1024 : i32
        %parallel_loop3A_1319 = arith.constant 16 : i32
        scf.for %parallel_loop3A_1320 = %parallel_loop3A_1317 to %parallel_loop3A_1318 step %parallel_loop3A_1319  : i32 {
          %parallel_loop3A_1321 = arith.index_cast %parallel_loop3A_1316 : i32 to index
          %parallel_loop3A_1322 = arith.index_cast %parallel_loop3A_1320 : i32 to index
          %parallel_loop3A_1323 = tpu.vector_load %arg6[%parallel_loop3A_1321, %parallel_loop3A_1322] {strides = array<i32>} : memref<8x1024xf32, #tpu.memory_space<vmem>>, vector<1x16xf32>,
          %parallel_loop3A_1324 = vector.shape_cast %parallel_loop3A_1323 : vector<1x16xf32> to vector<16xf32>
          %parallel_loop3A_1325 = arith.index_cast %parallel_loop3A_1312 : i32 to index
          %parallel_loop3A_1326 = arith.index_cast %parallel_loop3A_1316 : i32 to index
          %parallel_loop3A_1327 = arith.index_cast %parallel_loop3A_1320 : i32 to index
          %parallel_loop3A_1328 = tpu.vector_load %arg7[%parallel_loop3A_1325, %parallel_loop3A_1326, %parallel_loop3A_1327] {strides = array<i32>} : memref<4x8x1024xf32, #tpu.memory_space<vmem>>, vector<1x1x16xf32>,
          %parallel_loop3A_1329 = vector.shape_cast %parallel_loop3A_1328 : vector<1x1x16xf32> to vector<16xf32>
          %parallel_loop3A_1330 = vector.shape_cast %parallel_loop3A_1324 : vector<16xf32> to vector<1x1x16xf32>
          tpu.vector_store %arg7[%parallel_loop3A_1325, %parallel_loop3A_1326, %parallel_loop3A_1327], %parallel_loop3A_1330 {add = true, strides = array<i32>} : memref<4x8x1024xf32, #tpu.memory_space<vmem>>, vector<1x1x16xf32>,
        } {sc.loop_unroll_factor = 8 : i64, sc.parallel_access}
      } {sc.loop_unroll_factor = 1 : i64, sc.parallel_access}
    } {sc.loop_unroll_factor = 1 : i64, sc.parallel_access}
    %add3A_664 = arith.constant 120 : i32
    %add3A_665 = arith.addi %mul3A_2, %add3A_664 : i32
    %dma_start3A_666 = arith.constant 0 : i32
    %dma_start3A_667 = arith.constant 0 : i32
    %dma_start3A_668 = tpu.memref_slice %arg4[%dma_start3A_666, %add3A_665, %dma_start3A_667] : memref<4x8192x1024xf32, #tpu.memory_space<hbm>> -> memref<4x8x1024xf32, #tpu.memory_space<hbm>>
    %dma_start3A_669 = arith.constant 0 : i32
    %dma_start3A_670 = arith.constant 0 : i32
    %dma_start3A_671 = tpu.memref_slice %arg4[%dma_start3A_669, %add3A_665, %dma_start3A_670] : memref<4x8192x1024xf32, #tpu.memory_space<hbm>> -> memref<4x8x1024xf32, #tpu.memory_space<hbm>>
    tpu.enqueue_dma source(%arg7 : memref<4x8x1024xf32, #tpu.memory_space<vmem>>) target(%dma_start3A_671 : memref<4x8x1024xf32, #tpu.memory_space<hbm>>) target_semaphore(%arg15 : memref<!tpu.dma_semaphore, #tpu.memory_space<semaphore_mem>>)
    %add3A_672 = arith.constant 136 : i32
    %add3A_673 = arith.addi %mul3A_2, %add3A_672 : i32
    %dma_start3A_674 = arith.constant 0 : i32
    %dma_start3A_675 = tpu.memref_slice %arg3[%add3A_673, %dma_start3A_674] : memref<8192x1024xf32, #tpu.memory_space<hbm>> -> memref<8x1024xf32, #tpu.memory_space<hbm>>
    %dma_start3A_676 = arith.constant 0 : i32
    %dma_start3A_677 = tpu.memref_slice %arg3[%add3A_673, %dma_start3A_676] : memref<8192x1024xf32, #tpu.memory_space<hbm>> -> memref<8x1024xf32, #tpu.memory_space<hbm>>
    tpu.enqueue_dma source(%dma_start3A_677 : memref<8x1024xf32, #tpu.memory_space<hbm>>) target(%arg6 : memref<8x1024xf32, #tpu.memory_space<vmem>>) target_semaphore(%arg11 : memref<!tpu.dma_semaphore, #tpu.memory_space<semaphore_mem>>)
    %dma_wait3A_678 = arith.constant 0 : i32
    %dma_wait3A_679 = tpu.memref_slice %arg3[%add3A_632, %dma_wait3A_678] : memref<8192x1024xf32, #tpu.memory_space<hbm>> -> memref<8x1024xf32, #tpu.memory_space<hbm>>
    %dma_wait3A_680 = arith.constant 0 : i32
    %dma_wait3A_681 = tpu.memref_slice %arg3[%add3A_632, %dma_wait3A_680] : memref<8192x1024xf32, #tpu.memory_space<hbm>> -> memref<8x1024xf32, #tpu.memory_space<hbm>>
    tpu.wait_dma2 semaphore(%arg10 : memref<!tpu.dma_semaphore, #tpu.memory_space<semaphore_mem>>) src(%dma_wait3A_681 : memref<8x1024xf32, #tpu.memory_space<hbm>>) dst(%arg5 : memref<8x1024xf32, #tpu.memory_space<vmem>>)
    %dma_wait3A_682 = arith.constant 0 : i32
    %dma_wait3A_683 = arith.constant 0 : i32
    %dma_wait3A_684 = tpu.memref_slice %arg2[%dma_wait3A_682, %add3A_613, %dma_wait3A_683] : memref<4x8192x1024xf32, #tpu.memory_space<hbm>> -> memref<4x8x1024xf32, #tpu.memory_space<hbm>>
    %dma_wait3A_685 = arith.constant 0 : i32
    %dma_wait3A_686 = arith.constant 0 : i32
    %dma_wait3A_687 = tpu.memref_slice %arg2[%dma_wait3A_685, %add3A_613, %dma_wait3A_686] : memref<4x8192x1024xf32, #tpu.memory_space<hbm>> -> memref<4x8x1024xf32, #tpu.memory_space<hbm>>
    tpu.wait_dma2 semaphore(%arg13 : memref<!tpu.dma_semaphore, #tpu.memory_space<semaphore_mem>>) src(%dma_wait3A_687 : memref<4x8x1024xf32, #tpu.memory_space<hbm>>) dst(%arg8 : memref<4x8x1024xf32, #tpu.memory_space<vmem>>)
    %dma_wait3A_688 = arith.constant 0 : i32
    %dma_wait3A_689 = arith.constant 0 : i32
    %dma_wait3A_690 = tpu.memref_slice %arg4[%dma_wait3A_688, %add3A_665, %dma_wait3A_689] : memref<4x8192x1024xf32, #tpu.memory_space<hbm>> -> memref<4x8x1024xf32, #tpu.memory_space<hbm>>
    %dma_wait3A_691 = arith.constant 0 : i32
    %dma_wait3A_692 = arith.constant 0 : i32
    %dma_wait3A_693 = tpu.memref_slice %arg4[%dma_wait3A_691, %add3A_665, %dma_wait3A_692] : memref<4x8192x1024xf32, #tpu.memory_space<hbm>> -> memref<4x8x1024xf32, #tpu.memory_space<hbm>>
    tpu.wait_dma2 semaphore(%arg15 : memref<!tpu.dma_semaphore, #tpu.memory_space<semaphore_mem>>) src(%arg7 : memref<4x8x1024xf32, #tpu.memory_space<vmem>>) dst(%dma_wait3A_693 : memref<4x8x1024xf32, #tpu.memory_space<hbm>>)
    %add3A_694 = arith.constant 144 : i32
    %add3A_695 = arith.addi %mul3A_2, %add3A_694 : i32
    %dma_start3A_696 = arith.constant 0 : i32
    %dma_start3A_697 = arith.constant 0 : i32
    %dma_start3A_698 = tpu.memref_slice %arg2[%dma_start3A_696, %add3A_695, %dma_start3A_697] : memref<4x8192x1024xf32, #tpu.memory_space<hbm>> -> memref<4x8x1024xf32, #tpu.memory_space<hbm>>
    %dma_start3A_699 = arith.constant 0 : i32
    %dma_start3A_700 = arith.constant 0 : i32
    %dma_start3A_701 = tpu.memref_slice %arg2[%dma_start3A_699, %add3A_695, %dma_start3A_700] : memref<4x8192x1024xf32, #tpu.memory_space<hbm>> -> memref<4x8x1024xf32, #tpu.memory_space<hbm>>
    tpu.enqueue_dma source(%dma_start3A_701 : memref<4x8x1024xf32, #tpu.memory_space<hbm>>) target(%arg7 : memref<4x8x1024xf32, #tpu.memory_space<vmem>>) target_semaphore(%arg12 : memref<!tpu.dma_semaphore, #tpu.memory_space<semaphore_mem>>)
    %parallel_loop3A_702 = arith.constant 0 : i32
    %parallel_loop3A_703 = arith.constant 4 : i32
    %parallel_loop3A_704 = arith.constant 1 : i32
    scf.for %parallel_loop3A_1312 = %parallel_loop3A_702 to %parallel_loop3A_703 step %parallel_loop3A_704  : i32 {
      %parallel_loop3A_1313 = arith.constant 0 : i32
      %parallel_loop3A_1314 = arith.constant 8 : i32
      %parallel_loop3A_1315 = arith.constant 1 : i32
      scf.for %parallel_loop3A_1316 = %parallel_loop3A_1313 to %parallel_loop3A_1314 step %parallel_loop3A_1315  : i32 {
        %parallel_loop3A_1317 = arith.constant 0 : i32
        %parallel_loop3A_1318 = arith.constant 1024 : i32
        %parallel_loop3A_1319 = arith.constant 16 : i32
        scf.for %parallel_loop3A_1320 = %parallel_loop3A_1317 to %parallel_loop3A_1318 step %parallel_loop3A_1319  : i32 {
          %parallel_loop3A_1321 = arith.index_cast %parallel_loop3A_1316 : i32 to index
          %parallel_loop3A_1322 = arith.index_cast %parallel_loop3A_1320 : i32 to index
          %parallel_loop3A_1323 = tpu.vector_load %arg5[%parallel_loop3A_1321, %parallel_loop3A_1322] {strides = array<i32>} : memref<8x1024xf32, #tpu.memory_space<vmem>>, vector<1x16xf32>,
          %parallel_loop3A_1324 = vector.shape_cast %parallel_loop3A_1323 : vector<1x16xf32> to vector<16xf32>
          %parallel_loop3A_1325 = arith.index_cast %parallel_loop3A_1312 : i32 to index
          %parallel_loop3A_1326 = arith.index_cast %parallel_loop3A_1316 : i32 to index
          %parallel_loop3A_1327 = arith.index_cast %parallel_loop3A_1320 : i32 to index
          %parallel_loop3A_1328 = tpu.vector_load %arg8[%parallel_loop3A_1325, %parallel_loop3A_1326, %parallel_loop3A_1327] {strides = array<i32>} : memref<4x8x1024xf32, #tpu.memory_space<vmem>>, vector<1x1x16xf32>,
          %parallel_loop3A_1329 = vector.shape_cast %parallel_loop3A_1328 : vector<1x1x16xf32> to vector<16xf32>
          %parallel_loop3A_1330 = vector.shape_cast %parallel_loop3A_1324 : vector<16xf32> to vector<1x1x16xf32>
          tpu.vector_store %arg8[%parallel_loop3A_1325, %parallel_loop3A_1326, %parallel_loop3A_1327], %parallel_loop3A_1330 {add = true, strides = array<i32>} : memref<4x8x1024xf32, #tpu.memory_space<vmem>>, vector<1x1x16xf32>,
        } {sc.loop_unroll_factor = 8 : i64, sc.parallel_access}
      } {sc.loop_unroll_factor = 1 : i64, sc.parallel_access}
    } {sc.loop_unroll_factor = 1 : i64, sc.parallel_access}
    %add3A_705 = arith.constant 128 : i32
    %add3A_706 = arith.addi %mul3A_2, %add3A_705 : i32
    %dma_start3A_707 = arith.constant 0 : i32
    %dma_start3A_708 = arith.constant 0 : i32
    %dma_start3A_709 = tpu.memref_slice %arg4[%dma_start3A_707, %add3A_706, %dma_start3A_708] : memref<4x8192x1024xf32, #tpu.memory_space<hbm>> -> memref<4x8x1024xf32, #tpu.memory_space<hbm>>
    %dma_start3A_710 = arith.constant 0 : i32
    %dma_start3A_711 = arith.constant 0 : i32
    %dma_start3A_712 = tpu.memref_slice %arg4[%dma_start3A_710, %add3A_706, %dma_start3A_711] : memref<4x8192x1024xf32, #tpu.memory_space<hbm>> -> memref<4x8x1024xf32, #tpu.memory_space<hbm>>
    tpu.enqueue_dma source(%arg8 : memref<4x8x1024xf32, #tpu.memory_space<vmem>>) target(%dma_start3A_712 : memref<4x8x1024xf32, #tpu.memory_space<hbm>>) target_semaphore(%arg16 : memref<!tpu.dma_semaphore, #tpu.memory_space<semaphore_mem>>)
    %add3A_713 = arith.constant 144 : i32
    %add3A_714 = arith.addi %mul3A_2, %add3A_713 : i32
    %dma_start3A_715 = arith.constant 0 : i32
    %dma_start3A_716 = tpu.memref_slice %arg3[%add3A_714, %dma_start3A_715] : memref<8192x1024xf32, #tpu.memory_space<hbm>> -> memref<8x1024xf32, #tpu.memory_space<hbm>>
    %dma_start3A_717 = arith.constant 0 : i32
    %dma_start3A_718 = tpu.memref_slice %arg3[%add3A_714, %dma_start3A_717] : memref<8192x1024xf32, #tpu.memory_space<hbm>> -> memref<8x1024xf32, #tpu.memory_space<hbm>>
    tpu.enqueue_dma source(%dma_start3A_718 : memref<8x1024xf32, #tpu.memory_space<hbm>>) target(%arg5 : memref<8x1024xf32, #tpu.memory_space<vmem>>) target_semaphore(%arg10 : memref<!tpu.dma_semaphore, #tpu.memory_space<semaphore_mem>>)
    %dma_wait3A_719 = arith.constant 0 : i32
    %dma_wait3A_720 = tpu.memref_slice %arg3[%add3A_673, %dma_wait3A_719] : memref<8192x1024xf32, #tpu.memory_space<hbm>> -> memref<8x1024xf32, #tpu.memory_space<hbm>>
    %dma_wait3A_721 = arith.constant 0 : i32
    %dma_wait3A_722 = tpu.memref_slice %arg3[%add3A_673, %dma_wait3A_721] : memref<8192x1024xf32, #tpu.memory_space<hbm>> -> memref<8x1024xf32, #tpu.memory_space<hbm>>
    tpu.wait_dma2 semaphore(%arg11 : memref<!tpu.dma_semaphore, #tpu.memory_space<semaphore_mem>>) src(%dma_wait3A_722 : memref<8x1024xf32, #tpu.memory_space<hbm>>) dst(%arg6 : memref<8x1024xf32, #tpu.memory_space<vmem>>)
    %dma_wait3A_723 = arith.constant 0 : i32
    %dma_wait3A_724 = arith.constant 0 : i32
    %dma_wait3A_725 = tpu.memref_slice %arg2[%dma_wait3A_723, %add3A_654, %dma_wait3A_724] : memref<4x8192x1024xf32, #tpu.memory_space<hbm>> -> memref<4x8x1024xf32, #tpu.memory_space<hbm>>
    %dma_wait3A_726 = arith.constant 0 : i32
    %dma_wait3A_727 = arith.constant 0 : i32
    %dma_wait3A_728 = tpu.memref_slice %arg2[%dma_wait3A_726, %add3A_654, %dma_wait3A_727] : memref<4x8192x1024xf32, #tpu.memory_space<hbm>> -> memref<4x8x1024xf32, #tpu.memory_space<hbm>>
    tpu.wait_dma2 semaphore(%arg14 : memref<!tpu.dma_semaphore, #tpu.memory_space<semaphore_mem>>) src(%dma_wait3A_728 : memref<4x8x1024xf32, #tpu.memory_space<hbm>>) dst(%arg9 : memref<4x8x1024xf32, #tpu.memory_space<vmem>>)
    %dma_wait3A_729 = arith.constant 0 : i32
    %dma_wait3A_730 = arith.constant 0 : i32
    %dma_wait3A_731 = tpu.memref_slice %arg4[%dma_wait3A_729, %add3A_706, %dma_wait3A_730] : memref<4x8192x1024xf32, #tpu.memory_space<hbm>> -> memref<4x8x1024xf32, #tpu.memory_space<hbm>>
    %dma_wait3A_732 = arith.constant 0 : i32
    %dma_wait3A_733 = arith.constant 0 : i32
    %dma_wait3A_734 = tpu.memref_slice %arg4[%dma_wait3A_732, %add3A_706, %dma_wait3A_733] : memref<4x8192x1024xf32, #tpu.memory_space<hbm>> -> memref<4x8x1024xf32, #tpu.memory_space<hbm>>
    tpu.wait_dma2 semaphore(%arg16 : memref<!tpu.dma_semaphore, #tpu.memory_space<semaphore_mem>>) src(%arg8 : memref<4x8x1024xf32, #tpu.memory_space<vmem>>) dst(%dma_wait3A_734 : memref<4x8x1024xf32, #tpu.memory_space<hbm>>)
    %add3A_735 = arith.constant 152 : i32
    %add3A_736 = arith.addi %mul3A_2, %add3A_735 : i32
    %dma_start3A_737 = arith.constant 0 : i32
    %dma_start3A_738 = arith.constant 0 : i32
    %dma_start3A_739 = tpu.memref_slice %arg2[%dma_start3A_737, %add3A_736, %dma_start3A_738] : memref<4x8192x1024xf32, #tpu.memory_space<hbm>> -> memref<4x8x1024xf32, #tpu.memory_space<hbm>>
    %dma_start3A_740 = arith.constant 0 : i32
    %dma_start3A_741 = arith.constant 0 : i32
    %dma_start3A_742 = tpu.memref_slice %arg2[%dma_start3A_740, %add3A_736, %dma_start3A_741] : memref<4x8192x1024xf32, #tpu.memory_space<hbm>> -> memref<4x8x1024xf32, #tpu.memory_space<hbm>>
    tpu.enqueue_dma source(%dma_start3A_742 : memref<4x8x1024xf32, #tpu.memory_space<hbm>>) target(%arg8 : memref<4x8x1024xf32, #tpu.memory_space<vmem>>) target_semaphore(%arg13 : memref<!tpu.dma_semaphore, #tpu.memory_space<semaphore_mem>>)
    %parallel_loop3A_743 = arith.constant 0 : i32
    %parallel_loop3A_744 = arith.constant 4 : i32
    %parallel_loop3A_745 = arith.constant 1 : i32
    scf.for %parallel_loop3A_1312 = %parallel_loop3A_743 to %parallel_loop3A_744 step %parallel_loop3A_745  : i32 {
      %parallel_loop3A_1313 = arith.constant 0 : i32
      %parallel_loop3A_1314 = arith.constant 8 : i32
      %parallel_loop3A_1315 = arith.constant 1 : i32
      scf.for %parallel_loop3A_1316 = %parallel_loop3A_1313 to %parallel_loop3A_1314 step %parallel_loop3A_1315  : i32 {
        %parallel_loop3A_1317 = arith.constant 0 : i32
        %parallel_loop3A_1318 = arith.constant 1024 : i32
        %parallel_loop3A_1319 = arith.constant 16 : i32
        scf.for %parallel_loop3A_1320 = %parallel_loop3A_1317 to %parallel_loop3A_1318 step %parallel_loop3A_1319  : i32 {
          %parallel_loop3A_1321 = arith.index_cast %parallel_loop3A_1316 : i32 to index
          %parallel_loop3A_1322 = arith.index_cast %parallel_loop3A_1320 : i32 to index
          %parallel_loop3A_1323 = tpu.vector_load %arg6[%parallel_loop3A_1321, %parallel_loop3A_1322] {strides = array<i32>} : memref<8x1024xf32, #tpu.memory_space<vmem>>, vector<1x16xf32>,
          %parallel_loop3A_1324 = vector.shape_cast %parallel_loop3A_1323 : vector<1x16xf32> to vector<16xf32>
          %parallel_loop3A_1325 = arith.index_cast %parallel_loop3A_1312 : i32 to index
          %parallel_loop3A_1326 = arith.index_cast %parallel_loop3A_1316 : i32 to index
          %parallel_loop3A_1327 = arith.index_cast %parallel_loop3A_1320 : i32 to index
          %parallel_loop3A_1328 = tpu.vector_load %arg9[%parallel_loop3A_1325, %parallel_loop3A_1326, %parallel_loop3A_1327] {strides = array<i32>} : memref<4x8x1024xf32, #tpu.memory_space<vmem>>, vector<1x1x16xf32>,
          %parallel_loop3A_1329 = vector.shape_cast %parallel_loop3A_1328 : vector<1x1x16xf32> to vector<16xf32>
          %parallel_loop3A_1330 = vector.shape_cast %parallel_loop3A_1324 : vector<16xf32> to vector<1x1x16xf32>
          tpu.vector_store %arg9[%parallel_loop3A_1325, %parallel_loop3A_1326, %parallel_loop3A_1327], %parallel_loop3A_1330 {add = true, strides = array<i32>} : memref<4x8x1024xf32, #tpu.memory_space<vmem>>, vector<1x1x16xf32>,
        } {sc.loop_unroll_factor = 8 : i64, sc.parallel_access}
      } {sc.loop_unroll_factor = 1 : i64, sc.parallel_access}
    } {sc.loop_unroll_factor = 1 : i64, sc.parallel_access}
    %add3A_746 = arith.constant 136 : i32
    %add3A_747 = arith.addi %mul3A_2, %add3A_746 : i32
    %dma_start3A_748 = arith.constant 0 : i32
    %dma_start3A_749 = arith.constant 0 : i32
    %dma_start3A_750 = tpu.memref_slice %arg4[%dma_start3A_748, %add3A_747, %dma_start3A_749] : memref<4x8192x1024xf32, #tpu.memory_space<hbm>> -> memref<4x8x1024xf32, #tpu.memory_space<hbm>>
    %dma_start3A_751 = arith.constant 0 : i32
    %dma_start3A_752 = arith.constant 0 : i32
    %dma_start3A_753 = tpu.memref_slice %arg4[%dma_start3A_751, %add3A_747, %dma_start3A_752] : memref<4x8192x1024xf32, #tpu.memory_space<hbm>> -> memref<4x8x1024xf32, #tpu.memory_space<hbm>>
    tpu.enqueue_dma source(%arg9 : memref<4x8x1024xf32, #tpu.memory_space<vmem>>) target(%dma_start3A_753 : memref<4x8x1024xf32, #tpu.memory_space<hbm>>) target_semaphore(%arg17 : memref<!tpu.dma_semaphore, #tpu.memory_space<semaphore_mem>>)
    %add3A_754 = arith.constant 152 : i32
    %add3A_755 = arith.addi %mul3A_2, %add3A_754 : i32
    %dma_start3A_756 = arith.constant 0 : i32
    %dma_start3A_757 = tpu.memref_slice %arg3[%add3A_755, %dma_start3A_756] : memref<8192x1024xf32, #tpu.memory_space<hbm>> -> memref<8x1024xf32, #tpu.memory_space<hbm>>
    %dma_start3A_758 = arith.constant 0 : i32
    %dma_start3A_759 = tpu.memref_slice %arg3[%add3A_755, %dma_start3A_758] : memref<8192x1024xf32, #tpu.memory_space<hbm>> -> memref<8x1024xf32, #tpu.memory_space<hbm>>
    tpu.enqueue_dma source(%dma_start3A_759 : memref<8x1024xf32, #tpu.memory_space<hbm>>) target(%arg6 : memref<8x1024xf32, #tpu.memory_space<vmem>>) target_semaphore(%arg11 : memref<!tpu.dma_semaphore, #tpu.memory_space<semaphore_mem>>)
    %dma_wait3A_760 = arith.constant 0 : i32
    %dma_wait3A_761 = tpu.memref_slice %arg3[%add3A_714, %dma_wait3A_760] : memref<8192x1024xf32, #tpu.memory_space<hbm>> -> memref<8x1024xf32, #tpu.memory_space<hbm>>
    %dma_wait3A_762 = arith.constant 0 : i32
    %dma_wait3A_763 = tpu.memref_slice %arg3[%add3A_714, %dma_wait3A_762] : memref<8192x1024xf32, #tpu.memory_space<hbm>> -> memref<8x1024xf32, #tpu.memory_space<hbm>>
    tpu.wait_dma2 semaphore(%arg10 : memref<!tpu.dma_semaphore, #tpu.memory_space<semaphore_mem>>) src(%dma_wait3A_763 : memref<8x1024xf32, #tpu.memory_space<hbm>>) dst(%arg5 : memref<8x1024xf32, #tpu.memory_space<vmem>>)
    %dma_wait3A_764 = arith.constant 0 : i32
    %dma_wait3A_765 = arith.constant 0 : i32
    %dma_wait3A_766 = tpu.memref_slice %arg2[%dma_wait3A_764, %add3A_695, %dma_wait3A_765] : memref<4x8192x1024xf32, #tpu.memory_space<hbm>> -> memref<4x8x1024xf32, #tpu.memory_space<hbm>>
    %dma_wait3A_767 = arith.constant 0 : i32
    %dma_wait3A_768 = arith.constant 0 : i32
    %dma_wait3A_769 = tpu.memref_slice %arg2[%dma_wait3A_767, %add3A_695, %dma_wait3A_768] : memref<4x8192x1024xf32, #tpu.memory_space<hbm>> -> memref<4x8x1024xf32, #tpu.memory_space<hbm>>
    tpu.wait_dma2 semaphore(%arg12 : memref<!tpu.dma_semaphore, #tpu.memory_space<semaphore_mem>>) src(%dma_wait3A_769 : memref<4x8x1024xf32, #tpu.memory_space<hbm>>) dst(%arg7 : memref<4x8x1024xf32, #tpu.memory_space<vmem>>)
    %dma_wait3A_770 = arith.constant 0 : i32
    %dma_wait3A_771 = arith.constant 0 : i32
    %dma_wait3A_772 = tpu.memref_slice %arg4[%dma_wait3A_770, %add3A_747, %dma_wait3A_771] : memref<4x8192x1024xf32, #tpu.memory_space<hbm>> -> memref<4x8x1024xf32, #tpu.memory_space<hbm>>
    %dma_wait3A_773 = arith.constant 0 : i32
    %dma_wait3A_774 = arith.constant 0 : i32
    %dma_wait3A_775 = tpu.memref_slice %arg4[%dma_wait3A_773, %add3A_747, %dma_wait3A_774] : memref<4x8192x1024xf32, #tpu.memory_space<hbm>> -> memref<4x8x1024xf32, #tpu.memory_space<hbm>>
    tpu.wait_dma2 semaphore(%arg17 : memref<!tpu.dma_semaphore, #tpu.memory_space<semaphore_mem>>) src(%arg9 : memref<4x8x1024xf32, #tpu.memory_space<vmem>>) dst(%dma_wait3A_775 : memref<4x8x1024xf32, #tpu.memory_space<hbm>>)
    %add3A_776 = arith.constant 160 : i32
    %add3A_777 = arith.addi %mul3A_2, %add3A_776 : i32
    %dma_start3A_778 = arith.constant 0 : i32
    %dma_start3A_779 = arith.constant 0 : i32
    %dma_start3A_780 = tpu.memref_slice %arg2[%dma_start3A_778, %add3A_777, %dma_start3A_779] : memref<4x8192x1024xf32, #tpu.memory_space<hbm>> -> memref<4x8x1024xf32, #tpu.memory_space<hbm>>
    %dma_start3A_781 = arith.constant 0 : i32
    %dma_start3A_782 = arith.constant 0 : i32
    %dma_start3A_783 = tpu.memref_slice %arg2[%dma_start3A_781, %add3A_777, %dma_start3A_782] : memref<4x8192x1024xf32, #tpu.memory_space<hbm>> -> memref<4x8x1024xf32, #tpu.memory_space<hbm>>
    tpu.enqueue_dma source(%dma_start3A_783 : memref<4x8x1024xf32, #tpu.memory_space<hbm>>) target(%arg9 : memref<4x8x1024xf32, #tpu.memory_space<vmem>>) target_semaphore(%arg14 : memref<!tpu.dma_semaphore, #tpu.memory_space<semaphore_mem>>)
    %parallel_loop3A_784 = arith.constant 0 : i32
    %parallel_loop3A_785 = arith.constant 4 : i32
    %parallel_loop3A_786 = arith.constant 1 : i32
    scf.for %parallel_loop3A_1312 = %parallel_loop3A_784 to %parallel_loop3A_785 step %parallel_loop3A_786  : i32 {
      %parallel_loop3A_1313 = arith.constant 0 : i32
      %parallel_loop3A_1314 = arith.constant 8 : i32
      %parallel_loop3A_1315 = arith.constant 1 : i32
      scf.for %parallel_loop3A_1316 = %parallel_loop3A_1313 to %parallel_loop3A_1314 step %parallel_loop3A_1315  : i32 {
        %parallel_loop3A_1317 = arith.constant 0 : i32
        %parallel_loop3A_1318 = arith.constant 1024 : i32
        %parallel_loop3A_1319 = arith.constant 16 : i32
        scf.for %parallel_loop3A_1320 = %parallel_loop3A_1317 to %parallel_loop3A_1318 step %parallel_loop3A_1319  : i32 {
          %parallel_loop3A_1321 = arith.index_cast %parallel_loop3A_1316 : i32 to index
          %parallel_loop3A_1322 = arith.index_cast %parallel_loop3A_1320 : i32 to index
          %parallel_loop3A_1323 = tpu.vector_load %arg5[%parallel_loop3A_1321, %parallel_loop3A_1322] {strides = array<i32>} : memref<8x1024xf32, #tpu.memory_space<vmem>>, vector<1x16xf32>,
          %parallel_loop3A_1324 = vector.shape_cast %parallel_loop3A_1323 : vector<1x16xf32> to vector<16xf32>
          %parallel_loop3A_1325 = arith.index_cast %parallel_loop3A_1312 : i32 to index
          %parallel_loop3A_1326 = arith.index_cast %parallel_loop3A_1316 : i32 to index
          %parallel_loop3A_1327 = arith.index_cast %parallel_loop3A_1320 : i32 to index
          %parallel_loop3A_1328 = tpu.vector_load %arg7[%parallel_loop3A_1325, %parallel_loop3A_1326, %parallel_loop3A_1327] {strides = array<i32>} : memref<4x8x1024xf32, #tpu.memory_space<vmem>>, vector<1x1x16xf32>,
          %parallel_loop3A_1329 = vector.shape_cast %parallel_loop3A_1328 : vector<1x1x16xf32> to vector<16xf32>
          %parallel_loop3A_1330 = vector.shape_cast %parallel_loop3A_1324 : vector<16xf32> to vector<1x1x16xf32>
          tpu.vector_store %arg7[%parallel_loop3A_1325, %parallel_loop3A_1326, %parallel_loop3A_1327], %parallel_loop3A_1330 {add = true, strides = array<i32>} : memref<4x8x1024xf32, #tpu.memory_space<vmem>>, vector<1x1x16xf32>,
        } {sc.loop_unroll_factor = 8 : i64, sc.parallel_access}
      } {sc.loop_unroll_factor = 1 : i64, sc.parallel_access}
    } {sc.loop_unroll_factor = 1 : i64, sc.parallel_access}
    %add3A_787 = arith.constant 144 : i32
    %add3A_788 = arith.addi %mul3A_2, %add3A_787 : i32
    %dma_start3A_789 = arith.constant 0 : i32
    %dma_start3A_790 = arith.constant 0 : i32
    %dma_start3A_791 = tpu.memref_slice %arg4[%dma_start3A_789, %add3A_788, %dma_start3A_790] : memref<4x8192x1024xf32, #tpu.memory_space<hbm>> -> memref<4x8x1024xf32, #tpu.memory_space<hbm>>
    %dma_start3A_792 = arith.constant 0 : i32
    %dma_start3A_793 = arith.constant 0 : i32
    %dma_start3A_794 = tpu.memref_slice %arg4[%dma_start3A_792, %add3A_788, %dma_start3A_793] : memref<4x8192x1024xf32, #tpu.memory_space<hbm>> -> memref<4x8x1024xf32, #tpu.memory_space<hbm>>
    tpu.enqueue_dma source(%arg7 : memref<4x8x1024xf32, #tpu.memory_space<vmem>>) target(%dma_start3A_794 : memref<4x8x1024xf32, #tpu.memory_space<hbm>>) target_semaphore(%arg15 : memref<!tpu.dma_semaphore, #tpu.memory_space<semaphore_mem>>)
    %add3A_795 = arith.constant 160 : i32
    %add3A_796 = arith.addi %mul3A_2, %add3A_795 : i32
    %dma_start3A_797 = arith.constant 0 : i32
    %dma_start3A_798 = tpu.memref_slice %arg3[%add3A_796, %dma_start3A_797] : memref<8192x1024xf32, #tpu.memory_space<hbm>> -> memref<8x1024xf32, #tpu.memory_space<hbm>>
    %dma_start3A_799 = arith.constant 0 : i32
    %dma_start3A_800 = tpu.memref_slice %arg3[%add3A_796, %dma_start3A_799] : memref<8192x1024xf32, #tpu.memory_space<hbm>> -> memref<8x1024xf32, #tpu.memory_space<hbm>>
    tpu.enqueue_dma source(%dma_start3A_800 : memref<8x1024xf32, #tpu.memory_space<hbm>>) target(%arg5 : memref<8x1024xf32, #tpu.memory_space<vmem>>) target_semaphore(%arg10 : memref<!tpu.dma_semaphore, #tpu.memory_space<semaphore_mem>>)
    %dma_wait3A_801 = arith.constant 0 : i32
    %dma_wait3A_802 = tpu.memref_slice %arg3[%add3A_755, %dma_wait3A_801] : memref<8192x1024xf32, #tpu.memory_space<hbm>> -> memref<8x1024xf32, #tpu.memory_space<hbm>>
    %dma_wait3A_803 = arith.constant 0 : i32
    %dma_wait3A_804 = tpu.memref_slice %arg3[%add3A_755, %dma_wait3A_803] : memref<8192x1024xf32, #tpu.memory_space<hbm>> -> memref<8x1024xf32, #tpu.memory_space<hbm>>
    tpu.wait_dma2 semaphore(%arg11 : memref<!tpu.dma_semaphore, #tpu.memory_space<semaphore_mem>>) src(%dma_wait3A_804 : memref<8x1024xf32, #tpu.memory_space<hbm>>) dst(%arg6 : memref<8x1024xf32, #tpu.memory_space<vmem>>)
    %dma_wait3A_805 = arith.constant 0 : i32
    %dma_wait3A_806 = arith.constant 0 : i32
    %dma_wait3A_807 = tpu.memref_slice %arg2[%dma_wait3A_805, %add3A_736, %dma_wait3A_806] : memref<4x8192x1024xf32, #tpu.memory_space<hbm>> -> memref<4x8x1024xf32, #tpu.memory_space<hbm>>
    %dma_wait3A_808 = arith.constant 0 : i32
    %dma_wait3A_809 = arith.constant 0 : i32
    %dma_wait3A_810 = tpu.memref_slice %arg2[%dma_wait3A_808, %add3A_736, %dma_wait3A_809] : memref<4x8192x1024xf32, #tpu.memory_space<hbm>> -> memref<4x8x1024xf32, #tpu.memory_space<hbm>>
    tpu.wait_dma2 semaphore(%arg13 : memref<!tpu.dma_semaphore, #tpu.memory_space<semaphore_mem>>) src(%dma_wait3A_810 : memref<4x8x1024xf32, #tpu.memory_space<hbm>>) dst(%arg8 : memref<4x8x1024xf32, #tpu.memory_space<vmem>>)
    %dma_wait3A_811 = arith.constant 0 : i32
    %dma_wait3A_812 = arith.constant 0 : i32
    %dma_wait3A_813 = tpu.memref_slice %arg4[%dma_wait3A_811, %add3A_788, %dma_wait3A_812] : memref<4x8192x1024xf32, #tpu.memory_space<hbm>> -> memref<4x8x1024xf32, #tpu.memory_space<hbm>>
    %dma_wait3A_814 = arith.constant 0 : i32
    %dma_wait3A_815 = arith.constant 0 : i32
    %dma_wait3A_816 = tpu.memref_slice %arg4[%dma_wait3A_814, %add3A_788, %dma_wait3A_815] : memref<4x8192x1024xf32, #tpu.memory_space<hbm>> -> memref<4x8x1024xf32, #tpu.memory_space<hbm>>
    tpu.wait_dma2 semaphore(%arg15 : memref<!tpu.dma_semaphore, #tpu.memory_space<semaphore_mem>>) src(%arg7 : memref<4x8x1024xf32, #tpu.memory_space<vmem>>) dst(%dma_wait3A_816 : memref<4x8x1024xf32, #tpu.memory_space<hbm>>)
    %add3A_817 = arith.constant 168 : i32
    %add3A_818 = arith.addi %mul3A_2, %add3A_817 : i32
    %dma_start3A_819 = arith.constant 0 : i32
    %dma_start3A_820 = arith.constant 0 : i32
    %dma_start3A_821 = tpu.memref_slice %arg2[%dma_start3A_819, %add3A_818, %dma_start3A_820] : memref<4x8192x1024xf32, #tpu.memory_space<hbm>> -> memref<4x8x1024xf32, #tpu.memory_space<hbm>>
    %dma_start3A_822 = arith.constant 0 : i32
    %dma_start3A_823 = arith.constant 0 : i32
    %dma_start3A_824 = tpu.memref_slice %arg2[%dma_start3A_822, %add3A_818, %dma_start3A_823] : memref<4x8192x1024xf32, #tpu.memory_space<hbm>> -> memref<4x8x1024xf32, #tpu.memory_space<hbm>>
    tpu.enqueue_dma source(%dma_start3A_824 : memref<4x8x1024xf32, #tpu.memory_space<hbm>>) target(%arg7 : memref<4x8x1024xf32, #tpu.memory_space<vmem>>) target_semaphore(%arg12 : memref<!tpu.dma_semaphore, #tpu.memory_space<semaphore_mem>>)
    %parallel_loop3A_825 = arith.constant 0 : i32
    %parallel_loop3A_826 = arith.constant 4 : i32
    %parallel_loop3A_827 = arith.constant 1 : i32
    scf.for %parallel_loop3A_1312 = %parallel_loop3A_825 to %parallel_loop3A_826 step %parallel_loop3A_827  : i32 {
      %parallel_loop3A_1313 = arith.constant 0 : i32
      %parallel_loop3A_1314 = arith.constant 8 : i32
      %parallel_loop3A_1315 = arith.constant 1 : i32
      scf.for %parallel_loop3A_1316 = %parallel_loop3A_1313 to %parallel_loop3A_1314 step %parallel_loop3A_1315  : i32 {
        %parallel_loop3A_1317 = arith.constant 0 : i32
        %parallel_loop3A_1318 = arith.constant 1024 : i32
        %parallel_loop3A_1319 = arith.constant 16 : i32
        scf.for %parallel_loop3A_1320 = %parallel_loop3A_1317 to %parallel_loop3A_1318 step %parallel_loop3A_1319  : i32 {
          %parallel_loop3A_1321 = arith.index_cast %parallel_loop3A_1316 : i32 to index
          %parallel_loop3A_1322 = arith.index_cast %parallel_loop3A_1320 : i32 to index
          %parallel_loop3A_1323 = tpu.vector_load %arg6[%parallel_loop3A_1321, %parallel_loop3A_1322] {strides = array<i32>} : memref<8x1024xf32, #tpu.memory_space<vmem>>, vector<1x16xf32>,
          %parallel_loop3A_1324 = vector.shape_cast %parallel_loop3A_1323 : vector<1x16xf32> to vector<16xf32>
          %parallel_loop3A_1325 = arith.index_cast %parallel_loop3A_1312 : i32 to index
          %parallel_loop3A_1326 = arith.index_cast %parallel_loop3A_1316 : i32 to index
          %parallel_loop3A_1327 = arith.index_cast %parallel_loop3A_1320 : i32 to index
          %parallel_loop3A_1328 = tpu.vector_load %arg8[%parallel_loop3A_1325, %parallel_loop3A_1326, %parallel_loop3A_1327] {strides = array<i32>} : memref<4x8x1024xf32, #tpu.memory_space<vmem>>, vector<1x1x16xf32>,
          %parallel_loop3A_1329 = vector.shape_cast %parallel_loop3A_1328 : vector<1x1x16xf32> to vector<16xf32>
          %parallel_loop3A_1330 = vector.shape_cast %parallel_loop3A_1324 : vector<16xf32> to vector<1x1x16xf32>
          tpu.vector_store %arg8[%parallel_loop3A_1325, %parallel_loop3A_1326, %parallel_loop3A_1327], %parallel_loop3A_1330 {add = true, strides = array<i32>} : memref<4x8x1024xf32, #tpu.memory_space<vmem>>, vector<1x1x16xf32>,
        } {sc.loop_unroll_factor = 8 : i64, sc.parallel_access}
      } {sc.loop_unroll_factor = 1 : i64, sc.parallel_access}
    } {sc.loop_unroll_factor = 1 : i64, sc.parallel_access}
    %add3A_828 = arith.constant 152 : i32
    %add3A_829 = arith.addi %mul3A_2, %add3A_828 : i32
    %dma_start3A_830 = arith.constant 0 : i32
    %dma_start3A_831 = arith.constant 0 : i32
    %dma_start3A_832 = tpu.memref_slice %arg4[%dma_start3A_830, %add3A_829, %dma_start3A_831] : memref<4x8192x1024xf32, #tpu.memory_space<hbm>> -> memref<4x8x1024xf32, #tpu.memory_space<hbm>>
    %dma_start3A_833 = arith.constant 0 : i32
    %dma_start3A_834 = arith.constant 0 : i32
    %dma_start3A_835 = tpu.memref_slice %arg4[%dma_start3A_833, %add3A_829, %dma_start3A_834] : memref<4x8192x1024xf32, #tpu.memory_space<hbm>> -> memref<4x8x1024xf32, #tpu.memory_space<hbm>>
    tpu.enqueue_dma source(%arg8 : memref<4x8x1024xf32, #tpu.memory_space<vmem>>) target(%dma_start3A_835 : memref<4x8x1024xf32, #tpu.memory_space<hbm>>) target_semaphore(%arg16 : memref<!tpu.dma_semaphore, #tpu.memory_space<semaphore_mem>>)
    %add3A_836 = arith.constant 168 : i32
    %add3A_837 = arith.addi %mul3A_2, %add3A_836 : i32
    %dma_start3A_838 = arith.constant 0 : i32
    %dma_start3A_839 = tpu.memref_slice %arg3[%add3A_837, %dma_start3A_838] : memref<8192x1024xf32, #tpu.memory_space<hbm>> -> memref<8x1024xf32, #tpu.memory_space<hbm>>
    %dma_start3A_840 = arith.constant 0 : i32
    %dma_start3A_841 = tpu.memref_slice %arg3[%add3A_837, %dma_start3A_840] : memref<8192x1024xf32, #tpu.memory_space<hbm>> -> memref<8x1024xf32, #tpu.memory_space<hbm>>
    tpu.enqueue_dma source(%dma_start3A_841 : memref<8x1024xf32, #tpu.memory_space<hbm>>) target(%arg6 : memref<8x1024xf32, #tpu.memory_space<vmem>>) target_semaphore(%arg11 : memref<!tpu.dma_semaphore, #tpu.memory_space<semaphore_mem>>)
    %dma_wait3A_842 = arith.constant 0 : i32
    %dma_wait3A_843 = tpu.memref_slice %arg3[%add3A_796, %dma_wait3A_842] : memref<8192x1024xf32, #tpu.memory_space<hbm>> -> memref<8x1024xf32, #tpu.memory_space<hbm>>
    %dma_wait3A_844 = arith.constant 0 : i32
    %dma_wait3A_845 = tpu.memref_slice %arg3[%add3A_796, %dma_wait3A_844] : memref<8192x1024xf32, #tpu.memory_space<hbm>> -> memref<8x1024xf32, #tpu.memory_space<hbm>>
    tpu.wait_dma2 semaphore(%arg10 : memref<!tpu.dma_semaphore, #tpu.memory_space<semaphore_mem>>) src(%dma_wait3A_845 : memref<8x1024xf32, #tpu.memory_space<hbm>>) dst(%arg5 : memref<8x1024xf32, #tpu.memory_space<vmem>>)
    %dma_wait3A_846 = arith.constant 0 : i32
    %dma_wait3A_847 = arith.constant 0 : i32
    %dma_wait3A_848 = tpu.memref_slice %arg2[%dma_wait3A_846, %add3A_777, %dma_wait3A_847] : memref<4x8192x1024xf32, #tpu.memory_space<hbm>> -> memref<4x8x1024xf32, #tpu.memory_space<hbm>>
    %dma_wait3A_849 = arith.constant 0 : i32
    %dma_wait3A_850 = arith.constant 0 : i32
    %dma_wait3A_851 = tpu.memref_slice %arg2[%dma_wait3A_849, %add3A_777, %dma_wait3A_850] : memref<4x8192x1024xf32, #tpu.memory_space<hbm>> -> memref<4x8x1024xf32, #tpu.memory_space<hbm>>
    tpu.wait_dma2 semaphore(%arg14 : memref<!tpu.dma_semaphore, #tpu.memory_space<semaphore_mem>>) src(%dma_wait3A_851 : memref<4x8x1024xf32, #tpu.memory_space<hbm>>) dst(%arg9 : memref<4x8x1024xf32, #tpu.memory_space<vmem>>)
    %dma_wait3A_852 = arith.constant 0 : i32
    %dma_wait3A_853 = arith.constant 0 : i32
    %dma_wait3A_854 = tpu.memref_slice %arg4[%dma_wait3A_852, %add3A_829, %dma_wait3A_853] : memref<4x8192x1024xf32, #tpu.memory_space<hbm>> -> memref<4x8x1024xf32, #tpu.memory_space<hbm>>
    %dma_wait3A_855 = arith.constant 0 : i32
    %dma_wait3A_856 = arith.constant 0 : i32
    %dma_wait3A_857 = tpu.memref_slice %arg4[%dma_wait3A_855, %add3A_829, %dma_wait3A_856] : memref<4x8192x1024xf32, #tpu.memory_space<hbm>> -> memref<4x8x1024xf32, #tpu.memory_space<hbm>>
    tpu.wait_dma2 semaphore(%arg16 : memref<!tpu.dma_semaphore, #tpu.memory_space<semaphore_mem>>) src(%arg8 : memref<4x8x1024xf32, #tpu.memory_space<vmem>>) dst(%dma_wait3A_857 : memref<4x8x1024xf32, #tpu.memory_space<hbm>>)
    %add3A_858 = arith.constant 176 : i32
    %add3A_859 = arith.addi %mul3A_2, %add3A_858 : i32
    %dma_start3A_860 = arith.constant 0 : i32
    %dma_start3A_861 = arith.constant 0 : i32
    %dma_start3A_862 = tpu.memref_slice %arg2[%dma_start3A_860, %add3A_859, %dma_start3A_861] : memref<4x8192x1024xf32, #tpu.memory_space<hbm>> -> memref<4x8x1024xf32, #tpu.memory_space<hbm>>
    %dma_start3A_863 = arith.constant 0 : i32
    %dma_start3A_864 = arith.constant 0 : i32
    %dma_start3A_865 = tpu.memref_slice %arg2[%dma_start3A_863, %add3A_859, %dma_start3A_864] : memref<4x8192x1024xf32, #tpu.memory_space<hbm>> -> memref<4x8x1024xf32, #tpu.memory_space<hbm>>
    tpu.enqueue_dma source(%dma_start3A_865 : memref<4x8x1024xf32, #tpu.memory_space<hbm>>) target(%arg8 : memref<4x8x1024xf32, #tpu.memory_space<vmem>>) target_semaphore(%arg13 : memref<!tpu.dma_semaphore, #tpu.memory_space<semaphore_mem>>)
    %parallel_loop3A_866 = arith.constant 0 : i32
    %parallel_loop3A_867 = arith.constant 4 : i32
    %parallel_loop3A_868 = arith.constant 1 : i32
    scf.for %parallel_loop3A_1312 = %parallel_loop3A_866 to %parallel_loop3A_867 step %parallel_loop3A_868  : i32 {
      %parallel_loop3A_1313 = arith.constant 0 : i32
      %parallel_loop3A_1314 = arith.constant 8 : i32
      %parallel_loop3A_1315 = arith.constant 1 : i32
      scf.for %parallel_loop3A_1316 = %parallel_loop3A_1313 to %parallel_loop3A_1314 step %parallel_loop3A_1315  : i32 {
        %parallel_loop3A_1317 = arith.constant 0 : i32
        %parallel_loop3A_1318 = arith.constant 1024 : i32
        %parallel_loop3A_1319 = arith.constant 16 : i32
        scf.for %parallel_loop3A_1320 = %parallel_loop3A_1317 to %parallel_loop3A_1318 step %parallel_loop3A_1319  : i32 {
          %parallel_loop3A_1321 = arith.index_cast %parallel_loop3A_1316 : i32 to index
          %parallel_loop3A_1322 = arith.index_cast %parallel_loop3A_1320 : i32 to index
          %parallel_loop3A_1323 = tpu.vector_load %arg5[%parallel_loop3A_1321, %parallel_loop3A_1322] {strides = array<i32>} : memref<8x1024xf32, #tpu.memory_space<vmem>>, vector<1x16xf32>,
          %parallel_loop3A_1324 = vector.shape_cast %parallel_loop3A_1323 : vector<1x16xf32> to vector<16xf32>
          %parallel_loop3A_1325 = arith.index_cast %parallel_loop3A_1312 : i32 to index
          %parallel_loop3A_1326 = arith.index_cast %parallel_loop3A_1316 : i32 to index
          %parallel_loop3A_1327 = arith.index_cast %parallel_loop3A_1320 : i32 to index
          %parallel_loop3A_1328 = tpu.vector_load %arg9[%parallel_loop3A_1325, %parallel_loop3A_1326, %parallel_loop3A_1327] {strides = array<i32>} : memref<4x8x1024xf32, #tpu.memory_space<vmem>>, vector<1x1x16xf32>,
          %parallel_loop3A_1329 = vector.shape_cast %parallel_loop3A_1328 : vector<1x1x16xf32> to vector<16xf32>
          %parallel_loop3A_1330 = vector.shape_cast %parallel_loop3A_1324 : vector<16xf32> to vector<1x1x16xf32>
          tpu.vector_store %arg9[%parallel_loop3A_1325, %parallel_loop3A_1326, %parallel_loop3A_1327], %parallel_loop3A_1330 {add = true, strides = array<i32>} : memref<4x8x1024xf32, #tpu.memory_space<vmem>>, vector<1x1x16xf32>,
        } {sc.loop_unroll_factor = 8 : i64, sc.parallel_access}
      } {sc.loop_unroll_factor = 1 : i64, sc.parallel_access}
    } {sc.loop_unroll_factor = 1 : i64, sc.parallel_access}
    %add3A_869 = arith.constant 160 : i32
    %add3A_870 = arith.addi %mul3A_2, %add3A_869 : i32
    %dma_start3A_871 = arith.constant 0 : i32
    %dma_start3A_872 = arith.constant 0 : i32
    %dma_start3A_873 = tpu.memref_slice %arg4[%dma_start3A_871, %add3A_870, %dma_start3A_872] : memref<4x8192x1024xf32, #tpu.memory_space<hbm>> -> memref<4x8x1024xf32, #tpu.memory_space<hbm>>
    %dma_start3A_874 = arith.constant 0 : i32
    %dma_start3A_875 = arith.constant 0 : i32
    %dma_start3A_876 = tpu.memref_slice %arg4[%dma_start3A_874, %add3A_870, %dma_start3A_875] : memref<4x8192x1024xf32, #tpu.memory_space<hbm>> -> memref<4x8x1024xf32, #tpu.memory_space<hbm>>
    tpu.enqueue_dma source(%arg9 : memref<4x8x1024xf32, #tpu.memory_space<vmem>>) target(%dma_start3A_876 : memref<4x8x1024xf32, #tpu.memory_space<hbm>>) target_semaphore(%arg17 : memref<!tpu.dma_semaphore, #tpu.memory_space<semaphore_mem>>)
    %add3A_877 = arith.constant 176 : i32
    %add3A_878 = arith.addi %mul3A_2, %add3A_877 : i32
    %dma_start3A_879 = arith.constant 0 : i32
    %dma_start3A_880 = tpu.memref_slice %arg3[%add3A_878, %dma_start3A_879] : memref<8192x1024xf32, #tpu.memory_space<hbm>> -> memref<8x1024xf32, #tpu.memory_space<hbm>>
    %dma_start3A_881 = arith.constant 0 : i32
    %dma_start3A_882 = tpu.memref_slice %arg3[%add3A_878, %dma_start3A_881] : memref<8192x1024xf32, #tpu.memory_space<hbm>> -> memref<8x1024xf32, #tpu.memory_space<hbm>>
    tpu.enqueue_dma source(%dma_start3A_882 : memref<8x1024xf32, #tpu.memory_space<hbm>>) target(%arg5 : memref<8x1024xf32, #tpu.memory_space<vmem>>) target_semaphore(%arg10 : memref<!tpu.dma_semaphore, #tpu.memory_space<semaphore_mem>>)
    %dma_wait3A_883 = arith.constant 0 : i32
    %dma_wait3A_884 = tpu.memref_slice %arg3[%add3A_837, %dma_wait3A_883] : memref<8192x1024xf32, #tpu.memory_space<hbm>> -> memref<8x1024xf32, #tpu.memory_space<hbm>>
    %dma_wait3A_885 = arith.constant 0 : i32
    %dma_wait3A_886 = tpu.memref_slice %arg3[%add3A_837, %dma_wait3A_885] : memref<8192x1024xf32, #tpu.memory_space<hbm>> -> memref<8x1024xf32, #tpu.memory_space<hbm>>
    tpu.wait_dma2 semaphore(%arg11 : memref<!tpu.dma_semaphore, #tpu.memory_space<semaphore_mem>>) src(%dma_wait3A_886 : memref<8x1024xf32, #tpu.memory_space<hbm>>) dst(%arg6 : memref<8x1024xf32, #tpu.memory_space<vmem>>)
    %dma_wait3A_887 = arith.constant 0 : i32
    %dma_wait3A_888 = arith.constant 0 : i32
    %dma_wait3A_889 = tpu.memref_slice %arg2[%dma_wait3A_887, %add3A_818, %dma_wait3A_888] : memref<4x8192x1024xf32, #tpu.memory_space<hbm>> -> memref<4x8x1024xf32, #tpu.memory_space<hbm>>
    %dma_wait3A_890 = arith.constant 0 : i32
    %dma_wait3A_891 = arith.constant 0 : i32
    %dma_wait3A_892 = tpu.memref_slice %arg2[%dma_wait3A_890, %add3A_818, %dma_wait3A_891] : memref<4x8192x1024xf32, #tpu.memory_space<hbm>> -> memref<4x8x1024xf32, #tpu.memory_space<hbm>>
    tpu.wait_dma2 semaphore(%arg12 : memref<!tpu.dma_semaphore, #tpu.memory_space<semaphore_mem>>) src(%dma_wait3A_892 : memref<4x8x1024xf32, #tpu.memory_space<hbm>>) dst(%arg7 : memref<4x8x1024xf32, #tpu.memory_space<vmem>>)
    %dma_wait3A_893 = arith.constant 0 : i32
    %dma_wait3A_894 = arith.constant 0 : i32
    %dma_wait3A_895 = tpu.memref_slice %arg4[%dma_wait3A_893, %add3A_870, %dma_wait3A_894] : memref<4x8192x1024xf32, #tpu.memory_space<hbm>> -> memref<4x8x1024xf32, #tpu.memory_space<hbm>>
    %dma_wait3A_896 = arith.constant 0 : i32
    %dma_wait3A_897 = arith.constant 0 : i32
    %dma_wait3A_898 = tpu.memref_slice %arg4[%dma_wait3A_896, %add3A_870, %dma_wait3A_897] : memref<4x8192x1024xf32, #tpu.memory_space<hbm>> -> memref<4x8x1024xf32, #tpu.memory_space<hbm>>
    tpu.wait_dma2 semaphore(%arg17 : memref<!tpu.dma_semaphore, #tpu.memory_space<semaphore_mem>>) src(%arg9 : memref<4x8x1024xf32, #tpu.memory_space<vmem>>) dst(%dma_wait3A_898 : memref<4x8x1024xf32, #tpu.memory_space<hbm>>)
    %add3A_899 = arith.constant 184 : i32
    %add3A_900 = arith.addi %mul3A_2, %add3A_899 : i32
    %dma_start3A_901 = arith.constant 0 : i32
    %dma_start3A_902 = arith.constant 0 : i32
    %dma_start3A_903 = tpu.memref_slice %arg2[%dma_start3A_901, %add3A_900, %dma_start3A_902] : memref<4x8192x1024xf32, #tpu.memory_space<hbm>> -> memref<4x8x1024xf32, #tpu.memory_space<hbm>>
    %dma_start3A_904 = arith.constant 0 : i32
    %dma_start3A_905 = arith.constant 0 : i32
    %dma_start3A_906 = tpu.memref_slice %arg2[%dma_start3A_904, %add3A_900, %dma_start3A_905] : memref<4x8192x1024xf32, #tpu.memory_space<hbm>> -> memref<4x8x1024xf32, #tpu.memory_space<hbm>>
    tpu.enqueue_dma source(%dma_start3A_906 : memref<4x8x1024xf32, #tpu.memory_space<hbm>>) target(%arg9 : memref<4x8x1024xf32, #tpu.memory_space<vmem>>) target_semaphore(%arg14 : memref<!tpu.dma_semaphore, #tpu.memory_space<semaphore_mem>>)
    %parallel_loop3A_907 = arith.constant 0 : i32
    %parallel_loop3A_908 = arith.constant 4 : i32
    %parallel_loop3A_909 = arith.constant 1 : i32
    scf.for %parallel_loop3A_1312 = %parallel_loop3A_907 to %parallel_loop3A_908 step %parallel_loop3A_909  : i32 {
      %parallel_loop3A_1313 = arith.constant 0 : i32
      %parallel_loop3A_1314 = arith.constant 8 : i32
      %parallel_loop3A_1315 = arith.constant 1 : i32
      scf.for %parallel_loop3A_1316 = %parallel_loop3A_1313 to %parallel_loop3A_1314 step %parallel_loop3A_1315  : i32 {
        %parallel_loop3A_1317 = arith.constant 0 : i32
        %parallel_loop3A_1318 = arith.constant 1024 : i32
        %parallel_loop3A_1319 = arith.constant 16 : i32
        scf.for %parallel_loop3A_1320 = %parallel_loop3A_1317 to %parallel_loop3A_1318 step %parallel_loop3A_1319  : i32 {
          %parallel_loop3A_1321 = arith.index_cast %parallel_loop3A_1316 : i32 to index
          %parallel_loop3A_1322 = arith.index_cast %parallel_loop3A_1320 : i32 to index
          %parallel_loop3A_1323 = tpu.vector_load %arg6[%parallel_loop3A_1321, %parallel_loop3A_1322] {strides = array<i32>} : memref<8x1024xf32, #tpu.memory_space<vmem>>, vector<1x16xf32>,
          %parallel_loop3A_1324 = vector.shape_cast %parallel_loop3A_1323 : vector<1x16xf32> to vector<16xf32>
          %parallel_loop3A_1325 = arith.index_cast %parallel_loop3A_1312 : i32 to index
          %parallel_loop3A_1326 = arith.index_cast %parallel_loop3A_1316 : i32 to index
          %parallel_loop3A_1327 = arith.index_cast %parallel_loop3A_1320 : i32 to index
          %parallel_loop3A_1328 = tpu.vector_load %arg7[%parallel_loop3A_1325, %parallel_loop3A_1326, %parallel_loop3A_1327] {strides = array<i32>} : memref<4x8x1024xf32, #tpu.memory_space<vmem>>, vector<1x1x16xf32>,
          %parallel_loop3A_1329 = vector.shape_cast %parallel_loop3A_1328 : vector<1x1x16xf32> to vector<16xf32>
          %parallel_loop3A_1330 = vector.shape_cast %parallel_loop3A_1324 : vector<16xf32> to vector<1x1x16xf32>
          tpu.vector_store %arg7[%parallel_loop3A_1325, %parallel_loop3A_1326, %parallel_loop3A_1327], %parallel_loop3A_1330 {add = true, strides = array<i32>} : memref<4x8x1024xf32, #tpu.memory_space<vmem>>, vector<1x1x16xf32>,
        } {sc.loop_unroll_factor = 8 : i64, sc.parallel_access}
      } {sc.loop_unroll_factor = 1 : i64, sc.parallel_access}
    } {sc.loop_unroll_factor = 1 : i64, sc.parallel_access}
    %add3A_910 = arith.constant 168 : i32
    %add3A_911 = arith.addi %mul3A_2, %add3A_910 : i32
    %dma_start3A_912 = arith.constant 0 : i32
    %dma_start3A_913 = arith.constant 0 : i32
    %dma_start3A_914 = tpu.memref_slice %arg4[%dma_start3A_912, %add3A_911, %dma_start3A_913] : memref<4x8192x1024xf32, #tpu.memory_space<hbm>> -> memref<4x8x1024xf32, #tpu.memory_space<hbm>>
    %dma_start3A_915 = arith.constant 0 : i32
    %dma_start3A_916 = arith.constant 0 : i32
    %dma_start3A_917 = tpu.memref_slice %arg4[%dma_start3A_915, %add3A_911, %dma_start3A_916] : memref<4x8192x1024xf32, #tpu.memory_space<hbm>> -> memref<4x8x1024xf32, #tpu.memory_space<hbm>>
    tpu.enqueue_dma source(%arg7 : memref<4x8x1024xf32, #tpu.memory_space<vmem>>) target(%dma_start3A_917 : memref<4x8x1024xf32, #tpu.memory_space<hbm>>) target_semaphore(%arg15 : memref<!tpu.dma_semaphore, #tpu.memory_space<semaphore_mem>>)
    %add3A_918 = arith.constant 184 : i32
    %add3A_919 = arith.addi %mul3A_2, %add3A_918 : i32
    %dma_start3A_920 = arith.constant 0 : i32
    %dma_start3A_921 = tpu.memref_slice %arg3[%add3A_919, %dma_start3A_920] : memref<8192x1024xf32, #tpu.memory_space<hbm>> -> memref<8x1024xf32, #tpu.memory_space<hbm>>
    %dma_start3A_922 = arith.constant 0 : i32
    %dma_start3A_923 = tpu.memref_slice %arg3[%add3A_919, %dma_start3A_922] : memref<8192x1024xf32, #tpu.memory_space<hbm>> -> memref<8x1024xf32, #tpu.memory_space<hbm>>
    tpu.enqueue_dma source(%dma_start3A_923 : memref<8x1024xf32, #tpu.memory_space<hbm>>) target(%arg6 : memref<8x1024xf32, #tpu.memory_space<vmem>>) target_semaphore(%arg11 : memref<!tpu.dma_semaphore, #tpu.memory_space<semaphore_mem>>)
    %dma_wait3A_924 = arith.constant 0 : i32
    %dma_wait3A_925 = tpu.memref_slice %arg3[%add3A_878, %dma_wait3A_924] : memref<8192x1024xf32, #tpu.memory_space<hbm>> -> memref<8x1024xf32, #tpu.memory_space<hbm>>
    %dma_wait3A_926 = arith.constant 0 : i32
    %dma_wait3A_927 = tpu.memref_slice %arg3[%add3A_878, %dma_wait3A_926] : memref<8192x1024xf32, #tpu.memory_space<hbm>> -> memref<8x1024xf32, #tpu.memory_space<hbm>>
    tpu.wait_dma2 semaphore(%arg10 : memref<!tpu.dma_semaphore, #tpu.memory_space<semaphore_mem>>) src(%dma_wait3A_927 : memref<8x1024xf32, #tpu.memory_space<hbm>>) dst(%arg5 : memref<8x1024xf32, #tpu.memory_space<vmem>>)
    %dma_wait3A_928 = arith.constant 0 : i32
    %dma_wait3A_929 = arith.constant 0 : i32
    %dma_wait3A_930 = tpu.memref_slice %arg2[%dma_wait3A_928, %add3A_859, %dma_wait3A_929] : memref<4x8192x1024xf32, #tpu.memory_space<hbm>> -> memref<4x8x1024xf32, #tpu.memory_space<hbm>>
    %dma_wait3A_931 = arith.constant 0 : i32
    %dma_wait3A_932 = arith.constant 0 : i32
    %dma_wait3A_933 = tpu.memref_slice %arg2[%dma_wait3A_931, %add3A_859, %dma_wait3A_932] : memref<4x8192x1024xf32, #tpu.memory_space<hbm>> -> memref<4x8x1024xf32, #tpu.memory_space<hbm>>
    tpu.wait_dma2 semaphore(%arg13 : memref<!tpu.dma_semaphore, #tpu.memory_space<semaphore_mem>>) src(%dma_wait3A_933 : memref<4x8x1024xf32, #tpu.memory_space<hbm>>) dst(%arg8 : memref<4x8x1024xf32, #tpu.memory_space<vmem>>)
    %dma_wait3A_934 = arith.constant 0 : i32
    %dma_wait3A_935 = arith.constant 0 : i32
    %dma_wait3A_936 = tpu.memref_slice %arg4[%dma_wait3A_934, %add3A_911, %dma_wait3A_935] : memref<4x8192x1024xf32, #tpu.memory_space<hbm>> -> memref<4x8x1024xf32, #tpu.memory_space<hbm>>
    %dma_wait3A_937 = arith.constant 0 : i32
    %dma_wait3A_938 = arith.constant 0 : i32
    %dma_wait3A_939 = tpu.memref_slice %arg4[%dma_wait3A_937, %add3A_911, %dma_wait3A_938] : memref<4x8192x1024xf32, #tpu.memory_space<hbm>> -> memref<4x8x1024xf32, #tpu.memory_space<hbm>>
    tpu.wait_dma2 semaphore(%arg15 : memref<!tpu.dma_semaphore, #tpu.memory_space<semaphore_mem>>) src(%arg7 : memref<4x8x1024xf32, #tpu.memory_space<vmem>>) dst(%dma_wait3A_939 : memref<4x8x1024xf32, #tpu.memory_space<hbm>>)
    %add3A_940 = arith.constant 192 : i32
    %add3A_941 = arith.addi %mul3A_2, %add3A_940 : i32
    %dma_start3A_942 = arith.constant 0 : i32
    %dma_start3A_943 = arith.constant 0 : i32
    %dma_start3A_944 = tpu.memref_slice %arg2[%dma_start3A_942, %add3A_941, %dma_start3A_943] : memref<4x8192x1024xf32, #tpu.memory_space<hbm>> -> memref<4x8x1024xf32, #tpu.memory_space<hbm>>
    %dma_start3A_945 = arith.constant 0 : i32
    %dma_start3A_946 = arith.constant 0 : i32
    %dma_start3A_947 = tpu.memref_slice %arg2[%dma_start3A_945, %add3A_941, %dma_start3A_946] : memref<4x8192x1024xf32, #tpu.memory_space<hbm>> -> memref<4x8x1024xf32, #tpu.memory_space<hbm>>
    tpu.enqueue_dma source(%dma_start3A_947 : memref<4x8x1024xf32, #tpu.memory_space<hbm>>) target(%arg7 : memref<4x8x1024xf32, #tpu.memory_space<vmem>>) target_semaphore(%arg12 : memref<!tpu.dma_semaphore, #tpu.memory_space<semaphore_mem>>)
    %parallel_loop3A_948 = arith.constant 0 : i32
    %parallel_loop3A_949 = arith.constant 4 : i32
    %parallel_loop3A_950 = arith.constant 1 : i32
    scf.for %parallel_loop3A_1312 = %parallel_loop3A_948 to %parallel_loop3A_949 step %parallel_loop3A_950  : i32 {
      %parallel_loop3A_1313 = arith.constant 0 : i32
      %parallel_loop3A_1314 = arith.constant 8 : i32
      %parallel_loop3A_1315 = arith.constant 1 : i32
      scf.for %parallel_loop3A_1316 = %parallel_loop3A_1313 to %parallel_loop3A_1314 step %parallel_loop3A_1315  : i32 {
        %parallel_loop3A_1317 = arith.constant 0 : i32
        %parallel_loop3A_1318 = arith.constant 1024 : i32
        %parallel_loop3A_1319 = arith.constant 16 : i32
        scf.for %parallel_loop3A_1320 = %parallel_loop3A_1317 to %parallel_loop3A_1318 step %parallel_loop3A_1319  : i32 {
          %parallel_loop3A_1321 = arith.index_cast %parallel_loop3A_1316 : i32 to index
          %parallel_loop3A_1322 = arith.index_cast %parallel_loop3A_1320 : i32 to index
          %parallel_loop3A_1323 = tpu.vector_load %arg5[%parallel_loop3A_1321, %parallel_loop3A_1322] {strides = array<i32>} : memref<8x1024xf32, #tpu.memory_space<vmem>>, vector<1x16xf32>,
          %parallel_loop3A_1324 = vector.shape_cast %parallel_loop3A_1323 : vector<1x16xf32> to vector<16xf32>
          %parallel_loop3A_1325 = arith.index_cast %parallel_loop3A_1312 : i32 to index
          %parallel_loop3A_1326 = arith.index_cast %parallel_loop3A_1316 : i32 to index
          %parallel_loop3A_1327 = arith.index_cast %parallel_loop3A_1320 : i32 to index
          %parallel_loop3A_1328 = tpu.vector_load %arg8[%parallel_loop3A_1325, %parallel_loop3A_1326, %parallel_loop3A_1327] {strides = array<i32>} : memref<4x8x1024xf32, #tpu.memory_space<vmem>>, vector<1x1x16xf32>,
          %parallel_loop3A_1329 = vector.shape_cast %parallel_loop3A_1328 : vector<1x1x16xf32> to vector<16xf32>
          %parallel_loop3A_1330 = vector.shape_cast %parallel_loop3A_1324 : vector<16xf32> to vector<1x1x16xf32>
          tpu.vector_store %arg8[%parallel_loop3A_1325, %parallel_loop3A_1326, %parallel_loop3A_1327], %parallel_loop3A_1330 {add = true, strides = array<i32>} : memref<4x8x1024xf32, #tpu.memory_space<vmem>>, vector<1x1x16xf32>,
        } {sc.loop_unroll_factor = 8 : i64, sc.parallel_access}
      } {sc.loop_unroll_factor = 1 : i64, sc.parallel_access}
    } {sc.loop_unroll_factor = 1 : i64, sc.parallel_access}
    %add3A_951 = arith.constant 176 : i32
    %add3A_952 = arith.addi %mul3A_2, %add3A_951 : i32
    %dma_start3A_953 = arith.constant 0 : i32
    %dma_start3A_954 = arith.constant 0 : i32
    %dma_start3A_955 = tpu.memref_slice %arg4[%dma_start3A_953, %add3A_952, %dma_start3A_954] : memref<4x8192x1024xf32, #tpu.memory_space<hbm>> -> memref<4x8x1024xf32, #tpu.memory_space<hbm>>
    %dma_start3A_956 = arith.constant 0 : i32
    %dma_start3A_957 = arith.constant 0 : i32
    %dma_start3A_958 = tpu.memref_slice %arg4[%dma_start3A_956, %add3A_952, %dma_start3A_957] : memref<4x8192x1024xf32, #tpu.memory_space<hbm>> -> memref<4x8x1024xf32, #tpu.memory_space<hbm>>
    tpu.enqueue_dma source(%arg8 : memref<4x8x1024xf32, #tpu.memory_space<vmem>>) target(%dma_start3A_958 : memref<4x8x1024xf32, #tpu.memory_space<hbm>>) target_semaphore(%arg16 : memref<!tpu.dma_semaphore, #tpu.memory_space<semaphore_mem>>)
    %add3A_959 = arith.constant 192 : i32
    %add3A_960 = arith.addi %mul3A_2, %add3A_959 : i32
    %dma_start3A_961 = arith.constant 0 : i32
    %dma_start3A_962 = tpu.memref_slice %arg3[%add3A_960, %dma_start3A_961] : memref<8192x1024xf32, #tpu.memory_space<hbm>> -> memref<8x1024xf32, #tpu.memory_space<hbm>>
    %dma_start3A_963 = arith.constant 0 : i32
    %dma_start3A_964 = tpu.memref_slice %arg3[%add3A_960, %dma_start3A_963] : memref<8192x1024xf32, #tpu.memory_space<hbm>> -> memref<8x1024xf32, #tpu.memory_space<hbm>>
    tpu.enqueue_dma source(%dma_start3A_964 : memref<8x1024xf32, #tpu.memory_space<hbm>>) target(%arg5 : memref<8x1024xf32, #tpu.memory_space<vmem>>) target_semaphore(%arg10 : memref<!tpu.dma_semaphore, #tpu.memory_space<semaphore_mem>>)
    %dma_wait3A_965 = arith.constant 0 : i32
    %dma_wait3A_966 = tpu.memref_slice %arg3[%add3A_919, %dma_wait3A_965] : memref<8192x1024xf32, #tpu.memory_space<hbm>> -> memref<8x1024xf32, #tpu.memory_space<hbm>>
    %dma_wait3A_967 = arith.constant 0 : i32
    %dma_wait3A_968 = tpu.memref_slice %arg3[%add3A_919, %dma_wait3A_967] : memref<8192x1024xf32, #tpu.memory_space<hbm>> -> memref<8x1024xf32, #tpu.memory_space<hbm>>
    tpu.wait_dma2 semaphore(%arg11 : memref<!tpu.dma_semaphore, #tpu.memory_space<semaphore_mem>>) src(%dma_wait3A_968 : memref<8x1024xf32, #tpu.memory_space<hbm>>) dst(%arg6 : memref<8x1024xf32, #tpu.memory_space<vmem>>)
    %dma_wait3A_969 = arith.constant 0 : i32
    %dma_wait3A_970 = arith.constant 0 : i32
    %dma_wait3A_971 = tpu.memref_slice %arg2[%dma_wait3A_969, %add3A_900, %dma_wait3A_970] : memref<4x8192x1024xf32, #tpu.memory_space<hbm>> -> memref<4x8x1024xf32, #tpu.memory_space<hbm>>
    %dma_wait3A_972 = arith.constant 0 : i32
    %dma_wait3A_973 = arith.constant 0 : i32
    %dma_wait3A_974 = tpu.memref_slice %arg2[%dma_wait3A_972, %add3A_900, %dma_wait3A_973] : memref<4x8192x1024xf32, #tpu.memory_space<hbm>> -> memref<4x8x1024xf32, #tpu.memory_space<hbm>>
    tpu.wait_dma2 semaphore(%arg14 : memref<!tpu.dma_semaphore, #tpu.memory_space<semaphore_mem>>) src(%dma_wait3A_974 : memref<4x8x1024xf32, #tpu.memory_space<hbm>>) dst(%arg9 : memref<4x8x1024xf32, #tpu.memory_space<vmem>>)
    %dma_wait3A_975 = arith.constant 0 : i32
    %dma_wait3A_976 = arith.constant 0 : i32
    %dma_wait3A_977 = tpu.memref_slice %arg4[%dma_wait3A_975, %add3A_952, %dma_wait3A_976] : memref<4x8192x1024xf32, #tpu.memory_space<hbm>> -> memref<4x8x1024xf32, #tpu.memory_space<hbm>>
    %dma_wait3A_978 = arith.constant 0 : i32
    %dma_wait3A_979 = arith.constant 0 : i32
    %dma_wait3A_980 = tpu.memref_slice %arg4[%dma_wait3A_978, %add3A_952, %dma_wait3A_979] : memref<4x8192x1024xf32, #tpu.memory_space<hbm>> -> memref<4x8x1024xf32, #tpu.memory_space<hbm>>
    tpu.wait_dma2 semaphore(%arg16 : memref<!tpu.dma_semaphore, #tpu.memory_space<semaphore_mem>>) src(%arg8 : memref<4x8x1024xf32, #tpu.memory_space<vmem>>) dst(%dma_wait3A_980 : memref<4x8x1024xf32, #tpu.memory_space<hbm>>)
    %add3A_981 = arith.constant 200 : i32
    %add3A_982 = arith.addi %mul3A_2, %add3A_981 : i32
    %dma_start3A_983 = arith.constant 0 : i32
    %dma_start3A_984 = arith.constant 0 : i32
    %dma_start3A_985 = tpu.memref_slice %arg2[%dma_start3A_983, %add3A_982, %dma_start3A_984] : memref<4x8192x1024xf32, #tpu.memory_space<hbm>> -> memref<4x8x1024xf32, #tpu.memory_space<hbm>>
    %dma_start3A_986 = arith.constant 0 : i32
    %dma_start3A_987 = arith.constant 0 : i32
    %dma_start3A_988 = tpu.memref_slice %arg2[%dma_start3A_986, %add3A_982, %dma_start3A_987] : memref<4x8192x1024xf32, #tpu.memory_space<hbm>> -> memref<4x8x1024xf32, #tpu.memory_space<hbm>>
    tpu.enqueue_dma source(%dma_start3A_988 : memref<4x8x1024xf32, #tpu.memory_space<hbm>>) target(%arg8 : memref<4x8x1024xf32, #tpu.memory_space<vmem>>) target_semaphore(%arg13 : memref<!tpu.dma_semaphore, #tpu.memory_space<semaphore_mem>>)
    %parallel_loop3A_989 = arith.constant 0 : i32
    %parallel_loop3A_990 = arith.constant 4 : i32
    %parallel_loop3A_991 = arith.constant 1 : i32
    scf.for %parallel_loop3A_1312 = %parallel_loop3A_989 to %parallel_loop3A_990 step %parallel_loop3A_991  : i32 {
      %parallel_loop3A_1313 = arith.constant 0 : i32
      %parallel_loop3A_1314 = arith.constant 8 : i32
      %parallel_loop3A_1315 = arith.constant 1 : i32
      scf.for %parallel_loop3A_1316 = %parallel_loop3A_1313 to %parallel_loop3A_1314 step %parallel_loop3A_1315  : i32 {
        %parallel_loop3A_1317 = arith.constant 0 : i32
        %parallel_loop3A_1318 = arith.constant 1024 : i32
        %parallel_loop3A_1319 = arith.constant 16 : i32
        scf.for %parallel_loop3A_1320 = %parallel_loop3A_1317 to %parallel_loop3A_1318 step %parallel_loop3A_1319  : i32 {
          %parallel_loop3A_1321 = arith.index_cast %parallel_loop3A_1316 : i32 to index
          %parallel_loop3A_1322 = arith.index_cast %parallel_loop3A_1320 : i32 to index
          %parallel_loop3A_1323 = tpu.vector_load %arg6[%parallel_loop3A_1321, %parallel_loop3A_1322] {strides = array<i32>} : memref<8x1024xf32, #tpu.memory_space<vmem>>, vector<1x16xf32>,
          %parallel_loop3A_1324 = vector.shape_cast %parallel_loop3A_1323 : vector<1x16xf32> to vector<16xf32>
          %parallel_loop3A_1325 = arith.index_cast %parallel_loop3A_1312 : i32 to index
          %parallel_loop3A_1326 = arith.index_cast %parallel_loop3A_1316 : i32 to index
          %parallel_loop3A_1327 = arith.index_cast %parallel_loop3A_1320 : i32 to index
          %parallel_loop3A_1328 = tpu.vector_load %arg9[%parallel_loop3A_1325, %parallel_loop3A_1326, %parallel_loop3A_1327] {strides = array<i32>} : memref<4x8x1024xf32, #tpu.memory_space<vmem>>, vector<1x1x16xf32>,
          %parallel_loop3A_1329 = vector.shape_cast %parallel_loop3A_1328 : vector<1x1x16xf32> to vector<16xf32>
          %parallel_loop3A_1330 = vector.shape_cast %parallel_loop3A_1324 : vector<16xf32> to vector<1x1x16xf32>
          tpu.vector_store %arg9[%parallel_loop3A_1325, %parallel_loop3A_1326, %parallel_loop3A_1327], %parallel_loop3A_1330 {add = true, strides = array<i32>} : memref<4x8x1024xf32, #tpu.memory_space<vmem>>, vector<1x1x16xf32>,
        } {sc.loop_unroll_factor = 8 : i64, sc.parallel_access}
      } {sc.loop_unroll_factor = 1 : i64, sc.parallel_access}
    } {sc.loop_unroll_factor = 1 : i64, sc.parallel_access}
    %add3A_992 = arith.constant 184 : i32
    %add3A_993 = arith.addi %mul3A_2, %add3A_992 : i32
    %dma_start3A_994 = arith.constant 0 : i32
    %dma_start3A_995 = arith.constant 0 : i32
    %dma_start3A_996 = tpu.memref_slice %arg4[%dma_start3A_994, %add3A_993, %dma_start3A_995] : memref<4x8192x1024xf32, #tpu.memory_space<hbm>> -> memref<4x8x1024xf32, #tpu.memory_space<hbm>>
    %dma_start3A_997 = arith.constant 0 : i32
    %dma_start3A_998 = arith.constant 0 : i32
    %dma_start3A_999 = tpu.memref_slice %arg4[%dma_start3A_997, %add3A_993, %dma_start3A_998] : memref<4x8192x1024xf32, #tpu.memory_space<hbm>> -> memref<4x8x1024xf32, #tpu.memory_space<hbm>>
    tpu.enqueue_dma source(%arg9 : memref<4x8x1024xf32, #tpu.memory_space<vmem>>) target(%dma_start3A_999 : memref<4x8x1024xf32, #tpu.memory_space<hbm>>) target_semaphore(%arg17 : memref<!tpu.dma_semaphore, #tpu.memory_space<semaphore_mem>>)
    %add3A_1000 = arith.constant 200 : i32
    %add3A_1001 = arith.addi %mul3A_2, %add3A_1000 : i32
    %dma_start3A_1002 = arith.constant 0 : i32
    %dma_start3A_1003 = tpu.memref_slice %arg3[%add3A_1001, %dma_start3A_1002] : memref<8192x1024xf32, #tpu.memory_space<hbm>> -> memref<8x1024xf32, #tpu.memory_space<hbm>>
    %dma_start3A_1004 = arith.constant 0 : i32
    %dma_start3A_1005 = tpu.memref_slice %arg3[%add3A_1001, %dma_start3A_1004] : memref<8192x1024xf32, #tpu.memory_space<hbm>> -> memref<8x1024xf32, #tpu.memory_space<hbm>>
    tpu.enqueue_dma source(%dma_start3A_1005 : memref<8x1024xf32, #tpu.memory_space<hbm>>) target(%arg6 : memref<8x1024xf32, #tpu.memory_space<vmem>>) target_semaphore(%arg11 : memref<!tpu.dma_semaphore, #tpu.memory_space<semaphore_mem>>)
    %dma_wait3A_1006 = arith.constant 0 : i32
    %dma_wait3A_1007 = tpu.memref_slice %arg3[%add3A_960, %dma_wait3A_1006] : memref<8192x1024xf32, #tpu.memory_space<hbm>> -> memref<8x1024xf32, #tpu.memory_space<hbm>>
    %dma_wait3A_1008 = arith.constant 0 : i32
    %dma_wait3A_1009 = tpu.memref_slice %arg3[%add3A_960, %dma_wait3A_1008] : memref<8192x1024xf32, #tpu.memory_space<hbm>> -> memref<8x1024xf32, #tpu.memory_space<hbm>>
    tpu.wait_dma2 semaphore(%arg10 : memref<!tpu.dma_semaphore, #tpu.memory_space<semaphore_mem>>) src(%dma_wait3A_1009 : memref<8x1024xf32, #tpu.memory_space<hbm>>) dst(%arg5 : memref<8x1024xf32, #tpu.memory_space<vmem>>)
    %dma_wait3A_1010 = arith.constant 0 : i32
    %dma_wait3A_1011 = arith.constant 0 : i32
    %dma_wait3A_1012 = tpu.memref_slice %arg2[%dma_wait3A_1010, %add3A_941, %dma_wait3A_1011] : memref<4x8192x1024xf32, #tpu.memory_space<hbm>> -> memref<4x8x1024xf32, #tpu.memory_space<hbm>>
    %dma_wait3A_1013 = arith.constant 0 : i32
    %dma_wait3A_1014 = arith.constant 0 : i32
    %dma_wait3A_1015 = tpu.memref_slice %arg2[%dma_wait3A_1013, %add3A_941, %dma_wait3A_1014] : memref<4x8192x1024xf32, #tpu.memory_space<hbm>> -> memref<4x8x1024xf32, #tpu.memory_space<hbm>>
    tpu.wait_dma2 semaphore(%arg12 : memref<!tpu.dma_semaphore, #tpu.memory_space<semaphore_mem>>) src(%dma_wait3A_1015 : memref<4x8x1024xf32, #tpu.memory_space<hbm>>) dst(%arg7 : memref<4x8x1024xf32, #tpu.memory_space<vmem>>)
    %dma_wait3A_1016 = arith.constant 0 : i32
    %dma_wait3A_1017 = arith.constant 0 : i32
    %dma_wait3A_1018 = tpu.memref_slice %arg4[%dma_wait3A_1016, %add3A_993, %dma_wait3A_1017] : memref<4x8192x1024xf32, #tpu.memory_space<hbm>> -> memref<4x8x1024xf32, #tpu.memory_space<hbm>>
    %dma_wait3A_1019 = arith.constant 0 : i32
    %dma_wait3A_1020 = arith.constant 0 : i32
    %dma_wait3A_1021 = tpu.memref_slice %arg4[%dma_wait3A_1019, %add3A_993, %dma_wait3A_1020] : memref<4x8192x1024xf32, #tpu.memory_space<hbm>> -> memref<4x8x1024xf32, #tpu.memory_space<hbm>>
    tpu.wait_dma2 semaphore(%arg17 : memref<!tpu.dma_semaphore, #tpu.memory_space<semaphore_mem>>) src(%arg9 : memref<4x8x1024xf32, #tpu.memory_space<vmem>>) dst(%dma_wait3A_1021 : memref<4x8x1024xf32, #tpu.memory_space<hbm>>)
    %add3A_1022 = arith.constant 208 : i32
    %add3A_1023 = arith.addi %mul3A_2, %add3A_1022 : i32
    %dma_start3A_1024 = arith.constant 0 : i32
    %dma_start3A_1025 = arith.constant 0 : i32
    %dma_start3A_1026 = tpu.memref_slice %arg2[%dma_start3A_1024, %add3A_1023, %dma_start3A_1025] : memref<4x8192x1024xf32, #tpu.memory_space<hbm>> -> memref<4x8x1024xf32, #tpu.memory_space<hbm>>
    %dma_start3A_1027 = arith.constant 0 : i32
    %dma_start3A_1028 = arith.constant 0 : i32
    %dma_start3A_1029 = tpu.memref_slice %arg2[%dma_start3A_1027, %add3A_1023, %dma_start3A_1028] : memref<4x8192x1024xf32, #tpu.memory_space<hbm>> -> memref<4x8x1024xf32, #tpu.memory_space<hbm>>
    tpu.enqueue_dma source(%dma_start3A_1029 : memref<4x8x1024xf32, #tpu.memory_space<hbm>>) target(%arg9 : memref<4x8x1024xf32, #tpu.memory_space<vmem>>) target_semaphore(%arg14 : memref<!tpu.dma_semaphore, #tpu.memory_space<semaphore_mem>>)
    %parallel_loop3A_1030 = arith.constant 0 : i32
    %parallel_loop3A_1031 = arith.constant 4 : i32
    %parallel_loop3A_1032 = arith.constant 1 : i32
    scf.for %parallel_loop3A_1312 = %parallel_loop3A_1030 to %parallel_loop3A_1031 step %parallel_loop3A_1032  : i32 {
      %parallel_loop3A_1313 = arith.constant 0 : i32
      %parallel_loop3A_1314 = arith.constant 8 : i32
      %parallel_loop3A_1315 = arith.constant 1 : i32
      scf.for %parallel_loop3A_1316 = %parallel_loop3A_1313 to %parallel_loop3A_1314 step %parallel_loop3A_1315  : i32 {
        %parallel_loop3A_1317 = arith.constant 0 : i32
        %parallel_loop3A_1318 = arith.constant 1024 : i32
        %parallel_loop3A_1319 = arith.constant 16 : i32
        scf.for %parallel_loop3A_1320 = %parallel_loop3A_1317 to %parallel_loop3A_1318 step %parallel_loop3A_1319  : i32 {
          %parallel_loop3A_1321 = arith.index_cast %parallel_loop3A_1316 : i32 to index
          %parallel_loop3A_1322 = arith.index_cast %parallel_loop3A_1320 : i32 to index
          %parallel_loop3A_1323 = tpu.vector_load %arg5[%parallel_loop3A_1321, %parallel_loop3A_1322] {strides = array<i32>} : memref<8x1024xf32, #tpu.memory_space<vmem>>, vector<1x16xf32>,
          %parallel_loop3A_1324 = vector.shape_cast %parallel_loop3A_1323 : vector<1x16xf32> to vector<16xf32>
          %parallel_loop3A_1325 = arith.index_cast %parallel_loop3A_1312 : i32 to index
          %parallel_loop3A_1326 = arith.index_cast %parallel_loop3A_1316 : i32 to index
          %parallel_loop3A_1327 = arith.index_cast %parallel_loop3A_1320 : i32 to index
          %parallel_loop3A_1328 = tpu.vector_load %arg7[%parallel_loop3A_1325, %parallel_loop3A_1326, %parallel_loop3A_1327] {strides = array<i32>} : memref<4x8x1024xf32, #tpu.memory_space<vmem>>, vector<1x1x16xf32>,
          %parallel_loop3A_1329 = vector.shape_cast %parallel_loop3A_1328 : vector<1x1x16xf32> to vector<16xf32>
          %parallel_loop3A_1330 = vector.shape_cast %parallel_loop3A_1324 : vector<16xf32> to vector<1x1x16xf32>
          tpu.vector_store %arg7[%parallel_loop3A_1325, %parallel_loop3A_1326, %parallel_loop3A_1327], %parallel_loop3A_1330 {add = true, strides = array<i32>} : memref<4x8x1024xf32, #tpu.memory_space<vmem>>, vector<1x1x16xf32>,
        } {sc.loop_unroll_factor = 8 : i64, sc.parallel_access}
      } {sc.loop_unroll_factor = 1 : i64, sc.parallel_access}
    } {sc.loop_unroll_factor = 1 : i64, sc.parallel_access}
    %add3A_1033 = arith.constant 192 : i32
    %add3A_1034 = arith.addi %mul3A_2, %add3A_1033 : i32
    %dma_start3A_1035 = arith.constant 0 : i32
    %dma_start3A_1036 = arith.constant 0 : i32
    %dma_start3A_1037 = tpu.memref_slice %arg4[%dma_start3A_1035, %add3A_1034, %dma_start3A_1036] : memref<4x8192x1024xf32, #tpu.memory_space<hbm>> -> memref<4x8x1024xf32, #tpu.memory_space<hbm>>
    %dma_start3A_1038 = arith.constant 0 : i32
    %dma_start3A_1039 = arith.constant 0 : i32
    %dma_start3A_1040 = tpu.memref_slice %arg4[%dma_start3A_1038, %add3A_1034, %dma_start3A_1039] : memref<4x8192x1024xf32, #tpu.memory_space<hbm>> -> memref<4x8x1024xf32, #tpu.memory_space<hbm>>
    tpu.enqueue_dma source(%arg7 : memref<4x8x1024xf32, #tpu.memory_space<vmem>>) target(%dma_start3A_1040 : memref<4x8x1024xf32, #tpu.memory_space<hbm>>) target_semaphore(%arg15 : memref<!tpu.dma_semaphore, #tpu.memory_space<semaphore_mem>>)
    %add3A_1041 = arith.constant 208 : i32
    %add3A_1042 = arith.addi %mul3A_2, %add3A_1041 : i32
    %dma_start3A_1043 = arith.constant 0 : i32
    %dma_start3A_1044 = tpu.memref_slice %arg3[%add3A_1042, %dma_start3A_1043] : memref<8192x1024xf32, #tpu.memory_space<hbm>> -> memref<8x1024xf32, #tpu.memory_space<hbm>>
    %dma_start3A_1045 = arith.constant 0 : i32
    %dma_start3A_1046 = tpu.memref_slice %arg3[%add3A_1042, %dma_start3A_1045] : memref<8192x1024xf32, #tpu.memory_space<hbm>> -> memref<8x1024xf32, #tpu.memory_space<hbm>>
    tpu.enqueue_dma source(%dma_start3A_1046 : memref<8x1024xf32, #tpu.memory_space<hbm>>) target(%arg5 : memref<8x1024xf32, #tpu.memory_space<vmem>>) target_semaphore(%arg10 : memref<!tpu.dma_semaphore, #tpu.memory_space<semaphore_mem>>)
    %dma_wait3A_1047 = arith.constant 0 : i32
    %dma_wait3A_1048 = tpu.memref_slice %arg3[%add3A_1001, %dma_wait3A_1047] : memref<8192x1024xf32, #tpu.memory_space<hbm>> -> memref<8x1024xf32, #tpu.memory_space<hbm>>
    %dma_wait3A_1049 = arith.constant 0 : i32
    %dma_wait3A_1050 = tpu.memref_slice %arg3[%add3A_1001, %dma_wait3A_1049] : memref<8192x1024xf32, #tpu.memory_space<hbm>> -> memref<8x1024xf32, #tpu.memory_space<hbm>>
    tpu.wait_dma2 semaphore(%arg11 : memref<!tpu.dma_semaphore, #tpu.memory_space<semaphore_mem>>) src(%dma_wait3A_1050 : memref<8x1024xf32, #tpu.memory_space<hbm>>) dst(%arg6 : memref<8x1024xf32, #tpu.memory_space<vmem>>)
    %dma_wait3A_1051 = arith.constant 0 : i32
    %dma_wait3A_1052 = arith.constant 0 : i32
    %dma_wait3A_1053 = tpu.memref_slice %arg2[%dma_wait3A_1051, %add3A_982, %dma_wait3A_1052] : memref<4x8192x1024xf32, #tpu.memory_space<hbm>> -> memref<4x8x1024xf32, #tpu.memory_space<hbm>>
    %dma_wait3A_1054 = arith.constant 0 : i32
    %dma_wait3A_1055 = arith.constant 0 : i32
    %dma_wait3A_1056 = tpu.memref_slice %arg2[%dma_wait3A_1054, %add3A_982, %dma_wait3A_1055] : memref<4x8192x1024xf32, #tpu.memory_space<hbm>> -> memref<4x8x1024xf32, #tpu.memory_space<hbm>>
    tpu.wait_dma2 semaphore(%arg13 : memref<!tpu.dma_semaphore, #tpu.memory_space<semaphore_mem>>) src(%dma_wait3A_1056 : memref<4x8x1024xf32, #tpu.memory_space<hbm>>) dst(%arg8 : memref<4x8x1024xf32, #tpu.memory_space<vmem>>)
    %dma_wait3A_1057 = arith.constant 0 : i32
    %dma_wait3A_1058 = arith.constant 0 : i32
    %dma_wait3A_1059 = tpu.memref_slice %arg4[%dma_wait3A_1057, %add3A_1034, %dma_wait3A_1058] : memref<4x8192x1024xf32, #tpu.memory_space<hbm>> -> memref<4x8x1024xf32, #tpu.memory_space<hbm>>
    %dma_wait3A_1060 = arith.constant 0 : i32
    %dma_wait3A_1061 = arith.constant 0 : i32
    %dma_wait3A_1062 = tpu.memref_slice %arg4[%dma_wait3A_1060, %add3A_1034, %dma_wait3A_1061] : memref<4x8192x1024xf32, #tpu.memory_space<hbm>> -> memref<4x8x1024xf32, #tpu.memory_space<hbm>>
    tpu.wait_dma2 semaphore(%arg15 : memref<!tpu.dma_semaphore, #tpu.memory_space<semaphore_mem>>) src(%arg7 : memref<4x8x1024xf32, #tpu.memory_space<vmem>>) dst(%dma_wait3A_1062 : memref<4x8x1024xf32, #tpu.memory_space<hbm>>)
    %add3A_1063 = arith.constant 216 : i32
    %add3A_1064 = arith.addi %mul3A_2, %add3A_1063 : i32
    %dma_start3A_1065 = arith.constant 0 : i32
    %dma_start3A_1066 = arith.constant 0 : i32
    %dma_start3A_1067 = tpu.memref_slice %arg2[%dma_start3A_1065, %add3A_1064, %dma_start3A_1066] : memref<4x8192x1024xf32, #tpu.memory_space<hbm>> -> memref<4x8x1024xf32, #tpu.memory_space<hbm>>
    %dma_start3A_1068 = arith.constant 0 : i32
    %dma_start3A_1069 = arith.constant 0 : i32
    %dma_start3A_1070 = tpu.memref_slice %arg2[%dma_start3A_1068, %add3A_1064, %dma_start3A_1069] : memref<4x8192x1024xf32, #tpu.memory_space<hbm>> -> memref<4x8x1024xf32, #tpu.memory_space<hbm>>
    tpu.enqueue_dma source(%dma_start3A_1070 : memref<4x8x1024xf32, #tpu.memory_space<hbm>>) target(%arg7 : memref<4x8x1024xf32, #tpu.memory_space<vmem>>) target_semaphore(%arg12 : memref<!tpu.dma_semaphore, #tpu.memory_space<semaphore_mem>>)
    %parallel_loop3A_1071 = arith.constant 0 : i32
    %parallel_loop3A_1072 = arith.constant 4 : i32
    %parallel_loop3A_1073 = arith.constant 1 : i32
    scf.for %parallel_loop3A_1312 = %parallel_loop3A_1071 to %parallel_loop3A_1072 step %parallel_loop3A_1073  : i32 {
      %parallel_loop3A_1313 = arith.constant 0 : i32
      %parallel_loop3A_1314 = arith.constant 8 : i32
      %parallel_loop3A_1315 = arith.constant 1 : i32
      scf.for %parallel_loop3A_1316 = %parallel_loop3A_1313 to %parallel_loop3A_1314 step %parallel_loop3A_1315  : i32 {
        %parallel_loop3A_1317 = arith.constant 0 : i32
        %parallel_loop3A_1318 = arith.constant 1024 : i32
        %parallel_loop3A_1319 = arith.constant 16 : i32
        scf.for %parallel_loop3A_1320 = %parallel_loop3A_1317 to %parallel_loop3A_1318 step %parallel_loop3A_1319  : i32 {
          %parallel_loop3A_1321 = arith.index_cast %parallel_loop3A_1316 : i32 to index
          %parallel_loop3A_1322 = arith.index_cast %parallel_loop3A_1320 : i32 to index
          %parallel_loop3A_1323 = tpu.vector_load %arg6[%parallel_loop3A_1321, %parallel_loop3A_1322] {strides = array<i32>} : memref<8x1024xf32, #tpu.memory_space<vmem>>, vector<1x16xf32>,
          %parallel_loop3A_1324 = vector.shape_cast %parallel_loop3A_1323 : vector<1x16xf32> to vector<16xf32>
          %parallel_loop3A_1325 = arith.index_cast %parallel_loop3A_1312 : i32 to index
          %parallel_loop3A_1326 = arith.index_cast %parallel_loop3A_1316 : i32 to index
          %parallel_loop3A_1327 = arith.index_cast %parallel_loop3A_1320 : i32 to index
          %parallel_loop3A_1328 = tpu.vector_load %arg8[%parallel_loop3A_1325, %parallel_loop3A_1326, %parallel_loop3A_1327] {strides = array<i32>} : memref<4x8x1024xf32, #tpu.memory_space<vmem>>, vector<1x1x16xf32>,
          %parallel_loop3A_1329 = vector.shape_cast %parallel_loop3A_1328 : vector<1x1x16xf32> to vector<16xf32>
          %parallel_loop3A_1330 = vector.shape_cast %parallel_loop3A_1324 : vector<16xf32> to vector<1x1x16xf32>
          tpu.vector_store %arg8[%parallel_loop3A_1325, %parallel_loop3A_1326, %parallel_loop3A_1327], %parallel_loop3A_1330 {add = true, strides = array<i32>} : memref<4x8x1024xf32, #tpu.memory_space<vmem>>, vector<1x1x16xf32>,
        } {sc.loop_unroll_factor = 8 : i64, sc.parallel_access}
      } {sc.loop_unroll_factor = 1 : i64, sc.parallel_access}
    } {sc.loop_unroll_factor = 1 : i64, sc.parallel_access}
    %add3A_1074 = arith.constant 200 : i32
    %add3A_1075 = arith.addi %mul3A_2, %add3A_1074 : i32
    %dma_start3A_1076 = arith.constant 0 : i32
    %dma_start3A_1077 = arith.constant 0 : i32
    %dma_start3A_1078 = tpu.memref_slice %arg4[%dma_start3A_1076, %add3A_1075, %dma_start3A_1077] : memref<4x8192x1024xf32, #tpu.memory_space<hbm>> -> memref<4x8x1024xf32, #tpu.memory_space<hbm>>
    %dma_start3A_1079 = arith.constant 0 : i32
    %dma_start3A_1080 = arith.constant 0 : i32
    %dma_start3A_1081 = tpu.memref_slice %arg4[%dma_start3A_1079, %add3A_1075, %dma_start3A_1080] : memref<4x8192x1024xf32, #tpu.memory_space<hbm>> -> memref<4x8x1024xf32, #tpu.memory_space<hbm>>
    tpu.enqueue_dma source(%arg8 : memref<4x8x1024xf32, #tpu.memory_space<vmem>>) target(%dma_start3A_1081 : memref<4x8x1024xf32, #tpu.memory_space<hbm>>) target_semaphore(%arg16 : memref<!tpu.dma_semaphore, #tpu.memory_space<semaphore_mem>>)
    %add3A_1082 = arith.constant 216 : i32
    %add3A_1083 = arith.addi %mul3A_2, %add3A_1082 : i32
    %dma_start3A_1084 = arith.constant 0 : i32
    %dma_start3A_1085 = tpu.memref_slice %arg3[%add3A_1083, %dma_start3A_1084] : memref<8192x1024xf32, #tpu.memory_space<hbm>> -> memref<8x1024xf32, #tpu.memory_space<hbm>>
    %dma_start3A_1086 = arith.constant 0 : i32
    %dma_start3A_1087 = tpu.memref_slice %arg3[%add3A_1083, %dma_start3A_1086] : memref<8192x1024xf32, #tpu.memory_space<hbm>> -> memref<8x1024xf32, #tpu.memory_space<hbm>>
    tpu.enqueue_dma source(%dma_start3A_1087 : memref<8x1024xf32, #tpu.memory_space<hbm>>) target(%arg6 : memref<8x1024xf32, #tpu.memory_space<vmem>>) target_semaphore(%arg11 : memref<!tpu.dma_semaphore, #tpu.memory_space<semaphore_mem>>)
    %dma_wait3A_1088 = arith.constant 0 : i32
    %dma_wait3A_1089 = tpu.memref_slice %arg3[%add3A_1042, %dma_wait3A_1088] : memref<8192x1024xf32, #tpu.memory_space<hbm>> -> memref<8x1024xf32, #tpu.memory_space<hbm>>
    %dma_wait3A_1090 = arith.constant 0 : i32
    %dma_wait3A_1091 = tpu.memref_slice %arg3[%add3A_1042, %dma_wait3A_1090] : memref<8192x1024xf32, #tpu.memory_space<hbm>> -> memref<8x1024xf32, #tpu.memory_space<hbm>>
    tpu.wait_dma2 semaphore(%arg10 : memref<!tpu.dma_semaphore, #tpu.memory_space<semaphore_mem>>) src(%dma_wait3A_1091 : memref<8x1024xf32, #tpu.memory_space<hbm>>) dst(%arg5 : memref<8x1024xf32, #tpu.memory_space<vmem>>)
    %dma_wait3A_1092 = arith.constant 0 : i32
    %dma_wait3A_1093 = arith.constant 0 : i32
    %dma_wait3A_1094 = tpu.memref_slice %arg2[%dma_wait3A_1092, %add3A_1023, %dma_wait3A_1093] : memref<4x8192x1024xf32, #tpu.memory_space<hbm>> -> memref<4x8x1024xf32, #tpu.memory_space<hbm>>
    %dma_wait3A_1095 = arith.constant 0 : i32
    %dma_wait3A_1096 = arith.constant 0 : i32
    %dma_wait3A_1097 = tpu.memref_slice %arg2[%dma_wait3A_1095, %add3A_1023, %dma_wait3A_1096] : memref<4x8192x1024xf32, #tpu.memory_space<hbm>> -> memref<4x8x1024xf32, #tpu.memory_space<hbm>>
    tpu.wait_dma2 semaphore(%arg14 : memref<!tpu.dma_semaphore, #tpu.memory_space<semaphore_mem>>) src(%dma_wait3A_1097 : memref<4x8x1024xf32, #tpu.memory_space<hbm>>) dst(%arg9 : memref<4x8x1024xf32, #tpu.memory_space<vmem>>)
    %dma_wait3A_1098 = arith.constant 0 : i32
    %dma_wait3A_1099 = arith.constant 0 : i32
    %dma_wait3A_1100 = tpu.memref_slice %arg4[%dma_wait3A_1098, %add3A_1075, %dma_wait3A_1099] : memref<4x8192x1024xf32, #tpu.memory_space<hbm>> -> memref<4x8x1024xf32, #tpu.memory_space<hbm>>
    %dma_wait3A_1101 = arith.constant 0 : i32
    %dma_wait3A_1102 = arith.constant 0 : i32
    %dma_wait3A_1103 = tpu.memref_slice %arg4[%dma_wait3A_1101, %add3A_1075, %dma_wait3A_1102] : memref<4x8192x1024xf32, #tpu.memory_space<hbm>> -> memref<4x8x1024xf32, #tpu.memory_space<hbm>>
    tpu.wait_dma2 semaphore(%arg16 : memref<!tpu.dma_semaphore, #tpu.memory_space<semaphore_mem>>) src(%arg8 : memref<4x8x1024xf32, #tpu.memory_space<vmem>>) dst(%dma_wait3A_1103 : memref<4x8x1024xf32, #tpu.memory_space<hbm>>)
    %add3A_1104 = arith.constant 224 : i32
    %add3A_1105 = arith.addi %mul3A_2, %add3A_1104 : i32
    %dma_start3A_1106 = arith.constant 0 : i32
    %dma_start3A_1107 = arith.constant 0 : i32
    %dma_start3A_1108 = tpu.memref_slice %arg2[%dma_start3A_1106, %add3A_1105, %dma_start3A_1107] : memref<4x8192x1024xf32, #tpu.memory_space<hbm>> -> memref<4x8x1024xf32, #tpu.memory_space<hbm>>
    %dma_start3A_1109 = arith.constant 0 : i32
    %dma_start3A_1110 = arith.constant 0 : i32
    %dma_start3A_1111 = tpu.memref_slice %arg2[%dma_start3A_1109, %add3A_1105, %dma_start3A_1110] : memref<4x8192x1024xf32, #tpu.memory_space<hbm>> -> memref<4x8x1024xf32, #tpu.memory_space<hbm>>
    tpu.enqueue_dma source(%dma_start3A_1111 : memref<4x8x1024xf32, #tpu.memory_space<hbm>>) target(%arg8 : memref<4x8x1024xf32, #tpu.memory_space<vmem>>) target_semaphore(%arg13 : memref<!tpu.dma_semaphore, #tpu.memory_space<semaphore_mem>>)
    %parallel_loop3A_1112 = arith.constant 0 : i32
    %parallel_loop3A_1113 = arith.constant 4 : i32
    %parallel_loop3A_1114 = arith.constant 1 : i32
    scf.for %parallel_loop3A_1312 = %parallel_loop3A_1112 to %parallel_loop3A_1113 step %parallel_loop3A_1114  : i32 {
      %parallel_loop3A_1313 = arith.constant 0 : i32
      %parallel_loop3A_1314 = arith.constant 8 : i32
      %parallel_loop3A_1315 = arith.constant 1 : i32
      scf.for %parallel_loop3A_1316 = %parallel_loop3A_1313 to %parallel_loop3A_1314 step %parallel_loop3A_1315  : i32 {
        %parallel_loop3A_1317 = arith.constant 0 : i32
        %parallel_loop3A_1318 = arith.constant 1024 : i32
        %parallel_loop3A_1319 = arith.constant 16 : i32
        scf.for %parallel_loop3A_1320 = %parallel_loop3A_1317 to %parallel_loop3A_1318 step %parallel_loop3A_1319  : i32 {
          %parallel_loop3A_1321 = arith.index_cast %parallel_loop3A_1316 : i32 to index
          %parallel_loop3A_1322 = arith.index_cast %parallel_loop3A_1320 : i32 to index
          %parallel_loop3A_1323 = tpu.vector_load %arg5[%parallel_loop3A_1321, %parallel_loop3A_1322] {strides = array<i32>} : memref<8x1024xf32, #tpu.memory_space<vmem>>, vector<1x16xf32>,
          %parallel_loop3A_1324 = vector.shape_cast %parallel_loop3A_1323 : vector<1x16xf32> to vector<16xf32>
          %parallel_loop3A_1325 = arith.index_cast %parallel_loop3A_1312 : i32 to index
          %parallel_loop3A_1326 = arith.index_cast %parallel_loop3A_1316 : i32 to index
          %parallel_loop3A_1327 = arith.index_cast %parallel_loop3A_1320 : i32 to index
          %parallel_loop3A_1328 = tpu.vector_load %arg9[%parallel_loop3A_1325, %parallel_loop3A_1326, %parallel_loop3A_1327] {strides = array<i32>} : memref<4x8x1024xf32, #tpu.memory_space<vmem>>, vector<1x1x16xf32>,
          %parallel_loop3A_1329 = vector.shape_cast %parallel_loop3A_1328 : vector<1x1x16xf32> to vector<16xf32>
          %parallel_loop3A_1330 = vector.shape_cast %parallel_loop3A_1324 : vector<16xf32> to vector<1x1x16xf32>
          tpu.vector_store %arg9[%parallel_loop3A_1325, %parallel_loop3A_1326, %parallel_loop3A_1327], %parallel_loop3A_1330 {add = true, strides = array<i32>} : memref<4x8x1024xf32, #tpu.memory_space<vmem>>, vector<1x1x16xf32>,
        } {sc.loop_unroll_factor = 8 : i64, sc.parallel_access}
      } {sc.loop_unroll_factor = 1 : i64, sc.parallel_access}
    } {sc.loop_unroll_factor = 1 : i64, sc.parallel_access}
    %add3A_1115 = arith.constant 208 : i32
    %add3A_1116 = arith.addi %mul3A_2, %add3A_1115 : i32
    %dma_start3A_1117 = arith.constant 0 : i32
    %dma_start3A_1118 = arith.constant 0 : i32
    %dma_start3A_1119 = tpu.memref_slice %arg4[%dma_start3A_1117, %add3A_1116, %dma_start3A_1118] : memref<4x8192x1024xf32, #tpu.memory_space<hbm>> -> memref<4x8x1024xf32, #tpu.memory_space<hbm>>
    %dma_start3A_1120 = arith.constant 0 : i32
    %dma_start3A_1121 = arith.constant 0 : i32
    %dma_start3A_1122 = tpu.memref_slice %arg4[%dma_start3A_1120, %add3A_1116, %dma_start3A_1121] : memref<4x8192x1024xf32, #tpu.memory_space<hbm>> -> memref<4x8x1024xf32, #tpu.memory_space<hbm>>
    tpu.enqueue_dma source(%arg9 : memref<4x8x1024xf32, #tpu.memory_space<vmem>>) target(%dma_start3A_1122 : memref<4x8x1024xf32, #tpu.memory_space<hbm>>) target_semaphore(%arg17 : memref<!tpu.dma_semaphore, #tpu.memory_space<semaphore_mem>>)
    %add3A_1123 = arith.constant 224 : i32
    %add3A_1124 = arith.addi %mul3A_2, %add3A_1123 : i32
    %dma_start3A_1125 = arith.constant 0 : i32
    %dma_start3A_1126 = tpu.memref_slice %arg3[%add3A_1124, %dma_start3A_1125] : memref<8192x1024xf32, #tpu.memory_space<hbm>> -> memref<8x1024xf32, #tpu.memory_space<hbm>>
    %dma_start3A_1127 = arith.constant 0 : i32
    %dma_start3A_1128 = tpu.memref_slice %arg3[%add3A_1124, %dma_start3A_1127] : memref<8192x1024xf32, #tpu.memory_space<hbm>> -> memref<8x1024xf32, #tpu.memory_space<hbm>>
    tpu.enqueue_dma source(%dma_start3A_1128 : memref<8x1024xf32, #tpu.memory_space<hbm>>) target(%arg5 : memref<8x1024xf32, #tpu.memory_space<vmem>>) target_semaphore(%arg10 : memref<!tpu.dma_semaphore, #tpu.memory_space<semaphore_mem>>)
    %dma_wait3A_1129 = arith.constant 0 : i32
    %dma_wait3A_1130 = tpu.memref_slice %arg3[%add3A_1083, %dma_wait3A_1129] : memref<8192x1024xf32, #tpu.memory_space<hbm>> -> memref<8x1024xf32, #tpu.memory_space<hbm>>
    %dma_wait3A_1131 = arith.constant 0 : i32
    %dma_wait3A_1132 = tpu.memref_slice %arg3[%add3A_1083, %dma_wait3A_1131] : memref<8192x1024xf32, #tpu.memory_space<hbm>> -> memref<8x1024xf32, #tpu.memory_space<hbm>>
    tpu.wait_dma2 semaphore(%arg11 : memref<!tpu.dma_semaphore, #tpu.memory_space<semaphore_mem>>) src(%dma_wait3A_1132 : memref<8x1024xf32, #tpu.memory_space<hbm>>) dst(%arg6 : memref<8x1024xf32, #tpu.memory_space<vmem>>)
    %dma_wait3A_1133 = arith.constant 0 : i32
    %dma_wait3A_1134 = arith.constant 0 : i32
    %dma_wait3A_1135 = tpu.memref_slice %arg2[%dma_wait3A_1133, %add3A_1064, %dma_wait3A_1134] : memref<4x8192x1024xf32, #tpu.memory_space<hbm>> -> memref<4x8x1024xf32, #tpu.memory_space<hbm>>
    %dma_wait3A_1136 = arith.constant 0 : i32
    %dma_wait3A_1137 = arith.constant 0 : i32
    %dma_wait3A_1138 = tpu.memref_slice %arg2[%dma_wait3A_1136, %add3A_1064, %dma_wait3A_1137] : memref<4x8192x1024xf32, #tpu.memory_space<hbm>> -> memref<4x8x1024xf32, #tpu.memory_space<hbm>>
    tpu.wait_dma2 semaphore(%arg12 : memref<!tpu.dma_semaphore, #tpu.memory_space<semaphore_mem>>) src(%dma_wait3A_1138 : memref<4x8x1024xf32, #tpu.memory_space<hbm>>) dst(%arg7 : memref<4x8x1024xf32, #tpu.memory_space<vmem>>)
    %dma_wait3A_1139 = arith.constant 0 : i32
    %dma_wait3A_1140 = arith.constant 0 : i32
    %dma_wait3A_1141 = tpu.memref_slice %arg4[%dma_wait3A_1139, %add3A_1116, %dma_wait3A_1140] : memref<4x8192x1024xf32, #tpu.memory_space<hbm>> -> memref<4x8x1024xf32, #tpu.memory_space<hbm>>
    %dma_wait3A_1142 = arith.constant 0 : i32
    %dma_wait3A_1143 = arith.constant 0 : i32
    %dma_wait3A_1144 = tpu.memref_slice %arg4[%dma_wait3A_1142, %add3A_1116, %dma_wait3A_1143] : memref<4x8192x1024xf32, #tpu.memory_space<hbm>> -> memref<4x8x1024xf32, #tpu.memory_space<hbm>>
    tpu.wait_dma2 semaphore(%arg17 : memref<!tpu.dma_semaphore, #tpu.memory_space<semaphore_mem>>) src(%arg9 : memref<4x8x1024xf32, #tpu.memory_space<vmem>>) dst(%dma_wait3A_1144 : memref<4x8x1024xf32, #tpu.memory_space<hbm>>)
    %add3A_1145 = arith.constant 232 : i32
    %add3A_1146 = arith.addi %mul3A_2, %add3A_1145 : i32
    %dma_start3A_1147 = arith.constant 0 : i32
    %dma_start3A_1148 = arith.constant 0 : i32
    %dma_start3A_1149 = tpu.memref_slice %arg2[%dma_start3A_1147, %add3A_1146, %dma_start3A_1148] : memref<4x8192x1024xf32, #tpu.memory_space<hbm>> -> memref<4x8x1024xf32, #tpu.memory_space<hbm>>
    %dma_start3A_1150 = arith.constant 0 : i32
    %dma_start3A_1151 = arith.constant 0 : i32
    %dma_start3A_1152 = tpu.memref_slice %arg2[%dma_start3A_1150, %add3A_1146, %dma_start3A_1151] : memref<4x8192x1024xf32, #tpu.memory_space<hbm>> -> memref<4x8x1024xf32, #tpu.memory_space<hbm>>
    tpu.enqueue_dma source(%dma_start3A_1152 : memref<4x8x1024xf32, #tpu.memory_space<hbm>>) target(%arg9 : memref<4x8x1024xf32, #tpu.memory_space<vmem>>) target_semaphore(%arg14 : memref<!tpu.dma_semaphore, #tpu.memory_space<semaphore_mem>>)
    %parallel_loop3A_1153 = arith.constant 0 : i32
    %parallel_loop3A_1154 = arith.constant 4 : i32
    %parallel_loop3A_1155 = arith.constant 1 : i32
    scf.for %parallel_loop3A_1312 = %parallel_loop3A_1153 to %parallel_loop3A_1154 step %parallel_loop3A_1155  : i32 {
      %parallel_loop3A_1313 = arith.constant 0 : i32
      %parallel_loop3A_1314 = arith.constant 8 : i32
      %parallel_loop3A_1315 = arith.constant 1 : i32
      scf.for %parallel_loop3A_1316 = %parallel_loop3A_1313 to %parallel_loop3A_1314 step %parallel_loop3A_1315  : i32 {
        %parallel_loop3A_1317 = arith.constant 0 : i32
        %parallel_loop3A_1318 = arith.constant 1024 : i32
        %parallel_loop3A_1319 = arith.constant 16 : i32
        scf.for %parallel_loop3A_1320 = %parallel_loop3A_1317 to %parallel_loop3A_1318 step %parallel_loop3A_1319  : i32 {
          %parallel_loop3A_1321 = arith.index_cast %parallel_loop3A_1316 : i32 to index
          %parallel_loop3A_1322 = arith.index_cast %parallel_loop3A_1320 : i32 to index
          %parallel_loop3A_1323 = tpu.vector_load %arg6[%parallel_loop3A_1321, %parallel_loop3A_1322] {strides = array<i32>} : memref<8x1024xf32, #tpu.memory_space<vmem>>, vector<1x16xf32>,
          %parallel_loop3A_1324 = vector.shape_cast %parallel_loop3A_1323 : vector<1x16xf32> to vector<16xf32>
          %parallel_loop3A_1325 = arith.index_cast %parallel_loop3A_1312 : i32 to index
          %parallel_loop3A_1326 = arith.index_cast %parallel_loop3A_1316 : i32 to index
          %parallel_loop3A_1327 = arith.index_cast %parallel_loop3A_1320 : i32 to index
          %parallel_loop3A_1328 = tpu.vector_load %arg7[%parallel_loop3A_1325, %parallel_loop3A_1326, %parallel_loop3A_1327] {strides = array<i32>} : memref<4x8x1024xf32, #tpu.memory_space<vmem>>, vector<1x1x16xf32>,
          %parallel_loop3A_1329 = vector.shape_cast %parallel_loop3A_1328 : vector<1x1x16xf32> to vector<16xf32>
          %parallel_loop3A_1330 = vector.shape_cast %parallel_loop3A_1324 : vector<16xf32> to vector<1x1x16xf32>
          tpu.vector_store %arg7[%parallel_loop3A_1325, %parallel_loop3A_1326, %parallel_loop3A_1327], %parallel_loop3A_1330 {add = true, strides = array<i32>} : memref<4x8x1024xf32, #tpu.memory_space<vmem>>, vector<1x1x16xf32>,
        } {sc.loop_unroll_factor = 8 : i64, sc.parallel_access}
      } {sc.loop_unroll_factor = 1 : i64, sc.parallel_access}
    } {sc.loop_unroll_factor = 1 : i64, sc.parallel_access}
    %add3A_1156 = arith.constant 216 : i32
    %add3A_1157 = arith.addi %mul3A_2, %add3A_1156 : i32
    %dma_start3A_1158 = arith.constant 0 : i32
    %dma_start3A_1159 = arith.constant 0 : i32
    %dma_start3A_1160 = tpu.memref_slice %arg4[%dma_start3A_1158, %add3A_1157, %dma_start3A_1159] : memref<4x8192x1024xf32, #tpu.memory_space<hbm>> -> memref<4x8x1024xf32, #tpu.memory_space<hbm>>
    %dma_start3A_1161 = arith.constant 0 : i32
    %dma_start3A_1162 = arith.constant 0 : i32
    %dma_start3A_1163 = tpu.memref_slice %arg4[%dma_start3A_1161, %add3A_1157, %dma_start3A_1162] : memref<4x8192x1024xf32, #tpu.memory_space<hbm>> -> memref<4x8x1024xf32, #tpu.memory_space<hbm>>
    tpu.enqueue_dma source(%arg7 : memref<4x8x1024xf32, #tpu.memory_space<vmem>>) target(%dma_start3A_1163 : memref<4x8x1024xf32, #tpu.memory_space<hbm>>) target_semaphore(%arg15 : memref<!tpu.dma_semaphore, #tpu.memory_space<semaphore_mem>>)
    %add3A_1164 = arith.constant 232 : i32
    %add3A_1165 = arith.addi %mul3A_2, %add3A_1164 : i32
    %dma_start3A_1166 = arith.constant 0 : i32
    %dma_start3A_1167 = tpu.memref_slice %arg3[%add3A_1165, %dma_start3A_1166] : memref<8192x1024xf32, #tpu.memory_space<hbm>> -> memref<8x1024xf32, #tpu.memory_space<hbm>>
    %dma_start3A_1168 = arith.constant 0 : i32
    %dma_start3A_1169 = tpu.memref_slice %arg3[%add3A_1165, %dma_start3A_1168] : memref<8192x1024xf32, #tpu.memory_space<hbm>> -> memref<8x1024xf32, #tpu.memory_space<hbm>>
    tpu.enqueue_dma source(%dma_start3A_1169 : memref<8x1024xf32, #tpu.memory_space<hbm>>) target(%arg6 : memref<8x1024xf32, #tpu.memory_space<vmem>>) target_semaphore(%arg11 : memref<!tpu.dma_semaphore, #tpu.memory_space<semaphore_mem>>)
    %dma_wait3A_1170 = arith.constant 0 : i32
    %dma_wait3A_1171 = tpu.memref_slice %arg3[%add3A_1124, %dma_wait3A_1170] : memref<8192x1024xf32, #tpu.memory_space<hbm>> -> memref<8x1024xf32, #tpu.memory_space<hbm>>
    %dma_wait3A_1172 = arith.constant 0 : i32
    %dma_wait3A_1173 = tpu.memref_slice %arg3[%add3A_1124, %dma_wait3A_1172] : memref<8192x1024xf32, #tpu.memory_space<hbm>> -> memref<8x1024xf32, #tpu.memory_space<hbm>>
    tpu.wait_dma2 semaphore(%arg10 : memref<!tpu.dma_semaphore, #tpu.memory_space<semaphore_mem>>) src(%dma_wait3A_1173 : memref<8x1024xf32, #tpu.memory_space<hbm>>) dst(%arg5 : memref<8x1024xf32, #tpu.memory_space<vmem>>)
    %dma_wait3A_1174 = arith.constant 0 : i32
    %dma_wait3A_1175 = arith.constant 0 : i32
    %dma_wait3A_1176 = tpu.memref_slice %arg2[%dma_wait3A_1174, %add3A_1105, %dma_wait3A_1175] : memref<4x8192x1024xf32, #tpu.memory_space<hbm>> -> memref<4x8x1024xf32, #tpu.memory_space<hbm>>
    %dma_wait3A_1177 = arith.constant 0 : i32
    %dma_wait3A_1178 = arith.constant 0 : i32
    %dma_wait3A_1179 = tpu.memref_slice %arg2[%dma_wait3A_1177, %add3A_1105, %dma_wait3A_1178] : memref<4x8192x1024xf32, #tpu.memory_space<hbm>> -> memref<4x8x1024xf32, #tpu.memory_space<hbm>>
    tpu.wait_dma2 semaphore(%arg13 : memref<!tpu.dma_semaphore, #tpu.memory_space<semaphore_mem>>) src(%dma_wait3A_1179 : memref<4x8x1024xf32, #tpu.memory_space<hbm>>) dst(%arg8 : memref<4x8x1024xf32, #tpu.memory_space<vmem>>)
    %dma_wait3A_1180 = arith.constant 0 : i32
    %dma_wait3A_1181 = arith.constant 0 : i32
    %dma_wait3A_1182 = tpu.memref_slice %arg4[%dma_wait3A_1180, %add3A_1157, %dma_wait3A_1181] : memref<4x8192x1024xf32, #tpu.memory_space<hbm>> -> memref<4x8x1024xf32, #tpu.memory_space<hbm>>
    %dma_wait3A_1183 = arith.constant 0 : i32
    %dma_wait3A_1184 = arith.constant 0 : i32
    %dma_wait3A_1185 = tpu.memref_slice %arg4[%dma_wait3A_1183, %add3A_1157, %dma_wait3A_1184] : memref<4x8192x1024xf32, #tpu.memory_space<hbm>> -> memref<4x8x1024xf32, #tpu.memory_space<hbm>>
    tpu.wait_dma2 semaphore(%arg15 : memref<!tpu.dma_semaphore, #tpu.memory_space<semaphore_mem>>) src(%arg7 : memref<4x8x1024xf32, #tpu.memory_space<vmem>>) dst(%dma_wait3A_1185 : memref<4x8x1024xf32, #tpu.memory_space<hbm>>)
    %add3A_1186 = arith.constant 240 : i32
    %add3A_1187 = arith.addi %mul3A_2, %add3A_1186 : i32
    %dma_start3A_1188 = arith.constant 0 : i32
    %dma_start3A_1189 = arith.constant 0 : i32
    %dma_start3A_1190 = tpu.memref_slice %arg2[%dma_start3A_1188, %add3A_1187, %dma_start3A_1189] : memref<4x8192x1024xf32, #tpu.memory_space<hbm>> -> memref<4x8x1024xf32, #tpu.memory_space<hbm>>
    %dma_start3A_1191 = arith.constant 0 : i32
    %dma_start3A_1192 = arith.constant 0 : i32
    %dma_start3A_1193 = tpu.memref_slice %arg2[%dma_start3A_1191, %add3A_1187, %dma_start3A_1192] : memref<4x8192x1024xf32, #tpu.memory_space<hbm>> -> memref<4x8x1024xf32, #tpu.memory_space<hbm>>
    tpu.enqueue_dma source(%dma_start3A_1193 : memref<4x8x1024xf32, #tpu.memory_space<hbm>>) target(%arg7 : memref<4x8x1024xf32, #tpu.memory_space<vmem>>) target_semaphore(%arg12 : memref<!tpu.dma_semaphore, #tpu.memory_space<semaphore_mem>>)
    %parallel_loop3A_1194 = arith.constant 0 : i32
    %parallel_loop3A_1195 = arith.constant 4 : i32
    %parallel_loop3A_1196 = arith.constant 1 : i32
    scf.for %parallel_loop3A_1312 = %parallel_loop3A_1194 to %parallel_loop3A_1195 step %parallel_loop3A_1196  : i32 {
      %parallel_loop3A_1313 = arith.constant 0 : i32
      %parallel_loop3A_1314 = arith.constant 8 : i32
      %parallel_loop3A_1315 = arith.constant 1 : i32
      scf.for %parallel_loop3A_1316 = %parallel_loop3A_1313 to %parallel_loop3A_1314 step %parallel_loop3A_1315  : i32 {
        %parallel_loop3A_1317 = arith.constant 0 : i32
        %parallel_loop3A_1318 = arith.constant 1024 : i32
        %parallel_loop3A_1319 = arith.constant 16 : i32
        scf.for %parallel_loop3A_1320 = %parallel_loop3A_1317 to %parallel_loop3A_1318 step %parallel_loop3A_1319  : i32 {
          %parallel_loop3A_1321 = arith.index_cast %parallel_loop3A_1316 : i32 to index
          %parallel_loop3A_1322 = arith.index_cast %parallel_loop3A_1320 : i32 to index
          %parallel_loop3A_1323 = tpu.vector_load %arg5[%parallel_loop3A_1321, %parallel_loop3A_1322] {strides = array<i32>} : memref<8x1024xf32, #tpu.memory_space<vmem>>, vector<1x16xf32>,
          %parallel_loop3A_1324 = vector.shape_cast %parallel_loop3A_1323 : vector<1x16xf32> to vector<16xf32>
          %parallel_loop3A_1325 = arith.index_cast %parallel_loop3A_1312 : i32 to index
          %parallel_loop3A_1326 = arith.index_cast %parallel_loop3A_1316 : i32 to index
          %parallel_loop3A_1327 = arith.index_cast %parallel_loop3A_1320 : i32 to index
          %parallel_loop3A_1328 = tpu.vector_load %arg8[%parallel_loop3A_1325, %parallel_loop3A_1326, %parallel_loop3A_1327] {strides = array<i32>} : memref<4x8x1024xf32, #tpu.memory_space<vmem>>, vector<1x1x16xf32>,
          %parallel_loop3A_1329 = vector.shape_cast %parallel_loop3A_1328 : vector<1x1x16xf32> to vector<16xf32>
          %parallel_loop3A_1330 = vector.shape_cast %parallel_loop3A_1324 : vector<16xf32> to vector<1x1x16xf32>
          tpu.vector_store %arg8[%parallel_loop3A_1325, %parallel_loop3A_1326, %parallel_loop3A_1327], %parallel_loop3A_1330 {add = true, strides = array<i32>} : memref<4x8x1024xf32, #tpu.memory_space<vmem>>, vector<1x1x16xf32>,
        } {sc.loop_unroll_factor = 8 : i64, sc.parallel_access}
      } {sc.loop_unroll_factor = 1 : i64, sc.parallel_access}
    } {sc.loop_unroll_factor = 1 : i64, sc.parallel_access}
    %add3A_1197 = arith.constant 224 : i32
    %add3A_1198 = arith.addi %mul3A_2, %add3A_1197 : i32
    %dma_start3A_1199 = arith.constant 0 : i32
    %dma_start3A_1200 = arith.constant 0 : i32
    %dma_start3A_1201 = tpu.memref_slice %arg4[%dma_start3A_1199, %add3A_1198, %dma_start3A_1200] : memref<4x8192x1024xf32, #tpu.memory_space<hbm>> -> memref<4x8x1024xf32, #tpu.memory_space<hbm>>
    %dma_start3A_1202 = arith.constant 0 : i32
    %dma_start3A_1203 = arith.constant 0 : i32
    %dma_start3A_1204 = tpu.memref_slice %arg4[%dma_start3A_1202, %add3A_1198, %dma_start3A_1203] : memref<4x8192x1024xf32, #tpu.memory_space<hbm>> -> memref<4x8x1024xf32, #tpu.memory_space<hbm>>
    tpu.enqueue_dma source(%arg8 : memref<4x8x1024xf32, #tpu.memory_space<vmem>>) target(%dma_start3A_1204 : memref<4x8x1024xf32, #tpu.memory_space<hbm>>) target_semaphore(%arg16 : memref<!tpu.dma_semaphore, #tpu.memory_space<semaphore_mem>>)
    %add3A_1205 = arith.constant 240 : i32
    %add3A_1206 = arith.addi %mul3A_2, %add3A_1205 : i32
    %dma_start3A_1207 = arith.constant 0 : i32
    %dma_start3A_1208 = tpu.memref_slice %arg3[%add3A_1206, %dma_start3A_1207] : memref<8192x1024xf32, #tpu.memory_space<hbm>> -> memref<8x1024xf32, #tpu.memory_space<hbm>>
    %dma_start3A_1209 = arith.constant 0 : i32
    %dma_start3A_1210 = tpu.memref_slice %arg3[%add3A_1206, %dma_start3A_1209] : memref<8192x1024xf32, #tpu.memory_space<hbm>> -> memref<8x1024xf32, #tpu.memory_space<hbm>>
    tpu.enqueue_dma source(%dma_start3A_1210 : memref<8x1024xf32, #tpu.memory_space<hbm>>) target(%arg5 : memref<8x1024xf32, #tpu.memory_space<vmem>>) target_semaphore(%arg10 : memref<!tpu.dma_semaphore, #tpu.memory_space<semaphore_mem>>)
    %dma_wait3A_1211 = arith.constant 0 : i32
    %dma_wait3A_1212 = tpu.memref_slice %arg3[%add3A_1165, %dma_wait3A_1211] : memref<8192x1024xf32, #tpu.memory_space<hbm>> -> memref<8x1024xf32, #tpu.memory_space<hbm>>
    %dma_wait3A_1213 = arith.constant 0 : i32
    %dma_wait3A_1214 = tpu.memref_slice %arg3[%add3A_1165, %dma_wait3A_1213] : memref<8192x1024xf32, #tpu.memory_space<hbm>> -> memref<8x1024xf32, #tpu.memory_space<hbm>>
    tpu.wait_dma2 semaphore(%arg11 : memref<!tpu.dma_semaphore, #tpu.memory_space<semaphore_mem>>) src(%dma_wait3A_1214 : memref<8x1024xf32, #tpu.memory_space<hbm>>) dst(%arg6 : memref<8x1024xf32, #tpu.memory_space<vmem>>)
    %dma_wait3A_1215 = arith.constant 0 : i32
    %dma_wait3A_1216 = arith.constant 0 : i32
    %dma_wait3A_1217 = tpu.memref_slice %arg2[%dma_wait3A_1215, %add3A_1146, %dma_wait3A_1216] : memref<4x8192x1024xf32, #tpu.memory_space<hbm>> -> memref<4x8x1024xf32, #tpu.memory_space<hbm>>
    %dma_wait3A_1218 = arith.constant 0 : i32
    %dma_wait3A_1219 = arith.constant 0 : i32
    %dma_wait3A_1220 = tpu.memref_slice %arg2[%dma_wait3A_1218, %add3A_1146, %dma_wait3A_1219] : memref<4x8192x1024xf32, #tpu.memory_space<hbm>> -> memref<4x8x1024xf32, #tpu.memory_space<hbm>>
    tpu.wait_dma2 semaphore(%arg14 : memref<!tpu.dma_semaphore, #tpu.memory_space<semaphore_mem>>) src(%dma_wait3A_1220 : memref<4x8x1024xf32, #tpu.memory_space<hbm>>) dst(%arg9 : memref<4x8x1024xf32, #tpu.memory_space<vmem>>)
    %dma_wait3A_1221 = arith.constant 0 : i32
    %dma_wait3A_1222 = arith.constant 0 : i32
    %dma_wait3A_1223 = tpu.memref_slice %arg4[%dma_wait3A_1221, %add3A_1198, %dma_wait3A_1222] : memref<4x8192x1024xf32, #tpu.memory_space<hbm>> -> memref<4x8x1024xf32, #tpu.memory_space<hbm>>
    %dma_wait3A_1224 = arith.constant 0 : i32
    %dma_wait3A_1225 = arith.constant 0 : i32
    %dma_wait3A_1226 = tpu.memref_slice %arg4[%dma_wait3A_1224, %add3A_1198, %dma_wait3A_1225] : memref<4x8192x1024xf32, #tpu.memory_space<hbm>> -> memref<4x8x1024xf32, #tpu.memory_space<hbm>>
    tpu.wait_dma2 semaphore(%arg16 : memref<!tpu.dma_semaphore, #tpu.memory_space<semaphore_mem>>) src(%arg8 : memref<4x8x1024xf32, #tpu.memory_space<vmem>>) dst(%dma_wait3A_1226 : memref<4x8x1024xf32, #tpu.memory_space<hbm>>)
    %add3A_1227 = arith.constant 248 : i32
    %add3A_1228 = arith.addi %mul3A_2, %add3A_1227 : i32
    %dma_start3A_1229 = arith.constant 0 : i32
    %dma_start3A_1230 = arith.constant 0 : i32
    %dma_start3A_1231 = tpu.memref_slice %arg2[%dma_start3A_1229, %add3A_1228, %dma_start3A_1230] : memref<4x8192x1024xf32, #tpu.memory_space<hbm>> -> memref<4x8x1024xf32, #tpu.memory_space<hbm>>
    %dma_start3A_1232 = arith.constant 0 : i32
    %dma_start3A_1233 = arith.constant 0 : i32
    %dma_start3A_1234 = tpu.memref_slice %arg2[%dma_start3A_1232, %add3A_1228, %dma_start3A_1233] : memref<4x8192x1024xf32, #tpu.memory_space<hbm>> -> memref<4x8x1024xf32, #tpu.memory_space<hbm>>
    tpu.enqueue_dma source(%dma_start3A_1234 : memref<4x8x1024xf32, #tpu.memory_space<hbm>>) target(%arg8 : memref<4x8x1024xf32, #tpu.memory_space<vmem>>) target_semaphore(%arg13 : memref<!tpu.dma_semaphore, #tpu.memory_space<semaphore_mem>>)
    %parallel_loop3A_1235 = arith.constant 0 : i32
    %parallel_loop3A_1236 = arith.constant 4 : i32
    %parallel_loop3A_1237 = arith.constant 1 : i32
    scf.for %parallel_loop3A_1312 = %parallel_loop3A_1235 to %parallel_loop3A_1236 step %parallel_loop3A_1237  : i32 {
      %parallel_loop3A_1313 = arith.constant 0 : i32
      %parallel_loop3A_1314 = arith.constant 8 : i32
      %parallel_loop3A_1315 = arith.constant 1 : i32
      scf.for %parallel_loop3A_1316 = %parallel_loop3A_1313 to %parallel_loop3A_1314 step %parallel_loop3A_1315  : i32 {
        %parallel_loop3A_1317 = arith.constant 0 : i32
        %parallel_loop3A_1318 = arith.constant 1024 : i32
        %parallel_loop3A_1319 = arith.constant 16 : i32
        scf.for %parallel_loop3A_1320 = %parallel_loop3A_1317 to %parallel_loop3A_1318 step %parallel_loop3A_1319  : i32 {
          %parallel_loop3A_1321 = arith.index_cast %parallel_loop3A_1316 : i32 to index
          %parallel_loop3A_1322 = arith.index_cast %parallel_loop3A_1320 : i32 to index
          %parallel_loop3A_1323 = tpu.vector_load %arg6[%parallel_loop3A_1321, %parallel_loop3A_1322] {strides = array<i32>} : memref<8x1024xf32, #tpu.memory_space<vmem>>, vector<1x16xf32>,
          %parallel_loop3A_1324 = vector.shape_cast %parallel_loop3A_1323 : vector<1x16xf32> to vector<16xf32>
          %parallel_loop3A_1325 = arith.index_cast %parallel_loop3A_1312 : i32 to index
          %parallel_loop3A_1326 = arith.index_cast %parallel_loop3A_1316 : i32 to index
          %parallel_loop3A_1327 = arith.index_cast %parallel_loop3A_1320 : i32 to index
          %parallel_loop3A_1328 = tpu.vector_load %arg9[%parallel_loop3A_1325, %parallel_loop3A_1326, %parallel_loop3A_1327] {strides = array<i32>} : memref<4x8x1024xf32, #tpu.memory_space<vmem>>, vector<1x1x16xf32>,
          %parallel_loop3A_1329 = vector.shape_cast %parallel_loop3A_1328 : vector<1x1x16xf32> to vector<16xf32>
          %parallel_loop3A_1330 = vector.shape_cast %parallel_loop3A_1324 : vector<16xf32> to vector<1x1x16xf32>
          tpu.vector_store %arg9[%parallel_loop3A_1325, %parallel_loop3A_1326, %parallel_loop3A_1327], %parallel_loop3A_1330 {add = true, strides = array<i32>} : memref<4x8x1024xf32, #tpu.memory_space<vmem>>, vector<1x1x16xf32>,
        } {sc.loop_unroll_factor = 8 : i64, sc.parallel_access}
      } {sc.loop_unroll_factor = 1 : i64, sc.parallel_access}
    } {sc.loop_unroll_factor = 1 : i64, sc.parallel_access}
    %add3A_1238 = arith.constant 232 : i32
    %add3A_1239 = arith.addi %mul3A_2, %add3A_1238 : i32
    %dma_start3A_1240 = arith.constant 0 : i32
    %dma_start3A_1241 = arith.constant 0 : i32
    %dma_start3A_1242 = tpu.memref_slice %arg4[%dma_start3A_1240, %add3A_1239, %dma_start3A_1241] : memref<4x8192x1024xf32, #tpu.memory_space<hbm>> -> memref<4x8x1024xf32, #tpu.memory_space<hbm>>
    %dma_start3A_1243 = arith.constant 0 : i32
    %dma_start3A_1244 = arith.constant 0 : i32
    %dma_start3A_1245 = tpu.memref_slice %arg4[%dma_start3A_1243, %add3A_1239, %dma_start3A_1244] : memref<4x8192x1024xf32, #tpu.memory_space<hbm>> -> memref<4x8x1024xf32, #tpu.memory_space<hbm>>
    tpu.enqueue_dma source(%arg9 : memref<4x8x1024xf32, #tpu.memory_space<vmem>>) target(%dma_start3A_1245 : memref<4x8x1024xf32, #tpu.memory_space<hbm>>) target_semaphore(%arg17 : memref<!tpu.dma_semaphore, #tpu.memory_space<semaphore_mem>>)
    %add3A_1246 = arith.constant 248 : i32
    %add3A_1247 = arith.addi %mul3A_2, %add3A_1246 : i32
    %dma_start3A_1248 = arith.constant 0 : i32
    %dma_start3A_1249 = tpu.memref_slice %arg3[%add3A_1247, %dma_start3A_1248] : memref<8192x1024xf32, #tpu.memory_space<hbm>> -> memref<8x1024xf32, #tpu.memory_space<hbm>>
    %dma_start3A_1250 = arith.constant 0 : i32
    %dma_start3A_1251 = tpu.memref_slice %arg3[%add3A_1247, %dma_start3A_1250] : memref<8192x1024xf32, #tpu.memory_space<hbm>> -> memref<8x1024xf32, #tpu.memory_space<hbm>>
    tpu.enqueue_dma source(%dma_start3A_1251 : memref<8x1024xf32, #tpu.memory_space<hbm>>) target(%arg6 : memref<8x1024xf32, #tpu.memory_space<vmem>>) target_semaphore(%arg11 : memref<!tpu.dma_semaphore, #tpu.memory_space<semaphore_mem>>)
    %dma_wait3A_1252 = arith.constant 0 : i32
    %dma_wait3A_1253 = tpu.memref_slice %arg3[%add3A_1206, %dma_wait3A_1252] : memref<8192x1024xf32, #tpu.memory_space<hbm>> -> memref<8x1024xf32, #tpu.memory_space<hbm>>
    %dma_wait3A_1254 = arith.constant 0 : i32
    %dma_wait3A_1255 = tpu.memref_slice %arg3[%add3A_1206, %dma_wait3A_1254] : memref<8192x1024xf32, #tpu.memory_space<hbm>> -> memref<8x1024xf32, #tpu.memory_space<hbm>>
    tpu.wait_dma2 semaphore(%arg10 : memref<!tpu.dma_semaphore, #tpu.memory_space<semaphore_mem>>) src(%dma_wait3A_1255 : memref<8x1024xf32, #tpu.memory_space<hbm>>) dst(%arg5 : memref<8x1024xf32, #tpu.memory_space<vmem>>)
    %dma_wait3A_1256 = arith.constant 0 : i32
    %dma_wait3A_1257 = arith.constant 0 : i32
    %dma_wait3A_1258 = tpu.memref_slice %arg2[%dma_wait3A_1256, %add3A_1187, %dma_wait3A_1257] : memref<4x8192x1024xf32, #tpu.memory_space<hbm>> -> memref<4x8x1024xf32, #tpu.memory_space<hbm>>
    %dma_wait3A_1259 = arith.constant 0 : i32
    %dma_wait3A_1260 = arith.constant 0 : i32
    %dma_wait3A_1261 = tpu.memref_slice %arg2[%dma_wait3A_1259, %add3A_1187, %dma_wait3A_1260] : memref<4x8192x1024xf32, #tpu.memory_space<hbm>> -> memref<4x8x1024xf32, #tpu.memory_space<hbm>>
    tpu.wait_dma2 semaphore(%arg12 : memref<!tpu.dma_semaphore, #tpu.memory_space<semaphore_mem>>) src(%dma_wait3A_1261 : memref<4x8x1024xf32, #tpu.memory_space<hbm>>) dst(%arg7 : memref<4x8x1024xf32, #tpu.memory_space<vmem>>)
    %parallel_loop3A_1262 = arith.constant 0 : i32
    %parallel_loop3A_1263 = arith.constant 4 : i32
    %parallel_loop3A_1264 = arith.constant 1 : i32
    scf.for %parallel_loop3A_1312 = %parallel_loop3A_1262 to %parallel_loop3A_1263 step %parallel_loop3A_1264  : i32 {
      %parallel_loop3A_1313 = arith.constant 0 : i32
      %parallel_loop3A_1314 = arith.constant 8 : i32
      %parallel_loop3A_1315 = arith.constant 1 : i32
      scf.for %parallel_loop3A_1316 = %parallel_loop3A_1313 to %parallel_loop3A_1314 step %parallel_loop3A_1315  : i32 {
        %parallel_loop3A_1317 = arith.constant 0 : i32
        %parallel_loop3A_1318 = arith.constant 1024 : i32
        %parallel_loop3A_1319 = arith.constant 16 : i32
        scf.for %parallel_loop3A_1320 = %parallel_loop3A_1317 to %parallel_loop3A_1318 step %parallel_loop3A_1319  : i32 {
          %parallel_loop3A_1321 = arith.index_cast %parallel_loop3A_1316 : i32 to index
          %parallel_loop3A_1322 = arith.index_cast %parallel_loop3A_1320 : i32 to index
          %parallel_loop3A_1323 = tpu.vector_load %arg5[%parallel_loop3A_1321, %parallel_loop3A_1322] {strides = array<i32>} : memref<8x1024xf32, #tpu.memory_space<vmem>>, vector<1x16xf32>,
          %parallel_loop3A_1324 = vector.shape_cast %parallel_loop3A_1323 : vector<1x16xf32> to vector<16xf32>
          %parallel_loop3A_1325 = arith.index_cast %parallel_loop3A_1312 : i32 to index
          %parallel_loop3A_1326 = arith.index_cast %parallel_loop3A_1316 : i32 to index
          %parallel_loop3A_1327 = arith.index_cast %parallel_loop3A_1320 : i32 to index
          %parallel_loop3A_1328 = tpu.vector_load %arg7[%parallel_loop3A_1325, %parallel_loop3A_1326, %parallel_loop3A_1327] {strides = array<i32>} : memref<4x8x1024xf32, #tpu.memory_space<vmem>>, vector<1x1x16xf32>,
          %parallel_loop3A_1329 = vector.shape_cast %parallel_loop3A_1328 : vector<1x1x16xf32> to vector<16xf32>
          %parallel_loop3A_1330 = vector.shape_cast %parallel_loop3A_1324 : vector<16xf32> to vector<1x1x16xf32>
          tpu.vector_store %arg7[%parallel_loop3A_1325, %parallel_loop3A_1326, %parallel_loop3A_1327], %parallel_loop3A_1330 {add = true, strides = array<i32>} : memref<4x8x1024xf32, #tpu.memory_space<vmem>>, vector<1x1x16xf32>,
        } {sc.loop_unroll_factor = 8 : i64, sc.parallel_access}
      } {sc.loop_unroll_factor = 1 : i64, sc.parallel_access}
    } {sc.loop_unroll_factor = 1 : i64, sc.parallel_access}
    %add3A_1265 = arith.constant 240 : i32
    %add3A_1266 = arith.addi %mul3A_2, %add3A_1265 : i32
    %dma_start3A_1267 = arith.constant 0 : i32
    %dma_start3A_1268 = arith.constant 0 : i32
    %dma_start3A_1269 = tpu.memref_slice %arg4[%dma_start3A_1267, %add3A_1266, %dma_start3A_1268] : memref<4x8192x1024xf32, #tpu.memory_space<hbm>> -> memref<4x8x1024xf32, #tpu.memory_space<hbm>>
    %dma_start3A_1270 = arith.constant 0 : i32
    %dma_start3A_1271 = arith.constant 0 : i32
    %dma_start3A_1272 = tpu.memref_slice %arg4[%dma_start3A_1270, %add3A_1266, %dma_start3A_1271] : memref<4x8192x1024xf32, #tpu.memory_space<hbm>> -> memref<4x8x1024xf32, #tpu.memory_space<hbm>>
    tpu.enqueue_dma source(%arg7 : memref<4x8x1024xf32, #tpu.memory_space<vmem>>) target(%dma_start3A_1272 : memref<4x8x1024xf32, #tpu.memory_space<hbm>>) target_semaphore(%arg15 : memref<!tpu.dma_semaphore, #tpu.memory_space<semaphore_mem>>)
    %dma_wait3A_1273 = arith.constant 0 : i32
    %dma_wait3A_1274 = tpu.memref_slice %arg3[%add3A_1247, %dma_wait3A_1273] : memref<8192x1024xf32, #tpu.memory_space<hbm>> -> memref<8x1024xf32, #tpu.memory_space<hbm>>
    %dma_wait3A_1275 = arith.constant 0 : i32
    %dma_wait3A_1276 = tpu.memref_slice %arg3[%add3A_1247, %dma_wait3A_1275] : memref<8192x1024xf32, #tpu.memory_space<hbm>> -> memref<8x1024xf32, #tpu.memory_space<hbm>>
    tpu.wait_dma2 semaphore(%arg11 : memref<!tpu.dma_semaphore, #tpu.memory_space<semaphore_mem>>) src(%dma_wait3A_1276 : memref<8x1024xf32, #tpu.memory_space<hbm>>) dst(%arg6 : memref<8x1024xf32, #tpu.memory_space<vmem>>)
    %dma_wait3A_1277 = arith.constant 0 : i32
    %dma_wait3A_1278 = arith.constant 0 : i32
    %dma_wait3A_1279 = tpu.memref_slice %arg2[%dma_wait3A_1277, %add3A_1228, %dma_wait3A_1278] : memref<4x8192x1024xf32, #tpu.memory_space<hbm>> -> memref<4x8x1024xf32, #tpu.memory_space<hbm>>
    %dma_wait3A_1280 = arith.constant 0 : i32
    %dma_wait3A_1281 = arith.constant 0 : i32
    %dma_wait3A_1282 = tpu.memref_slice %arg2[%dma_wait3A_1280, %add3A_1228, %dma_wait3A_1281] : memref<4x8192x1024xf32, #tpu.memory_space<hbm>> -> memref<4x8x1024xf32, #tpu.memory_space<hbm>>
    tpu.wait_dma2 semaphore(%arg13 : memref<!tpu.dma_semaphore, #tpu.memory_space<semaphore_mem>>) src(%dma_wait3A_1282 : memref<4x8x1024xf32, #tpu.memory_space<hbm>>) dst(%arg8 : memref<4x8x1024xf32, #tpu.memory_space<vmem>>)
    %parallel_loop3A_1283 = arith.constant 0 : i32
    %parallel_loop3A_1284 = arith.constant 4 : i32
    %parallel_loop3A_1285 = arith.constant 1 : i32
    scf.for %parallel_loop3A_1312 = %parallel_loop3A_1283 to %parallel_loop3A_1284 step %parallel_loop3A_1285  : i32 {
      %parallel_loop3A_1313 = arith.constant 0 : i32
      %parallel_loop3A_1314 = arith.constant 8 : i32
      %parallel_loop3A_1315 = arith.constant 1 : i32
      scf.for %parallel_loop3A_1316 = %parallel_loop3A_1313 to %parallel_loop3A_1314 step %parallel_loop3A_1315  : i32 {
        %parallel_loop3A_1317 = arith.constant 0 : i32
        %parallel_loop3A_1318 = arith.constant 1024 : i32
        %parallel_loop3A_1319 = arith.constant 16 : i32
        scf.for %parallel_loop3A_1320 = %parallel_loop3A_1317 to %parallel_loop3A_1318 step %parallel_loop3A_1319  : i32 {
          %parallel_loop3A_1321 = arith.index_cast %parallel_loop3A_1316 : i32 to index
          %parallel_loop3A_1322 = arith.index_cast %parallel_loop3A_1320 : i32 to index
          %parallel_loop3A_1323 = tpu.vector_load %arg6[%parallel_loop3A_1321, %parallel_loop3A_1322] {strides = array<i32>} : memref<8x1024xf32, #tpu.memory_space<vmem>>, vector<1x16xf32>,
          %parallel_loop3A_1324 = vector.shape_cast %parallel_loop3A_1323 : vector<1x16xf32> to vector<16xf32>
          %parallel_loop3A_1325 = arith.index_cast %parallel_loop3A_1312 : i32 to index
          %parallel_loop3A_1326 = arith.index_cast %parallel_loop3A_1316 : i32 to index
          %parallel_loop3A_1327 = arith.index_cast %parallel_loop3A_1320 : i32 to index
          %parallel_loop3A_1328 = tpu.vector_load %arg8[%parallel_loop3A_1325, %parallel_loop3A_1326, %parallel_loop3A_1327] {strides = array<i32>} : memref<4x8x1024xf32, #tpu.memory_space<vmem>>, vector<1x1x16xf32>,
          %parallel_loop3A_1329 = vector.shape_cast %parallel_loop3A_1328 : vector<1x1x16xf32> to vector<16xf32>
          %parallel_loop3A_1330 = vector.shape_cast %parallel_loop3A_1324 : vector<16xf32> to vector<1x1x16xf32>
          tpu.vector_store %arg8[%parallel_loop3A_1325, %parallel_loop3A_1326, %parallel_loop3A_1327], %parallel_loop3A_1330 {add = true, strides = array<i32>} : memref<4x8x1024xf32, #tpu.memory_space<vmem>>, vector<1x1x16xf32>,
        } {sc.loop_unroll_factor = 8 : i64, sc.parallel_access}
      } {sc.loop_unroll_factor = 1 : i64, sc.parallel_access}
    } {sc.loop_unroll_factor = 1 : i64, sc.parallel_access}
    %add3A_1286 = arith.constant 248 : i32
    %add3A_1287 = arith.addi %mul3A_2, %add3A_1286 : i32
    %dma_start3A_1288 = arith.constant 0 : i32
    %dma_start3A_1289 = arith.constant 0 : i32
    %dma_start3A_1290 = tpu.memref_slice %arg4[%dma_start3A_1288, %add3A_1287, %dma_start3A_1289] : memref<4x8192x1024xf32, #tpu.memory_space<hbm>> -> memref<4x8x1024xf32, #tpu.memory_space<hbm>>
    %dma_start3A_1291 = arith.constant 0 : i32
    %dma_start3A_1292 = arith.constant 0 : i32
    %dma_start3A_1293 = tpu.memref_slice %arg4[%dma_start3A_1291, %add3A_1287, %dma_start3A_1292] : memref<4x8192x1024xf32, #tpu.memory_space<hbm>> -> memref<4x8x1024xf32, #tpu.memory_space<hbm>>
    tpu.enqueue_dma source(%arg8 : memref<4x8x1024xf32, #tpu.memory_space<vmem>>) target(%dma_start3A_1293 : memref<4x8x1024xf32, #tpu.memory_space<hbm>>) target_semaphore(%arg16 : memref<!tpu.dma_semaphore, #tpu.memory_space<semaphore_mem>>)
    %dma_wait3A_1294 = arith.constant 0 : i32
    %dma_wait3A_1295 = arith.constant 0 : i32
    %dma_wait3A_1296 = tpu.memref_slice %arg4[%dma_wait3A_1294, %add3A_1239, %dma_wait3A_1295] : memref<4x8192x1024xf32, #tpu.memory_space<hbm>> -> memref<4x8x1024xf32, #tpu.memory_space<hbm>>
    %dma_wait3A_1297 = arith.constant 0 : i32
    %dma_wait3A_1298 = arith.constant 0 : i32
    %dma_wait3A_1299 = tpu.memref_slice %arg4[%dma_wait3A_1297, %add3A_1239, %dma_wait3A_1298] : memref<4x8192x1024xf32, #tpu.memory_space<hbm>> -> memref<4x8x1024xf32, #tpu.memory_space<hbm>>
    tpu.wait_dma2 semaphore(%arg17 : memref<!tpu.dma_semaphore, #tpu.memory_space<semaphore_mem>>) src(%arg9 : memref<4x8x1024xf32, #tpu.memory_space<vmem>>) dst(%dma_wait3A_1299 : memref<4x8x1024xf32, #tpu.memory_space<hbm>>)
    %dma_wait3A_1300 = arith.constant 0 : i32
    %dma_wait3A_1301 = arith.constant 0 : i32
    %dma_wait3A_1302 = tpu.memref_slice %arg4[%dma_wait3A_1300, %add3A_1266, %dma_wait3A_1301] : memref<4x8192x1024xf32, #tpu.memory_space<hbm>> -> memref<4x8x1024xf32, #tpu.memory_space<hbm>>
    %dma_wait3A_1303 = arith.constant 0 : i32
    %dma_wait3A_1304 = arith.constant 0 : i32
    %dma_wait3A_1305 = tpu.memref_slice %arg4[%dma_wait3A_1303, %add3A_1266, %dma_wait3A_1304] : memref<4x8192x1024xf32, #tpu.memory_space<hbm>> -> memref<4x8x1024xf32, #tpu.memory_space<hbm>>
    tpu.wait_dma2 semaphore(%arg15 : memref<!tpu.dma_semaphore, #tpu.memory_space<semaphore_mem>>) src(%arg7 : memref<4x8x1024xf32, #tpu.memory_space<vmem>>) dst(%dma_wait3A_1305 : memref<4x8x1024xf32, #tpu.memory_space<hbm>>)
    %dma_wait3A_1306 = arith.constant 0 : i32
    %dma_wait3A_1307 = arith.constant 0 : i32
    %dma_wait3A_1308 = tpu.memref_slice %arg4[%dma_wait3A_1306, %add3A_1287, %dma_wait3A_1307] : memref<4x8192x1024xf32, #tpu.memory_space<hbm>> -> memref<4x8x1024xf32, #tpu.memory_space<hbm>>
    %dma_wait3A_1309 = arith.constant 0 : i32
    %dma_wait3A_1310 = arith.constant 0 : i32
    %dma_wait3A_1311 = tpu.memref_slice %arg4[%dma_wait3A_1309, %add3A_1287, %dma_wait3A_1310] : memref<4x8192x1024xf32, #tpu.memory_space<hbm>> -> memref<4x8x1024xf32, #tpu.memory_space<hbm>>
    tpu.wait_dma2 semaphore(%arg16 : memref<!tpu.dma_semaphore, #tpu.memory_space<semaphore_mem>>) src(%arg8 : memref<4x8x1024xf32, #tpu.memory_space<vmem>>) dst(%dma_wait3A_1311 : memref<4x8x1024xf32, #tpu.memory_space<hbm>>)
    return
  }
}

</mosaic_0001>

<sc_bundles>
// kernel: kernel.3.cloned.1.call-start
scs
__scs_entry_jumppad:
0x0: {  	(pc) =	sbr.rel $0x88, $3  }
0x1: {  	(tag) =	ssettag $0x0;
	lr =	simm.s32 $0x1  }
0x2: {  	[smem:$0x3F9F] =	sst lr;
	_ =	strace $0xD0000000  }
0x3: {  	_ = 	snop  }
0x4: {  	_ = 	snop  }
0x5: {  	_ = 	snop  }
0x6: {  	_ = 	snop  }
0x7: {  	_ = 	snop  }
__scs_overlays_trampoline_lowered:
0x8: {  	[smem:$0x3FAE] =	sst s0  }
0x9: {  	[smem:$0x3FAF] =	sst s1  }
0xa: {  	[smem:$0x3FB0] =	sst s2  }
0xb: {  	[smem:$0x3FB1] =	sst s3  }
0xc: {  	[smem:$0x3FB2] =	sst s4  }
0xd: {  	[smem:$0x3FB3] =	sst s5  }
0xe: {  	[smem:$0x3FB4] =	sst s6  }
0xf: {  	[smem:$0x3FB5] =	sst s7  }
0x10: {  	[smem:$0x3FB6] =	sst s8  }
0x11: {  	[smem:$0x3FB7] =	sst s9;
	s0 =	simm.s32 @!p0 $0x0  }
0x12: {  	s1 =	sld [smem:$0x3F9D];
	s0 =	simm.s32 @p0 $0x1  }
0x13: {  	[smem:$0x3FB8] =	sst s0;
	s0 =	simm.s32 @!p1 $0x0  }
0x14: {  	s2 =	sld [smem:$0x3F9C];
	s0 =	simm.s32 @p1 $0x1  }
0x15: {  	[smem:$0x3FB9] =	sst s0;
	s0 =	simm.s32 @!p2 $0x0  }
0x16: {  	s3 =	sld [smem:$0x3FDB];
	s0 =	simm.s32 @p2 $0x1  }
0x17: {  	s4 =	simm.s32 $0x1BF5;
	[smem:$0x3FBB] =	sst s0  }
0x18: {  	s0 =	sld [smem:$0x3F9E];
	_ =	swait.ge [sflag:s4], $0x0  }
0x19: {  	s7 =	sld [smem:$0x3F9F]  }
0x1a: {  	s8 =	sadd.s32 $0xFFFFE003, lr  }
0x1b: {  	s9 =	sadd.s32 $0xFFFFFEF7, lr;
	s5 =	simm.s32 $0xFFFFFFFF;
	p2 =	slt.u32 s8, $0xFFFFF086  }
0x1c: {  	p1 =	slt.u32 s9, $0xF7A;
	s5 =	simm.s32 @!p2 $0x0  }
0x1d: {  	s5 =	simm.s32 @p1 $0x1;
	p0 =	seq.s32 s7, s2  }
0x1e: {  	s7 =	smul.u32 @!p0 $0xF7A, s2;
	p2 =	seq.s32 @!p0 s5, $0x0  }
0x1f: {  	s9 =	smul.u32 $0xF7A, s1;
	s8 =	simm.s32 @!p0 $0x1BF5;
	p2 =	por !p2, p0  }
0x20: {  	[sflag:s8] =	ssyncset.s32 @!p0 $0xFFFFF086;
	s6 =	sadd.s32 @!p0 s3, s7;
	s7 =	simm.s32 @!p0 $0x108  }
0x21: {  	s3 =	sadd.s32 s3, s9;
	s6 =	sadd.s32 @!p0 $0x88, s6;
	s7 =	simm.s32 @p2 $0x1082  }
0x22: {  	[simem:s7], [sflag:s8] =	dma.local @!p0 [hbm:s6], $0xF7A  }
0x23: {  	s9 =	sor.u32 $0xD0000000, s2;
	s6 =	simm.s32 $0x108;
	_ =	swait.ge @!p0 [sflag:s8], $0x0  }
0x24: {  	s3 =	sadd.s32 $0x88, s3;
	s6 =	simm.s32 @!p1 $0x1082;
	[sflag:s4] =	ssyncset.s32 $0xFFFFF086  }
0x25: {  	[simem:s6], [sflag:s4] =	dma.local [hbm:s3], $0xF7A  }
0x26: {  	[smem:$0x3F9F] =	sst s1;
	(tag) =	ssettag s2;
	_ =	strace s9  }
0x27: {  	s1 =	sld [smem:$0x3FAF]  }
0x28: {  	s2 =	sld [smem:$0x3FB0]  }
0x29: {  	s4 =	sld [smem:$0x3FB2]  }
0x2a: {  	p0 =	seq.s32 s5, $0x0;
	s5 =	sld [smem:$0x3FB3]  }
0x2b: {  	s6 =	sld [smem:$0x3FB4]  }
0x2c: {  	s7 =	sld [smem:$0x3FB5]  }
0x2d: {  	s3 =	simm.s32 $0x108;
	s8 =	sld [smem:$0x3FB6]  }
0x2e: {  	s3 =	simm.s32 @!p0 $0x1082;
	s9 =	sld [smem:$0x3FB7]  }
0x2f: {  	lr =	sadd.s32 s0, s3;
	s0 =	sld [smem:$0x3FAE]  }
0x30: {  	s3 =	sld [smem:$0x3FB1]  }
0x31: {  	[smem:$0x3FBA] =	sst s10  }
0x32: {  	s10 =	sld [smem:$0x3FB8];
	_ =	sdelay $0x3  }
0x33: {  	p0 =	seq.s32 s10, $0x1;
	s10 =	sld [smem:$0x3FBA];
	_ =	sdelay $0x3  }
0x34: {  	[smem:$0x3FBA] =	sst s10  }
0x35: {  	s10 =	sld [smem:$0x3FB9];
	_ =	sdelay $0x3  }
0x36: {  	p1 =	seq.s32 s10, $0x1;
	s10 =	sld [smem:$0x3FBA];
	_ =	sdelay $0x3  }
0x37: {  	[smem:$0x3FBA] =	sst s10  }
0x38: {  	s10 =	sld [smem:$0x3FBB]  }
0x39: {  	_ = 	snop;
	(pc) =	sbr.ind lr, $3  }
0x3a: {  	_ = 	snop  }
0x3b: {  	_ = 	snop  }
0x3c: {  	p2 =	seq.s32 s10, $0x1;
	s10 =	sld [smem:$0x3FBA]  }
0x3d: {  	_ =	shalt  }
0x3e: {  	_ =	shalt  }
0x3f: {  	_ =	shalt  }
0x40: {  	_ =	shalt  }
0x41: {  	_ =	shalt  }
0x42: {  	_ =	shalt  }
0x43: {  	_ =	shalt  }
0x44: {  	_ =	shalt  }
0x45: {  	_ =	shalt  }
0x46: {  	_ =	shalt  }
0x47: {  	_ =	shalt  }
0x48: {  	_ =	shalt  }
0x49: {  	_ =	shalt  }
0x4a: {  	_ =	shalt  }
0x4b: {  	_ =	shalt  }
0x4c: {  	_ =	shalt  }
0x4d: {  	_ =	shalt  }
0x4e: {  	_ =	shalt  }
0x4f: {  	_ =	shalt  }
0x50: {  	_ =	shalt  }
0x51: {  	_ =	shalt  }
0x52: {  	_ =	shalt  }
0x53: {  	_ =	shalt  }
0x54: {  	_ =	shalt  }
0x55: {  	_ =	shalt  }
0x56: {  	_ =	shalt  }
0x57: {  	_ =	shalt  }
0x58: {  	_ =	shalt  }
0x59: {  	_ =	shalt  }
0x5a: {  	_ =	shalt  }
0x5b: {  	_ =	shalt  }
0x5c: {  	_ =	shalt  }
0x5d: {  	_ =	shalt  }
0x5e: {  	_ =	shalt  }
0x5f: {  	_ =	shalt  }
0x60: {  	_ =	shalt  }
0x61: {  	_ =	shalt  }
0x62: {  	_ =	shalt  }
0x63: {  	_ =	shalt  }
0x64: {  	_ =	shalt  }
0x65: {  	_ =	shalt  }
0x66: {  	_ =	shalt  }
0x67: {  	_ =	shalt  }
0x68: {  	_ =	shalt  }
0x69: {  	_ =	shalt  }
0x6a: {  	_ =	shalt  }
0x6b: {  	_ =	shalt  }
0x6c: {  	_ =	shalt  }
0x6d: {  	_ =	shalt  }
0x6e: {  	_ =	shalt  }
0x6f: {  	_ =	shalt  }
0x70: {  	_ =	shalt  }
0x71: {  	_ =	shalt  }
0x72: {  	_ =	shalt  }
0x73: {  	_ =	shalt  }
0x74: {  	_ =	shalt  }
0x75: {  	_ =	shalt  }
0x76: {  	_ =	shalt  }
0x77: {  	_ =	shalt  }
0x78: {  	_ =	shalt  }
0x79: {  	_ =	shalt  }
0x7a: {  	_ =	shalt  }
0x7b: {  	_ =	shalt  }
0x7c: {  	_ =	shalt  }
0x7d: {  	_ =	shalt  }
0x7e: {  	_ =	shalt  }
0x7f: {  	_ =	shalt  }
0x80: {  	_ =	shalt  }
0x81: {  	_ =	shalt  }
0x82: {  	_ =	shalt  }
0x83: {  	_ =	shalt  }
0x84: {  	_ =	shalt  }
0x85: {  	_ =	shalt  }
0x86: {  	_ =	shalt  }
0x87: {  	_ =	shalt  }
.Lfunc_end0:
.L_simem_size_0:
called_computation_lowered:
.L_overlay_start_0:
0x88: {  	s2 =	sld [smem:$0x3FD9]  }
0x89: {  	s3 =	sld [smem:$0x3FFE];
	_ =	sdelay $0x1  }
0x8a: {  	s1 =	srdreg.scid  }
0x8b: {  	s0 =	sand.u32 $0x1, s1  }
0x8c: {  	s18 =	sshll.u32 s0, $0xA;
	s2 =	sadd.s32 s3, s2  }
0x8d: {  	s2 =	sadd.s32 s2, s18  }
0x8e: {  	[smem:$0x3FC6] =	sst s2  }
0x8f: {  	_ = 	snop  }
0x90: {  	s2 =	sld [smem:$0x3FC9]  }
0x91: {  	s19 =	sld [smem:$0x3FC8]  }
0x92: {  	s4 =	sld [smem:$0x3FD0];
	(tm) =	ssettm $0x1  }
0x93: {  	s5 =	sld [smem:$0x3FFB];
	_ =	sdelay $0x3  }
0x94: {  	_ =	strace s5  }
0x95: {  	s5 =	sld [smem:$0x3FFC];
	_ =	sdelay $0x3  }
0x96: {  	_ =	strace s5  }
0x97: {  	s5 =	sld [smem:$0x3FFD];
	_ =	sdelay $0x3  }
0x98: {  	_ =	strace s5  }
0x99: {  	_ =	strace $0x8FFFFFFF  }
0x9a: {  	s20 =	sld [smem:$0x3FDB];
	_ =	sdelay $0x1  }
0x9b: {  	s6 =	simm.s32 $_scs_section_size  }
0x9c: {  	s7 =	simm.s32 $_size__tile_overlayer_lowered;
	s8 =	simm.s32 $_tile_overlayer_lowered  }
0x9d: {  	s23 =	simm.s32 $0x1BFF;
	s22 =	sshll.u32 s8, $0x1;
	s5 =	sadd.s32 s6, s20  }
0x9e: {  	s9 =	simm.s32 $0x0;
	s21 =	sshll.u32 s7, $0x1;
	s7 =	sadd.s32 s22, s5  }
0x9f: {  	[timem:s9], [sflag:s23] =	dma.local [hbm:s7], s21  }
0xa0: {  	_ =	swait.ge [sflag:s23], s21  }
0xa1: {  	s6 =	ssub.s32 $0x0, s21;
	[sflag:s23] =	ssyncset.done $0x0  }
0xa2: {  	[sflag:s23] =	ssyncadd.s32 s6;
	_ =	sdelay $0x1  }
0xa3: {  	s24 =	simm.s32 $0x1B8B  }
0xa4: {  	_ =	swait.ge [sflag:s24], $0x1  }
0xa5: {  	[sflag:s24] =	ssyncset.done $0x0  }
0xa6: {  	s25 =	simm.s32 $0x1B8E;
	[sflag:s24] =	ssyncadd.s32 $0xFFFFFFFF  }
0xa7: {  	s26 =	simm.s32 $execute0_lowered;
	[smem:$0x3FD2] =	sst s25  }
0xa8: {  	s6 =	sshll.u32 s26, $0x1;
	_ =	strace $0x80000046;
	[dreg:$0x1] =	wrdreg $0xFFFFFFFF  }
0xa9: {  	s28 =	simm.s32 $_size_execute0_lowered;
	s5 =	sadd.s32 s5, s6;
	[dreg:$0x0] =	wrdreg $0x0  }
0xaa: {  	s6 =	sshll.u32 s28, $0x1;
	[dreg:$0x2] =	wrdreg s5  }
0xab: {  	[dreg:$0x3] =	wrdreg s6  }
0xac: {  	[dreg:$0x4] =	wrdreg $0xC0  }
0xad: {  	_ =	task [dreg:s9], $0x5FFFF  }
0xae: {  	[dreg:$0x1] =	wrdreg $0xFFFFFFFF  }
0xaf: {  	[dreg:$0x0] =	wrdreg $0x60  }
0xb0: {  	[dreg:$0x2] =	wrdreg s2  }
0xb1: {  	[dreg:$0x3] =	wrdreg s19  }
0xb2: {  	[dreg:$0x4] =	wrdreg s4  }
0xb3: {  	[dreg:$0x5] =	wrdreg $0x9  }
0xb4: {  	_ =	task.clear_ibuf [dreg:s9], $0x6FFFF;
	_ =	strace $0x90000046  }
0xb5: {  	s29 =	simm.s32 $0x9;
	_ =	strace $0x80000048  }
0xb6: {  	_ =	swait.ge [sflag:s29], $0x1  }
0xb7: {  	[sflag:s29] =	ssyncadd.s32 $0xFFFFFFFF  }
0xb8: {  	_ =	strace $0x90000048  }
0xb9: {  	_ =	sfence  }
0xba: {  	s30 =	sld [smem:$0x0];
	_ =	sdelay $0x2  }
0xbb: {  	s31 =	sshll.u32 s1, $0xD;
	s1 =	sshrl.u32 s1, $0x2  }
0xbc: {  	s3 =	sand.u32 $0x4000, s31;
	s1 =	sadd.s32 s1, s30  }
0xbd: {  	s0 =	sor.u32 s3, s0;
	s1 =	sshll.u32 s1, $0x11  }
0xbe: {  	s0 =	sor.u32 s1, s0  }
0xbf: {  	s0 =	sadd.s32 $0x8F2B, s0  }
0xc0: {  	[sflag:s0] =	ssyncadd.remote.s32 $0x1  }
0xc1: {  	_ =	sfence.sel $0xFFFF  }
0xc2: {  	[dreg:$0x0] =	wrdreg $0xFFFFFFFF;
	(pc) =	sbr.abs _section_cstart, $3  }
0xc3: {  	[dreg:$0x1] =	wrdreg $0xFFFFFFFF  }
0xc4: {  	_ =	task.clear_ibuf [dreg:s9], $0x2FFFF;
	_ =	strace $0x9FFFFFFF  }
0xc5: {  	(tm) =	ssettm $0x7FFFFFFF  }
tec
execute0_lowered:
.L_overlay_start_1:
0x0: {  	(tag) =	ssettag $0x1  }
0x1: {  	s1 =	srdreg.scid  }
0x2: {  	s3 =	stileid.u32;
	s1 =	sand.u32 $0x1, s1  }
0x3: {  	s0 =	rddreg [dreg:$0x0];
	s3 =	sshll.u32 s3, $0x10;
	s5 =	sshll.u32 s1, $0xF  }
0x4: {  	s2 =	rddreg [dreg:$0x1];
	s6 =	ssub.s32 $0x2, s1;
	s1 =	sor.u32 s5, s3  }
0x5: {  	s4 =	rddreg [dreg:$0x2];
	s7 =	simm.s32 $0x0;
	s19 =	sor.u32 $0x400, s1  }
0x6: {  	[smem:$0x7FF] =	sst s7;
	s20 =	sadd.s32 s2, s19  }
0x7: {  	s21 =	sor.u32 $0x800, s1;
	s22 =	sadd.s32 s0, s19;
	[dreg:$0x4] =	wrdreg s20  }
0x8: {  	s23 =	sadd.s32 s0, s21;
	[dreg:$0x5] =	wrdreg s22  }
0x9: {  	s24 =	sor.u32 $0xC00, s1;
	s8 =	sadd.s32 s2, s21;
	[dreg:$0x6] =	wrdreg s23  }
0xa: {  	s25 =	sadd.s32 s0, s24;
	[dreg:$0x7] =	wrdreg s8  }
0xb: {  	s7 =	sadd.s32 s4, s19;
	[dreg:$0x8] =	wrdreg s25  }
0xc: {  	s26 =	sor.u32 $0x1000, s1;
	s28 =	sadd.s32 s2, s24;
	[dreg:$0x9] =	wrdreg s7  }
0xd: {  	s29 =	sadd.s32 s0, s26;
	[dreg:$0xa] =	wrdreg s28  }
0xe: {  	s3 =	sadd.s32 s4, s21;
	[dreg:$0xb] =	wrdreg s29  }
0xf: {  	s10 =	sor.u32 $0x1400, s1;
	s9 =	sadd.s32 s2, s26;
	[dreg:$0xc] =	wrdreg s3  }
0x10: {  	s18 =	sshrl.u32 s6, $0x1;
	s11 =	sadd.s32 s0, s10;
	[dreg:$0xd] =	wrdreg s9  }
0x11: {  	s5 =	ssub.s32 s6, s18;
	s6 =	sadd.s32 s4, s24;
	[dreg:$0xe] =	wrdreg s11  }
0x12: {  	s12 =	sor.u32 $0x1800, s1;
	s13 =	sadd.s32 s2, s10;
	[dreg:$0xf] =	wrdreg s6  }
0x13: {  	s14 =	sadd.s32 s0, s12;
	[dreg:$0x10] =	wrdreg s13  }
0x14: {  	s15 =	sadd.s32 s4, s26;
	[dreg:$0x11] =	wrdreg s14  }
0x15: {  	s16 =	sadd.s32 s2, s12;
	[dreg:$0x12] =	wrdreg s15  }
0x16: {  	s17 =	sor.u32 $0x1C00, s1;
	s18 =	sadd.s32 s4, s12;
	[dreg:$0x13] =	wrdreg s16  }
0x17: {  	s19 =	sadd.s32 s0, s17;
	[dreg:$0x15] =	wrdreg s18  }
0x18: {  	s21 =	sadd.s32 s2, s17;
	[dreg:$0x16] =	wrdreg s19  }
0x19: {  	s3 =	sadd.s32 s4, s10;
	[dreg:$0x17] =	wrdreg s21  }
0x1a: {  	s20 =	sor.u32 $0x2000, s1;
	s22 =	sadd.s32 s4, s17;
	[dreg:$0x14] =	wrdreg s3  }
0x1b: {  	[dreg:$0x18] =	wrdreg s22;
	s23 =	sadd.s32 s0, s20  }
0x1c: {  	s24 =	sadd.s32 s2, s20;
	[dreg:$0x19] =	wrdreg s23  }
0x1d: {  	s25 =	sor.u32 $0x2400, s1;
	s3 =	sadd.s32 s4, s20;
	[dreg:$0x1a] =	wrdreg s24  }
0x1e: {  	s26 =	sadd.s32 s0, s25;
	[dreg:$0x1b] =	wrdreg s3  }
0x1f: {  	s29 =	sor.u32 $0x2800, s1;
	s28 =	sadd.s32 s2, s25;
	[dreg:$0x1c] =	wrdreg s26  }
0x20: {  	s8 =	sadd.s32 s0, s29;
	[dreg:$0x1d] =	wrdreg s28  }
0x21: {  	s10 =	sadd.s32 s2, s29;
	[dreg:$0x1f] =	wrdreg s8  }
0x22: {  	s9 =	sor.u32 $0x2C00, s1;
	s6 =	sadd.s32 s4, s29;
	[smem:$0x7C1] =	sst s10  }
0x23: {  	s11 =	sadd.s32 s0, s9;
	[smem:$0x7C2] =	sst s6  }
0x24: {  	s13 =	sor.u32 $0x3000, s1;
	s12 =	sadd.s32 s2, s9;
	[smem:$0x7C3] =	sst s11  }
0x25: {  	s14 =	sadd.s32 s0, s13;
	[smem:$0x7C4] =	sst s12  }
0x26: {  	s16 =	sor.u32 $0x3400, s1;
	s15 =	sadd.s32 s2, s13;
	[smem:$0x7C6] =	sst s14  }
0x27: {  	s17 =	sadd.s32 s0, s16;
	[smem:$0x7C7] =	sst s15  }
0x28: {  	s18 =	sor.u32 $0x3800, s1;
	s19 =	sadd.s32 s2, s16;
	[smem:$0x7C9] =	sst s17  }
0x29: {  	s20 =	sadd.s32 s0, s18;
	[smem:$0x7CA] =	sst s19  }
0x2a: {  	s21 =	sadd.s32 s2, s18;
	[smem:$0x7CC] =	sst s20  }
0x2b: {  	s3 =	sadd.s32 s4, s25;
	[smem:$0x7CD] =	sst s21  }
0x2c: {  	s22 =	sor.u32 $0x3C00, s1;
	s6 =	sadd.s32 s4, s16;
	[dreg:$0x1e] =	wrdreg s3  }
0x2d: {  	s23 =	sadd.s32 s0, s22;
	[smem:$0x7CB] =	sst s6  }
0x2e: {  	s24 =	sadd.s32 s2, s22;
	[smem:$0x7CF] =	sst s23  }
0x2f: {  	s25 =	sor.u32 $0x4000, s1;
	s3 =	sadd.s32 s4, s9;
	[smem:$0x7D0] =	sst s24  }
0x30: {  	s26 =	sadd.s32 s0, s25;
	[smem:$0x7C5] =	sst s3  }
0x31: {  	s29 =	sadd.s32 s2, s25;
	[smem:$0x7D2] =	sst s26  }
0x32: {  	s28 =	sor.u32 $0x4400, s1;
	s6 =	sadd.s32 s4, s25;
	[smem:$0x7D3] =	sst s29  }
0x33: {  	s7 =	sadd.s32 s0, s28;
	[smem:$0x7D4] =	sst s6  }
0x34: {  	s12 =	sor.u32 $0x4C00, s1;
	s8 =	sadd.s32 s2, s28;
	[smem:$0x7D5] =	sst s7  }
0x35: {  	s14 =	sor.u32 $0x5000, s1;
	s15 =	sadd.s32 s2, s12;
	[smem:$0x7D6] =	sst s8  }
0x36: {  	s16 =	sadd.s32 s0, s14;
	[smem:$0x7DC] =	sst s15  }
0x37: {  	s21 =	sor.u32 $0x5800, s1;
	s17 =	sadd.s32 s2, s14;
	[smem:$0x7DE] =	sst s16  }
0x38: {  	s24 =	sadd.s32 s2, s21;
	[smem:$0x7DF] =	sst s17  }
0x39: {  	s9 =	sor.u32 $0x4800, s1;
	s3 =	sadd.s32 s4, s13;
	[smem:$0x7E5] =	sst s24  }
0x3a: {  	s10 =	sadd.s32 s0, s9;
	[smem:$0x7C8] =	sst s3  }
0x3b: {  	s11 =	sadd.s32 s2, s9;
	[smem:$0x7D8] =	sst s10  }
0x3c: {  	s13 =	sadd.s32 s0, s12;
	[smem:$0x7D9] =	sst s11  }
0x3d: {  	s23 =	sor.u32 $0x5C00, s1;
	s6 =	sadd.s32 s4, s12;
	[smem:$0x7DB] =	sst s13  }
0x3e: {  	s25 =	sadd.s32 s0, s23;
	[smem:$0x7DD] =	sst s6  }
0x3f: {  	s26 =	sadd.s32 s2, s23;
	[smem:$0x7E7] =	sst s25  }
0x40: {  	s3 =	sadd.s32 s4, s18;
	[smem:$0x7E8] =	sst s26  }
0x41: {  	s8 =	sor.u32 $0x6400, s1;
	s6 =	sadd.s32 s4, s21;
	[smem:$0x7CE] =	sst s3  }
0x42: {  	s11 =	sadd.s32 s2, s8;
	[smem:$0x7E6] =	sst s6  }
0x43: {  	s18 =	sor.u32 $0x5400, s1;
	s3 =	sadd.s32 s4, s22;
	[smem:$0x7EE] =	sst s11  }
0x44: {  	s19 =	sadd.s32 s0, s18;
	[smem:$0x7D1] =	sst s3  }
0x45: {  	s20 =	sadd.s32 s2, s18;
	[smem:$0x7E1] =	sst s19  }
0x46: {  	s5 =	smax.u32 s5, $0x1;
	s22 =	sadd.s32 s0, s21;
	[smem:$0x7E2] =	sst s20  }
0x47: {  	s10 =	sor.u32 $0x6800, s1;
	s6 =	sadd.s32 s4, s8;
	[smem:$0x7E4] =	sst s22  }
0x48: {  	s17 =	sor.u32 $0x7000, s1;
	s12 =	sadd.s32 s0, s10;
	[smem:$0x7EF] =	sst s6  }
0x49: {  	s24 =	sor.u32 $0x7400, s1;
	s13 =	sadd.s32 s2, s10;
	[smem:$0x7F0] =	sst s12  }
0x4a: {  	s25 =	sor.u32 $0x7800, s1;
	s21 =	sadd.s32 s2, s1;
	[smem:$0x7F1] =	sst s13  }
0x4b: {  	s26 =	sor.u32 $0x7C00, s1;
	s3 =	sadd.s32 s4, s28;
	[smem:$0x7F9] =	sst s21  }
0x4c: {  	s31 =	sadd.s32 s2, s24;
	s19 =	sadd.s32 s2, s17;
	[smem:$0x7D7] =	sst s3  }
0x4d: {  	s30 =	sadd.s32 s0, s26;
	s20 =	sadd.s32 s4, s17;
	[smem:$0x7F7] =	sst s19  }
0x4e: {  	s11 =	simm.s32 $0x14000;
	s22 =	sadd.s32 s0, s1;
	[smem:$0x7F8] =	sst s20  }
0x4f: {  	s28 =	sor.u32 $0x6000, s1;
	s3 =	sadd.s32 s4, s9;
	[smem:$0x7FA] =	sst s22  }
0x50: {  	s6 =	simm.s32 $0x2000;
	s29 =	sadd.s32 s0, s28;
	[smem:$0x7DA] =	sst s3  }
0x51: {  	s12 =	simm.s32 $0x4000;
	s7 =	sadd.s32 s2, s28;
	[smem:$0x7EA] =	sst s29  }
0x52: {  	s13 =	simm.s32 $0x2;
	s9 =	sadd.s32 s0, s8;
	[smem:$0x7EB] =	sst s7  }
0x53: {  	s8 =	simm.s32 $0xC000;
	s3 =	sadd.s32 s4, s14;
	[smem:$0x7ED] =	sst s9  }
0x54: {  	s19 =	simm.s32 $0x0;
	s29 =	sadd.s32 s0, s25;
	[smem:$0x7E0] =	sst s3  }
0x55: {  	s14 =	sor.u32 $0x6C00, s1;
	s3 =	sadd.s32 s4, s18;
	[smem:$0x7FD] =	sst s29  }
0x56: {  	s7 =	simm.s32 $0x800000;
	s15 =	sadd.s32 s0, s14;
	[smem:$0x7E3] =	sst s3  }
0x57: {  	s9 =	simm.s32 $0x1;
	s16 =	sadd.s32 s2, s14;
	[smem:$0x7F3] =	sst s15  }
0x58: {  	s18 =	sadd.s32 s0, s17;
	s17 =	simm.s32 $0x7;
	[smem:$0x7F4] =	sst s16  }
0x59: {  	s3 =	sadd.s32 s4, s23;
	[smem:$0x7F6] =	sst s18;
	s23 =	sadd.s32 s4, s1  }
0x5a: {  	s1 =	sadd.s32 s2, s25;
	s2 =	sadd.s32 s2, s26;
	[smem:$0x7E9] =	sst s3  }
0x5b: {  	s15 =	simm.s32 $0x6;
	s3 =	sadd.s32 s4, s28;
	[smem:$0x7FB] =	sst s23  }
0x5c: {  	s16 =	simm.s32 $0x5;
	s28 =	sadd.s32 s0, s24;
	[smem:$0x7EC] =	sst s3  }
0x5d: {  	s18 =	simm.s32 $0x8;
	s3 =	sadd.s32 s4, s10;
	[smem:$0x7FC] =	sst s28  }
0x5e: {  	s0 =	sadd.s32 s4, s24;
	[smem:$0x7F2] =	sst s3;
	s3 =	sadd.s32 s4, s14  }
0x5f: {  	s10 =	simm.s32 $0x3;
	s14 =	simm.s32 $0x4;
	[smem:$0x7F5] =	sst s3  }
0x60: {  	s3 =	sadd.s32 s4, s25;
	s4 =	sadd.s32 s4, s26;
	_ =	strace $0x80000047  }
.LBB2_1:
0x61: {  	s21 =	sld [smem:$0x7F9];
	_ =	sdelay $0x1  }
0x62: {  	s20 =	simm.s32 $0x0;
	s25 =	rddreg [dreg:$0x4]  }
0x63: {  	[tilespmem:s20], [sflag:$0x1] =	stream.linear.gather [hbm4b:s21+s20], $0x2000, $0x38;
	[tilespmem:$0x1C000] =	vst v63  }
0x64: {  	s26 =	sld [smem:$0x7FA]  }
0x65: {  	[tilespmem:s6], [sflag:$0x2] =	stream.linear.gather [hbm4b:s25+s20], $0x2000, $0x38;
	[tilespmem:$0x1C000] =	vst v63  }
0x66: {  	_ = 	snop  }
0x67: {  	[tilespmem:s12], [sflag:$0x3] =	stream.strided.gather [hbm4b:s26+s6], $0x8000, s7, s6, $0x38;
	[tilespmem:$0x1C000] =	vst v63  }
0x68: {  	s28 =	rddreg [dreg:$0x5]  }
0x69: {  	[tilespmem:s8], [sflag:$0x4] =	stream.strided.gather [hbm4b:s28+s6], $0x8000, s7, s6, $0x38;
	[tilespmem:$0x1C000] =	vst v63  }
0x6a: {  	_ =	swait.ge [sflag:s9], $0x2000  }
0x6b: {  	[sflag:s9] =	ssyncset.done $0x0  }
0x6c: {  	[sflag:s9] =	ssyncadd.s32 $0xFFFFE000  }
0x6d: {  	_ =	swait.ge [sflag:s10], $0x8000  }
0x6e: {  	s24 =	simm.s32 $0x4000;
	[sflag:s10] =	ssyncset.done $0x0  }
0x6f: {  	s21 =	simm.s32 $0x0;
	s29 =	rddreg [dreg:$0x6];
	[sflag:s10] =	ssyncadd.s32 $0xFFFF8000  }
0x70: {  	[tilespmem:s11], [sflag:$0x5] =	stream.strided.gather [hbm4b:s29+s6], $0x8000, s7, s6, $0x38;
	[tilespmem:$0x1C000] =	vst v63  }
.LBB2_2:
0x71: {  	s22 =	simm.s32 $0x0;
	s23 =	simm.s32 $0x40;
	s20 =	smov.u32 s24  }
.LBB2_3:
0x72: {  	v0 =	vmov s23;
	_ =	sdelay $0x3  }
0x73: {  	s26 =	simm.s32 $0x0  }
0x74: {  	v1 =	vld.idx.msk [tilespmem:v0+s26+$0x30 ss:$0x1], $0xffff  }
0x75: {  	v2 =	vld.idx.msk [tilespmem:v0+s26+$0xFFFFFFC0 ss:$0x1], $0xffff  }
0x76: {  	v3 =	vld.idx.msk [tilespmem:v0+s26+$0xFFFFFFD0 ss:$0x1], $0xffff  }
0x77: {  	v4 =	vld.idx.msk [tilespmem:v0+s26+$0xFFFFFFE0 ss:$0x1], $0xffff  }
0x78: {  	v5 =	vld.idx.msk [tilespmem:v0+s26+$0xFFFFFFF0 ss:$0x1], $0xffff  }
0x79: {  	v6 =	vld.idx.msk [tilespmem:v0+s26+$0x0 ss:$0x1], $0xffff  }
0x7a: {  	s25 =	sadd.s32 $0x0, s20;
	v7 =	vld.idx.msk [tilespmem:v0+s26+$0x10 ss:$0x1], $0xffff  }
0x7b: {  	[tilespmem:s25+$0x70] =	vst.add.f32.msk $0xffff, v1  }
0x7c: {  	v1 =	vld.idx.msk [tilespmem:v0+s26+$0x20 ss:$0x1], $0xffff  }
0x7d: {  	[tilespmem:s25+$0x0] =	vst.add.f32.msk $0xffff, v2  }
0x7e: {  	[tilespmem:s25+$0x10] =	vst.add.f32.msk $0xffff, v3  }
0x7f: {  	[tilespmem:s25+$0x20] =	vst.add.f32.msk $0xffff, v4  }
0x80: {  	[tilespmem:s25+$0x30] =	vst.add.f32.msk $0xffff, v5  }
0x81: {  	[tilespmem:s25+$0x40] =	vst.add.f32.msk $0xffff, v6  }
0x82: {  	s28 =	simm.s32 $0x1000;
	s26 =	simm.s32 $0x0;
	[tilespmem:s25+$0x50] =	vst.add.f32.msk $0xffff, v7  }
.LBB2_4:
0x83: {  	s29 =	sshra.s32 s28, $0x2;
	s26 =	sadd.s32 $0x80, s26;
	[tilespmem:s25+$0x60] =	vst.add.f32.msk $0xffff, v1  }
0x84: {  	v1 =	vld.idx.msk [tilespmem:v0+s29+$0x30 ss:$0x1], $0xffff;
	p0 =	slt.u32 s26, $0x380  }
0x85: {  	v2 =	vld.idx.msk [tilespmem:v0+s29+$0xFFFFFFC0 ss:$0x1], $0xffff  }
0x86: {  	v3 =	vld.idx.msk [tilespmem:v0+s29+$0xFFFFFFD0 ss:$0x1], $0xffff  }
0x87: {  	v4 =	vld.idx.msk [tilespmem:v0+s29+$0xFFFFFFE0 ss:$0x1], $0xffff  }
0x88: {  	v5 =	vld.idx.msk [tilespmem:v0+s29+$0xFFFFFFF0 ss:$0x1], $0xffff  }
0x89: {  	s25 =	sadd.s32 s29, s20;
	v6 =	vld.idx.msk [tilespmem:v0+s29+$0x0 ss:$0x1], $0xffff  }
0x8a: {  	[tilespmem:s25+$0x70] =	vst.add.f32.msk $0xffff, v1  }
0x8b: {  	v7 =	vld.idx.msk [tilespmem:v0+s29+$0x10 ss:$0x1], $0xffff  }
0x8c: {  	v1 =	vld.idx.msk [tilespmem:v0+s29+$0x20 ss:$0x1], $0xffff  }
0x8d: {  	[tilespmem:s25+$0x0] =	vst.add.f32.msk $0xffff, v2  }
.Ltmp0:
0x8e: {  	[tilespmem:s25+$0x10] =	vst.add.f32.msk $0xffff, v3;
	(pc) =	sbr.rel @p0 .LBB2_4-.Ltmp0, $4  }
0x8f: {  	[tilespmem:s25+$0x20] =	vst.add.f32.msk $0xffff, v4  }
0x90: {  	[tilespmem:s25+$0x30] =	vst.add.f32.msk $0xffff, v5  }
0x91: {  	[tilespmem:s25+$0x40] =	vst.add.f32.msk $0xffff, v6  }
0x92: {  	s28 =	sadd.s32 $0x1000, s28;
	[tilespmem:s25+$0x50] =	vst.add.f32.msk $0xffff, v7  }
0x93: {  	s22 =	sadd.s32 $0x1, s22  }
0x94: {  	p0 =	sne.s32 s22, $0x8  }
.Ltmp1:
0x95: {  	_ = 	snop;
	(pc) =	sbr.rel @p0 .LBB2_3-.Ltmp1, $2  }
0x96: {  	_ =	sdelay $0x2  }
0x97: {  	[tilespmem:s25+$0x60] =	vst.add.f32.msk $0xffff, v1;
	s20 =	sadd.s32 $0x80, s20;
	s23 =	sadd.s32 $0x80, s23  }
0x98: {  	s21 =	sadd.s32 $0x1, s21  }
0x99: {  	p0 =	sne.s32 s21, $0x4  }
.Ltmp2:
0x9a: {  	_ = 	snop;
	(pc) =	sbr.rel @p0 .LBB2_2-.Ltmp2, $2  }
0x9b: {  	_ =	sdelay $0x2  }
0x9c: {  	s24 =	sadd.s32 $0x2000, s24  }
0x9d: {  	s20 =	sld [smem:$0x7FB];
	_ =	sdelay $0x2  }
0x9e: {  	[hbm4b:s20+s6] =	stream.strided.scatter [tilespmem:s12], [sflag:$0x6], $0x8000, s7, s6, $0x38;
	[tilespmem:$0x1C000] =	vst v63  }
0x9f: {  	s21 =	rddreg [dreg:$0x7];
	s20 =	simm.s32 $0x0  }
0xa0: {  	[tilespmem:s20], [sflag:$0x1] =	stream.linear.gather [hbm4b:s21+s20], $0x2000, $0x38;
	[tilespmem:$0x1C000] =	vst v63  }
0xa1: {  	_ =	swait.ge [sflag:s13], $0x2000  }
0xa2: {  	[sflag:s13] =	ssyncset.done $0x0  }
0xa3: {  	[sflag:s13] =	ssyncadd.s32 $0xFFFFE000  }
0xa4: {  	_ =	swait.ge [sflag:s14], $0x8000  }
0xa5: {  	[sflag:s14] =	ssyncset.done $0x0  }
0xa6: {  	[sflag:s14] =	ssyncadd.s32 $0xFFFF8000  }
0xa7: {  	_ =	swait.ge [sflag:s15], $0x8000  }
0xa8: {  	[sflag:s15] =	ssyncset.done $0x0  }
0xa9: {  	s21 =	simm.s32 $0xC000;
	s29 =	rddreg [dreg:$0x8];
	[sflag:s15] =	ssyncadd.s32 $0xFFFF8000  }
0xaa: {  	[tilespmem:s12], [sflag:$0x3] =	stream.strided.gather [hbm4b:s29+s6], $0x8000, s7, s6, $0x38;
	[tilespmem:$0x1C000] =	vst v63  }
.LBB2_8:
0xab: {  	s22 =	simm.s32 $0x2040;
	s23 =	smov.u32 s21;
	s24 =	simm.s32 $0x0  }
.LBB2_9:
0xac: {  	v0 =	vmov s22;
	_ =	sdelay $0x3  }
0xad: {  	s26 =	simm.s32 $0x0  }
0xae: {  	v1 =	vld.idx.msk [tilespmem:v0+s26+$0x30 ss:$0x1], $0xffff  }
0xaf: {  	v2 =	vld.idx.msk [tilespmem:v0+s26+$0xFFFFFFC0 ss:$0x1], $0xffff  }
0xb0: {  	v3 =	vld.idx.msk [tilespmem:v0+s26+$0xFFFFFFD0 ss:$0x1], $0xffff  }
0xb1: {  	v4 =	vld.idx.msk [tilespmem:v0+s26+$0xFFFFFFE0 ss:$0x1], $0xffff  }
0xb2: {  	v5 =	vld.idx.msk [tilespmem:v0+s26+$0xFFFFFFF0 ss:$0x1], $0xffff  }
0xb3: {  	v6 =	vld.idx.msk [tilespmem:v0+s26+$0x0 ss:$0x1], $0xffff  }
0xb4: {  	s25 =	sadd.s32 $0x0, s23;
	v7 =	vld.idx.msk [tilespmem:v0+s26+$0x10 ss:$0x1], $0xffff  }
0xb5: {  	[tilespmem:s25+$0x70] =	vst.add.f32.msk $0xffff, v1  }
0xb6: {  	v1 =	vld.idx.msk [tilespmem:v0+s26+$0x20 ss:$0x1], $0xffff  }
0xb7: {  	[tilespmem:s25+$0x0] =	vst.add.f32.msk $0xffff, v2  }
0xb8: {  	[tilespmem:s25+$0x10] =	vst.add.f32.msk $0xffff, v3  }
0xb9: {  	[tilespmem:s25+$0x20] =	vst.add.f32.msk $0xffff, v4  }
0xba: {  	[tilespmem:s25+$0x30] =	vst.add.f32.msk $0xffff, v5  }
0xbb: {  	[tilespmem:s25+$0x40] =	vst.add.f32.msk $0xffff, v6  }
0xbc: {  	s28 =	simm.s32 $0x1000;
	s26 =	simm.s32 $0x0;
	[tilespmem:s25+$0x50] =	vst.add.f32.msk $0xffff, v7  }
.LBB2_10:
0xbd: {  	s29 =	sshra.s32 s28, $0x2;
	s26 =	sadd.s32 $0x80, s26;
	[tilespmem:s25+$0x60] =	vst.add.f32.msk $0xffff, v1  }
0xbe: {  	v1 =	vld.idx.msk [tilespmem:v0+s29+$0x30 ss:$0x1], $0xffff;
	p0 =	slt.u32 s26, $0x380  }
0xbf: {  	v2 =	vld.idx.msk [tilespmem:v0+s29+$0xFFFFFFC0 ss:$0x1], $0xffff  }
0xc0: {  	v3 =	vld.idx.msk [tilespmem:v0+s29+$0xFFFFFFD0 ss:$0x1], $0xffff  }
0xc1: {  	v4 =	vld.idx.msk [tilespmem:v0+s29+$0xFFFFFFE0 ss:$0x1], $0xffff  }
0xc2: {  	v5 =	vld.idx.msk [tilespmem:v0+s29+$0xFFFFFFF0 ss:$0x1], $0xffff  }
0xc3: {  	s25 =	sadd.s32 s29, s23;
	v6 =	vld.idx.msk [tilespmem:v0+s29+$0x0 ss:$0x1], $0xffff  }
0xc4: {  	[tilespmem:s25+$0x70] =	vst.add.f32.msk $0xffff, v1  }
0xc5: {  	v7 =	vld.idx.msk [tilespmem:v0+s29+$0x10 ss:$0x1], $0xffff  }
0xc6: {  	v1 =	vld.idx.msk [tilespmem:v0+s29+$0x20 ss:$0x1], $0xffff  }
0xc7: {  	[tilespmem:s25+$0x0] =	vst.add.f32.msk $0xffff, v2  }
.Ltmp3:
0xc8: {  	[tilespmem:s25+$0x10] =	vst.add.f32.msk $0xffff, v3;
	(pc) =	sbr.rel @p0 .LBB2_10-.Ltmp3, $4  }
0xc9: {  	[tilespmem:s25+$0x20] =	vst.add.f32.msk $0xffff, v4  }
0xca: {  	[tilespmem:s25+$0x30] =	vst.add.f32.msk $0xffff, v5  }
0xcb: {  	[tilespmem:s25+$0x40] =	vst.add.f32.msk $0xffff, v6  }
0xcc: {  	s28 =	sadd.s32 $0x1000, s28;
	[tilespmem:s25+$0x50] =	vst.add.f32.msk $0xffff, v7  }
0xcd: {  	s24 =	sadd.s32 $0x1, s24  }
0xce: {  	p0 =	sne.s32 s24, $0x8  }
.Ltmp4:
0xcf: {  	_ = 	snop;
	(pc) =	sbr.rel @p0 .LBB2_9-.Ltmp4, $2  }
0xd0: {  	_ =	sdelay $0x2  }
0xd1: {  	[tilespmem:s25+$0x60] =	vst.add.f32.msk $0xffff, v1;
	s23 =	sadd.s32 $0x80, s23;
	s22 =	sadd.s32 $0x80, s22  }
0xd2: {  	s20 =	sadd.s32 $0x1, s20  }
0xd3: {  	p0 =	sne.s32 s20, $0x4  }
.Ltmp5:
0xd4: {  	_ = 	snop;
	(pc) =	sbr.rel @p0 .LBB2_8-.Ltmp5, $2  }
0xd5: {  	_ =	sdelay $0x2  }
0xd6: {  	s21 =	sadd.s32 $0x2000, s21  }
0xd7: {  	s20 =	rddreg [dreg:$0x9]  }
0xd8: {  	[hbm4b:s20+s6] =	stream.strided.scatter [tilespmem:s8], [sflag:$0x7], $0x8000, s7, s6, $0x38;
	[tilespmem:$0x1C000] =	vst v63  }
0xd9: {  	s21 =	rddreg [dreg:$0xa];
	s20 =	simm.s32 $0x0  }
0xda: {  	[tilespmem:s6], [sflag:$0x2] =	stream.linear.gather [hbm4b:s21+s20], $0x2000, $0x38;
	[tilespmem:$0x1C000] =	vst v63  }
0xdb: {  	_ =	swait.ge [sflag:s9], $0x2000  }
0xdc: {  	[sflag:s9] =	ssyncset.done $0x0  }
0xdd: {  	[sflag:s9] =	ssyncadd.s32 $0xFFFFE000  }
0xde: {  	_ =	swait.ge [sflag:s16], $0x8000  }
0xdf: {  	[sflag:s16] =	ssyncset.done $0x0  }
0xe0: {  	[sflag:s16] =	ssyncadd.s32 $0xFFFF8000  }
0xe1: {  	_ =	swait.ge [sflag:s17], $0x8000  }
0xe2: {  	[sflag:s17] =	ssyncset.done $0x0  }
0xe3: {  	s21 =	simm.s32 $0x14000;
	s29 =	rddreg [dreg:$0xb];
	[sflag:s17] =	ssyncadd.s32 $0xFFFF8000  }
0xe4: {  	[tilespmem:s8], [sflag:$0x4] =	stream.strided.gather [hbm4b:s29+s6], $0x8000, s7, s6, $0x38;
	[tilespmem:$0x1C000] =	vst v63  }
.LBB2_14:
0xe5: {  	s22 =	simm.s32 $0x40;
	s23 =	smov.u32 s21;
	s24 =	simm.s32 $0x0  }
.LBB2_15:
0xe6: {  	v0 =	vmov s22;
	_ =	sdelay $0x3  }
0xe7: {  	s26 =	simm.s32 $0x0  }
0xe8: {  	v1 =	vld.idx.msk [tilespmem:v0+s26+$0x30 ss:$0x1], $0xffff  }
0xe9: {  	v2 =	vld.idx.msk [tilespmem:v0+s26+$0xFFFFFFC0 ss:$0x1], $0xffff  }
0xea: {  	v3 =	vld.idx.msk [tilespmem:v0+s26+$0xFFFFFFD0 ss:$0x1], $0xffff  }
0xeb: {  	v4 =	vld.idx.msk [tilespmem:v0+s26+$0xFFFFFFE0 ss:$0x1], $0xffff  }
0xec: {  	v5 =	vld.idx.msk [tilespmem:v0+s26+$0xFFFFFFF0 ss:$0x1], $0xffff  }
0xed: {  	v6 =	vld.idx.msk [tilespmem:v0+s26+$0x0 ss:$0x1], $0xffff  }
0xee: {  	s25 =	sadd.s32 $0x0, s23;
	v7 =	vld.idx.msk [tilespmem:v0+s26+$0x10 ss:$0x1], $0xffff  }
0xef: {  	[tilespmem:s25+$0x70] =	vst.add.f32.msk $0xffff, v1  }
0xf0: {  	v1 =	vld.idx.msk [tilespmem:v0+s26+$0x20 ss:$0x1], $0xffff  }
0xf1: {  	[tilespmem:s25+$0x0] =	vst.add.f32.msk $0xffff, v2  }
0xf2: {  	[tilespmem:s25+$0x10] =	vst.add.f32.msk $0xffff, v3  }
0xf3: {  	[tilespmem:s25+$0x20] =	vst.add.f32.msk $0xffff, v4  }
0xf4: {  	[tilespmem:s25+$0x30] =	vst.add.f32.msk $0xffff, v5  }
0xf5: {  	[tilespmem:s25+$0x40] =	vst.add.f32.msk $0xffff, v6  }
0xf6: {  	s28 =	simm.s32 $0x1000;
	s26 =	simm.s32 $0x0;
	[tilespmem:s25+$0x50] =	vst.add.f32.msk $0xffff, v7  }
.LBB2_16:
0xf7: {  	s29 =	sshra.s32 s28, $0x2;
	s26 =	sadd.s32 $0x80, s26;
	[tilespmem:s25+$0x60] =	vst.add.f32.msk $0xffff, v1  }
0xf8: {  	v1 =	vld.idx.msk [tilespmem:v0+s29+$0x30 ss:$0x1], $0xffff;
	p0 =	slt.u32 s26, $0x380  }
0xf9: {  	v2 =	vld.idx.msk [tilespmem:v0+s29+$0xFFFFFFC0 ss:$0x1], $0xffff  }
0xfa: {  	v3 =	vld.idx.msk [tilespmem:v0+s29+$0xFFFFFFD0 ss:$0x1], $0xffff  }
0xfb: {  	v4 =	vld.idx.msk [tilespmem:v0+s29+$0xFFFFFFE0 ss:$0x1], $0xffff  }
0xfc: {  	v5 =	vld.idx.msk [tilespmem:v0+s29+$0xFFFFFFF0 ss:$0x1], $0xffff  }
0xfd: {  	s25 =	sadd.s32 s29, s23;
	v6 =	vld.idx.msk [tilespmem:v0+s29+$0x0 ss:$0x1], $0xffff  }
0xfe: {  	[tilespmem:s25+$0x70] =	vst.add.f32.msk $0xffff, v1  }
0xff: {  	v7 =	vld.idx.msk [tilespmem:v0+s29+$0x10 ss:$0x1], $0xffff  }
0x100: {  	v1 =	vld.idx.msk [tilespmem:v0+s29+$0x20 ss:$0x1], $0xffff  }
0x101: {  	[tilespmem:s25+$0x0] =	vst.add.f32.msk $0xffff, v2  }
.Ltmp6:
0x102: {  	[tilespmem:s25+$0x10] =	vst.add.f32.msk $0xffff, v3;
	(pc) =	sbr.rel @p0 .LBB2_16-.Ltmp6, $4  }
0x103: {  	[tilespmem:s25+$0x20] =	vst.add.f32.msk $0xffff, v4  }
0x104: {  	[tilespmem:s25+$0x30] =	vst.add.f32.msk $0xffff, v5  }
0x105: {  	[tilespmem:s25+$0x40] =	vst.add.f32.msk $0xffff, v6  }
0x106: {  	s28 =	sadd.s32 $0x1000, s28;
	[tilespmem:s25+$0x50] =	vst.add.f32.msk $0xffff, v7  }
0x107: {  	s24 =	sadd.s32 $0x1, s24  }
0x108: {  	p0 =	sne.s32 s24, $0x8  }
.Ltmp7:
0x109: {  	_ = 	snop;
	(pc) =	sbr.rel @p0 .LBB2_15-.Ltmp7, $2  }
0x10a: {  	_ =	sdelay $0x2  }
0x10b: {  	[tilespmem:s25+$0x60] =	vst.add.f32.msk $0xffff, v1;
	s23 =	sadd.s32 $0x80, s23;
	s22 =	sadd.s32 $0x80, s22  }
0x10c: {  	s20 =	sadd.s32 $0x1, s20  }
0x10d: {  	p0 =	sne.s32 s20, $0x4  }
.Ltmp8:
0x10e: {  	_ = 	snop;
	(pc) =	sbr.rel @p0 .LBB2_14-.Ltmp8, $2  }
0x10f: {  	_ =	sdelay $0x2  }
0x110: {  	s21 =	sadd.s32 $0x2000, s21  }
0x111: {  	s20 =	rddreg [dreg:$0xc]  }
0x112: {  	[hbm4b:s20+s6] =	stream.strided.scatter [tilespmem:s11], [sflag:$0x8], $0x8000, s7, s6, $0x38;
	[tilespmem:$0x1C000] =	vst v63  }
0x113: {  	s21 =	rddreg [dreg:$0xd];
	s20 =	simm.s32 $0x0  }
0x114: {  	[tilespmem:s20], [sflag:$0x1] =	stream.linear.gather [hbm4b:s21+s20], $0x2000, $0x38;
	[tilespmem:$0x1C000] =	vst v63  }
0x115: {  	_ =	swait.ge [sflag:s13], $0x2000  }
0x116: {  	[sflag:s13] =	ssyncset.done $0x0  }
0x117: {  	[sflag:s13] =	ssyncadd.s32 $0xFFFFE000  }
0x118: {  	_ =	swait.ge [sflag:s10], $0x8000  }
0x119: {  	[sflag:s10] =	ssyncset.done $0x0  }
0x11a: {  	[sflag:s10] =	ssyncadd.s32 $0xFFFF8000  }
0x11b: {  	_ =	swait.ge [sflag:s18], $0x8000  }
0x11c: {  	[sflag:s18] =	ssyncset.done $0x0  }
0x11d: {  	s21 =	simm.s32 $0x4000;
	s29 =	rddreg [dreg:$0xe];
	[sflag:s18] =	ssyncadd.s32 $0xFFFF8000  }
0x11e: {  	[tilespmem:s11], [sflag:$0x5] =	stream.strided.gather [hbm4b:s29+s6], $0x8000, s7, s6, $0x38;
	[tilespmem:$0x1C000] =	vst v63  }
.LBB2_20:
0x11f: {  	s22 =	simm.s32 $0x2040;
	s23 =	smov.u32 s21;
	s24 =	simm.s32 $0x0  }
.LBB2_21:
0x120: {  	v0 =	vmov s22;
	_ =	sdelay $0x3  }
0x121: {  	s26 =	simm.s32 $0x0  }
0x122: {  	v1 =	vld.idx.msk [tilespmem:v0+s26+$0x30 ss:$0x1], $0xffff  }
0x123: {  	v2 =	vld.idx.msk [tilespmem:v0+s26+$0xFFFFFFC0 ss:$0x1], $0xffff  }
0x124: {  	v3 =	vld.idx.msk [tilespmem:v0+s26+$0xFFFFFFD0 ss:$0x1], $0xffff  }
0x125: {  	v4 =	vld.idx.msk [tilespmem:v0+s26+$0xFFFFFFE0 ss:$0x1], $0xffff  }
0x126: {  	v5 =	vld.idx.msk [tilespmem:v0+s26+$0xFFFFFFF0 ss:$0x1], $0xffff  }
0x127: {  	v6 =	vld.idx.msk [tilespmem:v0+s26+$0x0 ss:$0x1], $0xffff  }
0x128: {  	s25 =	sadd.s32 $0x0, s23;
	v7 =	vld.idx.msk [tilespmem:v0+s26+$0x10 ss:$0x1], $0xffff  }
0x129: {  	[tilespmem:s25+$0x70] =	vst.add.f32.msk $0xffff, v1  }
0x12a: {  	v1 =	vld.idx.msk [tilespmem:v0+s26+$0x20 ss:$0x1], $0xffff  }
0x12b: {  	[tilespmem:s25+$0x0] =	vst.add.f32.msk $0xffff, v2  }
0x12c: {  	[tilespmem:s25+$0x10] =	vst.add.f32.msk $0xffff, v3  }
0x12d: {  	[tilespmem:s25+$0x20] =	vst.add.f32.msk $0xffff, v4  }
0x12e: {  	[tilespmem:s25+$0x30] =	vst.add.f32.msk $0xffff, v5  }
0x12f: {  	[tilespmem:s25+$0x40] =	vst.add.f32.msk $0xffff, v6  }
0x130: {  	s28 =	simm.s32 $0x1000;
	s26 =	simm.s32 $0x0;
	[tilespmem:s25+$0x50] =	vst.add.f32.msk $0xffff, v7  }
.LBB2_22:
0x131: {  	s29 =	sshra.s32 s28, $0x2;
	s26 =	sadd.s32 $0x80, s26;
	[tilespmem:s25+$0x60] =	vst.add.f32.msk $0xffff, v1  }
0x132: {  	v1 =	vld.idx.msk [tilespmem:v0+s29+$0x30 ss:$0x1], $0xffff;
	p0 =	slt.u32 s26, $0x380  }
0x133: {  	v2 =	vld.idx.msk [tilespmem:v0+s29+$0xFFFFFFC0 ss:$0x1], $0xffff  }
0x134: {  	v3 =	vld.idx.msk [tilespmem:v0+s29+$0xFFFFFFD0 ss:$0x1], $0xffff  }
0x135: {  	v4 =	vld.idx.msk [tilespmem:v0+s29+$0xFFFFFFE0 ss:$0x1], $0xffff  }
0x136: {  	v5 =	vld.idx.msk [tilespmem:v0+s29+$0xFFFFFFF0 ss:$0x1], $0xffff  }
0x137: {  	s25 =	sadd.s32 s29, s23;
	v6 =	vld.idx.msk [tilespmem:v0+s29+$0x0 ss:$0x1], $0xffff  }
0x138: {  	[tilespmem:s25+$0x70] =	vst.add.f32.msk $0xffff, v1  }
0x139: {  	v7 =	vld.idx.msk [tilespmem:v0+s29+$0x10 ss:$0x1], $0xffff  }
0x13a: {  	v1 =	vld.idx.msk [tilespmem:v0+s29+$0x20 ss:$0x1], $0xffff  }
0x13b: {  	[tilespmem:s25+$0x0] =	vst.add.f32.msk $0xffff, v2  }
.Ltmp9:
0x13c: {  	[tilespmem:s25+$0x10] =	vst.add.f32.msk $0xffff, v3;
	(pc) =	sbr.rel @p0 .LBB2_22-.Ltmp9, $4  }
0x13d: {  	[tilespmem:s25+$0x20] =	vst.add.f32.msk $0xffff, v4  }
0x13e: {  	[tilespmem:s25+$0x30] =	vst.add.f32.msk $0xffff, v5  }
0x13f: {  	[tilespmem:s25+$0x40] =	vst.add.f32.msk $0xffff, v6  }
0x140: {  	s28 =	sadd.s32 $0x1000, s28;
	[tilespmem:s25+$0x50] =	vst.add.f32.msk $0xffff, v7  }
0x141: {  	s24 =	sadd.s32 $0x1, s24  }
0x142: {  	p0 =	sne.s32 s24, $0x8  }
.Ltmp10:
0x143: {  	_ = 	snop;
	(pc) =	sbr.rel @p0 .LBB2_21-.Ltmp10, $2  }
0x144: {  	_ =	sdelay $0x2  }
0x145: {  	[tilespmem:s25+$0x60] =	vst.add.f32.msk $0xffff, v1;
	s23 =	sadd.s32 $0x80, s23;
	s22 =	sadd.s32 $0x80, s22  }
0x146: {  	s20 =	sadd.s32 $0x1, s20  }
0x147: {  	p0 =	sne.s32 s20, $0x4  }
.Ltmp11:
0x148: {  	_ = 	snop;
	(pc) =	sbr.rel @p0 .LBB2_20-.Ltmp11, $2  }
0x149: {  	_ =	sdelay $0x2  }
0x14a: {  	s21 =	sadd.s32 $0x2000, s21  }
0x14b: {  	s20 =	rddreg [dreg:$0xf]  }
0x14c: {  	[hbm4b:s20+s6] =	stream.strided.scatter [tilespmem:s12], [sflag:$0x6], $0x8000, s7, s6, $0x38;
	[tilespmem:$0x1C000] =	vst v63  }
0x14d: {  	s21 =	rddreg [dreg:$0x10];
	s20 =	simm.s32 $0x0  }
0x14e: {  	[tilespmem:s6], [sflag:$0x2] =	stream.linear.gather [hbm4b:s21+s20], $0x2000, $0x38;
	[tilespmem:$0x1C000] =	vst v63  }
0x14f: {  	_ =	swait.ge [sflag:s9], $0x2000  }
0x150: {  	[sflag:s9] =	ssyncset.done $0x0  }
0x151: {  	[sflag:s9] =	ssyncadd.s32 $0xFFFFE000  }
0x152: {  	_ =	swait.ge [sflag:s14], $0x8000  }
0x153: {  	[sflag:s14] =	ssyncset.done $0x0  }
0x154: {  	[sflag:s14] =	ssyncadd.s32 $0xFFFF8000  }
0x155: {  	_ =	swait.ge [sflag:s15], $0x8000  }
0x156: {  	[sflag:s15] =	ssyncset.done $0x0  }
0x157: {  	s21 =	simm.s32 $0xC000;
	s29 =	rddreg [dreg:$0x11];
	[sflag:s15] =	ssyncadd.s32 $0xFFFF8000  }
0x158: {  	[tilespmem:s12], [sflag:$0x3] =	stream.strided.gather [hbm4b:s29+s6], $0x8000, s7, s6, $0x38;
	[tilespmem:$0x1C000] =	vst v63  }
.LBB2_26:
0x159: {  	s22 =	simm.s32 $0x40;
	s23 =	smov.u32 s21;
	s24 =	simm.s32 $0x0  }
.LBB2_27:
0x15a: {  	v0 =	vmov s22;
	_ =	sdelay $0x3  }
0x15b: {  	s26 =	simm.s32 $0x0  }
0x15c: {  	v1 =	vld.idx.msk [tilespmem:v0+s26+$0x30 ss:$0x1], $0xffff  }
0x15d: {  	v2 =	vld.idx.msk [tilespmem:v0+s26+$0xFFFFFFC0 ss:$0x1], $0xffff  }
0x15e: {  	v3 =	vld.idx.msk [tilespmem:v0+s26+$0xFFFFFFD0 ss:$0x1], $0xffff  }
0x15f: {  	v4 =	vld.idx.msk [tilespmem:v0+s26+$0xFFFFFFE0 ss:$0x1], $0xffff  }
0x160: {  	v5 =	vld.idx.msk [tilespmem:v0+s26+$0xFFFFFFF0 ss:$0x1], $0xffff  }
0x161: {  	v6 =	vld.idx.msk [tilespmem:v0+s26+$0x0 ss:$0x1], $0xffff  }
0x162: {  	s25 =	sadd.s32 $0x0, s23;
	v7 =	vld.idx.msk [tilespmem:v0+s26+$0x10 ss:$0x1], $0xffff  }
0x163: {  	[tilespmem:s25+$0x70] =	vst.add.f32.msk $0xffff, v1  }
0x164: {  	v1 =	vld.idx.msk [tilespmem:v0+s26+$0x20 ss:$0x1], $0xffff  }
0x165: {  	[tilespmem:s25+$0x0] =	vst.add.f32.msk $0xffff, v2  }
0x166: {  	[tilespmem:s25+$0x10] =	vst.add.f32.msk $0xffff, v3  }
0x167: {  	[tilespmem:s25+$0x20] =	vst.add.f32.msk $0xffff, v4  }
0x168: {  	[tilespmem:s25+$0x30] =	vst.add.f32.msk $0xffff, v5  }
0x169: {  	[tilespmem:s25+$0x40] =	vst.add.f32.msk $0xffff, v6  }
0x16a: {  	s28 =	simm.s32 $0x1000;
	s26 =	simm.s32 $0x0;
	[tilespmem:s25+$0x50] =	vst.add.f32.msk $0xffff, v7  }
.LBB2_28:
0x16b: {  	s29 =	sshra.s32 s28, $0x2;
	s26 =	sadd.s32 $0x80, s26;
	[tilespmem:s25+$0x60] =	vst.add.f32.msk $0xffff, v1  }
0x16c: {  	v1 =	vld.idx.msk [tilespmem:v0+s29+$0x30 ss:$0x1], $0xffff;
	p0 =	slt.u32 s26, $0x380  }
0x16d: {  	v2 =	vld.idx.msk [tilespmem:v0+s29+$0xFFFFFFC0 ss:$0x1], $0xffff  }
0x16e: {  	v3 =	vld.idx.msk [tilespmem:v0+s29+$0xFFFFFFD0 ss:$0x1], $0xffff  }
0x16f: {  	v4 =	vld.idx.msk [tilespmem:v0+s29+$0xFFFFFFE0 ss:$0x1], $0xffff  }
0x170: {  	v5 =	vld.idx.msk [tilespmem:v0+s29+$0xFFFFFFF0 ss:$0x1], $0xffff  }
0x171: {  	s25 =	sadd.s32 s29, s23;
	v6 =	vld.idx.msk [tilespmem:v0+s29+$0x0 ss:$0x1], $0xffff  }
0x172: {  	[tilespmem:s25+$0x70] =	vst.add.f32.msk $0xffff, v1  }
0x173: {  	v7 =	vld.idx.msk [tilespmem:v0+s29+$0x10 ss:$0x1], $0xffff  }
0x174: {  	v1 =	vld.idx.msk [tilespmem:v0+s29+$0x20 ss:$0x1], $0xffff  }
0x175: {  	[tilespmem:s25+$0x0] =	vst.add.f32.msk $0xffff, v2  }
.Ltmp12:
0x176: {  	[tilespmem:s25+$0x10] =	vst.add.f32.msk $0xffff, v3;
	(pc) =	sbr.rel @p0 .LBB2_28-.Ltmp12, $4  }
0x177: {  	[tilespmem:s25+$0x20] =	vst.add.f32.msk $0xffff, v4  }
0x178: {  	[tilespmem:s25+$0x30] =	vst.add.f32.msk $0xffff, v5  }
0x179: {  	[tilespmem:s25+$0x40] =	vst.add.f32.msk $0xffff, v6  }
0x17a: {  	s28 =	sadd.s32 $0x1000, s28;
	[tilespmem:s25+$0x50] =	vst.add.f32.msk $0xffff, v7  }
0x17b: {  	s24 =	sadd.s32 $0x1, s24  }
0x17c: {  	p0 =	sne.s32 s24, $0x8  }
.Ltmp13:
0x17d: {  	_ = 	snop;
	(pc) =	sbr.rel @p0 .LBB2_27-.Ltmp13, $2  }
0x17e: {  	_ =	sdelay $0x2  }
0x17f: {  	[tilespmem:s25+$0x60] =	vst.add.f32.msk $0xffff, v1;
	s23 =	sadd.s32 $0x80, s23;
	s22 =	sadd.s32 $0x80, s22  }
0x180: {  	s20 =	sadd.s32 $0x1, s20  }
0x181: {  	p0 =	sne.s32 s20, $0x4  }
.Ltmp14:
0x182: {  	_ = 	snop;
	(pc) =	sbr.rel @p0 .LBB2_26-.Ltmp14, $2  }
0x183: {  	_ =	sdelay $0x2  }
0x184: {  	s21 =	sadd.s32 $0x2000, s21  }
0x185: {  	s20 =	rddreg [dreg:$0x12]  }
0x186: {  	[hbm4b:s20+s6] =	stream.strided.scatter [tilespmem:s8], [sflag:$0x7], $0x8000, s7, s6, $0x38;
	[tilespmem:$0x1C000] =	vst v63  }
0x187: {  	s21 =	rddreg [dreg:$0x13];
	s20 =	simm.s32 $0x0  }
0x188: {  	[tilespmem:s20], [sflag:$0x1] =	stream.linear.gather [hbm4b:s21+s20], $0x2000, $0x38;
	[tilespmem:$0x1C000] =	vst v63  }
0x189: {  	_ =	swait.ge [sflag:s13], $0x2000  }
0x18a: {  	[sflag:s13] =	ssyncset.done $0x0  }
0x18b: {  	[sflag:s13] =	ssyncadd.s32 $0xFFFFE000  }
0x18c: {  	_ =	swait.ge [sflag:s16], $0x8000  }
0x18d: {  	[sflag:s16] =	ssyncset.done $0x0  }
0x18e: {  	[sflag:s16] =	ssyncadd.s32 $0xFFFF8000  }
0x18f: {  	_ =	swait.ge [sflag:s17], $0x8000  }
0x190: {  	[sflag:s17] =	ssyncset.done $0x0  }
0x191: {  	s21 =	simm.s32 $0x14000;
	s29 =	rddreg [dreg:$0x16];
	[sflag:s17] =	ssyncadd.s32 $0xFFFF8000  }
0x192: {  	[tilespmem:s8], [sflag:$0x4] =	stream.strided.gather [hbm4b:s29+s6], $0x8000, s7, s6, $0x38;
	[tilespmem:$0x1C000] =	vst v63  }
.LBB2_32:
0x193: {  	s22 =	simm.s32 $0x2040;
	s23 =	smov.u32 s21;
	s24 =	simm.s32 $0x0  }
.LBB2_33:
0x194: {  	v0 =	vmov s22;
	_ =	sdelay $0x3  }
0x195: {  	s26 =	simm.s32 $0x0  }
0x196: {  	v1 =	vld.idx.msk [tilespmem:v0+s26+$0x30 ss:$0x1], $0xffff  }
0x197: {  	v2 =	vld.idx.msk [tilespmem:v0+s26+$0xFFFFFFC0 ss:$0x1], $0xffff  }
0x198: {  	v3 =	vld.idx.msk [tilespmem:v0+s26+$0xFFFFFFD0 ss:$0x1], $0xffff  }
0x199: {  	v4 =	vld.idx.msk [tilespmem:v0+s26+$0xFFFFFFE0 ss:$0x1], $0xffff  }
0x19a: {  	v5 =	vld.idx.msk [tilespmem:v0+s26+$0xFFFFFFF0 ss:$0x1], $0xffff  }
0x19b: {  	v6 =	vld.idx.msk [tilespmem:v0+s26+$0x0 ss:$0x1], $0xffff  }
0x19c: {  	s25 =	sadd.s32 $0x0, s23;
	v7 =	vld.idx.msk [tilespmem:v0+s26+$0x10 ss:$0x1], $0xffff  }
0x19d: {  	[tilespmem:s25+$0x70] =	vst.add.f32.msk $0xffff, v1  }
0x19e: {  	v1 =	vld.idx.msk [tilespmem:v0+s26+$0x20 ss:$0x1], $0xffff  }
0x19f: {  	[tilespmem:s25+$0x0] =	vst.add.f32.msk $0xffff, v2  }
0x1a0: {  	[tilespmem:s25+$0x10] =	vst.add.f32.msk $0xffff, v3  }
0x1a1: {  	[tilespmem:s25+$0x20] =	vst.add.f32.msk $0xffff, v4  }
0x1a2: {  	[tilespmem:s25+$0x30] =	vst.add.f32.msk $0xffff, v5  }
0x1a3: {  	[tilespmem:s25+$0x40] =	vst.add.f32.msk $0xffff, v6  }
0x1a4: {  	s28 =	simm.s32 $0x1000;
	s26 =	simm.s32 $0x0;
	[tilespmem:s25+$0x50] =	vst.add.f32.msk $0xffff, v7  }
.LBB2_34:
0x1a5: {  	s29 =	sshra.s32 s28, $0x2;
	s26 =	sadd.s32 $0x80, s26;
	[tilespmem:s25+$0x60] =	vst.add.f32.msk $0xffff, v1  }
0x1a6: {  	v1 =	vld.idx.msk [tilespmem:v0+s29+$0x30 ss:$0x1], $0xffff;
	p0 =	slt.u32 s26, $0x380  }
0x1a7: {  	v2 =	vld.idx.msk [tilespmem:v0+s29+$0xFFFFFFC0 ss:$0x1], $0xffff  }
0x1a8: {  	v3 =	vld.idx.msk [tilespmem:v0+s29+$0xFFFFFFD0 ss:$0x1], $0xffff  }
0x1a9: {  	v4 =	vld.idx.msk [tilespmem:v0+s29+$0xFFFFFFE0 ss:$0x1], $0xffff  }
0x1aa: {  	v5 =	vld.idx.msk [tilespmem:v0+s29+$0xFFFFFFF0 ss:$0x1], $0xffff  }
0x1ab: {  	s25 =	sadd.s32 s29, s23;
	v6 =	vld.idx.msk [tilespmem:v0+s29+$0x0 ss:$0x1], $0xffff  }
0x1ac: {  	[tilespmem:s25+$0x70] =	vst.add.f32.msk $0xffff, v1  }
0x1ad: {  	v7 =	vld.idx.msk [tilespmem:v0+s29+$0x10 ss:$0x1], $0xffff  }
0x1ae: {  	v1 =	vld.idx.msk [tilespmem:v0+s29+$0x20 ss:$0x1], $0xffff  }
0x1af: {  	[tilespmem:s25+$0x0] =	vst.add.f32.msk $0xffff, v2  }
.Ltmp15:
0x1b0: {  	[tilespmem:s25+$0x10] =	vst.add.f32.msk $0xffff, v3;
	(pc) =	sbr.rel @p0 .LBB2_34-.Ltmp15, $4  }
0x1b1: {  	[tilespmem:s25+$0x20] =	vst.add.f32.msk $0xffff, v4  }
0x1b2: {  	[tilespmem:s25+$0x30] =	vst.add.f32.msk $0xffff, v5  }
0x1b3: {  	[tilespmem:s25+$0x40] =	vst.add.f32.msk $0xffff, v6  }
0x1b4: {  	s28 =	sadd.s32 $0x1000, s28;
	[tilespmem:s25+$0x50] =	vst.add.f32.msk $0xffff, v7  }
0x1b5: {  	s24 =	sadd.s32 $0x1, s24  }
0x1b6: {  	p0 =	sne.s32 s24, $0x8  }
.Ltmp16:
0x1b7: {  	_ = 	snop;
	(pc) =	sbr.rel @p0 .LBB2_33-.Ltmp16, $2  }
0x1b8: {  	_ =	sdelay $0x2  }
0x1b9: {  	[tilespmem:s25+$0x60] =	vst.add.f32.msk $0xffff, v1;
	s23 =	sadd.s32 $0x80, s23;
	s22 =	sadd.s32 $0x80, s22  }
0x1ba: {  	s20 =	sadd.s32 $0x1, s20  }
0x1bb: {  	p0 =	sne.s32 s20, $0x4  }
.Ltmp17:
0x1bc: {  	_ = 	snop;
	(pc) =	sbr.rel @p0 .LBB2_32-.Ltmp17, $2  }
0x1bd: {  	_ =	sdelay $0x2  }
0x1be: {  	s21 =	sadd.s32 $0x2000, s21  }
0x1bf: {  	s20 =	rddreg [dreg:$0x14]  }
0x1c0: {  	[hbm4b:s20+s6] =	stream.strided.scatter [tilespmem:s11], [sflag:$0x8], $0x8000, s7, s6, $0x38;
	[tilespmem:$0x1C000] =	vst v63  }
0x1c1: {  	s21 =	rddreg [dreg:$0x17];
	s20 =	simm.s32 $0x0  }
0x1c2: {  	[tilespmem:s6], [sflag:$0x2] =	stream.linear.gather [hbm4b:s21+s20], $0x2000, $0x38;
	[tilespmem:$0x1C000] =	vst v63  }
0x1c3: {  	_ =	swait.ge [sflag:s9], $0x2000  }
0x1c4: {  	[sflag:s9] =	ssyncset.done $0x0  }
0x1c5: {  	[sflag:s9] =	ssyncadd.s32 $0xFFFFE000  }
0x1c6: {  	_ =	swait.ge [sflag:s10], $0x8000  }
0x1c7: {  	[sflag:s10] =	ssyncset.done $0x0  }
0x1c8: {  	[sflag:s10] =	ssyncadd.s32 $0xFFFF8000  }
0x1c9: {  	_ =	swait.ge [sflag:s18], $0x8000  }
0x1ca: {  	[sflag:s18] =	ssyncset.done $0x0  }
0x1cb: {  	s21 =	simm.s32 $0x4000;
	s29 =	rddreg [dreg:$0x19];
	[sflag:s18] =	ssyncadd.s32 $0xFFFF8000  }
0x1cc: {  	[tilespmem:s11], [sflag:$0x5] =	stream.strided.gather [hbm4b:s29+s6], $0x8000, s7, s6, $0x38;
	[tilespmem:$0x1C000] =	vst v63  }
.LBB2_38:
0x1cd: {  	s22 =	simm.s32 $0x40;
	s23 =	smov.u32 s21;
	s24 =	simm.s32 $0x0  }
.LBB2_39:
0x1ce: {  	v0 =	vmov s22;
	_ =	sdelay $0x3  }
0x1cf: {  	s26 =	simm.s32 $0x0  }
0x1d0: {  	v1 =	vld.idx.msk [tilespmem:v0+s26+$0x30 ss:$0x1], $0xffff  }
0x1d1: {  	v2 =	vld.idx.msk [tilespmem:v0+s26+$0xFFFFFFC0 ss:$0x1], $0xffff  }
0x1d2: {  	v3 =	vld.idx.msk [tilespmem:v0+s26+$0xFFFFFFD0 ss:$0x1], $0xffff  }
0x1d3: {  	v4 =	vld.idx.msk [tilespmem:v0+s26+$0xFFFFFFE0 ss:$0x1], $0xffff  }
0x1d4: {  	v5 =	vld.idx.msk [tilespmem:v0+s26+$0xFFFFFFF0 ss:$0x1], $0xffff  }
0x1d5: {  	v6 =	vld.idx.msk [tilespmem:v0+s26+$0x0 ss:$0x1], $0xffff  }
0x1d6: {  	s25 =	sadd.s32 $0x0, s23;
	v7 =	vld.idx.msk [tilespmem:v0+s26+$0x10 ss:$0x1], $0xffff  }
0x1d7: {  	[tilespmem:s25+$0x70] =	vst.add.f32.msk $0xffff, v1  }
0x1d8: {  	v1 =	vld.idx.msk [tilespmem:v0+s26+$0x20 ss:$0x1], $0xffff  }
0x1d9: {  	[tilespmem:s25+$0x0] =	vst.add.f32.msk $0xffff, v2  }
0x1da: {  	[tilespmem:s25+$0x10] =	vst.add.f32.msk $0xffff, v3  }
0x1db: {  	[tilespmem:s25+$0x20] =	vst.add.f32.msk $0xffff, v4  }
0x1dc: {  	[tilespmem:s25+$0x30] =	vst.add.f32.msk $0xffff, v5  }
0x1dd: {  	[tilespmem:s25+$0x40] =	vst.add.f32.msk $0xffff, v6  }
0x1de: {  	s28 =	simm.s32 $0x1000;
	s26 =	simm.s32 $0x0;
	[tilespmem:s25+$0x50] =	vst.add.f32.msk $0xffff, v7  }
.LBB2_40:
0x1df: {  	s29 =	sshra.s32 s28, $0x2;
	s26 =	sadd.s32 $0x80, s26;
	[tilespmem:s25+$0x60] =	vst.add.f32.msk $0xffff, v1  }
0x1e0: {  	v1 =	vld.idx.msk [tilespmem:v0+s29+$0x30 ss:$0x1], $0xffff;
	p0 =	slt.u32 s26, $0x380  }
0x1e1: {  	v2 =	vld.idx.msk [tilespmem:v0+s29+$0xFFFFFFC0 ss:$0x1], $0xffff  }
0x1e2: {  	v3 =	vld.idx.msk [tilespmem:v0+s29+$0xFFFFFFD0 ss:$0x1], $0xffff  }
0x1e3: {  	v4 =	vld.idx.msk [tilespmem:v0+s29+$0xFFFFFFE0 ss:$0x1], $0xffff  }
0x1e4: {  	v5 =	vld.idx.msk [tilespmem:v0+s29+$0xFFFFFFF0 ss:$0x1], $0xffff  }
0x1e5: {  	s25 =	sadd.s32 s29, s23;
	v6 =	vld.idx.msk [tilespmem:v0+s29+$0x0 ss:$0x1], $0xffff  }
0x1e6: {  	[tilespmem:s25+$0x70] =	vst.add.f32.msk $0xffff, v1  }
0x1e7: {  	v7 =	vld.idx.msk [tilespmem:v0+s29+$0x10 ss:$0x1], $0xffff  }
0x1e8: {  	v1 =	vld.idx.msk [tilespmem:v0+s29+$0x20 ss:$0x1], $0xffff  }
0x1e9: {  	[tilespmem:s25+$0x0] =	vst.add.f32.msk $0xffff, v2  }
.Ltmp18:
0x1ea: {  	[tilespmem:s25+$0x10] =	vst.add.f32.msk $0xffff, v3;
	(pc) =	sbr.rel @p0 .LBB2_40-.Ltmp18, $4  }
0x1eb: {  	[tilespmem:s25+$0x20] =	vst.add.f32.msk $0xffff, v4  }
0x1ec: {  	[tilespmem:s25+$0x30] =	vst.add.f32.msk $0xffff, v5  }
0x1ed: {  	[tilespmem:s25+$0x40] =	vst.add.f32.msk $0xffff, v6  }
0x1ee: {  	s28 =	sadd.s32 $0x1000, s28;
	[tilespmem:s25+$0x50] =	vst.add.f32.msk $0xffff, v7  }
0x1ef: {  	s24 =	sadd.s32 $0x1, s24  }
0x1f0: {  	p0 =	sne.s32 s24, $0x8  }
.Ltmp19:
0x1f1: {  	_ = 	snop;
	(pc) =	sbr.rel @p0 .LBB2_39-.Ltmp19, $2  }
0x1f2: {  	_ =	sdelay $0x2  }
0x1f3: {  	[tilespmem:s25+$0x60] =	vst.add.f32.msk $0xffff, v1;
	s23 =	sadd.s32 $0x80, s23;
	s22 =	sadd.s32 $0x80, s22  }
0x1f4: {  	s20 =	sadd.s32 $0x1, s20  }
0x1f5: {  	p0 =	sne.s32 s20, $0x4  }
.Ltmp20:
0x1f6: {  	_ = 	snop;
	(pc) =	sbr.rel @p0 .LBB2_38-.Ltmp20, $2  }
0x1f7: {  	_ =	sdelay $0x2  }
0x1f8: {  	s21 =	sadd.s32 $0x2000, s21  }
0x1f9: {  	s20 =	rddreg [dreg:$0x15]  }
0x1fa: {  	[hbm4b:s20+s6] =	stream.strided.scatter [tilespmem:s12], [sflag:$0x6], $0x8000, s7, s6, $0x38;
	[tilespmem:$0x1C000] =	vst v63  }
0x1fb: {  	s21 =	rddreg [dreg:$0x1a];
	s20 =	simm.s32 $0x0  }
0x1fc: {  	[tilespmem:s20], [sflag:$0x1] =	stream.linear.gather [hbm4b:s21+s20], $0x2000, $0x38;
	[tilespmem:$0x1C000] =	vst v63  }
0x1fd: {  	_ =	swait.ge [sflag:s13], $0x2000  }
0x1fe: {  	[sflag:s13] =	ssyncset.done $0x0  }
0x1ff: {  	[sflag:s13] =	ssyncadd.s32 $0xFFFFE000  }
0x200: {  	_ =	swait.ge [sflag:s14], $0x8000  }
0x201: {  	[sflag:s14] =	ssyncset.done $0x0  }
0x202: {  	[sflag:s14] =	ssyncadd.s32 $0xFFFF8000  }
0x203: {  	_ =	swait.ge [sflag:s15], $0x8000  }
0x204: {  	[sflag:s15] =	ssyncset.done $0x0  }
0x205: {  	s21 =	simm.s32 $0xC000;
	s29 =	rddreg [dreg:$0x1c];
	[sflag:s15] =	ssyncadd.s32 $0xFFFF8000  }
0x206: {  	[tilespmem:s12], [sflag:$0x3] =	stream.strided.gather [hbm4b:s29+s6], $0x8000, s7, s6, $0x38;
	[tilespmem:$0x1C000] =	vst v63  }
.LBB2_44:
0x207: {  	s22 =	simm.s32 $0x2040;
	s23 =	smov.u32 s21;
	s24 =	simm.s32 $0x0  }
.LBB2_45:
0x208: {  	v0 =	vmov s22;
	_ =	sdelay $0x3  }
0x209: {  	s26 =	simm.s32 $0x0  }
0x20a: {  	v1 =	vld.idx.msk [tilespmem:v0+s26+$0x30 ss:$0x1], $0xffff  }
0x20b: {  	v2 =	vld.idx.msk [tilespmem:v0+s26+$0xFFFFFFC0 ss:$0x1], $0xffff  }
0x20c: {  	v3 =	vld.idx.msk [tilespmem:v0+s26+$0xFFFFFFD0 ss:$0x1], $0xffff  }
0x20d: {  	v4 =	vld.idx.msk [tilespmem:v0+s26+$0xFFFFFFE0 ss:$0x1], $0xffff  }
0x20e: {  	v5 =	vld.idx.msk [tilespmem:v0+s26+$0xFFFFFFF0 ss:$0x1], $0xffff  }
0x20f: {  	v6 =	vld.idx.msk [tilespmem:v0+s26+$0x0 ss:$0x1], $0xffff  }
0x210: {  	s25 =	sadd.s32 $0x0, s23;
	v7 =	vld.idx.msk [tilespmem:v0+s26+$0x10 ss:$0x1], $0xffff  }
0x211: {  	[tilespmem:s25+$0x70] =	vst.add.f32.msk $0xffff, v1  }
0x212: {  	v1 =	vld.idx.msk [tilespmem:v0+s26+$0x20 ss:$0x1], $0xffff  }
0x213: {  	[tilespmem:s25+$0x0] =	vst.add.f32.msk $0xffff, v2  }
0x214: {  	[tilespmem:s25+$0x10] =	vst.add.f32.msk $0xffff, v3  }
0x215: {  	[tilespmem:s25+$0x20] =	vst.add.f32.msk $0xffff, v4  }
0x216: {  	[tilespmem:s25+$0x30] =	vst.add.f32.msk $0xffff, v5  }
0x217: {  	[tilespmem:s25+$0x40] =	vst.add.f32.msk $0xffff, v6  }
0x218: {  	s28 =	simm.s32 $0x1000;
	s26 =	simm.s32 $0x0;
	[tilespmem:s25+$0x50] =	vst.add.f32.msk $0xffff, v7  }
.LBB2_46:
0x219: {  	s29 =	sshra.s32 s28, $0x2;
	s26 =	sadd.s32 $0x80, s26;
	[tilespmem:s25+$0x60] =	vst.add.f32.msk $0xffff, v1  }
0x21a: {  	v1 =	vld.idx.msk [tilespmem:v0+s29+$0x30 ss:$0x1], $0xffff;
	p0 =	slt.u32 s26, $0x380  }
0x21b: {  	v2 =	vld.idx.msk [tilespmem:v0+s29+$0xFFFFFFC0 ss:$0x1], $0xffff  }
0x21c: {  	v3 =	vld.idx.msk [tilespmem:v0+s29+$0xFFFFFFD0 ss:$0x1], $0xffff  }
0x21d: {  	v4 =	vld.idx.msk [tilespmem:v0+s29+$0xFFFFFFE0 ss:$0x1], $0xffff  }
0x21e: {  	v5 =	vld.idx.msk [tilespmem:v0+s29+$0xFFFFFFF0 ss:$0x1], $0xffff  }
0x21f: {  	s25 =	sadd.s32 s29, s23;
	v6 =	vld.idx.msk [tilespmem:v0+s29+$0x0 ss:$0x1], $0xffff  }
0x220: {  	[tilespmem:s25+$0x70] =	vst.add.f32.msk $0xffff, v1  }
0x221: {  	v7 =	vld.idx.msk [tilespmem:v0+s29+$0x10 ss:$0x1], $0xffff  }
0x222: {  	v1 =	vld.idx.msk [tilespmem:v0+s29+$0x20 ss:$0x1], $0xffff  }
0x223: {  	[tilespmem:s25+$0x0] =	vst.add.f32.msk $0xffff, v2  }
.Ltmp21:
0x224: {  	[tilespmem:s25+$0x10] =	vst.add.f32.msk $0xffff, v3;
	(pc) =	sbr.rel @p0 .LBB2_46-.Ltmp21, $4  }
0x225: {  	[tilespmem:s25+$0x20] =	vst.add.f32.msk $0xffff, v4  }
0x226: {  	[tilespmem:s25+$0x30] =	vst.add.f32.msk $0xffff, v5  }
0x227: {  	[tilespmem:s25+$0x40] =	vst.add.f32.msk $0xffff, v6  }
0x228: {  	s28 =	sadd.s32 $0x1000, s28;
	[tilespmem:s25+$0x50] =	vst.add.f32.msk $0xffff, v7  }
0x229: {  	s24 =	sadd.s32 $0x1, s24  }
0x22a: {  	p0 =	sne.s32 s24, $0x8  }
.Ltmp22:
0x22b: {  	_ = 	snop;
	(pc) =	sbr.rel @p0 .LBB2_45-.Ltmp22, $2  }
0x22c: {  	_ =	sdelay $0x2  }
0x22d: {  	[tilespmem:s25+$0x60] =	vst.add.f32.msk $0xffff, v1;
	s23 =	sadd.s32 $0x80, s23;
	s22 =	sadd.s32 $0x80, s22  }
0x22e: {  	s20 =	sadd.s32 $0x1, s20  }
0x22f: {  	p0 =	sne.s32 s20, $0x4  }
.Ltmp23:
0x230: {  	_ = 	snop;
	(pc) =	sbr.rel @p0 .LBB2_44-.Ltmp23, $2  }
0x231: {  	_ =	sdelay $0x2  }
0x232: {  	s21 =	sadd.s32 $0x2000, s21  }
0x233: {  	s20 =	rddreg [dreg:$0x18]  }
0x234: {  	[hbm4b:s20+s6] =	stream.strided.scatter [tilespmem:s8], [sflag:$0x7], $0x8000, s7, s6, $0x38;
	[tilespmem:$0x1C000] =	vst v63  }
0x235: {  	s21 =	rddreg [dreg:$0x1d];
	s20 =	simm.s32 $0x0  }
0x236: {  	[tilespmem:s6], [sflag:$0x2] =	stream.linear.gather [hbm4b:s21+s20], $0x2000, $0x38;
	[tilespmem:$0x1C000] =	vst v63  }
0x237: {  	_ =	swait.ge [sflag:s9], $0x2000  }
0x238: {  	[sflag:s9] =	ssyncset.done $0x0  }
0x239: {  	[sflag:s9] =	ssyncadd.s32 $0xFFFFE000  }
0x23a: {  	_ =	swait.ge [sflag:s16], $0x8000  }
0x23b: {  	[sflag:s16] =	ssyncset.done $0x0  }
0x23c: {  	[sflag:s16] =	ssyncadd.s32 $0xFFFF8000  }
0x23d: {  	_ =	swait.ge [sflag:s17], $0x8000  }
0x23e: {  	[sflag:s17] =	ssyncset.done $0x0  }
0x23f: {  	s21 =	simm.s32 $0x14000;
	s29 =	rddreg [dreg:$0x1f];
	[sflag:s17] =	ssyncadd.s32 $0xFFFF8000  }
0x240: {  	[tilespmem:s8], [sflag:$0x4] =	stream.strided.gather [hbm4b:s29+s6], $0x8000, s7, s6, $0x38;
	[tilespmem:$0x1C000] =	vst v63  }
.LBB2_50:
0x241: {  	s22 =	simm.s32 $0x40;
	s23 =	smov.u32 s21;
	s24 =	simm.s32 $0x0  }
.LBB2_51:
0x242: {  	v0 =	vmov s22;
	_ =	sdelay $0x3  }
0x243: {  	s26 =	simm.s32 $0x0  }
0x244: {  	v1 =	vld.idx.msk [tilespmem:v0+s26+$0x30 ss:$0x1], $0xffff  }
0x245: {  	v2 =	vld.idx.msk [tilespmem:v0+s26+$0xFFFFFFC0 ss:$0x1], $0xffff  }
0x246: {  	v3 =	vld.idx.msk [tilespmem:v0+s26+$0xFFFFFFD0 ss:$0x1], $0xffff  }
0x247: {  	v4 =	vld.idx.msk [tilespmem:v0+s26+$0xFFFFFFE0 ss:$0x1], $0xffff  }
0x248: {  	v5 =	vld.idx.msk [tilespmem:v0+s26+$0xFFFFFFF0 ss:$0x1], $0xffff  }
0x249: {  	v6 =	vld.idx.msk [tilespmem:v0+s26+$0x0 ss:$0x1], $0xffff  }
0x24a: {  	s25 =	sadd.s32 $0x0, s23;
	v7 =	vld.idx.msk [tilespmem:v0+s26+$0x10 ss:$0x1], $0xffff  }
0x24b: {  	[tilespmem:s25+$0x70] =	vst.add.f32.msk $0xffff, v1  }
0x24c: {  	v1 =	vld.idx.msk [tilespmem:v0+s26+$0x20 ss:$0x1], $0xffff  }
0x24d: {  	[tilespmem:s25+$0x0] =	vst.add.f32.msk $0xffff, v2  }
0x24e: {  	[tilespmem:s25+$0x10] =	vst.add.f32.msk $0xffff, v3  }
0x24f: {  	[tilespmem:s25+$0x20] =	vst.add.f32.msk $0xffff, v4  }
0x250: {  	[tilespmem:s25+$0x30] =	vst.add.f32.msk $0xffff, v5  }
0x251: {  	[tilespmem:s25+$0x40] =	vst.add.f32.msk $0xffff, v6  }
0x252: {  	s28 =	simm.s32 $0x1000;
	s26 =	simm.s32 $0x0;
	[tilespmem:s25+$0x50] =	vst.add.f32.msk $0xffff, v7  }
.LBB2_52:
0x253: {  	s29 =	sshra.s32 s28, $0x2;
	s26 =	sadd.s32 $0x80, s26;
	[tilespmem:s25+$0x60] =	vst.add.f32.msk $0xffff, v1  }
0x254: {  	v1 =	vld.idx.msk [tilespmem:v0+s29+$0x30 ss:$0x1], $0xffff;
	p0 =	slt.u32 s26, $0x380  }
0x255: {  	v2 =	vld.idx.msk [tilespmem:v0+s29+$0xFFFFFFC0 ss:$0x1], $0xffff  }
0x256: {  	v3 =	vld.idx.msk [tilespmem:v0+s29+$0xFFFFFFD0 ss:$0x1], $0xffff  }
0x257: {  	v4 =	vld.idx.msk [tilespmem:v0+s29+$0xFFFFFFE0 ss:$0x1], $0xffff  }
0x258: {  	v5 =	vld.idx.msk [tilespmem:v0+s29+$0xFFFFFFF0 ss:$0x1], $0xffff  }
0x259: {  	s25 =	sadd.s32 s29, s23;
	v6 =	vld.idx.msk [tilespmem:v0+s29+$0x0 ss:$0x1], $0xffff  }
0x25a: {  	[tilespmem:s25+$0x70] =	vst.add.f32.msk $0xffff, v1  }
0x25b: {  	v7 =	vld.idx.msk [tilespmem:v0+s29+$0x10 ss:$0x1], $0xffff  }
0x25c: {  	v1 =	vld.idx.msk [tilespmem:v0+s29+$0x20 ss:$0x1], $0xffff  }
0x25d: {  	[tilespmem:s25+$0x0] =	vst.add.f32.msk $0xffff, v2  }
.Ltmp24:
0x25e: {  	[tilespmem:s25+$0x10] =	vst.add.f32.msk $0xffff, v3;
	(pc) =	sbr.rel @p0 .LBB2_52-.Ltmp24, $4  }
0x25f: {  	[tilespmem:s25+$0x20] =	vst.add.f32.msk $0xffff, v4  }
0x260: {  	[tilespmem:s25+$0x30] =	vst.add.f32.msk $0xffff, v5  }
0x261: {  	[tilespmem:s25+$0x40] =	vst.add.f32.msk $0xffff, v6  }
0x262: {  	s28 =	sadd.s32 $0x1000, s28;
	[tilespmem:s25+$0x50] =	vst.add.f32.msk $0xffff, v7  }
0x263: {  	s24 =	sadd.s32 $0x1, s24  }
0x264: {  	p0 =	sne.s32 s24, $0x8  }
.Ltmp25:
0x265: {  	_ = 	snop;
	(pc) =	sbr.rel @p0 .LBB2_51-.Ltmp25, $2  }
0x266: {  	_ =	sdelay $0x2  }
0x267: {  	[tilespmem:s25+$0x60] =	vst.add.f32.msk $0xffff, v1;
	s23 =	sadd.s32 $0x80, s23;
	s22 =	sadd.s32 $0x80, s22  }
0x268: {  	s20 =	sadd.s32 $0x1, s20  }
0x269: {  	p0 =	sne.s32 s20, $0x4  }
.Ltmp26:
0x26a: {  	_ = 	snop;
	(pc) =	sbr.rel @p0 .LBB2_50-.Ltmp26, $2  }
0x26b: {  	_ =	sdelay $0x2  }
0x26c: {  	s21 =	sadd.s32 $0x2000, s21  }
0x26d: {  	s20 =	rddreg [dreg:$0x1b]  }
0x26e: {  	s21 =	sld [smem:$0x7C1]  }
0x26f: {  	[hbm4b:s20+s6] =	stream.strided.scatter [tilespmem:s11], [sflag:$0x8], $0x8000, s7, s6, $0x38;
	[tilespmem:$0x1C000] =	vst v63  }
0x270: {  	s20 =	simm.s32 $0x0  }
0x271: {  	[tilespmem:s20], [sflag:$0x1] =	stream.linear.gather [hbm4b:s21+s20], $0x2000, $0x38;
	[tilespmem:$0x1C000] =	vst v63  }
0x272: {  	_ =	swait.ge [sflag:s13], $0x2000  }
0x273: {  	[sflag:s13] =	ssyncset.done $0x0  }
0x274: {  	[sflag:s13] =	ssyncadd.s32 $0xFFFFE000  }
0x275: {  	_ =	swait.ge [sflag:s10], $0x8000  }
0x276: {  	[sflag:s10] =	ssyncset.done $0x0  }
0x277: {  	[sflag:s10] =	ssyncadd.s32 $0xFFFF8000  }
0x278: {  	_ =	swait.ge [sflag:s18], $0x8000  }
0x279: {  	s29 =	sld [smem:$0x7C3]  }
0x27a: {  	[sflag:s18] =	ssyncset.done $0x0  }
0x27b: {  	s21 =	simm.s32 $0x4000;
	[sflag:s18] =	ssyncadd.s32 $0xFFFF8000  }
0x27c: {  	[tilespmem:s11], [sflag:$0x5] =	stream.strided.gather [hbm4b:s29+s6], $0x8000, s7, s6, $0x38;
	[tilespmem:$0x1C000] =	vst v63  }
.LBB2_56:
0x27d: {  	s22 =	simm.s32 $0x2040;
	s23 =	smov.u32 s21;
	s24 =	simm.s32 $0x0  }
.LBB2_57:
0x27e: {  	v0 =	vmov s22;
	_ =	sdelay $0x3  }
0x27f: {  	s26 =	simm.s32 $0x0  }
0x280: {  	v1 =	vld.idx.msk [tilespmem:v0+s26+$0x30 ss:$0x1], $0xffff  }
0x281: {  	v2 =	vld.idx.msk [tilespmem:v0+s26+$0xFFFFFFC0 ss:$0x1], $0xffff  }
0x282: {  	v3 =	vld.idx.msk [tilespmem:v0+s26+$0xFFFFFFD0 ss:$0x1], $0xffff  }
0x283: {  	v4 =	vld.idx.msk [tilespmem:v0+s26+$0xFFFFFFE0 ss:$0x1], $0xffff  }
0x284: {  	v5 =	vld.idx.msk [tilespmem:v0+s26+$0xFFFFFFF0 ss:$0x1], $0xffff  }
0x285: {  	v6 =	vld.idx.msk [tilespmem:v0+s26+$0x0 ss:$0x1], $0xffff  }
0x286: {  	s25 =	sadd.s32 $0x0, s23;
	v7 =	vld.idx.msk [tilespmem:v0+s26+$0x10 ss:$0x1], $0xffff  }
0x287: {  	[tilespmem:s25+$0x70] =	vst.add.f32.msk $0xffff, v1  }
0x288: {  	v1 =	vld.idx.msk [tilespmem:v0+s26+$0x20 ss:$0x1], $0xffff  }
0x289: {  	[tilespmem:s25+$0x0] =	vst.add.f32.msk $0xffff, v2  }
0x28a: {  	[tilespmem:s25+$0x10] =	vst.add.f32.msk $0xffff, v3  }
0x28b: {  	[tilespmem:s25+$0x20] =	vst.add.f32.msk $0xffff, v4  }
0x28c: {  	[tilespmem:s25+$0x30] =	vst.add.f32.msk $0xffff, v5  }
0x28d: {  	[tilespmem:s25+$0x40] =	vst.add.f32.msk $0xffff, v6  }
0x28e: {  	s28 =	simm.s32 $0x1000;
	s26 =	simm.s32 $0x0;
	[tilespmem:s25+$0x50] =	vst.add.f32.msk $0xffff, v7  }
.LBB2_58:
0x28f: {  	s29 =	sshra.s32 s28, $0x2;
	s26 =	sadd.s32 $0x80, s26;
	[tilespmem:s25+$0x60] =	vst.add.f32.msk $0xffff, v1  }
0x290: {  	v1 =	vld.idx.msk [tilespmem:v0+s29+$0x30 ss:$0x1], $0xffff;
	p0 =	slt.u32 s26, $0x380  }
0x291: {  	v2 =	vld.idx.msk [tilespmem:v0+s29+$0xFFFFFFC0 ss:$0x1], $0xffff  }
0x292: {  	v3 =	vld.idx.msk [tilespmem:v0+s29+$0xFFFFFFD0 ss:$0x1], $0xffff  }
0x293: {  	v4 =	vld.idx.msk [tilespmem:v0+s29+$0xFFFFFFE0 ss:$0x1], $0xffff  }
0x294: {  	v5 =	vld.idx.msk [tilespmem:v0+s29+$0xFFFFFFF0 ss:$0x1], $0xffff  }
0x295: {  	s25 =	sadd.s32 s29, s23;
	v6 =	vld.idx.msk [tilespmem:v0+s29+$0x0 ss:$0x1], $0xffff  }
0x296: {  	[tilespmem:s25+$0x70] =	vst.add.f32.msk $0xffff, v1  }
0x297: {  	v7 =	vld.idx.msk [tilespmem:v0+s29+$0x10 ss:$0x1], $0xffff  }
0x298: {  	v1 =	vld.idx.msk [tilespmem:v0+s29+$0x20 ss:$0x1], $0xffff  }
0x299: {  	[tilespmem:s25+$0x0] =	vst.add.f32.msk $0xffff, v2  }
.Ltmp27:
0x29a: {  	[tilespmem:s25+$0x10] =	vst.add.f32.msk $0xffff, v3;
	(pc) =	sbr.rel @p0 .LBB2_58-.Ltmp27, $4  }
0x29b: {  	[tilespmem:s25+$0x20] =	vst.add.f32.msk $0xffff, v4  }
0x29c: {  	[tilespmem:s25+$0x30] =	vst.add.f32.msk $0xffff, v5  }
0x29d: {  	[tilespmem:s25+$0x40] =	vst.add.f32.msk $0xffff, v6  }
0x29e: {  	s28 =	sadd.s32 $0x1000, s28;
	[tilespmem:s25+$0x50] =	vst.add.f32.msk $0xffff, v7  }
0x29f: {  	s24 =	sadd.s32 $0x1, s24  }
0x2a0: {  	p0 =	sne.s32 s24, $0x8  }
.Ltmp28:
0x2a1: {  	_ = 	snop;
	(pc) =	sbr.rel @p0 .LBB2_57-.Ltmp28, $2  }
0x2a2: {  	_ =	sdelay $0x2  }
0x2a3: {  	[tilespmem:s25+$0x60] =	vst.add.f32.msk $0xffff, v1;
	s23 =	sadd.s32 $0x80, s23;
	s22 =	sadd.s32 $0x80, s22  }
0x2a4: {  	s20 =	sadd.s32 $0x1, s20  }
0x2a5: {  	p0 =	sne.s32 s20, $0x4  }
.Ltmp29:
0x2a6: {  	_ = 	snop;
	(pc) =	sbr.rel @p0 .LBB2_56-.Ltmp29, $2  }
0x2a7: {  	_ =	sdelay $0x2  }
0x2a8: {  	s21 =	sadd.s32 $0x2000, s21  }
0x2a9: {  	s20 =	rddreg [dreg:$0x1e]  }
0x2aa: {  	s21 =	sld [smem:$0x7C4]  }
0x2ab: {  	[hbm4b:s20+s6] =	stream.strided.scatter [tilespmem:s12], [sflag:$0x6], $0x8000, s7, s6, $0x38;
	[tilespmem:$0x1C000] =	vst v63  }
0x2ac: {  	s20 =	simm.s32 $0x0  }
0x2ad: {  	[tilespmem:s6], [sflag:$0x2] =	stream.linear.gather [hbm4b:s21+s20], $0x2000, $0x38;
	[tilespmem:$0x1C000] =	vst v63  }
0x2ae: {  	_ =	swait.ge [sflag:s9], $0x2000  }
0x2af: {  	[sflag:s9] =	ssyncset.done $0x0  }
0x2b0: {  	[sflag:s9] =	ssyncadd.s32 $0xFFFFE000  }
0x2b1: {  	_ =	swait.ge [sflag:s14], $0x8000  }
0x2b2: {  	[sflag:s14] =	ssyncset.done $0x0  }
0x2b3: {  	[sflag:s14] =	ssyncadd.s32 $0xFFFF8000  }
0x2b4: {  	_ =	swait.ge [sflag:s15], $0x8000  }
0x2b5: {  	s29 =	sld [smem:$0x7C6]  }
0x2b6: {  	[sflag:s15] =	ssyncset.done $0x0  }
0x2b7: {  	s21 =	simm.s32 $0xC000;
	[sflag:s15] =	ssyncadd.s32 $0xFFFF8000  }
0x2b8: {  	[tilespmem:s12], [sflag:$0x3] =	stream.strided.gather [hbm4b:s29+s6], $0x8000, s7, s6, $0x38;
	[tilespmem:$0x1C000] =	vst v63  }
.LBB2_62:
0x2b9: {  	s22 =	simm.s32 $0x40;
	s23 =	smov.u32 s21;
	s24 =	simm.s32 $0x0  }
.LBB2_63:
0x2ba: {  	v0 =	vmov s22;
	_ =	sdelay $0x3  }
0x2bb: {  	s26 =	simm.s32 $0x0  }
0x2bc: {  	v1 =	vld.idx.msk [tilespmem:v0+s26+$0x30 ss:$0x1], $0xffff  }
0x2bd: {  	v2 =	vld.idx.msk [tilespmem:v0+s26+$0xFFFFFFC0 ss:$0x1], $0xffff  }
0x2be: {  	v3 =	vld.idx.msk [tilespmem:v0+s26+$0xFFFFFFD0 ss:$0x1], $0xffff  }
0x2bf: {  	v4 =	vld.idx.msk [tilespmem:v0+s26+$0xFFFFFFE0 ss:$0x1], $0xffff  }
0x2c0: {  	v5 =	vld.idx.msk [tilespmem:v0+s26+$0xFFFFFFF0 ss:$0x1], $0xffff  }
0x2c1: {  	v6 =	vld.idx.msk [tilespmem:v0+s26+$0x0 ss:$0x1], $0xffff  }
0x2c2: {  	s25 =	sadd.s32 $0x0, s23;
	v7 =	vld.idx.msk [tilespmem:v0+s26+$0x10 ss:$0x1], $0xffff  }
0x2c3: {  	[tilespmem:s25+$0x70] =	vst.add.f32.msk $0xffff, v1  }
0x2c4: {  	v1 =	vld.idx.msk [tilespmem:v0+s26+$0x20 ss:$0x1], $0xffff  }
0x2c5: {  	[tilespmem:s25+$0x0] =	vst.add.f32.msk $0xffff, v2  }
0x2c6: {  	[tilespmem:s25+$0x10] =	vst.add.f32.msk $0xffff, v3  }
0x2c7: {  	[tilespmem:s25+$0x20] =	vst.add.f32.msk $0xffff, v4  }
0x2c8: {  	[tilespmem:s25+$0x30] =	vst.add.f32.msk $0xffff, v5  }
0x2c9: {  	[tilespmem:s25+$0x40] =	vst.add.f32.msk $0xffff, v6  }
0x2ca: {  	s28 =	simm.s32 $0x1000;
	s26 =	simm.s32 $0x0;
	[tilespmem:s25+$0x50] =	vst.add.f32.msk $0xffff, v7  }
.LBB2_64:
0x2cb: {  	s29 =	sshra.s32 s28, $0x2;
	s26 =	sadd.s32 $0x80, s26;
	[tilespmem:s25+$0x60] =	vst.add.f32.msk $0xffff, v1  }
0x2cc: {  	v1 =	vld.idx.msk [tilespmem:v0+s29+$0x30 ss:$0x1], $0xffff;
	p0 =	slt.u32 s26, $0x380  }
0x2cd: {  	v2 =	vld.idx.msk [tilespmem:v0+s29+$0xFFFFFFC0 ss:$0x1], $0xffff  }
0x2ce: {  	v3 =	vld.idx.msk [tilespmem:v0+s29+$0xFFFFFFD0 ss:$0x1], $0xffff  }
0x2cf: {  	v4 =	vld.idx.msk [tilespmem:v0+s29+$0xFFFFFFE0 ss:$0x1], $0xffff  }
0x2d0: {  	v5 =	vld.idx.msk [tilespmem:v0+s29+$0xFFFFFFF0 ss:$0x1], $0xffff  }
0x2d1: {  	s25 =	sadd.s32 s29, s23;
	v6 =	vld.idx.msk [tilespmem:v0+s29+$0x0 ss:$0x1], $0xffff  }
0x2d2: {  	[tilespmem:s25+$0x70] =	vst.add.f32.msk $0xffff, v1  }
0x2d3: {  	v7 =	vld.idx.msk [tilespmem:v0+s29+$0x10 ss:$0x1], $0xffff  }
0x2d4: {  	v1 =	vld.idx.msk [tilespmem:v0+s29+$0x20 ss:$0x1], $0xffff  }
0x2d5: {  	[tilespmem:s25+$0x0] =	vst.add.f32.msk $0xffff, v2  }
.Ltmp30:
0x2d6: {  	[tilespmem:s25+$0x10] =	vst.add.f32.msk $0xffff, v3;
	(pc) =	sbr.rel @p0 .LBB2_64-.Ltmp30, $4  }
0x2d7: {  	[tilespmem:s25+$0x20] =	vst.add.f32.msk $0xffff, v4  }
0x2d8: {  	[tilespmem:s25+$0x30] =	vst.add.f32.msk $0xffff, v5  }
0x2d9: {  	[tilespmem:s25+$0x40] =	vst.add.f32.msk $0xffff, v6  }
0x2da: {  	s28 =	sadd.s32 $0x1000, s28;
	[tilespmem:s25+$0x50] =	vst.add.f32.msk $0xffff, v7  }
0x2db: {  	s24 =	sadd.s32 $0x1, s24  }
0x2dc: {  	p0 =	sne.s32 s24, $0x8  }
.Ltmp31:
0x2dd: {  	_ = 	snop;
	(pc) =	sbr.rel @p0 .LBB2_63-.Ltmp31, $2  }
0x2de: {  	_ =	sdelay $0x2  }
0x2df: {  	[tilespmem:s25+$0x60] =	vst.add.f32.msk $0xffff, v1;
	s23 =	sadd.s32 $0x80, s23;
	s22 =	sadd.s32 $0x80, s22  }
0x2e0: {  	s20 =	sadd.s32 $0x1, s20  }
0x2e1: {  	p0 =	sne.s32 s20, $0x4  }
.Ltmp32:
0x2e2: {  	_ = 	snop;
	(pc) =	sbr.rel @p0 .LBB2_62-.Ltmp32, $2  }
0x2e3: {  	_ =	sdelay $0x2  }
0x2e4: {  	s21 =	sadd.s32 $0x2000, s21  }
0x2e5: {  	s20 =	sld [smem:$0x7C2];
	_ =	sdelay $0x1  }
0x2e6: {  	s21 =	sld [smem:$0x7C7]  }
0x2e7: {  	[hbm4b:s20+s6] =	stream.strided.scatter [tilespmem:s8], [sflag:$0x7], $0x8000, s7, s6, $0x38;
	[tilespmem:$0x1C000] =	vst v63  }
0x2e8: {  	s20 =	simm.s32 $0x0  }
0x2e9: {  	[tilespmem:s20], [sflag:$0x1] =	stream.linear.gather [hbm4b:s21+s20], $0x2000, $0x38;
	[tilespmem:$0x1C000] =	vst v63  }
0x2ea: {  	_ =	swait.ge [sflag:s13], $0x2000  }
0x2eb: {  	[sflag:s13] =	ssyncset.done $0x0  }
0x2ec: {  	[sflag:s13] =	ssyncadd.s32 $0xFFFFE000  }
0x2ed: {  	_ =	swait.ge [sflag:s16], $0x8000  }
0x2ee: {  	[sflag:s16] =	ssyncset.done $0x0  }
0x2ef: {  	[sflag:s16] =	ssyncadd.s32 $0xFFFF8000  }
0x2f0: {  	_ =	swait.ge [sflag:s17], $0x8000  }
0x2f1: {  	s29 =	sld [smem:$0x7C9]  }
0x2f2: {  	[sflag:s17] =	ssyncset.done $0x0  }
0x2f3: {  	s21 =	simm.s32 $0x14000;
	[sflag:s17] =	ssyncadd.s32 $0xFFFF8000  }
0x2f4: {  	[tilespmem:s8], [sflag:$0x4] =	stream.strided.gather [hbm4b:s29+s6], $0x8000, s7, s6, $0x38;
	[tilespmem:$0x1C000] =	vst v63  }
.LBB2_68:
0x2f5: {  	s22 =	simm.s32 $0x2040;
	s23 =	smov.u32 s21;
	s24 =	simm.s32 $0x0  }
.LBB2_69:
0x2f6: {  	v0 =	vmov s22;
	_ =	sdelay $0x3  }
0x2f7: {  	s26 =	simm.s32 $0x0  }
0x2f8: {  	v1 =	vld.idx.msk [tilespmem:v0+s26+$0x30 ss:$0x1], $0xffff  }
0x2f9: {  	v2 =	vld.idx.msk [tilespmem:v0+s26+$0xFFFFFFC0 ss:$0x1], $0xffff  }
0x2fa: {  	v3 =	vld.idx.msk [tilespmem:v0+s26+$0xFFFFFFD0 ss:$0x1], $0xffff  }
0x2fb: {  	v4 =	vld.idx.msk [tilespmem:v0+s26+$0xFFFFFFE0 ss:$0x1], $0xffff  }
0x2fc: {  	v5 =	vld.idx.msk [tilespmem:v0+s26+$0xFFFFFFF0 ss:$0x1], $0xffff  }
0x2fd: {  	v6 =	vld.idx.msk [tilespmem:v0+s26+$0x0 ss:$0x1], $0xffff  }
0x2fe: {  	s25 =	sadd.s32 $0x0, s23;
	v7 =	vld.idx.msk [tilespmem:v0+s26+$0x10 ss:$0x1], $0xffff  }
0x2ff: {  	[tilespmem:s25+$0x70] =	vst.add.f32.msk $0xffff, v1  }
0x300: {  	v1 =	vld.idx.msk [tilespmem:v0+s26+$0x20 ss:$0x1], $0xffff  }
0x301: {  	[tilespmem:s25+$0x0] =	vst.add.f32.msk $0xffff, v2  }
0x302: {  	[tilespmem:s25+$0x10] =	vst.add.f32.msk $0xffff, v3  }
0x303: {  	[tilespmem:s25+$0x20] =	vst.add.f32.msk $0xffff, v4  }
0x304: {  	[tilespmem:s25+$0x30] =	vst.add.f32.msk $0xffff, v5  }
0x305: {  	[tilespmem:s25+$0x40] =	vst.add.f32.msk $0xffff, v6  }
0x306: {  	s28 =	simm.s32 $0x1000;
	s26 =	simm.s32 $0x0;
	[tilespmem:s25+$0x50] =	vst.add.f32.msk $0xffff, v7  }
.LBB2_70:
0x307: {  	s29 =	sshra.s32 s28, $0x2;
	s26 =	sadd.s32 $0x80, s26;
	[tilespmem:s25+$0x60] =	vst.add.f32.msk $0xffff, v1  }
0x308: {  	v1 =	vld.idx.msk [tilespmem:v0+s29+$0x30 ss:$0x1], $0xffff;
	p0 =	slt.u32 s26, $0x380  }
0x309: {  	v2 =	vld.idx.msk [tilespmem:v0+s29+$0xFFFFFFC0 ss:$0x1], $0xffff  }
0x30a: {  	v3 =	vld.idx.msk [tilespmem:v0+s29+$0xFFFFFFD0 ss:$0x1], $0xffff  }
0x30b: {  	v4 =	vld.idx.msk [tilespmem:v0+s29+$0xFFFFFFE0 ss:$0x1], $0xffff  }
0x30c: {  	v5 =	vld.idx.msk [tilespmem:v0+s29+$0xFFFFFFF0 ss:$0x1], $0xffff  }
0x30d: {  	s25 =	sadd.s32 s29, s23;
	v6 =	vld.idx.msk [tilespmem:v0+s29+$0x0 ss:$0x1], $0xffff  }
0x30e: {  	[tilespmem:s25+$0x70] =	vst.add.f32.msk $0xffff, v1  }
0x30f: {  	v7 =	vld.idx.msk [tilespmem:v0+s29+$0x10 ss:$0x1], $0xffff  }
0x310: {  	v1 =	vld.idx.msk [tilespmem:v0+s29+$0x20 ss:$0x1], $0xffff  }
0x311: {  	[tilespmem:s25+$0x0] =	vst.add.f32.msk $0xffff, v2  }
.Ltmp33:
0x312: {  	[tilespmem:s25+$0x10] =	vst.add.f32.msk $0xffff, v3;
	(pc) =	sbr.rel @p0 .LBB2_70-.Ltmp33, $4  }
0x313: {  	[tilespmem:s25+$0x20] =	vst.add.f32.msk $0xffff, v4  }
0x314: {  	[tilespmem:s25+$0x30] =	vst.add.f32.msk $0xffff, v5  }
0x315: {  	[tilespmem:s25+$0x40] =	vst.add.f32.msk $0xffff, v6  }
0x316: {  	s28 =	sadd.s32 $0x1000, s28;
	[tilespmem:s25+$0x50] =	vst.add.f32.msk $0xffff, v7  }
0x317: {  	s24 =	sadd.s32 $0x1, s24  }
0x318: {  	p0 =	sne.s32 s24, $0x8  }
.Ltmp34:
0x319: {  	_ = 	snop;
	(pc) =	sbr.rel @p0 .LBB2_69-.Ltmp34, $2  }
0x31a: {  	_ =	sdelay $0x2  }
0x31b: {  	[tilespmem:s25+$0x60] =	vst.add.f32.msk $0xffff, v1;
	s23 =	sadd.s32 $0x80, s23;
	s22 =	sadd.s32 $0x80, s22  }
0x31c: {  	s20 =	sadd.s32 $0x1, s20  }
0x31d: {  	p0 =	sne.s32 s20, $0x4  }
.Ltmp35:
0x31e: {  	_ = 	snop;
	(pc) =	sbr.rel @p0 .LBB2_68-.Ltmp35, $2  }
0x31f: {  	_ =	sdelay $0x2  }
0x320: {  	s21 =	sadd.s32 $0x2000, s21  }
0x321: {  	s20 =	sld [smem:$0x7C5];
	_ =	sdelay $0x1  }
0x322: {  	s21 =	sld [smem:$0x7CA]  }
0x323: {  	[hbm4b:s20+s6] =	stream.strided.scatter [tilespmem:s11], [sflag:$0x8], $0x8000, s7, s6, $0x38;
	[tilespmem:$0x1C000] =	vst v63  }
0x324: {  	s20 =	simm.s32 $0x0  }
0x325: {  	[tilespmem:s6], [sflag:$0x2] =	stream.linear.gather [hbm4b:s21+s20], $0x2000, $0x38;
	[tilespmem:$0x1C000] =	vst v63  }
0x326: {  	_ =	swait.ge [sflag:s9], $0x2000  }
0x327: {  	[sflag:s9] =	ssyncset.done $0x0  }
0x328: {  	[sflag:s9] =	ssyncadd.s32 $0xFFFFE000  }
0x329: {  	_ =	swait.ge [sflag:s10], $0x8000  }
0x32a: {  	[sflag:s10] =	ssyncset.done $0x0  }
0x32b: {  	[sflag:s10] =	ssyncadd.s32 $0xFFFF8000  }
0x32c: {  	_ =	swait.ge [sflag:s18], $0x8000  }
0x32d: {  	s29 =	sld [smem:$0x7CC]  }
0x32e: {  	[sflag:s18] =	ssyncset.done $0x0  }
0x32f: {  	s21 =	simm.s32 $0x4000;
	[sflag:s18] =	ssyncadd.s32 $0xFFFF8000  }
0x330: {  	[tilespmem:s11], [sflag:$0x5] =	stream.strided.gather [hbm4b:s29+s6], $0x8000, s7, s6, $0x38;
	[tilespmem:$0x1C000] =	vst v63  }
.LBB2_74:
0x331: {  	s22 =	simm.s32 $0x40;
	s23 =	smov.u32 s21;
	s24 =	simm.s32 $0x0  }
.LBB2_75:
0x332: {  	v0 =	vmov s22;
	_ =	sdelay $0x3  }
0x333: {  	s26 =	simm.s32 $0x0  }
0x334: {  	v1 =	vld.idx.msk [tilespmem:v0+s26+$0x30 ss:$0x1], $0xffff  }
0x335: {  	v2 =	vld.idx.msk [tilespmem:v0+s26+$0xFFFFFFC0 ss:$0x1], $0xffff  }
0x336: {  	v3 =	vld.idx.msk [tilespmem:v0+s26+$0xFFFFFFD0 ss:$0x1], $0xffff  }
0x337: {  	v4 =	vld.idx.msk [tilespmem:v0+s26+$0xFFFFFFE0 ss:$0x1], $0xffff  }
0x338: {  	v5 =	vld.idx.msk [tilespmem:v0+s26+$0xFFFFFFF0 ss:$0x1], $0xffff  }
0x339: {  	v6 =	vld.idx.msk [tilespmem:v0+s26+$0x0 ss:$0x1], $0xffff  }
0x33a: {  	s25 =	sadd.s32 $0x0, s23;
	v7 =	vld.idx.msk [tilespmem:v0+s26+$0x10 ss:$0x1], $0xffff  }
0x33b: {  	[tilespmem:s25+$0x70] =	vst.add.f32.msk $0xffff, v1  }
0x33c: {  	v1 =	vld.idx.msk [tilespmem:v0+s26+$0x20 ss:$0x1], $0xffff  }
0x33d: {  	[tilespmem:s25+$0x0] =	vst.add.f32.msk $0xffff, v2  }
0x33e: {  	[tilespmem:s25+$0x10] =	vst.add.f32.msk $0xffff, v3  }
0x33f: {  	[tilespmem:s25+$0x20] =	vst.add.f32.msk $0xffff, v4  }
0x340: {  	[tilespmem:s25+$0x30] =	vst.add.f32.msk $0xffff, v5  }
0x341: {  	[tilespmem:s25+$0x40] =	vst.add.f32.msk $0xffff, v6  }
0x342: {  	s28 =	simm.s32 $0x1000;
	s26 =	simm.s32 $0x0;
	[tilespmem:s25+$0x50] =	vst.add.f32.msk $0xffff, v7  }
.LBB2_76:
0x343: {  	s29 =	sshra.s32 s28, $0x2;
	s26 =	sadd.s32 $0x80, s26;
	[tilespmem:s25+$0x60] =	vst.add.f32.msk $0xffff, v1  }
0x344: {  	v1 =	vld.idx.msk [tilespmem:v0+s29+$0x30 ss:$0x1], $0xffff;
	p0 =	slt.u32 s26, $0x380  }
0x345: {  	v2 =	vld.idx.msk [tilespmem:v0+s29+$0xFFFFFFC0 ss:$0x1], $0xffff  }
0x346: {  	v3 =	vld.idx.msk [tilespmem:v0+s29+$0xFFFFFFD0 ss:$0x1], $0xffff  }
0x347: {  	v4 =	vld.idx.msk [tilespmem:v0+s29+$0xFFFFFFE0 ss:$0x1], $0xffff  }
0x348: {  	v5 =	vld.idx.msk [tilespmem:v0+s29+$0xFFFFFFF0 ss:$0x1], $0xffff  }
0x349: {  	s25 =	sadd.s32 s29, s23;
	v6 =	vld.idx.msk [tilespmem:v0+s29+$0x0 ss:$0x1], $0xffff  }
0x34a: {  	[tilespmem:s25+$0x70] =	vst.add.f32.msk $0xffff, v1  }
0x34b: {  	v7 =	vld.idx.msk [tilespmem:v0+s29+$0x10 ss:$0x1], $0xffff  }
0x34c: {  	v1 =	vld.idx.msk [tilespmem:v0+s29+$0x20 ss:$0x1], $0xffff  }
0x34d: {  	[tilespmem:s25+$0x0] =	vst.add.f32.msk $0xffff, v2  }
.Ltmp36:
0x34e: {  	[tilespmem:s25+$0x10] =	vst.add.f32.msk $0xffff, v3;
	(pc) =	sbr.rel @p0 .LBB2_76-.Ltmp36, $4  }
0x34f: {  	[tilespmem:s25+$0x20] =	vst.add.f32.msk $0xffff, v4  }
0x350: {  	[tilespmem:s25+$0x30] =	vst.add.f32.msk $0xffff, v5  }
0x351: {  	[tilespmem:s25+$0x40] =	vst.add.f32.msk $0xffff, v6  }
0x352: {  	s28 =	sadd.s32 $0x1000, s28;
	[tilespmem:s25+$0x50] =	vst.add.f32.msk $0xffff, v7  }
0x353: {  	s24 =	sadd.s32 $0x1, s24  }
0x354: {  	p0 =	sne.s32 s24, $0x8  }
.Ltmp37:
0x355: {  	_ = 	snop;
	(pc) =	sbr.rel @p0 .LBB2_75-.Ltmp37, $2  }
0x356: {  	_ =	sdelay $0x2  }
0x357: {  	[tilespmem:s25+$0x60] =	vst.add.f32.msk $0xffff, v1;
	s23 =	sadd.s32 $0x80, s23;
	s22 =	sadd.s32 $0x80, s22  }
0x358: {  	s20 =	sadd.s32 $0x1, s20  }
0x359: {  	p0 =	sne.s32 s20, $0x4  }
.Ltmp38:
0x35a: {  	_ = 	snop;
	(pc) =	sbr.rel @p0 .LBB2_74-.Ltmp38, $2  }
0x35b: {  	_ =	sdelay $0x2  }
0x35c: {  	s21 =	sadd.s32 $0x2000, s21  }
0x35d: {  	s20 =	sld [smem:$0x7C8];
	_ =	sdelay $0x1  }
0x35e: {  	s21 =	sld [smem:$0x7CD]  }
0x35f: {  	[hbm4b:s20+s6] =	stream.strided.scatter [tilespmem:s12], [sflag:$0x6], $0x8000, s7, s6, $0x38;
	[tilespmem:$0x1C000] =	vst v63  }
0x360: {  	s20 =	simm.s32 $0x0  }
0x361: {  	[tilespmem:s20], [sflag:$0x1] =	stream.linear.gather [hbm4b:s21+s20], $0x2000, $0x38;
	[tilespmem:$0x1C000] =	vst v63  }
0x362: {  	_ =	swait.ge [sflag:s13], $0x2000  }
0x363: {  	[sflag:s13] =	ssyncset.done $0x0  }
0x364: {  	[sflag:s13] =	ssyncadd.s32 $0xFFFFE000  }
0x365: {  	_ =	swait.ge [sflag:s14], $0x8000  }
0x366: {  	[sflag:s14] =	ssyncset.done $0x0  }
0x367: {  	[sflag:s14] =	ssyncadd.s32 $0xFFFF8000  }
0x368: {  	_ =	swait.ge [sflag:s15], $0x8000  }
0x369: {  	s29 =	sld [smem:$0x7CF]  }
0x36a: {  	[sflag:s15] =	ssyncset.done $0x0  }
0x36b: {  	s21 =	simm.s32 $0xC000;
	[sflag:s15] =	ssyncadd.s32 $0xFFFF8000  }
0x36c: {  	[tilespmem:s12], [sflag:$0x3] =	stream.strided.gather [hbm4b:s29+s6], $0x8000, s7, s6, $0x38;
	[tilespmem:$0x1C000] =	vst v63  }
.LBB2_80:
0x36d: {  	s22 =	simm.s32 $0x2040;
	s23 =	smov.u32 s21;
	s24 =	simm.s32 $0x0  }
.LBB2_81:
0x36e: {  	v0 =	vmov s22;
	_ =	sdelay $0x3  }
0x36f: {  	s26 =	simm.s32 $0x0  }
0x370: {  	v1 =	vld.idx.msk [tilespmem:v0+s26+$0x30 ss:$0x1], $0xffff  }
0x371: {  	v2 =	vld.idx.msk [tilespmem:v0+s26+$0xFFFFFFC0 ss:$0x1], $0xffff  }
0x372: {  	v3 =	vld.idx.msk [tilespmem:v0+s26+$0xFFFFFFD0 ss:$0x1], $0xffff  }
0x373: {  	v4 =	vld.idx.msk [tilespmem:v0+s26+$0xFFFFFFE0 ss:$0x1], $0xffff  }
0x374: {  	v5 =	vld.idx.msk [tilespmem:v0+s26+$0xFFFFFFF0 ss:$0x1], $0xffff  }
0x375: {  	v6 =	vld.idx.msk [tilespmem:v0+s26+$0x0 ss:$0x1], $0xffff  }
0x376: {  	s25 =	sadd.s32 $0x0, s23;
	v7 =	vld.idx.msk [tilespmem:v0+s26+$0x10 ss:$0x1], $0xffff  }
0x377: {  	[tilespmem:s25+$0x70] =	vst.add.f32.msk $0xffff, v1  }
0x378: {  	v1 =	vld.idx.msk [tilespmem:v0+s26+$0x20 ss:$0x1], $0xffff  }
0x379: {  	[tilespmem:s25+$0x0] =	vst.add.f32.msk $0xffff, v2  }
0x37a: {  	[tilespmem:s25+$0x10] =	vst.add.f32.msk $0xffff, v3  }
0x37b: {  	[tilespmem:s25+$0x20] =	vst.add.f32.msk $0xffff, v4  }
0x37c: {  	[tilespmem:s25+$0x30] =	vst.add.f32.msk $0xffff, v5  }
0x37d: {  	[tilespmem:s25+$0x40] =	vst.add.f32.msk $0xffff, v6  }
0x37e: {  	s28 =	simm.s32 $0x1000;
	s26 =	simm.s32 $0x0;
	[tilespmem:s25+$0x50] =	vst.add.f32.msk $0xffff, v7  }
.LBB2_82:
0x37f: {  	s29 =	sshra.s32 s28, $0x2;
	s26 =	sadd.s32 $0x80, s26;
	[tilespmem:s25+$0x60] =	vst.add.f32.msk $0xffff, v1  }
0x380: {  	v1 =	vld.idx.msk [tilespmem:v0+s29+$0x30 ss:$0x1], $0xffff;
	p0 =	slt.u32 s26, $0x380  }
0x381: {  	v2 =	vld.idx.msk [tilespmem:v0+s29+$0xFFFFFFC0 ss:$0x1], $0xffff  }
0x382: {  	v3 =	vld.idx.msk [tilespmem:v0+s29+$0xFFFFFFD0 ss:$0x1], $0xffff  }
0x383: {  	v4 =	vld.idx.msk [tilespmem:v0+s29+$0xFFFFFFE0 ss:$0x1], $0xffff  }
0x384: {  	v5 =	vld.idx.msk [tilespmem:v0+s29+$0xFFFFFFF0 ss:$0x1], $0xffff  }
0x385: {  	s25 =	sadd.s32 s29, s23;
	v6 =	vld.idx.msk [tilespmem:v0+s29+$0x0 ss:$0x1], $0xffff  }
0x386: {  	[tilespmem:s25+$0x70] =	vst.add.f32.msk $0xffff, v1  }
0x387: {  	v7 =	vld.idx.msk [tilespmem:v0+s29+$0x10 ss:$0x1], $0xffff  }
0x388: {  	v1 =	vld.idx.msk [tilespmem:v0+s29+$0x20 ss:$0x1], $0xffff  }
0x389: {  	[tilespmem:s25+$0x0] =	vst.add.f32.msk $0xffff, v2  }
.Ltmp39:
0x38a: {  	[tilespmem:s25+$0x10] =	vst.add.f32.msk $0xffff, v3;
	(pc) =	sbr.rel @p0 .LBB2_82-.Ltmp39, $4  }
0x38b: {  	[tilespmem:s25+$0x20] =	vst.add.f32.msk $0xffff, v4  }
0x38c: {  	[tilespmem:s25+$0x30] =	vst.add.f32.msk $0xffff, v5  }
0x38d: {  	[tilespmem:s25+$0x40] =	vst.add.f32.msk $0xffff, v6  }
0x38e: {  	s28 =	sadd.s32 $0x1000, s28;
	[tilespmem:s25+$0x50] =	vst.add.f32.msk $0xffff, v7  }
0x38f: {  	s24 =	sadd.s32 $0x1, s24  }
0x390: {  	p0 =	sne.s32 s24, $0x8  }
.Ltmp40:
0x391: {  	_ = 	snop;
	(pc) =	sbr.rel @p0 .LBB2_81-.Ltmp40, $2  }
0x392: {  	_ =	sdelay $0x2  }
0x393: {  	[tilespmem:s25+$0x60] =	vst.add.f32.msk $0xffff, v1;
	s23 =	sadd.s32 $0x80, s23;
	s22 =	sadd.s32 $0x80, s22  }
0x394: {  	s20 =	sadd.s32 $0x1, s20  }
0x395: {  	p0 =	sne.s32 s20, $0x4  }
.Ltmp41:
0x396: {  	_ = 	snop;
	(pc) =	sbr.rel @p0 .LBB2_80-.Ltmp41, $2  }
0x397: {  	_ =	sdelay $0x2  }
0x398: {  	s21 =	sadd.s32 $0x2000, s21  }
0x399: {  	s20 =	sld [smem:$0x7CB];
	_ =	sdelay $0x1  }
0x39a: {  	s21 =	sld [smem:$0x7D0]  }
0x39b: {  	[hbm4b:s20+s6] =	stream.strided.scatter [tilespmem:s8], [sflag:$0x7], $0x8000, s7, s6, $0x38;
	[tilespmem:$0x1C000] =	vst v63  }
0x39c: {  	s20 =	simm.s32 $0x0  }
0x39d: {  	[tilespmem:s6], [sflag:$0x2] =	stream.linear.gather [hbm4b:s21+s20], $0x2000, $0x38;
	[tilespmem:$0x1C000] =	vst v63  }
0x39e: {  	_ =	swait.ge [sflag:s9], $0x2000  }
0x39f: {  	[sflag:s9] =	ssyncset.done $0x0  }
0x3a0: {  	[sflag:s9] =	ssyncadd.s32 $0xFFFFE000  }
0x3a1: {  	_ =	swait.ge [sflag:s16], $0x8000  }
0x3a2: {  	[sflag:s16] =	ssyncset.done $0x0  }
0x3a3: {  	[sflag:s16] =	ssyncadd.s32 $0xFFFF8000  }
0x3a4: {  	_ =	swait.ge [sflag:s17], $0x8000  }
0x3a5: {  	s29 =	sld [smem:$0x7D2]  }
0x3a6: {  	[sflag:s17] =	ssyncset.done $0x0  }
0x3a7: {  	s21 =	simm.s32 $0x14000;
	[sflag:s17] =	ssyncadd.s32 $0xFFFF8000  }
0x3a8: {  	[tilespmem:s8], [sflag:$0x4] =	stream.strided.gather [hbm4b:s29+s6], $0x8000, s7, s6, $0x38;
	[tilespmem:$0x1C000] =	vst v63  }
.LBB2_86:
0x3a9: {  	s22 =	simm.s32 $0x40;
	s23 =	smov.u32 s21;
	s24 =	simm.s32 $0x0  }
.LBB2_87:
0x3aa: {  	v0 =	vmov s22;
	_ =	sdelay $0x3  }
0x3ab: {  	s26 =	simm.s32 $0x0  }
0x3ac: {  	v1 =	vld.idx.msk [tilespmem:v0+s26+$0x30 ss:$0x1], $0xffff  }
0x3ad: {  	v2 =	vld.idx.msk [tilespmem:v0+s26+$0xFFFFFFC0 ss:$0x1], $0xffff  }
0x3ae: {  	v3 =	vld.idx.msk [tilespmem:v0+s26+$0xFFFFFFD0 ss:$0x1], $0xffff  }
0x3af: {  	v4 =	vld.idx.msk [tilespmem:v0+s26+$0xFFFFFFE0 ss:$0x1], $0xffff  }
0x3b0: {  	v5 =	vld.idx.msk [tilespmem:v0+s26+$0xFFFFFFF0 ss:$0x1], $0xffff  }
0x3b1: {  	v6 =	vld.idx.msk [tilespmem:v0+s26+$0x0 ss:$0x1], $0xffff  }
0x3b2: {  	s25 =	sadd.s32 $0x0, s23;
	v7 =	vld.idx.msk [tilespmem:v0+s26+$0x10 ss:$0x1], $0xffff  }
0x3b3: {  	[tilespmem:s25+$0x70] =	vst.add.f32.msk $0xffff, v1  }
0x3b4: {  	v1 =	vld.idx.msk [tilespmem:v0+s26+$0x20 ss:$0x1], $0xffff  }
0x3b5: {  	[tilespmem:s25+$0x0] =	vst.add.f32.msk $0xffff, v2  }
0x3b6: {  	[tilespmem:s25+$0x10] =	vst.add.f32.msk $0xffff, v3  }
0x3b7: {  	[tilespmem:s25+$0x20] =	vst.add.f32.msk $0xffff, v4  }
0x3b8: {  	[tilespmem:s25+$0x30] =	vst.add.f32.msk $0xffff, v5  }
0x3b9: {  	[tilespmem:s25+$0x40] =	vst.add.f32.msk $0xffff, v6  }
0x3ba: {  	s28 =	simm.s32 $0x1000;
	s26 =	simm.s32 $0x0;
	[tilespmem:s25+$0x50] =	vst.add.f32.msk $0xffff, v7  }
.LBB2_88:
0x3bb: {  	s29 =	sshra.s32 s28, $0x2;
	s26 =	sadd.s32 $0x80, s26;
	[tilespmem:s25+$0x60] =	vst.add.f32.msk $0xffff, v1  }
0x3bc: {  	v1 =	vld.idx.msk [tilespmem:v0+s29+$0x30 ss:$0x1], $0xffff;
	p0 =	slt.u32 s26, $0x380  }
0x3bd: {  	v2 =	vld.idx.msk [tilespmem:v0+s29+$0xFFFFFFC0 ss:$0x1], $0xffff  }
0x3be: {  	v3 =	vld.idx.msk [tilespmem:v0+s29+$0xFFFFFFD0 ss:$0x1], $0xffff  }
0x3bf: {  	v4 =	vld.idx.msk [tilespmem:v0+s29+$0xFFFFFFE0 ss:$0x1], $0xffff  }
0x3c0: {  	v5 =	vld.idx.msk [tilespmem:v0+s29+$0xFFFFFFF0 ss:$0x1], $0xffff  }
0x3c1: {  	s25 =	sadd.s32 s29, s23;
	v6 =	vld.idx.msk [tilespmem:v0+s29+$0x0 ss:$0x1], $0xffff  }
0x3c2: {  	[tilespmem:s25+$0x70] =	vst.add.f32.msk $0xffff, v1  }
0x3c3: {  	v7 =	vld.idx.msk [tilespmem:v0+s29+$0x10 ss:$0x1], $0xffff  }
0x3c4: {  	v1 =	vld.idx.msk [tilespmem:v0+s29+$0x20 ss:$0x1], $0xffff  }
0x3c5: {  	[tilespmem:s25+$0x0] =	vst.add.f32.msk $0xffff, v2  }
.Ltmp42:
0x3c6: {  	[tilespmem:s25+$0x10] =	vst.add.f32.msk $0xffff, v3;
	(pc) =	sbr.rel @p0 .LBB2_88-.Ltmp42, $4  }
0x3c7: {  	[tilespmem:s25+$0x20] =	vst.add.f32.msk $0xffff, v4  }
0x3c8: {  	[tilespmem:s25+$0x30] =	vst.add.f32.msk $0xffff, v5  }
0x3c9: {  	[tilespmem:s25+$0x40] =	vst.add.f32.msk $0xffff, v6  }
0x3ca: {  	s28 =	sadd.s32 $0x1000, s28;
	[tilespmem:s25+$0x50] =	vst.add.f32.msk $0xffff, v7  }
0x3cb: {  	s24 =	sadd.s32 $0x1, s24  }
0x3cc: {  	p0 =	sne.s32 s24, $0x8  }
.Ltmp43:
0x3cd: {  	_ = 	snop;
	(pc) =	sbr.rel @p0 .LBB2_87-.Ltmp43, $2  }
0x3ce: {  	_ =	sdelay $0x2  }
0x3cf: {  	[tilespmem:s25+$0x60] =	vst.add.f32.msk $0xffff, v1;
	s23 =	sadd.s32 $0x80, s23;
	s22 =	sadd.s32 $0x80, s22  }
0x3d0: {  	s20 =	sadd.s32 $0x1, s20  }
0x3d1: {  	p0 =	sne.s32 s20, $0x4  }
.Ltmp44:
0x3d2: {  	_ = 	snop;
	(pc) =	sbr.rel @p0 .LBB2_86-.Ltmp44, $2  }
0x3d3: {  	_ =	sdelay $0x2  }
0x3d4: {  	s21 =	sadd.s32 $0x2000, s21  }
0x3d5: {  	s20 =	sld [smem:$0x7CE];
	_ =	sdelay $0x1  }
0x3d6: {  	s21 =	sld [smem:$0x7D3]  }
0x3d7: {  	[hbm4b:s20+s6] =	stream.strided.scatter [tilespmem:s11], [sflag:$0x8], $0x8000, s7, s6, $0x38;
	[tilespmem:$0x1C000] =	vst v63  }
0x3d8: {  	s20 =	simm.s32 $0x0  }
0x3d9: {  	[tilespmem:s20], [sflag:$0x1] =	stream.linear.gather [hbm4b:s21+s20], $0x2000, $0x38;
	[tilespmem:$0x1C000] =	vst v63  }
0x3da: {  	_ =	swait.ge [sflag:s13], $0x2000  }
0x3db: {  	[sflag:s13] =	ssyncset.done $0x0  }
0x3dc: {  	[sflag:s13] =	ssyncadd.s32 $0xFFFFE000  }
0x3dd: {  	_ =	swait.ge [sflag:s10], $0x8000  }
0x3de: {  	[sflag:s10] =	ssyncset.done $0x0  }
0x3df: {  	[sflag:s10] =	ssyncadd.s32 $0xFFFF8000  }
0x3e0: {  	_ =	swait.ge [sflag:s18], $0x8000  }
0x3e1: {  	s29 =	sld [smem:$0x7D5]  }
0x3e2: {  	[sflag:s18] =	ssyncset.done $0x0  }
0x3e3: {  	s21 =	simm.s32 $0x4000;
	[sflag:s18] =	ssyncadd.s32 $0xFFFF8000  }
0x3e4: {  	[tilespmem:s11], [sflag:$0x5] =	stream.strided.gather [hbm4b:s29+s6], $0x8000, s7, s6, $0x38;
	[tilespmem:$0x1C000] =	vst v63  }
.LBB2_92:
0x3e5: {  	s22 =	simm.s32 $0x2040;
	s23 =	smov.u32 s21;
	s24 =	simm.s32 $0x0  }
.LBB2_93:
0x3e6: {  	v0 =	vmov s22;
	_ =	sdelay $0x3  }
0x3e7: {  	s26 =	simm.s32 $0x0  }
0x3e8: {  	v1 =	vld.idx.msk [tilespmem:v0+s26+$0x30 ss:$0x1], $0xffff  }
0x3e9: {  	v2 =	vld.idx.msk [tilespmem:v0+s26+$0xFFFFFFC0 ss:$0x1], $0xffff  }
0x3ea: {  	v3 =	vld.idx.msk [tilespmem:v0+s26+$0xFFFFFFD0 ss:$0x1], $0xffff  }
0x3eb: {  	v4 =	vld.idx.msk [tilespmem:v0+s26+$0xFFFFFFE0 ss:$0x1], $0xffff  }
0x3ec: {  	v5 =	vld.idx.msk [tilespmem:v0+s26+$0xFFFFFFF0 ss:$0x1], $0xffff  }
0x3ed: {  	v6 =	vld.idx.msk [tilespmem:v0+s26+$0x0 ss:$0x1], $0xffff  }
0x3ee: {  	s25 =	sadd.s32 $0x0, s23;
	v7 =	vld.idx.msk [tilespmem:v0+s26+$0x10 ss:$0x1], $0xffff  }
0x3ef: {  	[tilespmem:s25+$0x70] =	vst.add.f32.msk $0xffff, v1  }
0x3f0: {  	v1 =	vld.idx.msk [tilespmem:v0+s26+$0x20 ss:$0x1], $0xffff  }
0x3f1: {  	[tilespmem:s25+$0x0] =	vst.add.f32.msk $0xffff, v2  }
0x3f2: {  	[tilespmem:s25+$0x10] =	vst.add.f32.msk $0xffff, v3  }
0x3f3: {  	[tilespmem:s25+$0x20] =	vst.add.f32.msk $0xffff, v4  }
0x3f4: {  	[tilespmem:s25+$0x30] =	vst.add.f32.msk $0xffff, v5  }
0x3f5: {  	[tilespmem:s25+$0x40] =	vst.add.f32.msk $0xffff, v6  }
0x3f6: {  	s28 =	simm.s32 $0x1000;
	s26 =	simm.s32 $0x0;
	[tilespmem:s25+$0x50] =	vst.add.f32.msk $0xffff, v7  }
.LBB2_94:
0x3f7: {  	s29 =	sshra.s32 s28, $0x2;
	s26 =	sadd.s32 $0x80, s26;
	[tilespmem:s25+$0x60] =	vst.add.f32.msk $0xffff, v1  }
0x3f8: {  	v1 =	vld.idx.msk [tilespmem:v0+s29+$0x30 ss:$0x1], $0xffff;
	p0 =	slt.u32 s26, $0x380  }
0x3f9: {  	v2 =	vld.idx.msk [tilespmem:v0+s29+$0xFFFFFFC0 ss:$0x1], $0xffff  }
0x3fa: {  	v3 =	vld.idx.msk [tilespmem:v0+s29+$0xFFFFFFD0 ss:$0x1], $0xffff  }
0x3fb: {  	v4 =	vld.idx.msk [tilespmem:v0+s29+$0xFFFFFFE0 ss:$0x1], $0xffff  }
0x3fc: {  	v5 =	vld.idx.msk [tilespmem:v0+s29+$0xFFFFFFF0 ss:$0x1], $0xffff  }
0x3fd: {  	s25 =	sadd.s32 s29, s23;
	v6 =	vld.idx.msk [tilespmem:v0+s29+$0x0 ss:$0x1], $0xffff  }
0x3fe: {  	[tilespmem:s25+$0x70] =	vst.add.f32.msk $0xffff, v1  }
0x3ff: {  	v7 =	vld.idx.msk [tilespmem:v0+s29+$0x10 ss:$0x1], $0xffff  }
0x400: {  	v1 =	vld.idx.msk [tilespmem:v0+s29+$0x20 ss:$0x1], $0xffff  }
0x401: {  	[tilespmem:s25+$0x0] =	vst.add.f32.msk $0xffff, v2  }
.Ltmp45:
0x402: {  	[tilespmem:s25+$0x10] =	vst.add.f32.msk $0xffff, v3;
	(pc) =	sbr.rel @p0 .LBB2_94-.Ltmp45, $4  }
0x403: {  	[tilespmem:s25+$0x20] =	vst.add.f32.msk $0xffff, v4  }
0x404: {  	[tilespmem:s25+$0x30] =	vst.add.f32.msk $0xffff, v5  }
0x405: {  	[tilespmem:s25+$0x40] =	vst.add.f32.msk $0xffff, v6  }
0x406: {  	s28 =	sadd.s32 $0x1000, s28;
	[tilespmem:s25+$0x50] =	vst.add.f32.msk $0xffff, v7  }
0x407: {  	s24 =	sadd.s32 $0x1, s24  }
0x408: {  	p0 =	sne.s32 s24, $0x8  }
.Ltmp46:
0x409: {  	_ = 	snop;
	(pc) =	sbr.rel @p0 .LBB2_93-.Ltmp46, $2  }
0x40a: {  	_ =	sdelay $0x2  }
0x40b: {  	[tilespmem:s25+$0x60] =	vst.add.f32.msk $0xffff, v1;
	s23 =	sadd.s32 $0x80, s23;
	s22 =	sadd.s32 $0x80, s22  }
0x40c: {  	s20 =	sadd.s32 $0x1, s20  }
0x40d: {  	p0 =	sne.s32 s20, $0x4  }
.Ltmp47:
0x40e: {  	_ = 	snop;
	(pc) =	sbr.rel @p0 .LBB2_92-.Ltmp47, $2  }
0x40f: {  	_ =	sdelay $0x2  }
0x410: {  	s21 =	sadd.s32 $0x2000, s21  }
0x411: {  	s20 =	sld [smem:$0x7D1];
	_ =	sdelay $0x1  }
0x412: {  	s21 =	sld [smem:$0x7D6]  }
0x413: {  	[hbm4b:s20+s6] =	stream.strided.scatter [tilespmem:s12], [sflag:$0x6], $0x8000, s7, s6, $0x38;
	[tilespmem:$0x1C000] =	vst v63  }
0x414: {  	s20 =	simm.s32 $0x0  }
0x415: {  	[tilespmem:s6], [sflag:$0x2] =	stream.linear.gather [hbm4b:s21+s20], $0x2000, $0x38;
	[tilespmem:$0x1C000] =	vst v63  }
0x416: {  	_ =	swait.ge [sflag:s9], $0x2000  }
0x417: {  	[sflag:s9] =	ssyncset.done $0x0  }
0x418: {  	[sflag:s9] =	ssyncadd.s32 $0xFFFFE000  }
0x419: {  	_ =	swait.ge [sflag:s14], $0x8000  }
0x41a: {  	[sflag:s14] =	ssyncset.done $0x0  }
0x41b: {  	[sflag:s14] =	ssyncadd.s32 $0xFFFF8000  }
0x41c: {  	_ =	swait.ge [sflag:s15], $0x8000  }
0x41d: {  	s29 =	sld [smem:$0x7D8]  }
0x41e: {  	[sflag:s15] =	ssyncset.done $0x0  }
0x41f: {  	s21 =	simm.s32 $0xC000;
	[sflag:s15] =	ssyncadd.s32 $0xFFFF8000  }
0x420: {  	[tilespmem:s12], [sflag:$0x3] =	stream.strided.gather [hbm4b:s29+s6], $0x8000, s7, s6, $0x38;
	[tilespmem:$0x1C000] =	vst v63  }
.LBB2_98:
0x421: {  	s22 =	simm.s32 $0x40;
	s23 =	smov.u32 s21;
	s24 =	simm.s32 $0x0  }
.LBB2_99:
0x422: {  	v0 =	vmov s22;
	_ =	sdelay $0x3  }
0x423: {  	s26 =	simm.s32 $0x0  }
0x424: {  	v1 =	vld.idx.msk [tilespmem:v0+s26+$0x30 ss:$0x1], $0xffff  }
0x425: {  	v2 =	vld.idx.msk [tilespmem:v0+s26+$0xFFFFFFC0 ss:$0x1], $0xffff  }
0x426: {  	v3 =	vld.idx.msk [tilespmem:v0+s26+$0xFFFFFFD0 ss:$0x1], $0xffff  }
0x427: {  	v4 =	vld.idx.msk [tilespmem:v0+s26+$0xFFFFFFE0 ss:$0x1], $0xffff  }
0x428: {  	v5 =	vld.idx.msk [tilespmem:v0+s26+$0xFFFFFFF0 ss:$0x1], $0xffff  }
0x429: {  	v6 =	vld.idx.msk [tilespmem:v0+s26+$0x0 ss:$0x1], $0xffff  }
0x42a: {  	s25 =	sadd.s32 $0x0, s23;
	v7 =	vld.idx.msk [tilespmem:v0+s26+$0x10 ss:$0x1], $0xffff  }
0x42b: {  	[tilespmem:s25+$0x70] =	vst.add.f32.msk $0xffff, v1  }
0x42c: {  	v1 =	vld.idx.msk [tilespmem:v0+s26+$0x20 ss:$0x1], $0xffff  }
0x42d: {  	[tilespmem:s25+$0x0] =	vst.add.f32.msk $0xffff, v2  }
0x42e: {  	[tilespmem:s25+$0x10] =	vst.add.f32.msk $0xffff, v3  }
0x42f: {  	[tilespmem:s25+$0x20] =	vst.add.f32.msk $0xffff, v4  }
0x430: {  	[tilespmem:s25+$0x30] =	vst.add.f32.msk $0xffff, v5  }
0x431: {  	[tilespmem:s25+$0x40] =	vst.add.f32.msk $0xffff, v6  }
0x432: {  	s28 =	simm.s32 $0x1000;
	s26 =	simm.s32 $0x0;
	[tilespmem:s25+$0x50] =	vst.add.f32.msk $0xffff, v7  }
.LBB2_100:
0x433: {  	s29 =	sshra.s32 s28, $0x2;
	s26 =	sadd.s32 $0x80, s26;
	[tilespmem:s25+$0x60] =	vst.add.f32.msk $0xffff, v1  }
0x434: {  	v1 =	vld.idx.msk [tilespmem:v0+s29+$0x30 ss:$0x1], $0xffff;
	p0 =	slt.u32 s26, $0x380  }
0x435: {  	v2 =	vld.idx.msk [tilespmem:v0+s29+$0xFFFFFFC0 ss:$0x1], $0xffff  }
0x436: {  	v3 =	vld.idx.msk [tilespmem:v0+s29+$0xFFFFFFD0 ss:$0x1], $0xffff  }
0x437: {  	v4 =	vld.idx.msk [tilespmem:v0+s29+$0xFFFFFFE0 ss:$0x1], $0xffff  }
0x438: {  	v5 =	vld.idx.msk [tilespmem:v0+s29+$0xFFFFFFF0 ss:$0x1], $0xffff  }
0x439: {  	s25 =	sadd.s32 s29, s23;
	v6 =	vld.idx.msk [tilespmem:v0+s29+$0x0 ss:$0x1], $0xffff  }
0x43a: {  	[tilespmem:s25+$0x70] =	vst.add.f32.msk $0xffff, v1  }
0x43b: {  	v7 =	vld.idx.msk [tilespmem:v0+s29+$0x10 ss:$0x1], $0xffff  }
0x43c: {  	v1 =	vld.idx.msk [tilespmem:v0+s29+$0x20 ss:$0x1], $0xffff  }
0x43d: {  	[tilespmem:s25+$0x0] =	vst.add.f32.msk $0xffff, v2  }
.Ltmp48:
0x43e: {  	[tilespmem:s25+$0x10] =	vst.add.f32.msk $0xffff, v3;
	(pc) =	sbr.rel @p0 .LBB2_100-.Ltmp48, $4  }
0x43f: {  	[tilespmem:s25+$0x20] =	vst.add.f32.msk $0xffff, v4  }
0x440: {  	[tilespmem:s25+$0x30] =	vst.add.f32.msk $0xffff, v5  }
0x441: {  	[tilespmem:s25+$0x40] =	vst.add.f32.msk $0xffff, v6  }
0x442: {  	s28 =	sadd.s32 $0x1000, s28;
	[tilespmem:s25+$0x50] =	vst.add.f32.msk $0xffff, v7  }
0x443: {  	s24 =	sadd.s32 $0x1, s24  }
0x444: {  	p0 =	sne.s32 s24, $0x8  }
.Ltmp49:
0x445: {  	_ = 	snop;
	(pc) =	sbr.rel @p0 .LBB2_99-.Ltmp49, $2  }
0x446: {  	_ =	sdelay $0x2  }
0x447: {  	[tilespmem:s25+$0x60] =	vst.add.f32.msk $0xffff, v1;
	s23 =	sadd.s32 $0x80, s23;
	s22 =	sadd.s32 $0x80, s22  }
0x448: {  	s20 =	sadd.s32 $0x1, s20  }
0x449: {  	p0 =	sne.s32 s20, $0x4  }
.Ltmp50:
0x44a: {  	_ = 	snop;
	(pc) =	sbr.rel @p0 .LBB2_98-.Ltmp50, $2  }
0x44b: {  	_ =	sdelay $0x2  }
0x44c: {  	s21 =	sadd.s32 $0x2000, s21  }
0x44d: {  	s20 =	sld [smem:$0x7D4];
	_ =	sdelay $0x1  }
0x44e: {  	s21 =	sld [smem:$0x7D9]  }
0x44f: {  	[hbm4b:s20+s6] =	stream.strided.scatter [tilespmem:s8], [sflag:$0x7], $0x8000, s7, s6, $0x38;
	[tilespmem:$0x1C000] =	vst v63  }
0x450: {  	s20 =	simm.s32 $0x0  }
0x451: {  	[tilespmem:s20], [sflag:$0x1] =	stream.linear.gather [hbm4b:s21+s20], $0x2000, $0x38;
	[tilespmem:$0x1C000] =	vst v63  }
0x452: {  	_ =	swait.ge [sflag:s13], $0x2000  }
0x453: {  	[sflag:s13] =	ssyncset.done $0x0  }
0x454: {  	[sflag:s13] =	ssyncadd.s32 $0xFFFFE000  }
0x455: {  	_ =	swait.ge [sflag:s16], $0x8000  }
0x456: {  	[sflag:s16] =	ssyncset.done $0x0  }
0x457: {  	[sflag:s16] =	ssyncadd.s32 $0xFFFF8000  }
0x458: {  	_ =	swait.ge [sflag:s17], $0x8000  }
0x459: {  	s29 =	sld [smem:$0x7DB]  }
0x45a: {  	[sflag:s17] =	ssyncset.done $0x0  }
0x45b: {  	s21 =	simm.s32 $0x14000;
	[sflag:s17] =	ssyncadd.s32 $0xFFFF8000  }
0x45c: {  	[tilespmem:s8], [sflag:$0x4] =	stream.strided.gather [hbm4b:s29+s6], $0x8000, s7, s6, $0x38;
	[tilespmem:$0x1C000] =	vst v63  }
.LBB2_104:
0x45d: {  	s22 =	simm.s32 $0x2040;
	s23 =	smov.u32 s21;
	s24 =	simm.s32 $0x0  }
.LBB2_105:
0x45e: {  	v0 =	vmov s22;
	_ =	sdelay $0x3  }
0x45f: {  	s26 =	simm.s32 $0x0  }
0x460: {  	v1 =	vld.idx.msk [tilespmem:v0+s26+$0x30 ss:$0x1], $0xffff  }
0x461: {  	v2 =	vld.idx.msk [tilespmem:v0+s26+$0xFFFFFFC0 ss:$0x1], $0xffff  }
0x462: {  	v3 =	vld.idx.msk [tilespmem:v0+s26+$0xFFFFFFD0 ss:$0x1], $0xffff  }
0x463: {  	v4 =	vld.idx.msk [tilespmem:v0+s26+$0xFFFFFFE0 ss:$0x1], $0xffff  }
0x464: {  	v5 =	vld.idx.msk [tilespmem:v0+s26+$0xFFFFFFF0 ss:$0x1], $0xffff  }
0x465: {  	v6 =	vld.idx.msk [tilespmem:v0+s26+$0x0 ss:$0x1], $0xffff  }
0x466: {  	s25 =	sadd.s32 $0x0, s23;
	v7 =	vld.idx.msk [tilespmem:v0+s26+$0x10 ss:$0x1], $0xffff  }
0x467: {  	[tilespmem:s25+$0x70] =	vst.add.f32.msk $0xffff, v1  }
0x468: {  	v1 =	vld.idx.msk [tilespmem:v0+s26+$0x20 ss:$0x1], $0xffff  }
0x469: {  	[tilespmem:s25+$0x0] =	vst.add.f32.msk $0xffff, v2  }
0x46a: {  	[tilespmem:s25+$0x10] =	vst.add.f32.msk $0xffff, v3  }
0x46b: {  	[tilespmem:s25+$0x20] =	vst.add.f32.msk $0xffff, v4  }
0x46c: {  	[tilespmem:s25+$0x30] =	vst.add.f32.msk $0xffff, v5  }
0x46d: {  	[tilespmem:s25+$0x40] =	vst.add.f32.msk $0xffff, v6  }
0x46e: {  	s28 =	simm.s32 $0x1000;
	s26 =	simm.s32 $0x0;
	[tilespmem:s25+$0x50] =	vst.add.f32.msk $0xffff, v7  }
.LBB2_106:
0x46f: {  	s29 =	sshra.s32 s28, $0x2;
	s26 =	sadd.s32 $0x80, s26;
	[tilespmem:s25+$0x60] =	vst.add.f32.msk $0xffff, v1  }
0x470: {  	v1 =	vld.idx.msk [tilespmem:v0+s29+$0x30 ss:$0x1], $0xffff;
	p0 =	slt.u32 s26, $0x380  }
0x471: {  	v2 =	vld.idx.msk [tilespmem:v0+s29+$0xFFFFFFC0 ss:$0x1], $0xffff  }
0x472: {  	v3 =	vld.idx.msk [tilespmem:v0+s29+$0xFFFFFFD0 ss:$0x1], $0xffff  }
0x473: {  	v4 =	vld.idx.msk [tilespmem:v0+s29+$0xFFFFFFE0 ss:$0x1], $0xffff  }
0x474: {  	v5 =	vld.idx.msk [tilespmem:v0+s29+$0xFFFFFFF0 ss:$0x1], $0xffff  }
0x475: {  	s25 =	sadd.s32 s29, s23;
	v6 =	vld.idx.msk [tilespmem:v0+s29+$0x0 ss:$0x1], $0xffff  }
0x476: {  	[tilespmem:s25+$0x70] =	vst.add.f32.msk $0xffff, v1  }
0x477: {  	v7 =	vld.idx.msk [tilespmem:v0+s29+$0x10 ss:$0x1], $0xffff  }
0x478: {  	v1 =	vld.idx.msk [tilespmem:v0+s29+$0x20 ss:$0x1], $0xffff  }
0x479: {  	[tilespmem:s25+$0x0] =	vst.add.f32.msk $0xffff, v2  }
.Ltmp51:
0x47a: {  	[tilespmem:s25+$0x10] =	vst.add.f32.msk $0xffff, v3;
	(pc) =	sbr.rel @p0 .LBB2_106-.Ltmp51, $4  }
0x47b: {  	[tilespmem:s25+$0x20] =	vst.add.f32.msk $0xffff, v4  }
0x47c: {  	[tilespmem:s25+$0x30] =	vst.add.f32.msk $0xffff, v5  }
0x47d: {  	[tilespmem:s25+$0x40] =	vst.add.f32.msk $0xffff, v6  }
0x47e: {  	s28 =	sadd.s32 $0x1000, s28;
	[tilespmem:s25+$0x50] =	vst.add.f32.msk $0xffff, v7  }
0x47f: {  	s24 =	sadd.s32 $0x1, s24  }
0x480: {  	p0 =	sne.s32 s24, $0x8  }
.Ltmp52:
0x481: {  	_ = 	snop;
	(pc) =	sbr.rel @p0 .LBB2_105-.Ltmp52, $2  }
0x482: {  	_ =	sdelay $0x2  }
0x483: {  	[tilespmem:s25+$0x60] =	vst.add.f32.msk $0xffff, v1;
	s23 =	sadd.s32 $0x80, s23;
	s22 =	sadd.s32 $0x80, s22  }
0x484: {  	s20 =	sadd.s32 $0x1, s20  }
0x485: {  	p0 =	sne.s32 s20, $0x4  }
.Ltmp53:
0x486: {  	_ = 	snop;
	(pc) =	sbr.rel @p0 .LBB2_104-.Ltmp53, $2  }
0x487: {  	_ =	sdelay $0x2  }
0x488: {  	s21 =	sadd.s32 $0x2000, s21  }
0x489: {  	s20 =	sld [smem:$0x7D7];
	_ =	sdelay $0x1  }
0x48a: {  	s21 =	sld [smem:$0x7DC]  }
0x48b: {  	[hbm4b:s20+s6] =	stream.strided.scatter [tilespmem:s11], [sflag:$0x8], $0x8000, s7, s6, $0x38;
	[tilespmem:$0x1C000] =	vst v63  }
0x48c: {  	s20 =	simm.s32 $0x0  }
0x48d: {  	[tilespmem:s6], [sflag:$0x2] =	stream.linear.gather [hbm4b:s21+s20], $0x2000, $0x38;
	[tilespmem:$0x1C000] =	vst v63  }
0x48e: {  	_ =	swait.ge [sflag:s9], $0x2000  }
0x48f: {  	[sflag:s9] =	ssyncset.done $0x0  }
0x490: {  	[sflag:s9] =	ssyncadd.s32 $0xFFFFE000  }
0x491: {  	_ =	swait.ge [sflag:s10], $0x8000  }
0x492: {  	[sflag:s10] =	ssyncset.done $0x0  }
0x493: {  	[sflag:s10] =	ssyncadd.s32 $0xFFFF8000  }
0x494: {  	_ =	swait.ge [sflag:s18], $0x8000  }
0x495: {  	s29 =	sld [smem:$0x7DE]  }
0x496: {  	[sflag:s18] =	ssyncset.done $0x0  }
0x497: {  	s21 =	simm.s32 $0x4000;
	[sflag:s18] =	ssyncadd.s32 $0xFFFF8000  }
0x498: {  	[tilespmem:s11], [sflag:$0x5] =	stream.strided.gather [hbm4b:s29+s6], $0x8000, s7, s6, $0x38;
	[tilespmem:$0x1C000] =	vst v63  }
.LBB2_110:
0x499: {  	s22 =	simm.s32 $0x40;
	s23 =	smov.u32 s21;
	s24 =	simm.s32 $0x0  }
.LBB2_111:
0x49a: {  	v0 =	vmov s22;
	_ =	sdelay $0x3  }
0x49b: {  	s26 =	simm.s32 $0x0  }
0x49c: {  	v1 =	vld.idx.msk [tilespmem:v0+s26+$0x30 ss:$0x1], $0xffff  }
0x49d: {  	v2 =	vld.idx.msk [tilespmem:v0+s26+$0xFFFFFFC0 ss:$0x1], $0xffff  }
0x49e: {  	v3 =	vld.idx.msk [tilespmem:v0+s26+$0xFFFFFFD0 ss:$0x1], $0xffff  }
0x49f: {  	v4 =	vld.idx.msk [tilespmem:v0+s26+$0xFFFFFFE0 ss:$0x1], $0xffff  }
0x4a0: {  	v5 =	vld.idx.msk [tilespmem:v0+s26+$0xFFFFFFF0 ss:$0x1], $0xffff  }
0x4a1: {  	v6 =	vld.idx.msk [tilespmem:v0+s26+$0x0 ss:$0x1], $0xffff  }
0x4a2: {  	s25 =	sadd.s32 $0x0, s23;
	v7 =	vld.idx.msk [tilespmem:v0+s26+$0x10 ss:$0x1], $0xffff  }
0x4a3: {  	[tilespmem:s25+$0x70] =	vst.add.f32.msk $0xffff, v1  }
0x4a4: {  	v1 =	vld.idx.msk [tilespmem:v0+s26+$0x20 ss:$0x1], $0xffff  }
0x4a5: {  	[tilespmem:s25+$0x0] =	vst.add.f32.msk $0xffff, v2  }
0x4a6: {  	[tilespmem:s25+$0x10] =	vst.add.f32.msk $0xffff, v3  }
0x4a7: {  	[tilespmem:s25+$0x20] =	vst.add.f32.msk $0xffff, v4  }
0x4a8: {  	[tilespmem:s25+$0x30] =	vst.add.f32.msk $0xffff, v5  }
0x4a9: {  	[tilespmem:s25+$0x40] =	vst.add.f32.msk $0xffff, v6  }
0x4aa: {  	s28 =	simm.s32 $0x1000;
	s26 =	simm.s32 $0x0;
	[tilespmem:s25+$0x50] =	vst.add.f32.msk $0xffff, v7  }
.LBB2_112:
0x4ab: {  	s29 =	sshra.s32 s28, $0x2;
	s26 =	sadd.s32 $0x80, s26;
	[tilespmem:s25+$0x60] =	vst.add.f32.msk $0xffff, v1  }
0x4ac: {  	v1 =	vld.idx.msk [tilespmem:v0+s29+$0x30 ss:$0x1], $0xffff;
	p0 =	slt.u32 s26, $0x380  }
0x4ad: {  	v2 =	vld.idx.msk [tilespmem:v0+s29+$0xFFFFFFC0 ss:$0x1], $0xffff  }
0x4ae: {  	v3 =	vld.idx.msk [tilespmem:v0+s29+$0xFFFFFFD0 ss:$0x1], $0xffff  }
0x4af: {  	v4 =	vld.idx.msk [tilespmem:v0+s29+$0xFFFFFFE0 ss:$0x1], $0xffff  }
0x4b0: {  	v5 =	vld.idx.msk [tilespmem:v0+s29+$0xFFFFFFF0 ss:$0x1], $0xffff  }
0x4b1: {  	s25 =	sadd.s32 s29, s23;
	v6 =	vld.idx.msk [tilespmem:v0+s29+$0x0 ss:$0x1], $0xffff  }
0x4b2: {  	[tilespmem:s25+$0x70] =	vst.add.f32.msk $0xffff, v1  }
0x4b3: {  	v7 =	vld.idx.msk [tilespmem:v0+s29+$0x10 ss:$0x1], $0xffff  }
0x4b4: {  	v1 =	vld.idx.msk [tilespmem:v0+s29+$0x20 ss:$0x1], $0xffff  }
0x4b5: {  	[tilespmem:s25+$0x0] =	vst.add.f32.msk $0xffff, v2  }
.Ltmp54:
0x4b6: {  	[tilespmem:s25+$0x10] =	vst.add.f32.msk $0xffff, v3;
	(pc) =	sbr.rel @p0 .LBB2_112-.Ltmp54, $4  }
0x4b7: {  	[tilespmem:s25+$0x20] =	vst.add.f32.msk $0xffff, v4  }
0x4b8: {  	[tilespmem:s25+$0x30] =	vst.add.f32.msk $0xffff, v5  }
0x4b9: {  	[tilespmem:s25+$0x40] =	vst.add.f32.msk $0xffff, v6  }
0x4ba: {  	s28 =	sadd.s32 $0x1000, s28;
	[tilespmem:s25+$0x50] =	vst.add.f32.msk $0xffff, v7  }
0x4bb: {  	s24 =	sadd.s32 $0x1, s24  }
0x4bc: {  	p0 =	sne.s32 s24, $0x8  }
.Ltmp55:
0x4bd: {  	_ = 	snop;
	(pc) =	sbr.rel @p0 .LBB2_111-.Ltmp55, $2  }
0x4be: {  	_ =	sdelay $0x2  }
0x4bf: {  	[tilespmem:s25+$0x60] =	vst.add.f32.msk $0xffff, v1;
	s23 =	sadd.s32 $0x80, s23;
	s22 =	sadd.s32 $0x80, s22  }
0x4c0: {  	s20 =	sadd.s32 $0x1, s20  }
0x4c1: {  	p0 =	sne.s32 s20, $0x4  }
.Ltmp56:
0x4c2: {  	_ = 	snop;
	(pc) =	sbr.rel @p0 .LBB2_110-.Ltmp56, $2  }
0x4c3: {  	_ =	sdelay $0x2  }
0x4c4: {  	s21 =	sadd.s32 $0x2000, s21  }
0x4c5: {  	s20 =	sld [smem:$0x7DA];
	_ =	sdelay $0x1  }
0x4c6: {  	s21 =	sld [smem:$0x7DF]  }
0x4c7: {  	[hbm4b:s20+s6] =	stream.strided.scatter [tilespmem:s12], [sflag:$0x6], $0x8000, s7, s6, $0x38;
	[tilespmem:$0x1C000] =	vst v63  }
0x4c8: {  	s20 =	simm.s32 $0x0  }
0x4c9: {  	[tilespmem:s20], [sflag:$0x1] =	stream.linear.gather [hbm4b:s21+s20], $0x2000, $0x38;
	[tilespmem:$0x1C000] =	vst v63  }
0x4ca: {  	_ =	swait.ge [sflag:s13], $0x2000  }
0x4cb: {  	[sflag:s13] =	ssyncset.done $0x0  }
0x4cc: {  	[sflag:s13] =	ssyncadd.s32 $0xFFFFE000  }
0x4cd: {  	_ =	swait.ge [sflag:s14], $0x8000  }
0x4ce: {  	[sflag:s14] =	ssyncset.done $0x0  }
0x4cf: {  	[sflag:s14] =	ssyncadd.s32 $0xFFFF8000  }
0x4d0: {  	_ =	swait.ge [sflag:s15], $0x8000  }
0x4d1: {  	s29 =	sld [smem:$0x7E1]  }
0x4d2: {  	[sflag:s15] =	ssyncset.done $0x0  }
0x4d3: {  	s21 =	simm.s32 $0xC000;
	[sflag:s15] =	ssyncadd.s32 $0xFFFF8000  }
0x4d4: {  	[tilespmem:s12], [sflag:$0x3] =	stream.strided.gather [hbm4b:s29+s6], $0x8000, s7, s6, $0x38;
	[tilespmem:$0x1C000] =	vst v63  }
.LBB2_116:
0x4d5: {  	s22 =	simm.s32 $0x2040;
	s23 =	smov.u32 s21;
	s24 =	simm.s32 $0x0  }
.LBB2_117:
0x4d6: {  	v0 =	vmov s22;
	_ =	sdelay $0x3  }
0x4d7: {  	s26 =	simm.s32 $0x0  }
0x4d8: {  	v1 =	vld.idx.msk [tilespmem:v0+s26+$0x30 ss:$0x1], $0xffff  }
0x4d9: {  	v2 =	vld.idx.msk [tilespmem:v0+s26+$0xFFFFFFC0 ss:$0x1], $0xffff  }
0x4da: {  	v3 =	vld.idx.msk [tilespmem:v0+s26+$0xFFFFFFD0 ss:$0x1], $0xffff  }
0x4db: {  	v4 =	vld.idx.msk [tilespmem:v0+s26+$0xFFFFFFE0 ss:$0x1], $0xffff  }
0x4dc: {  	v5 =	vld.idx.msk [tilespmem:v0+s26+$0xFFFFFFF0 ss:$0x1], $0xffff  }
0x4dd: {  	v6 =	vld.idx.msk [tilespmem:v0+s26+$0x0 ss:$0x1], $0xffff  }
0x4de: {  	s25 =	sadd.s32 $0x0, s23;
	v7 =	vld.idx.msk [tilespmem:v0+s26+$0x10 ss:$0x1], $0xffff  }
0x4df: {  	[tilespmem:s25+$0x70] =	vst.add.f32.msk $0xffff, v1  }
0x4e0: {  	v1 =	vld.idx.msk [tilespmem:v0+s26+$0x20 ss:$0x1], $0xffff  }
0x4e1: {  	[tilespmem:s25+$0x0] =	vst.add.f32.msk $0xffff, v2  }
0x4e2: {  	[tilespmem:s25+$0x10] =	vst.add.f32.msk $0xffff, v3  }
0x4e3: {  	[tilespmem:s25+$0x20] =	vst.add.f32.msk $0xffff, v4  }
0x4e4: {  	[tilespmem:s25+$0x30] =	vst.add.f32.msk $0xffff, v5  }
0x4e5: {  	[tilespmem:s25+$0x40] =	vst.add.f32.msk $0xffff, v6  }
0x4e6: {  	s28 =	simm.s32 $0x1000;
	s26 =	simm.s32 $0x0;
	[tilespmem:s25+$0x50] =	vst.add.f32.msk $0xffff, v7  }
.LBB2_118:
0x4e7: {  	s29 =	sshra.s32 s28, $0x2;
	s26 =	sadd.s32 $0x80, s26;
	[tilespmem:s25+$0x60] =	vst.add.f32.msk $0xffff, v1  }
0x4e8: {  	v1 =	vld.idx.msk [tilespmem:v0+s29+$0x30 ss:$0x1], $0xffff;
	p0 =	slt.u32 s26, $0x380  }
0x4e9: {  	v2 =	vld.idx.msk [tilespmem:v0+s29+$0xFFFFFFC0 ss:$0x1], $0xffff  }
0x4ea: {  	v3 =	vld.idx.msk [tilespmem:v0+s29+$0xFFFFFFD0 ss:$0x1], $0xffff  }
0x4eb: {  	v4 =	vld.idx.msk [tilespmem:v0+s29+$0xFFFFFFE0 ss:$0x1], $0xffff  }
0x4ec: {  	v5 =	vld.idx.msk [tilespmem:v0+s29+$0xFFFFFFF0 ss:$0x1], $0xffff  }
0x4ed: {  	s25 =	sadd.s32 s29, s23;
	v6 =	vld.idx.msk [tilespmem:v0+s29+$0x0 ss:$0x1], $0xffff  }
0x4ee: {  	[tilespmem:s25+$0x70] =	vst.add.f32.msk $0xffff, v1  }
0x4ef: {  	v7 =	vld.idx.msk [tilespmem:v0+s29+$0x10 ss:$0x1], $0xffff  }
0x4f0: {  	v1 =	vld.idx.msk [tilespmem:v0+s29+$0x20 ss:$0x1], $0xffff  }
0x4f1: {  	[tilespmem:s25+$0x0] =	vst.add.f32.msk $0xffff, v2  }
.Ltmp57:
0x4f2: {  	[tilespmem:s25+$0x10] =	vst.add.f32.msk $0xffff, v3;
	(pc) =	sbr.rel @p0 .LBB2_118-.Ltmp57, $4  }
0x4f3: {  	[tilespmem:s25+$0x20] =	vst.add.f32.msk $0xffff, v4  }
0x4f4: {  	[tilespmem:s25+$0x30] =	vst.add.f32.msk $0xffff, v5  }
0x4f5: {  	[tilespmem:s25+$0x40] =	vst.add.f32.msk $0xffff, v6  }
0x4f6: {  	s28 =	sadd.s32 $0x1000, s28;
	[tilespmem:s25+$0x50] =	vst.add.f32.msk $0xffff, v7  }
0x4f7: {  	s24 =	sadd.s32 $0x1, s24  }
0x4f8: {  	p0 =	sne.s32 s24, $0x8  }
.Ltmp58:
0x4f9: {  	_ = 	snop;
	(pc) =	sbr.rel @p0 .LBB2_117-.Ltmp58, $2  }
0x4fa: {  	_ =	sdelay $0x2  }
0x4fb: {  	[tilespmem:s25+$0x60] =	vst.add.f32.msk $0xffff, v1;
	s23 =	sadd.s32 $0x80, s23;
	s22 =	sadd.s32 $0x80, s22  }
0x4fc: {  	s20 =	sadd.s32 $0x1, s20  }
0x4fd: {  	p0 =	sne.s32 s20, $0x4  }
.Ltmp59:
0x4fe: {  	_ = 	snop;
	(pc) =	sbr.rel @p0 .LBB2_116-.Ltmp59, $2  }
0x4ff: {  	_ =	sdelay $0x2  }
0x500: {  	s21 =	sadd.s32 $0x2000, s21  }
0x501: {  	s20 =	sld [smem:$0x7DD];
	_ =	sdelay $0x1  }
0x502: {  	s21 =	sld [smem:$0x7E2]  }
0x503: {  	[hbm4b:s20+s6] =	stream.strided.scatter [tilespmem:s8], [sflag:$0x7], $0x8000, s7, s6, $0x38;
	[tilespmem:$0x1C000] =	vst v63  }
0x504: {  	s20 =	simm.s32 $0x0  }
0x505: {  	[tilespmem:s6], [sflag:$0x2] =	stream.linear.gather [hbm4b:s21+s20], $0x2000, $0x38;
	[tilespmem:$0x1C000] =	vst v63  }
0x506: {  	_ =	swait.ge [sflag:s9], $0x2000  }
0x507: {  	[sflag:s9] =	ssyncset.done $0x0  }
0x508: {  	[sflag:s9] =	ssyncadd.s32 $0xFFFFE000  }
0x509: {  	_ =	swait.ge [sflag:s16], $0x8000  }
0x50a: {  	[sflag:s16] =	ssyncset.done $0x0  }
0x50b: {  	[sflag:s16] =	ssyncadd.s32 $0xFFFF8000  }
0x50c: {  	_ =	swait.ge [sflag:s17], $0x8000  }
0x50d: {  	s29 =	sld [smem:$0x7E4]  }
0x50e: {  	[sflag:s17] =	ssyncset.done $0x0  }
0x50f: {  	s21 =	simm.s32 $0x14000;
	[sflag:s17] =	ssyncadd.s32 $0xFFFF8000  }
0x510: {  	[tilespmem:s8], [sflag:$0x4] =	stream.strided.gather [hbm4b:s29+s6], $0x8000, s7, s6, $0x38;
	[tilespmem:$0x1C000] =	vst v63  }
.LBB2_122:
0x511: {  	s22 =	simm.s32 $0x40;
	s23 =	smov.u32 s21;
	s24 =	simm.s32 $0x0  }
.LBB2_123:
0x512: {  	v0 =	vmov s22;
	_ =	sdelay $0x3  }
0x513: {  	s26 =	simm.s32 $0x0  }
0x514: {  	v1 =	vld.idx.msk [tilespmem:v0+s26+$0x30 ss:$0x1], $0xffff  }
0x515: {  	v2 =	vld.idx.msk [tilespmem:v0+s26+$0xFFFFFFC0 ss:$0x1], $0xffff  }
0x516: {  	v3 =	vld.idx.msk [tilespmem:v0+s26+$0xFFFFFFD0 ss:$0x1], $0xffff  }
0x517: {  	v4 =	vld.idx.msk [tilespmem:v0+s26+$0xFFFFFFE0 ss:$0x1], $0xffff  }
0x518: {  	v5 =	vld.idx.msk [tilespmem:v0+s26+$0xFFFFFFF0 ss:$0x1], $0xffff  }
0x519: {  	v6 =	vld.idx.msk [tilespmem:v0+s26+$0x0 ss:$0x1], $0xffff  }
0x51a: {  	s25 =	sadd.s32 $0x0, s23;
	v7 =	vld.idx.msk [tilespmem:v0+s26+$0x10 ss:$0x1], $0xffff  }
0x51b: {  	[tilespmem:s25+$0x70] =	vst.add.f32.msk $0xffff, v1  }
0x51c: {  	v1 =	vld.idx.msk [tilespmem:v0+s26+$0x20 ss:$0x1], $0xffff  }
0x51d: {  	[tilespmem:s25+$0x0] =	vst.add.f32.msk $0xffff, v2  }
0x51e: {  	[tilespmem:s25+$0x10] =	vst.add.f32.msk $0xffff, v3  }
0x51f: {  	[tilespmem:s25+$0x20] =	vst.add.f32.msk $0xffff, v4  }
0x520: {  	[tilespmem:s25+$0x30] =	vst.add.f32.msk $0xffff, v5  }
0x521: {  	[tilespmem:s25+$0x40] =	vst.add.f32.msk $0xffff, v6  }
0x522: {  	s28 =	simm.s32 $0x1000;
	s26 =	simm.s32 $0x0;
	[tilespmem:s25+$0x50] =	vst.add.f32.msk $0xffff, v7  }
.LBB2_124:
0x523: {  	s29 =	sshra.s32 s28, $0x2;
	s26 =	sadd.s32 $0x80, s26;
	[tilespmem:s25+$0x60] =	vst.add.f32.msk $0xffff, v1  }
0x524: {  	v1 =	vld.idx.msk [tilespmem:v0+s29+$0x30 ss:$0x1], $0xffff;
	p0 =	slt.u32 s26, $0x380  }
0x525: {  	v2 =	vld.idx.msk [tilespmem:v0+s29+$0xFFFFFFC0 ss:$0x1], $0xffff  }
0x526: {  	v3 =	vld.idx.msk [tilespmem:v0+s29+$0xFFFFFFD0 ss:$0x1], $0xffff  }
0x527: {  	v4 =	vld.idx.msk [tilespmem:v0+s29+$0xFFFFFFE0 ss:$0x1], $0xffff  }
0x528: {  	v5 =	vld.idx.msk [tilespmem:v0+s29+$0xFFFFFFF0 ss:$0x1], $0xffff  }
0x529: {  	s25 =	sadd.s32 s29, s23;
	v6 =	vld.idx.msk [tilespmem:v0+s29+$0x0 ss:$0x1], $0xffff  }
0x52a: {  	[tilespmem:s25+$0x70] =	vst.add.f32.msk $0xffff, v1  }
0x52b: {  	v7 =	vld.idx.msk [tilespmem:v0+s29+$0x10 ss:$0x1], $0xffff  }
0x52c: {  	v1 =	vld.idx.msk [tilespmem:v0+s29+$0x20 ss:$0x1], $0xffff  }
0x52d: {  	[tilespmem:s25+$0x0] =	vst.add.f32.msk $0xffff, v2  }
.Ltmp60:
0x52e: {  	[tilespmem:s25+$0x10] =	vst.add.f32.msk $0xffff, v3;
	(pc) =	sbr.rel @p0 .LBB2_124-.Ltmp60, $4  }
0x52f: {  	[tilespmem:s25+$0x20] =	vst.add.f32.msk $0xffff, v4  }
0x530: {  	[tilespmem:s25+$0x30] =	vst.add.f32.msk $0xffff, v5  }
0x531: {  	[tilespmem:s25+$0x40] =	vst.add.f32.msk $0xffff, v6  }
0x532: {  	s28 =	sadd.s32 $0x1000, s28;
	[tilespmem:s25+$0x50] =	vst.add.f32.msk $0xffff, v7  }
0x533: {  	s24 =	sadd.s32 $0x1, s24  }
0x534: {  	p0 =	sne.s32 s24, $0x8  }
.Ltmp61:
0x535: {  	_ = 	snop;
	(pc) =	sbr.rel @p0 .LBB2_123-.Ltmp61, $2  }
0x536: {  	_ =	sdelay $0x2  }
0x537: {  	[tilespmem:s25+$0x60] =	vst.add.f32.msk $0xffff, v1;
	s23 =	sadd.s32 $0x80, s23;
	s22 =	sadd.s32 $0x80, s22  }
0x538: {  	s20 =	sadd.s32 $0x1, s20  }
0x539: {  	p0 =	sne.s32 s20, $0x4  }
.Ltmp62:
0x53a: {  	_ = 	snop;
	(pc) =	sbr.rel @p0 .LBB2_122-.Ltmp62, $2  }
0x53b: {  	_ =	sdelay $0x2  }
0x53c: {  	s21 =	sadd.s32 $0x2000, s21  }
0x53d: {  	s20 =	sld [smem:$0x7E0];
	_ =	sdelay $0x1  }
0x53e: {  	s21 =	sld [smem:$0x7E5]  }
0x53f: {  	[hbm4b:s20+s6] =	stream.strided.scatter [tilespmem:s11], [sflag:$0x8], $0x8000, s7, s6, $0x38;
	[tilespmem:$0x1C000] =	vst v63  }
0x540: {  	s20 =	simm.s32 $0x0  }
0x541: {  	[tilespmem:s20], [sflag:$0x1] =	stream.linear.gather [hbm4b:s21+s20], $0x2000, $0x38;
	[tilespmem:$0x1C000] =	vst v63  }
0x542: {  	_ =	swait.ge [sflag:s13], $0x2000  }
0x543: {  	[sflag:s13] =	ssyncset.done $0x0  }
0x544: {  	[sflag:s13] =	ssyncadd.s32 $0xFFFFE000  }
0x545: {  	_ =	swait.ge [sflag:s10], $0x8000  }
0x546: {  	[sflag:s10] =	ssyncset.done $0x0  }
0x547: {  	[sflag:s10] =	ssyncadd.s32 $0xFFFF8000  }
0x548: {  	_ =	swait.ge [sflag:s18], $0x8000  }
0x549: {  	s29 =	sld [smem:$0x7E7]  }
0x54a: {  	[sflag:s18] =	ssyncset.done $0x0  }
0x54b: {  	s21 =	simm.s32 $0x4000;
	[sflag:s18] =	ssyncadd.s32 $0xFFFF8000  }
0x54c: {  	[tilespmem:s11], [sflag:$0x5] =	stream.strided.gather [hbm4b:s29+s6], $0x8000, s7, s6, $0x38;
	[tilespmem:$0x1C000] =	vst v63  }
.LBB2_128:
0x54d: {  	s22 =	simm.s32 $0x2040;
	s23 =	smov.u32 s21;
	s24 =	simm.s32 $0x0  }
.LBB2_129:
0x54e: {  	v0 =	vmov s22;
	_ =	sdelay $0x3  }
0x54f: {  	s26 =	simm.s32 $0x0  }
0x550: {  	v1 =	vld.idx.msk [tilespmem:v0+s26+$0x30 ss:$0x1], $0xffff  }
0x551: {  	v2 =	vld.idx.msk [tilespmem:v0+s26+$0xFFFFFFC0 ss:$0x1], $0xffff  }
0x552: {  	v3 =	vld.idx.msk [tilespmem:v0+s26+$0xFFFFFFD0 ss:$0x1], $0xffff  }
0x553: {  	v4 =	vld.idx.msk [tilespmem:v0+s26+$0xFFFFFFE0 ss:$0x1], $0xffff  }
0x554: {  	v5 =	vld.idx.msk [tilespmem:v0+s26+$0xFFFFFFF0 ss:$0x1], $0xffff  }
0x555: {  	v6 =	vld.idx.msk [tilespmem:v0+s26+$0x0 ss:$0x1], $0xffff  }
0x556: {  	s25 =	sadd.s32 $0x0, s23;
	v7 =	vld.idx.msk [tilespmem:v0+s26+$0x10 ss:$0x1], $0xffff  }
0x557: {  	[tilespmem:s25+$0x70] =	vst.add.f32.msk $0xffff, v1  }
0x558: {  	v1 =	vld.idx.msk [tilespmem:v0+s26+$0x20 ss:$0x1], $0xffff  }
0x559: {  	[tilespmem:s25+$0x0] =	vst.add.f32.msk $0xffff, v2  }
0x55a: {  	[tilespmem:s25+$0x10] =	vst.add.f32.msk $0xffff, v3  }
0x55b: {  	[tilespmem:s25+$0x20] =	vst.add.f32.msk $0xffff, v4  }
0x55c: {  	[tilespmem:s25+$0x30] =	vst.add.f32.msk $0xffff, v5  }
0x55d: {  	[tilespmem:s25+$0x40] =	vst.add.f32.msk $0xffff, v6  }
0x55e: {  	s28 =	simm.s32 $0x1000;
	s26 =	simm.s32 $0x0;
	[tilespmem:s25+$0x50] =	vst.add.f32.msk $0xffff, v7  }
.LBB2_130:
0x55f: {  	s29 =	sshra.s32 s28, $0x2;
	s26 =	sadd.s32 $0x80, s26;
	[tilespmem:s25+$0x60] =	vst.add.f32.msk $0xffff, v1  }
0x560: {  	v1 =	vld.idx.msk [tilespmem:v0+s29+$0x30 ss:$0x1], $0xffff;
	p0 =	slt.u32 s26, $0x380  }
0x561: {  	v2 =	vld.idx.msk [tilespmem:v0+s29+$0xFFFFFFC0 ss:$0x1], $0xffff  }
0x562: {  	v3 =	vld.idx.msk [tilespmem:v0+s29+$0xFFFFFFD0 ss:$0x1], $0xffff  }
0x563: {  	v4 =	vld.idx.msk [tilespmem:v0+s29+$0xFFFFFFE0 ss:$0x1], $0xffff  }
0x564: {  	v5 =	vld.idx.msk [tilespmem:v0+s29+$0xFFFFFFF0 ss:$0x1], $0xffff  }
0x565: {  	s25 =	sadd.s32 s29, s23;
	v6 =	vld.idx.msk [tilespmem:v0+s29+$0x0 ss:$0x1], $0xffff  }
0x566: {  	[tilespmem:s25+$0x70] =	vst.add.f32.msk $0xffff, v1  }
0x567: {  	v7 =	vld.idx.msk [tilespmem:v0+s29+$0x10 ss:$0x1], $0xffff  }
0x568: {  	v1 =	vld.idx.msk [tilespmem:v0+s29+$0x20 ss:$0x1], $0xffff  }
0x569: {  	[tilespmem:s25+$0x0] =	vst.add.f32.msk $0xffff, v2  }
.Ltmp63:
0x56a: {  	[tilespmem:s25+$0x10] =	vst.add.f32.msk $0xffff, v3;
	(pc) =	sbr.rel @p0 .LBB2_130-.Ltmp63, $4  }
0x56b: {  	[tilespmem:s25+$0x20] =	vst.add.f32.msk $0xffff, v4  }
0x56c: {  	[tilespmem:s25+$0x30] =	vst.add.f32.msk $0xffff, v5  }
0x56d: {  	[tilespmem:s25+$0x40] =	vst.add.f32.msk $0xffff, v6  }
0x56e: {  	s28 =	sadd.s32 $0x1000, s28;
	[tilespmem:s25+$0x50] =	vst.add.f32.msk $0xffff, v7  }
0x56f: {  	s24 =	sadd.s32 $0x1, s24  }
0x570: {  	p0 =	sne.s32 s24, $0x8  }
.Ltmp64:
0x571: {  	_ = 	snop;
	(pc) =	sbr.rel @p0 .LBB2_129-.Ltmp64, $2  }
0x572: {  	_ =	sdelay $0x2  }
0x573: {  	[tilespmem:s25+$0x60] =	vst.add.f32.msk $0xffff, v1;
	s23 =	sadd.s32 $0x80, s23;
	s22 =	sadd.s32 $0x80, s22  }
0x574: {  	s20 =	sadd.s32 $0x1, s20  }
0x575: {  	p0 =	sne.s32 s20, $0x4  }
.Ltmp65:
0x576: {  	_ = 	snop;
	(pc) =	sbr.rel @p0 .LBB2_128-.Ltmp65, $2  }
0x577: {  	_ =	sdelay $0x2  }
0x578: {  	s21 =	sadd.s32 $0x2000, s21  }
0x579: {  	s20 =	sld [smem:$0x7E3];
	_ =	sdelay $0x1  }
0x57a: {  	s21 =	sld [smem:$0x7E8]  }
0x57b: {  	[hbm4b:s20+s6] =	stream.strided.scatter [tilespmem:s12], [sflag:$0x6], $0x8000, s7, s6, $0x38;
	[tilespmem:$0x1C000] =	vst v63  }
0x57c: {  	s20 =	simm.s32 $0x0  }
0x57d: {  	[tilespmem:s6], [sflag:$0x2] =	stream.linear.gather [hbm4b:s21+s20], $0x2000, $0x38;
	[tilespmem:$0x1C000] =	vst v63  }
0x57e: {  	_ =	swait.ge [sflag:s9], $0x2000  }
0x57f: {  	[sflag:s9] =	ssyncset.done $0x0  }
0x580: {  	[sflag:s9] =	ssyncadd.s32 $0xFFFFE000  }
0x581: {  	_ =	swait.ge [sflag:s14], $0x8000  }
0x582: {  	[sflag:s14] =	ssyncset.done $0x0  }
0x583: {  	[sflag:s14] =	ssyncadd.s32 $0xFFFF8000  }
0x584: {  	_ =	swait.ge [sflag:s15], $0x8000  }
0x585: {  	s29 =	sld [smem:$0x7EA]  }
0x586: {  	[sflag:s15] =	ssyncset.done $0x0  }
0x587: {  	s21 =	simm.s32 $0xC000;
	[sflag:s15] =	ssyncadd.s32 $0xFFFF8000  }
0x588: {  	[tilespmem:s12], [sflag:$0x3] =	stream.strided.gather [hbm4b:s29+s6], $0x8000, s7, s6, $0x38;
	[tilespmem:$0x1C000] =	vst v63  }
.LBB2_134:
0x589: {  	s22 =	simm.s32 $0x40;
	s23 =	smov.u32 s21;
	s24 =	simm.s32 $0x0  }
.LBB2_135:
0x58a: {  	v0 =	vmov s22;
	_ =	sdelay $0x3  }
0x58b: {  	s26 =	simm.s32 $0x0  }
0x58c: {  	v1 =	vld.idx.msk [tilespmem:v0+s26+$0x30 ss:$0x1], $0xffff  }
0x58d: {  	v2 =	vld.idx.msk [tilespmem:v0+s26+$0xFFFFFFC0 ss:$0x1], $0xffff  }
0x58e: {  	v3 =	vld.idx.msk [tilespmem:v0+s26+$0xFFFFFFD0 ss:$0x1], $0xffff  }
0x58f: {  	v4 =	vld.idx.msk [tilespmem:v0+s26+$0xFFFFFFE0 ss:$0x1], $0xffff  }
0x590: {  	v5 =	vld.idx.msk [tilespmem:v0+s26+$0xFFFFFFF0 ss:$0x1], $0xffff  }
0x591: {  	v6 =	vld.idx.msk [tilespmem:v0+s26+$0x0 ss:$0x1], $0xffff  }
0x592: {  	s25 =	sadd.s32 $0x0, s23;
	v7 =	vld.idx.msk [tilespmem:v0+s26+$0x10 ss:$0x1], $0xffff  }
0x593: {  	[tilespmem:s25+$0x70] =	vst.add.f32.msk $0xffff, v1  }
0x594: {  	v1 =	vld.idx.msk [tilespmem:v0+s26+$0x20 ss:$0x1], $0xffff  }
0x595: {  	[tilespmem:s25+$0x0] =	vst.add.f32.msk $0xffff, v2  }
0x596: {  	[tilespmem:s25+$0x10] =	vst.add.f32.msk $0xffff, v3  }
0x597: {  	[tilespmem:s25+$0x20] =	vst.add.f32.msk $0xffff, v4  }
0x598: {  	[tilespmem:s25+$0x30] =	vst.add.f32.msk $0xffff, v5  }
0x599: {  	[tilespmem:s25+$0x40] =	vst.add.f32.msk $0xffff, v6  }
0x59a: {  	s28 =	simm.s32 $0x1000;
	s26 =	simm.s32 $0x0;
	[tilespmem:s25+$0x50] =	vst.add.f32.msk $0xffff, v7  }
.LBB2_136:
0x59b: {  	s29 =	sshra.s32 s28, $0x2;
	s26 =	sadd.s32 $0x80, s26;
	[tilespmem:s25+$0x60] =	vst.add.f32.msk $0xffff, v1  }
0x59c: {  	v1 =	vld.idx.msk [tilespmem:v0+s29+$0x30 ss:$0x1], $0xffff;
	p0 =	slt.u32 s26, $0x380  }
0x59d: {  	v2 =	vld.idx.msk [tilespmem:v0+s29+$0xFFFFFFC0 ss:$0x1], $0xffff  }
0x59e: {  	v3 =	vld.idx.msk [tilespmem:v0+s29+$0xFFFFFFD0 ss:$0x1], $0xffff  }
0x59f: {  	v4 =	vld.idx.msk [tilespmem:v0+s29+$0xFFFFFFE0 ss:$0x1], $0xffff  }
0x5a0: {  	v5 =	vld.idx.msk [tilespmem:v0+s29+$0xFFFFFFF0 ss:$0x1], $0xffff  }
0x5a1: {  	s25 =	sadd.s32 s29, s23;
	v6 =	vld.idx.msk [tilespmem:v0+s29+$0x0 ss:$0x1], $0xffff  }
0x5a2: {  	[tilespmem:s25+$0x70] =	vst.add.f32.msk $0xffff, v1  }
0x5a3: {  	v7 =	vld.idx.msk [tilespmem:v0+s29+$0x10 ss:$0x1], $0xffff  }
0x5a4: {  	v1 =	vld.idx.msk [tilespmem:v0+s29+$0x20 ss:$0x1], $0xffff  }
0x5a5: {  	[tilespmem:s25+$0x0] =	vst.add.f32.msk $0xffff, v2  }
.Ltmp66:
0x5a6: {  	[tilespmem:s25+$0x10] =	vst.add.f32.msk $0xffff, v3;
	(pc) =	sbr.rel @p0 .LBB2_136-.Ltmp66, $4  }
0x5a7: {  	[tilespmem:s25+$0x20] =	vst.add.f32.msk $0xffff, v4  }
0x5a8: {  	[tilespmem:s25+$0x30] =	vst.add.f32.msk $0xffff, v5  }
0x5a9: {  	[tilespmem:s25+$0x40] =	vst.add.f32.msk $0xffff, v6  }
0x5aa: {  	s28 =	sadd.s32 $0x1000, s28;
	[tilespmem:s25+$0x50] =	vst.add.f32.msk $0xffff, v7  }
0x5ab: {  	s24 =	sadd.s32 $0x1, s24  }
0x5ac: {  	p0 =	sne.s32 s24, $0x8  }
.Ltmp67:
0x5ad: {  	_ = 	snop;
	(pc) =	sbr.rel @p0 .LBB2_135-.Ltmp67, $2  }
0x5ae: {  	_ =	sdelay $0x2  }
0x5af: {  	[tilespmem:s25+$0x60] =	vst.add.f32.msk $0xffff, v1;
	s23 =	sadd.s32 $0x80, s23;
	s22 =	sadd.s32 $0x80, s22  }
0x5b0: {  	s20 =	sadd.s32 $0x1, s20  }
0x5b1: {  	p0 =	sne.s32 s20, $0x4  }
.Ltmp68:
0x5b2: {  	_ = 	snop;
	(pc) =	sbr.rel @p0 .LBB2_134-.Ltmp68, $2  }
0x5b3: {  	_ =	sdelay $0x2  }
0x5b4: {  	s21 =	sadd.s32 $0x2000, s21  }
0x5b5: {  	s20 =	sld [smem:$0x7E6];
	_ =	sdelay $0x1  }
0x5b6: {  	s21 =	sld [smem:$0x7EB]  }
0x5b7: {  	[hbm4b:s20+s6] =	stream.strided.scatter [tilespmem:s8], [sflag:$0x7], $0x8000, s7, s6, $0x38;
	[tilespmem:$0x1C000] =	vst v63  }
0x5b8: {  	s20 =	simm.s32 $0x0  }
0x5b9: {  	[tilespmem:s20], [sflag:$0x1] =	stream.linear.gather [hbm4b:s21+s20], $0x2000, $0x38;
	[tilespmem:$0x1C000] =	vst v63  }
0x5ba: {  	_ =	swait.ge [sflag:s13], $0x2000  }
0x5bb: {  	[sflag:s13] =	ssyncset.done $0x0  }
0x5bc: {  	[sflag:s13] =	ssyncadd.s32 $0xFFFFE000  }
0x5bd: {  	_ =	swait.ge [sflag:s16], $0x8000  }
0x5be: {  	[sflag:s16] =	ssyncset.done $0x0  }
0x5bf: {  	[sflag:s16] =	ssyncadd.s32 $0xFFFF8000  }
0x5c0: {  	_ =	swait.ge [sflag:s17], $0x8000  }
0x5c1: {  	s29 =	sld [smem:$0x7ED]  }
0x5c2: {  	[sflag:s17] =	ssyncset.done $0x0  }
0x5c3: {  	s21 =	simm.s32 $0x14000;
	[sflag:s17] =	ssyncadd.s32 $0xFFFF8000  }
0x5c4: {  	[tilespmem:s8], [sflag:$0x4] =	stream.strided.gather [hbm4b:s29+s6], $0x8000, s7, s6, $0x38;
	[tilespmem:$0x1C000] =	vst v63  }
.LBB2_140:
0x5c5: {  	s22 =	simm.s32 $0x2040;
	s23 =	smov.u32 s21;
	s24 =	simm.s32 $0x0  }
.LBB2_141:
0x5c6: {  	v0 =	vmov s22;
	_ =	sdelay $0x3  }
0x5c7: {  	s26 =	simm.s32 $0x0  }
0x5c8: {  	v1 =	vld.idx.msk [tilespmem:v0+s26+$0x30 ss:$0x1], $0xffff  }
0x5c9: {  	v2 =	vld.idx.msk [tilespmem:v0+s26+$0xFFFFFFC0 ss:$0x1], $0xffff  }
0x5ca: {  	v3 =	vld.idx.msk [tilespmem:v0+s26+$0xFFFFFFD0 ss:$0x1], $0xffff  }
0x5cb: {  	v4 =	vld.idx.msk [tilespmem:v0+s26+$0xFFFFFFE0 ss:$0x1], $0xffff  }
0x5cc: {  	v5 =	vld.idx.msk [tilespmem:v0+s26+$0xFFFFFFF0 ss:$0x1], $0xffff  }
0x5cd: {  	v6 =	vld.idx.msk [tilespmem:v0+s26+$0x0 ss:$0x1], $0xffff  }
0x5ce: {  	s25 =	sadd.s32 $0x0, s23;
	v7 =	vld.idx.msk [tilespmem:v0+s26+$0x10 ss:$0x1], $0xffff  }
0x5cf: {  	[tilespmem:s25+$0x70] =	vst.add.f32.msk $0xffff, v1  }
0x5d0: {  	v1 =	vld.idx.msk [tilespmem:v0+s26+$0x20 ss:$0x1], $0xffff  }
0x5d1: {  	[tilespmem:s25+$0x0] =	vst.add.f32.msk $0xffff, v2  }
0x5d2: {  	[tilespmem:s25+$0x10] =	vst.add.f32.msk $0xffff, v3  }
0x5d3: {  	[tilespmem:s25+$0x20] =	vst.add.f32.msk $0xffff, v4  }
0x5d4: {  	[tilespmem:s25+$0x30] =	vst.add.f32.msk $0xffff, v5  }
0x5d5: {  	[tilespmem:s25+$0x40] =	vst.add.f32.msk $0xffff, v6  }
0x5d6: {  	s28 =	simm.s32 $0x1000;
	s26 =	simm.s32 $0x0;
	[tilespmem:s25+$0x50] =	vst.add.f32.msk $0xffff, v7  }
.LBB2_142:
0x5d7: {  	s29 =	sshra.s32 s28, $0x2;
	s26 =	sadd.s32 $0x80, s26;
	[tilespmem:s25+$0x60] =	vst.add.f32.msk $0xffff, v1  }
0x5d8: {  	v1 =	vld.idx.msk [tilespmem:v0+s29+$0x30 ss:$0x1], $0xffff;
	p0 =	slt.u32 s26, $0x380  }
0x5d9: {  	v2 =	vld.idx.msk [tilespmem:v0+s29+$0xFFFFFFC0 ss:$0x1], $0xffff  }
0x5da: {  	v3 =	vld.idx.msk [tilespmem:v0+s29+$0xFFFFFFD0 ss:$0x1], $0xffff  }
0x5db: {  	v4 =	vld.idx.msk [tilespmem:v0+s29+$0xFFFFFFE0 ss:$0x1], $0xffff  }
0x5dc: {  	v5 =	vld.idx.msk [tilespmem:v0+s29+$0xFFFFFFF0 ss:$0x1], $0xffff  }
0x5dd: {  	s25 =	sadd.s32 s29, s23;
	v6 =	vld.idx.msk [tilespmem:v0+s29+$0x0 ss:$0x1], $0xffff  }
0x5de: {  	[tilespmem:s25+$0x70] =	vst.add.f32.msk $0xffff, v1  }
0x5df: {  	v7 =	vld.idx.msk [tilespmem:v0+s29+$0x10 ss:$0x1], $0xffff  }
0x5e0: {  	v1 =	vld.idx.msk [tilespmem:v0+s29+$0x20 ss:$0x1], $0xffff  }
0x5e1: {  	[tilespmem:s25+$0x0] =	vst.add.f32.msk $0xffff, v2  }
.Ltmp69:
0x5e2: {  	[tilespmem:s25+$0x10] =	vst.add.f32.msk $0xffff, v3;
	(pc) =	sbr.rel @p0 .LBB2_142-.Ltmp69, $4  }
0x5e3: {  	[tilespmem:s25+$0x20] =	vst.add.f32.msk $0xffff, v4  }
0x5e4: {  	[tilespmem:s25+$0x30] =	vst.add.f32.msk $0xffff, v5  }
0x5e5: {  	[tilespmem:s25+$0x40] =	vst.add.f32.msk $0xffff, v6  }
0x5e6: {  	s28 =	sadd.s32 $0x1000, s28;
	[tilespmem:s25+$0x50] =	vst.add.f32.msk $0xffff, v7  }
0x5e7: {  	s24 =	sadd.s32 $0x1, s24  }
0x5e8: {  	p0 =	sne.s32 s24, $0x8  }
.Ltmp70:
0x5e9: {  	_ = 	snop;
	(pc) =	sbr.rel @p0 .LBB2_141-.Ltmp70, $2  }
0x5ea: {  	_ =	sdelay $0x2  }
0x5eb: {  	[tilespmem:s25+$0x60] =	vst.add.f32.msk $0xffff, v1;
	s23 =	sadd.s32 $0x80, s23;
	s22 =	sadd.s32 $0x80, s22  }
0x5ec: {  	s20 =	sadd.s32 $0x1, s20  }
0x5ed: {  	p0 =	sne.s32 s20, $0x4  }
.Ltmp71:
0x5ee: {  	_ = 	snop;
	(pc) =	sbr.rel @p0 .LBB2_140-.Ltmp71, $2  }
0x5ef: {  	_ =	sdelay $0x2  }
0x5f0: {  	s21 =	sadd.s32 $0x2000, s21  }
0x5f1: {  	s20 =	sld [smem:$0x7E9];
	_ =	sdelay $0x1  }
0x5f2: {  	s21 =	sld [smem:$0x7EE]  }
0x5f3: {  	[hbm4b:s20+s6] =	stream.strided.scatter [tilespmem:s11], [sflag:$0x8], $0x8000, s7, s6, $0x38;
	[tilespmem:$0x1C000] =	vst v63  }
0x5f4: {  	s20 =	simm.s32 $0x0  }
0x5f5: {  	[tilespmem:s6], [sflag:$0x2] =	stream.linear.gather [hbm4b:s21+s20], $0x2000, $0x38;
	[tilespmem:$0x1C000] =	vst v63  }
0x5f6: {  	_ =	swait.ge [sflag:s9], $0x2000  }
0x5f7: {  	[sflag:s9] =	ssyncset.done $0x0  }
0x5f8: {  	[sflag:s9] =	ssyncadd.s32 $0xFFFFE000  }
0x5f9: {  	_ =	swait.ge [sflag:s10], $0x8000  }
0x5fa: {  	[sflag:s10] =	ssyncset.done $0x0  }
0x5fb: {  	[sflag:s10] =	ssyncadd.s32 $0xFFFF8000  }
0x5fc: {  	_ =	swait.ge [sflag:s18], $0x8000  }
0x5fd: {  	s29 =	sld [smem:$0x7F0]  }
0x5fe: {  	[sflag:s18] =	ssyncset.done $0x0  }
0x5ff: {  	s21 =	simm.s32 $0x4000;
	[sflag:s18] =	ssyncadd.s32 $0xFFFF8000  }
0x600: {  	[tilespmem:s11], [sflag:$0x5] =	stream.strided.gather [hbm4b:s29+s6], $0x8000, s7, s6, $0x38;
	[tilespmem:$0x1C000] =	vst v63  }
.LBB2_146:
0x601: {  	s22 =	simm.s32 $0x40;
	s23 =	smov.u32 s21;
	s24 =	simm.s32 $0x0  }
.LBB2_147:
0x602: {  	v0 =	vmov s22;
	_ =	sdelay $0x3  }
0x603: {  	s26 =	simm.s32 $0x0  }
0x604: {  	v1 =	vld.idx.msk [tilespmem:v0+s26+$0x30 ss:$0x1], $0xffff  }
0x605: {  	v2 =	vld.idx.msk [tilespmem:v0+s26+$0xFFFFFFC0 ss:$0x1], $0xffff  }
0x606: {  	v3 =	vld.idx.msk [tilespmem:v0+s26+$0xFFFFFFD0 ss:$0x1], $0xffff  }
0x607: {  	v4 =	vld.idx.msk [tilespmem:v0+s26+$0xFFFFFFE0 ss:$0x1], $0xffff  }
0x608: {  	v5 =	vld.idx.msk [tilespmem:v0+s26+$0xFFFFFFF0 ss:$0x1], $0xffff  }
0x609: {  	v6 =	vld.idx.msk [tilespmem:v0+s26+$0x0 ss:$0x1], $0xffff  }
0x60a: {  	s25 =	sadd.s32 $0x0, s23;
	v7 =	vld.idx.msk [tilespmem:v0+s26+$0x10 ss:$0x1], $0xffff  }
0x60b: {  	[tilespmem:s25+$0x70] =	vst.add.f32.msk $0xffff, v1  }
0x60c: {  	v1 =	vld.idx.msk [tilespmem:v0+s26+$0x20 ss:$0x1], $0xffff  }
0x60d: {  	[tilespmem:s25+$0x0] =	vst.add.f32.msk $0xffff, v2  }
0x60e: {  	[tilespmem:s25+$0x10] =	vst.add.f32.msk $0xffff, v3  }
0x60f: {  	[tilespmem:s25+$0x20] =	vst.add.f32.msk $0xffff, v4  }
0x610: {  	[tilespmem:s25+$0x30] =	vst.add.f32.msk $0xffff, v5  }
0x611: {  	[tilespmem:s25+$0x40] =	vst.add.f32.msk $0xffff, v6  }
0x612: {  	s28 =	simm.s32 $0x1000;
	s26 =	simm.s32 $0x0;
	[tilespmem:s25+$0x50] =	vst.add.f32.msk $0xffff, v7  }
.LBB2_148:
0x613: {  	s29 =	sshra.s32 s28, $0x2;
	s26 =	sadd.s32 $0x80, s26;
	[tilespmem:s25+$0x60] =	vst.add.f32.msk $0xffff, v1  }
0x614: {  	v1 =	vld.idx.msk [tilespmem:v0+s29+$0x30 ss:$0x1], $0xffff;
	p0 =	slt.u32 s26, $0x380  }
0x615: {  	v2 =	vld.idx.msk [tilespmem:v0+s29+$0xFFFFFFC0 ss:$0x1], $0xffff  }
0x616: {  	v3 =	vld.idx.msk [tilespmem:v0+s29+$0xFFFFFFD0 ss:$0x1], $0xffff  }
0x617: {  	v4 =	vld.idx.msk [tilespmem:v0+s29+$0xFFFFFFE0 ss:$0x1], $0xffff  }
0x618: {  	v5 =	vld.idx.msk [tilespmem:v0+s29+$0xFFFFFFF0 ss:$0x1], $0xffff  }
0x619: {  	s25 =	sadd.s32 s29, s23;
	v6 =	vld.idx.msk [tilespmem:v0+s29+$0x0 ss:$0x1], $0xffff  }
0x61a: {  	[tilespmem:s25+$0x70] =	vst.add.f32.msk $0xffff, v1  }
0x61b: {  	v7 =	vld.idx.msk [tilespmem:v0+s29+$0x10 ss:$0x1], $0xffff  }
0x61c: {  	v1 =	vld.idx.msk [tilespmem:v0+s29+$0x20 ss:$0x1], $0xffff  }
0x61d: {  	[tilespmem:s25+$0x0] =	vst.add.f32.msk $0xffff, v2  }
.Ltmp72:
0x61e: {  	[tilespmem:s25+$0x10] =	vst.add.f32.msk $0xffff, v3;
	(pc) =	sbr.rel @p0 .LBB2_148-.Ltmp72, $4  }
0x61f: {  	[tilespmem:s25+$0x20] =	vst.add.f32.msk $0xffff, v4  }
0x620: {  	[tilespmem:s25+$0x30] =	vst.add.f32.msk $0xffff, v5  }
0x621: {  	[tilespmem:s25+$0x40] =	vst.add.f32.msk $0xffff, v6  }
0x622: {  	s28 =	sadd.s32 $0x1000, s28;
	[tilespmem:s25+$0x50] =	vst.add.f32.msk $0xffff, v7  }
0x623: {  	s24 =	sadd.s32 $0x1, s24  }
0x624: {  	p0 =	sne.s32 s24, $0x8  }
.Ltmp73:
0x625: {  	_ = 	snop;
	(pc) =	sbr.rel @p0 .LBB2_147-.Ltmp73, $2  }
0x626: {  	_ =	sdelay $0x2  }
0x627: {  	[tilespmem:s25+$0x60] =	vst.add.f32.msk $0xffff, v1;
	s23 =	sadd.s32 $0x80, s23;
	s22 =	sadd.s32 $0x80, s22  }
0x628: {  	s20 =	sadd.s32 $0x1, s20  }
0x629: {  	p0 =	sne.s32 s20, $0x4  }
.Ltmp74:
0x62a: {  	_ = 	snop;
	(pc) =	sbr.rel @p0 .LBB2_146-.Ltmp74, $2  }
0x62b: {  	_ =	sdelay $0x2  }
0x62c: {  	s21 =	sadd.s32 $0x2000, s21  }
0x62d: {  	s20 =	sld [smem:$0x7EC];
	_ =	sdelay $0x1  }
0x62e: {  	s21 =	sld [smem:$0x7F1]  }
0x62f: {  	[hbm4b:s20+s6] =	stream.strided.scatter [tilespmem:s12], [sflag:$0x6], $0x8000, s7, s6, $0x38;
	[tilespmem:$0x1C000] =	vst v63  }
0x630: {  	s20 =	simm.s32 $0x0  }
0x631: {  	[tilespmem:s20], [sflag:$0x1] =	stream.linear.gather [hbm4b:s21+s20], $0x2000, $0x38;
	[tilespmem:$0x1C000] =	vst v63  }
0x632: {  	_ =	swait.ge [sflag:s13], $0x2000  }
0x633: {  	[sflag:s13] =	ssyncset.done $0x0  }
0x634: {  	[sflag:s13] =	ssyncadd.s32 $0xFFFFE000  }
0x635: {  	_ =	swait.ge [sflag:s14], $0x8000  }
0x636: {  	[sflag:s14] =	ssyncset.done $0x0  }
0x637: {  	[sflag:s14] =	ssyncadd.s32 $0xFFFF8000  }
0x638: {  	_ =	swait.ge [sflag:s15], $0x8000  }
0x639: {  	s29 =	sld [smem:$0x7F3]  }
0x63a: {  	[sflag:s15] =	ssyncset.done $0x0  }
0x63b: {  	s21 =	simm.s32 $0xC000;
	[sflag:s15] =	ssyncadd.s32 $0xFFFF8000  }
0x63c: {  	[tilespmem:s12], [sflag:$0x3] =	stream.strided.gather [hbm4b:s29+s6], $0x8000, s7, s6, $0x38;
	[tilespmem:$0x1C000] =	vst v63  }
.LBB2_152:
0x63d: {  	s22 =	simm.s32 $0x2040;
	s23 =	smov.u32 s21;
	s24 =	simm.s32 $0x0  }
.LBB2_153:
0x63e: {  	v0 =	vmov s22;
	_ =	sdelay $0x3  }
0x63f: {  	s26 =	simm.s32 $0x0  }
0x640: {  	v1 =	vld.idx.msk [tilespmem:v0+s26+$0x30 ss:$0x1], $0xffff  }
0x641: {  	v2 =	vld.idx.msk [tilespmem:v0+s26+$0xFFFFFFC0 ss:$0x1], $0xffff  }
0x642: {  	v3 =	vld.idx.msk [tilespmem:v0+s26+$0xFFFFFFD0 ss:$0x1], $0xffff  }
0x643: {  	v4 =	vld.idx.msk [tilespmem:v0+s26+$0xFFFFFFE0 ss:$0x1], $0xffff  }
0x644: {  	v5 =	vld.idx.msk [tilespmem:v0+s26+$0xFFFFFFF0 ss:$0x1], $0xffff  }
0x645: {  	v6 =	vld.idx.msk [tilespmem:v0+s26+$0x0 ss:$0x1], $0xffff  }
0x646: {  	s25 =	sadd.s32 $0x0, s23;
	v7 =	vld.idx.msk [tilespmem:v0+s26+$0x10 ss:$0x1], $0xffff  }
0x647: {  	[tilespmem:s25+$0x70] =	vst.add.f32.msk $0xffff, v1  }
0x648: {  	v1 =	vld.idx.msk [tilespmem:v0+s26+$0x20 ss:$0x1], $0xffff  }
0x649: {  	[tilespmem:s25+$0x0] =	vst.add.f32.msk $0xffff, v2  }
0x64a: {  	[tilespmem:s25+$0x10] =	vst.add.f32.msk $0xffff, v3  }
0x64b: {  	[tilespmem:s25+$0x20] =	vst.add.f32.msk $0xffff, v4  }
0x64c: {  	[tilespmem:s25+$0x30] =	vst.add.f32.msk $0xffff, v5  }
0x64d: {  	[tilespmem:s25+$0x40] =	vst.add.f32.msk $0xffff, v6  }
0x64e: {  	s28 =	simm.s32 $0x1000;
	s26 =	simm.s32 $0x0;
	[tilespmem:s25+$0x50] =	vst.add.f32.msk $0xffff, v7  }
.LBB2_154:
0x64f: {  	s29 =	sshra.s32 s28, $0x2;
	s26 =	sadd.s32 $0x80, s26;
	[tilespmem:s25+$0x60] =	vst.add.f32.msk $0xffff, v1  }
0x650: {  	v1 =	vld.idx.msk [tilespmem:v0+s29+$0x30 ss:$0x1], $0xffff;
	p0 =	slt.u32 s26, $0x380  }
0x651: {  	v2 =	vld.idx.msk [tilespmem:v0+s29+$0xFFFFFFC0 ss:$0x1], $0xffff  }
0x652: {  	v3 =	vld.idx.msk [tilespmem:v0+s29+$0xFFFFFFD0 ss:$0x1], $0xffff  }
0x653: {  	v4 =	vld.idx.msk [tilespmem:v0+s29+$0xFFFFFFE0 ss:$0x1], $0xffff  }
0x654: {  	v5 =	vld.idx.msk [tilespmem:v0+s29+$0xFFFFFFF0 ss:$0x1], $0xffff  }
0x655: {  	s25 =	sadd.s32 s29, s23;
	v6 =	vld.idx.msk [tilespmem:v0+s29+$0x0 ss:$0x1], $0xffff  }
0x656: {  	[tilespmem:s25+$0x70] =	vst.add.f32.msk $0xffff, v1  }
0x657: {  	v7 =	vld.idx.msk [tilespmem:v0+s29+$0x10 ss:$0x1], $0xffff  }
0x658: {  	v1 =	vld.idx.msk [tilespmem:v0+s29+$0x20 ss:$0x1], $0xffff  }
0x659: {  	[tilespmem:s25+$0x0] =	vst.add.f32.msk $0xffff, v2  }
.Ltmp75:
0x65a: {  	[tilespmem:s25+$0x10] =	vst.add.f32.msk $0xffff, v3;
	(pc) =	sbr.rel @p0 .LBB2_154-.Ltmp75, $4  }
0x65b: {  	[tilespmem:s25+$0x20] =	vst.add.f32.msk $0xffff, v4  }
0x65c: {  	[tilespmem:s25+$0x30] =	vst.add.f32.msk $0xffff, v5  }
0x65d: {  	[tilespmem:s25+$0x40] =	vst.add.f32.msk $0xffff, v6  }
0x65e: {  	s28 =	sadd.s32 $0x1000, s28;
	[tilespmem:s25+$0x50] =	vst.add.f32.msk $0xffff, v7  }
0x65f: {  	s24 =	sadd.s32 $0x1, s24  }
0x660: {  	p0 =	sne.s32 s24, $0x8  }
.Ltmp76:
0x661: {  	_ = 	snop;
	(pc) =	sbr.rel @p0 .LBB2_153-.Ltmp76, $2  }
0x662: {  	_ =	sdelay $0x2  }
0x663: {  	[tilespmem:s25+$0x60] =	vst.add.f32.msk $0xffff, v1;
	s23 =	sadd.s32 $0x80, s23;
	s22 =	sadd.s32 $0x80, s22  }
0x664: {  	s20 =	sadd.s32 $0x1, s20  }
0x665: {  	p0 =	sne.s32 s20, $0x4  }
.Ltmp77:
0x666: {  	_ = 	snop;
	(pc) =	sbr.rel @p0 .LBB2_152-.Ltmp77, $2  }
0x667: {  	_ =	sdelay $0x2  }
0x668: {  	s21 =	sadd.s32 $0x2000, s21  }
0x669: {  	s20 =	sld [smem:$0x7EF];
	_ =	sdelay $0x1  }
0x66a: {  	s21 =	sld [smem:$0x7F4]  }
0x66b: {  	[hbm4b:s20+s6] =	stream.strided.scatter [tilespmem:s8], [sflag:$0x7], $0x8000, s7, s6, $0x38;
	[tilespmem:$0x1C000] =	vst v63  }
0x66c: {  	s20 =	simm.s32 $0x0  }
0x66d: {  	[tilespmem:s6], [sflag:$0x2] =	stream.linear.gather [hbm4b:s21+s20], $0x2000, $0x38;
	[tilespmem:$0x1C000] =	vst v63  }
0x66e: {  	_ =	swait.ge [sflag:s9], $0x2000  }
0x66f: {  	[sflag:s9] =	ssyncset.done $0x0  }
0x670: {  	[sflag:s9] =	ssyncadd.s32 $0xFFFFE000  }
0x671: {  	_ =	swait.ge [sflag:s16], $0x8000  }
0x672: {  	[sflag:s16] =	ssyncset.done $0x0  }
0x673: {  	[sflag:s16] =	ssyncadd.s32 $0xFFFF8000  }
0x674: {  	_ =	swait.ge [sflag:s17], $0x8000  }
0x675: {  	s29 =	sld [smem:$0x7F6]  }
0x676: {  	[sflag:s17] =	ssyncset.done $0x0  }
0x677: {  	s21 =	simm.s32 $0x14000;
	[sflag:s17] =	ssyncadd.s32 $0xFFFF8000  }
0x678: {  	[tilespmem:s8], [sflag:$0x4] =	stream.strided.gather [hbm4b:s29+s6], $0x8000, s7, s6, $0x38;
	[tilespmem:$0x1C000] =	vst v63  }
.LBB2_158:
0x679: {  	s22 =	simm.s32 $0x40;
	s23 =	smov.u32 s21;
	s24 =	simm.s32 $0x0  }
.LBB2_159:
0x67a: {  	v0 =	vmov s22;
	_ =	sdelay $0x3  }
0x67b: {  	s26 =	simm.s32 $0x0  }
0x67c: {  	v1 =	vld.idx.msk [tilespmem:v0+s26+$0x30 ss:$0x1], $0xffff  }
0x67d: {  	v2 =	vld.idx.msk [tilespmem:v0+s26+$0xFFFFFFC0 ss:$0x1], $0xffff  }
0x67e: {  	v3 =	vld.idx.msk [tilespmem:v0+s26+$0xFFFFFFD0 ss:$0x1], $0xffff  }
0x67f: {  	v4 =	vld.idx.msk [tilespmem:v0+s26+$0xFFFFFFE0 ss:$0x1], $0xffff  }
0x680: {  	v5 =	vld.idx.msk [tilespmem:v0+s26+$0xFFFFFFF0 ss:$0x1], $0xffff  }
0x681: {  	v6 =	vld.idx.msk [tilespmem:v0+s26+$0x0 ss:$0x1], $0xffff  }
0x682: {  	s25 =	sadd.s32 $0x0, s23;
	v7 =	vld.idx.msk [tilespmem:v0+s26+$0x10 ss:$0x1], $0xffff  }
0x683: {  	[tilespmem:s25+$0x70] =	vst.add.f32.msk $0xffff, v1  }
0x684: {  	v1 =	vld.idx.msk [tilespmem:v0+s26+$0x20 ss:$0x1], $0xffff  }
0x685: {  	[tilespmem:s25+$0x0] =	vst.add.f32.msk $0xffff, v2  }
0x686: {  	[tilespmem:s25+$0x10] =	vst.add.f32.msk $0xffff, v3  }
0x687: {  	[tilespmem:s25+$0x20] =	vst.add.f32.msk $0xffff, v4  }
0x688: {  	[tilespmem:s25+$0x30] =	vst.add.f32.msk $0xffff, v5  }
0x689: {  	[tilespmem:s25+$0x40] =	vst.add.f32.msk $0xffff, v6  }
0x68a: {  	s28 =	simm.s32 $0x1000;
	s26 =	simm.s32 $0x0;
	[tilespmem:s25+$0x50] =	vst.add.f32.msk $0xffff, v7  }
.LBB2_160:
0x68b: {  	s29 =	sshra.s32 s28, $0x2;
	s26 =	sadd.s32 $0x80, s26;
	[tilespmem:s25+$0x60] =	vst.add.f32.msk $0xffff, v1  }
0x68c: {  	v1 =	vld.idx.msk [tilespmem:v0+s29+$0x30 ss:$0x1], $0xffff;
	p0 =	slt.u32 s26, $0x380  }
0x68d: {  	v2 =	vld.idx.msk [tilespmem:v0+s29+$0xFFFFFFC0 ss:$0x1], $0xffff  }
0x68e: {  	v3 =	vld.idx.msk [tilespmem:v0+s29+$0xFFFFFFD0 ss:$0x1], $0xffff  }
0x68f: {  	v4 =	vld.idx.msk [tilespmem:v0+s29+$0xFFFFFFE0 ss:$0x1], $0xffff  }
0x690: {  	v5 =	vld.idx.msk [tilespmem:v0+s29+$0xFFFFFFF0 ss:$0x1], $0xffff  }
0x691: {  	s25 =	sadd.s32 s29, s23;
	v6 =	vld.idx.msk [tilespmem:v0+s29+$0x0 ss:$0x1], $0xffff  }
0x692: {  	[tilespmem:s25+$0x70] =	vst.add.f32.msk $0xffff, v1  }
0x693: {  	v7 =	vld.idx.msk [tilespmem:v0+s29+$0x10 ss:$0x1], $0xffff  }
0x694: {  	v1 =	vld.idx.msk [tilespmem:v0+s29+$0x20 ss:$0x1], $0xffff  }
0x695: {  	[tilespmem:s25+$0x0] =	vst.add.f32.msk $0xffff, v2  }
.Ltmp78:
0x696: {  	[tilespmem:s25+$0x10] =	vst.add.f32.msk $0xffff, v3;
	(pc) =	sbr.rel @p0 .LBB2_160-.Ltmp78, $4  }
0x697: {  	[tilespmem:s25+$0x20] =	vst.add.f32.msk $0xffff, v4  }
0x698: {  	[tilespmem:s25+$0x30] =	vst.add.f32.msk $0xffff, v5  }
0x699: {  	[tilespmem:s25+$0x40] =	vst.add.f32.msk $0xffff, v6  }
0x69a: {  	s28 =	sadd.s32 $0x1000, s28;
	[tilespmem:s25+$0x50] =	vst.add.f32.msk $0xffff, v7  }
0x69b: {  	s24 =	sadd.s32 $0x1, s24  }
0x69c: {  	p0 =	sne.s32 s24, $0x8  }
.Ltmp79:
0x69d: {  	_ = 	snop;
	(pc) =	sbr.rel @p0 .LBB2_159-.Ltmp79, $2  }
0x69e: {  	_ =	sdelay $0x2  }
0x69f: {  	[tilespmem:s25+$0x60] =	vst.add.f32.msk $0xffff, v1;
	s23 =	sadd.s32 $0x80, s23;
	s22 =	sadd.s32 $0x80, s22  }
0x6a0: {  	s20 =	sadd.s32 $0x1, s20  }
0x6a1: {  	p0 =	sne.s32 s20, $0x4  }
.Ltmp80:
0x6a2: {  	_ = 	snop;
	(pc) =	sbr.rel @p0 .LBB2_158-.Ltmp80, $2  }
0x6a3: {  	_ =	sdelay $0x2  }
0x6a4: {  	s21 =	sadd.s32 $0x2000, s21  }
0x6a5: {  	s20 =	sld [smem:$0x7F2];
	_ =	sdelay $0x1  }
0x6a6: {  	s21 =	sld [smem:$0x7F7]  }
0x6a7: {  	[hbm4b:s20+s6] =	stream.strided.scatter [tilespmem:s11], [sflag:$0x8], $0x8000, s7, s6, $0x38;
	[tilespmem:$0x1C000] =	vst v63  }
0x6a8: {  	s20 =	simm.s32 $0x0  }
0x6a9: {  	[tilespmem:s20], [sflag:$0x1] =	stream.linear.gather [hbm4b:s21+s20], $0x2000, $0x38;
	[tilespmem:$0x1C000] =	vst v63  }
0x6aa: {  	_ =	swait.ge [sflag:s13], $0x2000  }
0x6ab: {  	[sflag:s13] =	ssyncset.done $0x0  }
0x6ac: {  	[sflag:s13] =	ssyncadd.s32 $0xFFFFE000  }
0x6ad: {  	_ =	swait.ge [sflag:s10], $0x8000  }
0x6ae: {  	[sflag:s10] =	ssyncset.done $0x0  }
0x6af: {  	[sflag:s10] =	ssyncadd.s32 $0xFFFF8000  }
0x6b0: {  	_ =	swait.ge [sflag:s18], $0x8000  }
0x6b1: {  	s29 =	sld [smem:$0x7FC]  }
0x6b2: {  	[sflag:s18] =	ssyncset.done $0x0  }
0x6b3: {  	s21 =	simm.s32 $0x4000;
	[sflag:s18] =	ssyncadd.s32 $0xFFFF8000  }
0x6b4: {  	[tilespmem:s11], [sflag:$0x5] =	stream.strided.gather [hbm4b:s29+s6], $0x8000, s7, s6, $0x38;
	[tilespmem:$0x1C000] =	vst v63  }
.LBB2_164:
0x6b5: {  	s22 =	simm.s32 $0x2040;
	s23 =	smov.u32 s21;
	s24 =	simm.s32 $0x0  }
.LBB2_165:
0x6b6: {  	v0 =	vmov s22;
	_ =	sdelay $0x3  }
0x6b7: {  	s26 =	simm.s32 $0x0  }
0x6b8: {  	v1 =	vld.idx.msk [tilespmem:v0+s26+$0x30 ss:$0x1], $0xffff  }
0x6b9: {  	v2 =	vld.idx.msk [tilespmem:v0+s26+$0xFFFFFFC0 ss:$0x1], $0xffff  }
0x6ba: {  	v3 =	vld.idx.msk [tilespmem:v0+s26+$0xFFFFFFD0 ss:$0x1], $0xffff  }
0x6bb: {  	v4 =	vld.idx.msk [tilespmem:v0+s26+$0xFFFFFFE0 ss:$0x1], $0xffff  }
0x6bc: {  	v5 =	vld.idx.msk [tilespmem:v0+s26+$0xFFFFFFF0 ss:$0x1], $0xffff  }
0x6bd: {  	v6 =	vld.idx.msk [tilespmem:v0+s26+$0x0 ss:$0x1], $0xffff  }
0x6be: {  	s25 =	sadd.s32 $0x0, s23;
	v7 =	vld.idx.msk [tilespmem:v0+s26+$0x10 ss:$0x1], $0xffff  }
0x6bf: {  	[tilespmem:s25+$0x70] =	vst.add.f32.msk $0xffff, v1  }
0x6c0: {  	v1 =	vld.idx.msk [tilespmem:v0+s26+$0x20 ss:$0x1], $0xffff  }
0x6c1: {  	[tilespmem:s25+$0x0] =	vst.add.f32.msk $0xffff, v2  }
0x6c2: {  	[tilespmem:s25+$0x10] =	vst.add.f32.msk $0xffff, v3  }
0x6c3: {  	[tilespmem:s25+$0x20] =	vst.add.f32.msk $0xffff, v4  }
0x6c4: {  	[tilespmem:s25+$0x30] =	vst.add.f32.msk $0xffff, v5  }
0x6c5: {  	[tilespmem:s25+$0x40] =	vst.add.f32.msk $0xffff, v6  }
0x6c6: {  	s28 =	simm.s32 $0x1000;
	s26 =	simm.s32 $0x0;
	[tilespmem:s25+$0x50] =	vst.add.f32.msk $0xffff, v7  }
.LBB2_166:
0x6c7: {  	s29 =	sshra.s32 s28, $0x2;
	s26 =	sadd.s32 $0x80, s26;
	[tilespmem:s25+$0x60] =	vst.add.f32.msk $0xffff, v1  }
0x6c8: {  	v1 =	vld.idx.msk [tilespmem:v0+s29+$0x30 ss:$0x1], $0xffff;
	p0 =	slt.u32 s26, $0x380  }
0x6c9: {  	v2 =	vld.idx.msk [tilespmem:v0+s29+$0xFFFFFFC0 ss:$0x1], $0xffff  }
0x6ca: {  	v3 =	vld.idx.msk [tilespmem:v0+s29+$0xFFFFFFD0 ss:$0x1], $0xffff  }
0x6cb: {  	v4 =	vld.idx.msk [tilespmem:v0+s29+$0xFFFFFFE0 ss:$0x1], $0xffff  }
0x6cc: {  	v5 =	vld.idx.msk [tilespmem:v0+s29+$0xFFFFFFF0 ss:$0x1], $0xffff  }
0x6cd: {  	s25 =	sadd.s32 s29, s23;
	v6 =	vld.idx.msk [tilespmem:v0+s29+$0x0 ss:$0x1], $0xffff  }
0x6ce: {  	[tilespmem:s25+$0x70] =	vst.add.f32.msk $0xffff, v1  }
0x6cf: {  	v7 =	vld.idx.msk [tilespmem:v0+s29+$0x10 ss:$0x1], $0xffff  }
0x6d0: {  	v1 =	vld.idx.msk [tilespmem:v0+s29+$0x20 ss:$0x1], $0xffff  }
0x6d1: {  	[tilespmem:s25+$0x0] =	vst.add.f32.msk $0xffff, v2  }
.Ltmp81:
0x6d2: {  	[tilespmem:s25+$0x10] =	vst.add.f32.msk $0xffff, v3;
	(pc) =	sbr.rel @p0 .LBB2_166-.Ltmp81, $4  }
0x6d3: {  	[tilespmem:s25+$0x20] =	vst.add.f32.msk $0xffff, v4  }
0x6d4: {  	[tilespmem:s25+$0x30] =	vst.add.f32.msk $0xffff, v5  }
0x6d5: {  	[tilespmem:s25+$0x40] =	vst.add.f32.msk $0xffff, v6  }
0x6d6: {  	s28 =	sadd.s32 $0x1000, s28;
	[tilespmem:s25+$0x50] =	vst.add.f32.msk $0xffff, v7  }
0x6d7: {  	s24 =	sadd.s32 $0x1, s24  }
0x6d8: {  	p0 =	sne.s32 s24, $0x8  }
.Ltmp82:
0x6d9: {  	_ = 	snop;
	(pc) =	sbr.rel @p0 .LBB2_165-.Ltmp82, $2  }
0x6da: {  	_ =	sdelay $0x2  }
0x6db: {  	[tilespmem:s25+$0x60] =	vst.add.f32.msk $0xffff, v1;
	s23 =	sadd.s32 $0x80, s23;
	s22 =	sadd.s32 $0x80, s22  }
0x6dc: {  	s20 =	sadd.s32 $0x1, s20  }
0x6dd: {  	p0 =	sne.s32 s20, $0x4  }
.Ltmp83:
0x6de: {  	_ = 	snop;
	(pc) =	sbr.rel @p0 .LBB2_164-.Ltmp83, $2  }
0x6df: {  	_ =	sdelay $0x2  }
0x6e0: {  	s21 =	sadd.s32 $0x2000, s21  }
0x6e1: {  	s20 =	sld [smem:$0x7F5];
	_ =	sdelay $0x2  }
0x6e2: {  	[hbm4b:s20+s6] =	stream.strided.scatter [tilespmem:s12], [sflag:$0x6], $0x8000, s7, s6, $0x38;
	[tilespmem:$0x1C000] =	vst v63  }
0x6e3: {  	s20 =	simm.s32 $0x0  }
0x6e4: {  	[tilespmem:s6], [sflag:$0x2] =	stream.linear.gather [hbm4b:s31+s20], $0x2000, $0x38;
	[tilespmem:$0x1C000] =	vst v63  }
0x6e5: {  	_ =	swait.ge [sflag:s9], $0x2000  }
0x6e6: {  	[sflag:s9] =	ssyncset.done $0x0  }
0x6e7: {  	[sflag:s9] =	ssyncadd.s32 $0xFFFFE000  }
0x6e8: {  	_ =	swait.ge [sflag:s14], $0x8000  }
0x6e9: {  	[sflag:s14] =	ssyncset.done $0x0  }
0x6ea: {  	[sflag:s14] =	ssyncadd.s32 $0xFFFF8000  }
0x6eb: {  	_ =	swait.ge [sflag:s15], $0x8000  }
0x6ec: {  	s21 =	sld [smem:$0x7FD]  }
0x6ed: {  	[sflag:s15] =	ssyncset.done $0x0  }
0x6ee: {  	[sflag:s15] =	ssyncadd.s32 $0xFFFF8000  }
0x6ef: {  	[tilespmem:s12], [sflag:$0x3] =	stream.strided.gather [hbm4b:s21+s6], $0x8000, s7, s6, $0x38;
	[tilespmem:$0x1C000] =	vst v63  }
0x6f0: {  	s21 =	simm.s32 $0xC000  }
.LBB2_170:
0x6f1: {  	s22 =	simm.s32 $0x40;
	s23 =	smov.u32 s21;
	s24 =	simm.s32 $0x0  }
.LBB2_171:
0x6f2: {  	v0 =	vmov s22;
	_ =	sdelay $0x3  }
0x6f3: {  	s26 =	simm.s32 $0x0  }
0x6f4: {  	v1 =	vld.idx.msk [tilespmem:v0+s26+$0x30 ss:$0x1], $0xffff  }
0x6f5: {  	v2 =	vld.idx.msk [tilespmem:v0+s26+$0xFFFFFFC0 ss:$0x1], $0xffff  }
0x6f6: {  	v3 =	vld.idx.msk [tilespmem:v0+s26+$0xFFFFFFD0 ss:$0x1], $0xffff  }
0x6f7: {  	v4 =	vld.idx.msk [tilespmem:v0+s26+$0xFFFFFFE0 ss:$0x1], $0xffff  }
0x6f8: {  	v5 =	vld.idx.msk [tilespmem:v0+s26+$0xFFFFFFF0 ss:$0x1], $0xffff  }
0x6f9: {  	v6 =	vld.idx.msk [tilespmem:v0+s26+$0x0 ss:$0x1], $0xffff  }
0x6fa: {  	s25 =	sadd.s32 $0x0, s23;
	v7 =	vld.idx.msk [tilespmem:v0+s26+$0x10 ss:$0x1], $0xffff  }
0x6fb: {  	[tilespmem:s25+$0x70] =	vst.add.f32.msk $0xffff, v1  }
0x6fc: {  	v1 =	vld.idx.msk [tilespmem:v0+s26+$0x20 ss:$0x1], $0xffff  }
0x6fd: {  	[tilespmem:s25+$0x0] =	vst.add.f32.msk $0xffff, v2  }
0x6fe: {  	[tilespmem:s25+$0x10] =	vst.add.f32.msk $0xffff, v3  }
0x6ff: {  	[tilespmem:s25+$0x20] =	vst.add.f32.msk $0xffff, v4  }
0x700: {  	[tilespmem:s25+$0x30] =	vst.add.f32.msk $0xffff, v5  }
0x701: {  	[tilespmem:s25+$0x40] =	vst.add.f32.msk $0xffff, v6  }
0x702: {  	s28 =	simm.s32 $0x1000;
	s26 =	simm.s32 $0x0;
	[tilespmem:s25+$0x50] =	vst.add.f32.msk $0xffff, v7  }
.LBB2_172:
0x703: {  	s29 =	sshra.s32 s28, $0x2;
	s26 =	sadd.s32 $0x80, s26;
	[tilespmem:s25+$0x60] =	vst.add.f32.msk $0xffff, v1  }
0x704: {  	v1 =	vld.idx.msk [tilespmem:v0+s29+$0x30 ss:$0x1], $0xffff;
	p0 =	slt.u32 s26, $0x380  }
0x705: {  	v2 =	vld.idx.msk [tilespmem:v0+s29+$0xFFFFFFC0 ss:$0x1], $0xffff  }
0x706: {  	v3 =	vld.idx.msk [tilespmem:v0+s29+$0xFFFFFFD0 ss:$0x1], $0xffff  }
0x707: {  	v4 =	vld.idx.msk [tilespmem:v0+s29+$0xFFFFFFE0 ss:$0x1], $0xffff  }
0x708: {  	v5 =	vld.idx.msk [tilespmem:v0+s29+$0xFFFFFFF0 ss:$0x1], $0xffff  }
0x709: {  	s25 =	sadd.s32 s29, s23;
	v6 =	vld.idx.msk [tilespmem:v0+s29+$0x0 ss:$0x1], $0xffff  }
0x70a: {  	[tilespmem:s25+$0x70] =	vst.add.f32.msk $0xffff, v1  }
0x70b: {  	v7 =	vld.idx.msk [tilespmem:v0+s29+$0x10 ss:$0x1], $0xffff  }
0x70c: {  	v1 =	vld.idx.msk [tilespmem:v0+s29+$0x20 ss:$0x1], $0xffff  }
0x70d: {  	[tilespmem:s25+$0x0] =	vst.add.f32.msk $0xffff, v2  }
.Ltmp84:
0x70e: {  	[tilespmem:s25+$0x10] =	vst.add.f32.msk $0xffff, v3;
	(pc) =	sbr.rel @p0 .LBB2_172-.Ltmp84, $4  }
0x70f: {  	[tilespmem:s25+$0x20] =	vst.add.f32.msk $0xffff, v4  }
0x710: {  	[tilespmem:s25+$0x30] =	vst.add.f32.msk $0xffff, v5  }
0x711: {  	[tilespmem:s25+$0x40] =	vst.add.f32.msk $0xffff, v6  }
0x712: {  	s28 =	sadd.s32 $0x1000, s28;
	[tilespmem:s25+$0x50] =	vst.add.f32.msk $0xffff, v7  }
0x713: {  	s24 =	sadd.s32 $0x1, s24  }
0x714: {  	p0 =	sne.s32 s24, $0x8  }
.Ltmp85:
0x715: {  	_ = 	snop;
	(pc) =	sbr.rel @p0 .LBB2_171-.Ltmp85, $2  }
0x716: {  	_ =	sdelay $0x2  }
0x717: {  	[tilespmem:s25+$0x60] =	vst.add.f32.msk $0xffff, v1;
	s23 =	sadd.s32 $0x80, s23;
	s22 =	sadd.s32 $0x80, s22  }
0x718: {  	s20 =	sadd.s32 $0x1, s20  }
0x719: {  	p0 =	sne.s32 s20, $0x4  }
.Ltmp86:
0x71a: {  	_ = 	snop;
	(pc) =	sbr.rel @p0 .LBB2_170-.Ltmp86, $2  }
0x71b: {  	_ =	sdelay $0x2  }
0x71c: {  	s21 =	sadd.s32 $0x2000, s21  }
0x71d: {  	s20 =	sld [smem:$0x7F8];
	_ =	sdelay $0x2  }
0x71e: {  	[hbm4b:s20+s6] =	stream.strided.scatter [tilespmem:s8], [sflag:$0x7], $0x8000, s7, s6, $0x38;
	[tilespmem:$0x1C000] =	vst v63  }
0x71f: {  	s20 =	simm.s32 $0x0  }
0x720: {  	[tilespmem:s20], [sflag:$0x1] =	stream.linear.gather [hbm4b:s1+s20], $0x2000, $0x38;
	[tilespmem:$0x1C000] =	vst v63  }
0x721: {  	_ =	swait.ge [sflag:s13], $0x2000  }
0x722: {  	[sflag:s13] =	ssyncset.done $0x0  }
0x723: {  	[sflag:s13] =	ssyncadd.s32 $0xFFFFE000  }
0x724: {  	_ =	swait.ge [sflag:s16], $0x8000  }
0x725: {  	[sflag:s16] =	ssyncset.done $0x0  }
0x726: {  	[sflag:s16] =	ssyncadd.s32 $0xFFFF8000  }
0x727: {  	_ =	swait.ge [sflag:s17], $0x8000  }
0x728: {  	[sflag:s17] =	ssyncset.done $0x0  }
0x729: {  	s21 =	simm.s32 $0x14000;
	[sflag:s17] =	ssyncadd.s32 $0xFFFF8000  }
0x72a: {  	[tilespmem:s8], [sflag:$0x4] =	stream.strided.gather [hbm4b:s30+s6], $0x8000, s7, s6, $0x38;
	[tilespmem:$0x1C000] =	vst v63  }
.LBB2_176:
0x72b: {  	s22 =	simm.s32 $0x2040;
	s23 =	smov.u32 s21;
	s24 =	simm.s32 $0x0  }
.LBB2_177:
0x72c: {  	v0 =	vmov s22;
	_ =	sdelay $0x3  }
0x72d: {  	s26 =	simm.s32 $0x0  }
0x72e: {  	v1 =	vld.idx.msk [tilespmem:v0+s26+$0x30 ss:$0x1], $0xffff  }
0x72f: {  	v2 =	vld.idx.msk [tilespmem:v0+s26+$0xFFFFFFC0 ss:$0x1], $0xffff  }
0x730: {  	v3 =	vld.idx.msk [tilespmem:v0+s26+$0xFFFFFFD0 ss:$0x1], $0xffff  }
0x731: {  	v4 =	vld.idx.msk [tilespmem:v0+s26+$0xFFFFFFE0 ss:$0x1], $0xffff  }
0x732: {  	v5 =	vld.idx.msk [tilespmem:v0+s26+$0xFFFFFFF0 ss:$0x1], $0xffff  }
0x733: {  	v6 =	vld.idx.msk [tilespmem:v0+s26+$0x0 ss:$0x1], $0xffff  }
0x734: {  	s25 =	sadd.s32 $0x0, s23;
	v7 =	vld.idx.msk [tilespmem:v0+s26+$0x10 ss:$0x1], $0xffff  }
0x735: {  	[tilespmem:s25+$0x70] =	vst.add.f32.msk $0xffff, v1  }
0x736: {  	v1 =	vld.idx.msk [tilespmem:v0+s26+$0x20 ss:$0x1], $0xffff  }
0x737: {  	[tilespmem:s25+$0x0] =	vst.add.f32.msk $0xffff, v2  }
0x738: {  	[tilespmem:s25+$0x10] =	vst.add.f32.msk $0xffff, v3  }
0x739: {  	[tilespmem:s25+$0x20] =	vst.add.f32.msk $0xffff, v4  }
0x73a: {  	[tilespmem:s25+$0x30] =	vst.add.f32.msk $0xffff, v5  }
0x73b: {  	[tilespmem:s25+$0x40] =	vst.add.f32.msk $0xffff, v6  }
0x73c: {  	s28 =	simm.s32 $0x1000;
	s26 =	simm.s32 $0x0;
	[tilespmem:s25+$0x50] =	vst.add.f32.msk $0xffff, v7  }
.LBB2_178:
0x73d: {  	s29 =	sshra.s32 s28, $0x2;
	s26 =	sadd.s32 $0x80, s26;
	[tilespmem:s25+$0x60] =	vst.add.f32.msk $0xffff, v1  }
0x73e: {  	v1 =	vld.idx.msk [tilespmem:v0+s29+$0x30 ss:$0x1], $0xffff;
	p0 =	slt.u32 s26, $0x380  }
0x73f: {  	v2 =	vld.idx.msk [tilespmem:v0+s29+$0xFFFFFFC0 ss:$0x1], $0xffff  }
0x740: {  	v3 =	vld.idx.msk [tilespmem:v0+s29+$0xFFFFFFD0 ss:$0x1], $0xffff  }
0x741: {  	v4 =	vld.idx.msk [tilespmem:v0+s29+$0xFFFFFFE0 ss:$0x1], $0xffff  }
0x742: {  	v5 =	vld.idx.msk [tilespmem:v0+s29+$0xFFFFFFF0 ss:$0x1], $0xffff  }
0x743: {  	s25 =	sadd.s32 s29, s23;
	v6 =	vld.idx.msk [tilespmem:v0+s29+$0x0 ss:$0x1], $0xffff  }
0x744: {  	[tilespmem:s25+$0x70] =	vst.add.f32.msk $0xffff, v1  }
0x745: {  	v7 =	vld.idx.msk [tilespmem:v0+s29+$0x10 ss:$0x1], $0xffff  }
0x746: {  	v1 =	vld.idx.msk [tilespmem:v0+s29+$0x20 ss:$0x1], $0xffff  }
0x747: {  	[tilespmem:s25+$0x0] =	vst.add.f32.msk $0xffff, v2  }
.Ltmp87:
0x748: {  	[tilespmem:s25+$0x10] =	vst.add.f32.msk $0xffff, v3;
	(pc) =	sbr.rel @p0 .LBB2_178-.Ltmp87, $4  }
0x749: {  	[tilespmem:s25+$0x20] =	vst.add.f32.msk $0xffff, v4  }
0x74a: {  	[tilespmem:s25+$0x30] =	vst.add.f32.msk $0xffff, v5  }
0x74b: {  	[tilespmem:s25+$0x40] =	vst.add.f32.msk $0xffff, v6  }
0x74c: {  	s28 =	sadd.s32 $0x1000, s28;
	[tilespmem:s25+$0x50] =	vst.add.f32.msk $0xffff, v7  }
0x74d: {  	s24 =	sadd.s32 $0x1, s24  }
0x74e: {  	p0 =	sne.s32 s24, $0x8  }
.Ltmp88:
0x74f: {  	_ = 	snop;
	(pc) =	sbr.rel @p0 .LBB2_177-.Ltmp88, $2  }
0x750: {  	_ =	sdelay $0x2  }
0x751: {  	[tilespmem:s25+$0x60] =	vst.add.f32.msk $0xffff, v1;
	s23 =	sadd.s32 $0x80, s23;
	s22 =	sadd.s32 $0x80, s22  }
0x752: {  	s20 =	sadd.s32 $0x1, s20  }
0x753: {  	p0 =	sne.s32 s20, $0x4  }
.Ltmp89:
0x754: {  	_ = 	snop;
	(pc) =	sbr.rel @p0 .LBB2_176-.Ltmp89, $2  }
0x755: {  	_ =	sdelay $0x2  }
0x756: {  	s21 =	sadd.s32 $0x2000, s21  }
0x757: {  	[hbm4b:s0+s6] =	stream.strided.scatter [tilespmem:s11], [sflag:$0x8], $0x8000, s7, s6, $0x38;
	[tilespmem:$0x1C000] =	vst v63  }
0x758: {  	s20 =	simm.s32 $0x0  }
0x759: {  	[tilespmem:s6], [sflag:$0x2] =	stream.linear.gather [hbm4b:s2+s20], $0x2000, $0x38;
	[tilespmem:$0x1C000] =	vst v63  }
0x75a: {  	_ =	swait.ge [sflag:s9], $0x2000  }
0x75b: {  	[sflag:s9] =	ssyncset.done $0x0  }
0x75c: {  	[sflag:s9] =	ssyncadd.s32 $0xFFFFE000  }
0x75d: {  	_ =	swait.ge [sflag:s10], $0x8000  }
0x75e: {  	[sflag:s10] =	ssyncset.done $0x0  }
0x75f: {  	s21 =	simm.s32 $0x4000;
	[sflag:s10] =	ssyncadd.s32 $0xFFFF8000  }
.LBB2_182:
0x760: {  	s22 =	simm.s32 $0x40;
	s23 =	smov.u32 s21;
	s24 =	simm.s32 $0x0  }
.LBB2_183:
0x761: {  	v0 =	vmov s22;
	_ =	sdelay $0x3  }
0x762: {  	s26 =	simm.s32 $0x0  }
0x763: {  	v1 =	vld.idx.msk [tilespmem:v0+s26+$0x30 ss:$0x1], $0xffff  }
0x764: {  	v2 =	vld.idx.msk [tilespmem:v0+s26+$0xFFFFFFC0 ss:$0x1], $0xffff  }
0x765: {  	v3 =	vld.idx.msk [tilespmem:v0+s26+$0xFFFFFFD0 ss:$0x1], $0xffff  }
0x766: {  	v4 =	vld.idx.msk [tilespmem:v0+s26+$0xFFFFFFE0 ss:$0x1], $0xffff  }
0x767: {  	v5 =	vld.idx.msk [tilespmem:v0+s26+$0xFFFFFFF0 ss:$0x1], $0xffff  }
0x768: {  	v6 =	vld.idx.msk [tilespmem:v0+s26+$0x0 ss:$0x1], $0xffff  }
0x769: {  	s25 =	sadd.s32 $0x0, s23;
	v7 =	vld.idx.msk [tilespmem:v0+s26+$0x10 ss:$0x1], $0xffff  }
0x76a: {  	[tilespmem:s25+$0x70] =	vst.add.f32.msk $0xffff, v1  }
0x76b: {  	v1 =	vld.idx.msk [tilespmem:v0+s26+$0x20 ss:$0x1], $0xffff  }
0x76c: {  	[tilespmem:s25+$0x0] =	vst.add.f32.msk $0xffff, v2  }
0x76d: {  	[tilespmem:s25+$0x10] =	vst.add.f32.msk $0xffff, v3  }
0x76e: {  	[tilespmem:s25+$0x20] =	vst.add.f32.msk $0xffff, v4  }
0x76f: {  	[tilespmem:s25+$0x30] =	vst.add.f32.msk $0xffff, v5  }
0x770: {  	[tilespmem:s25+$0x40] =	vst.add.f32.msk $0xffff, v6  }
0x771: {  	s28 =	simm.s32 $0x1000;
	s26 =	simm.s32 $0x0;
	[tilespmem:s25+$0x50] =	vst.add.f32.msk $0xffff, v7  }
.LBB2_184:
0x772: {  	s29 =	sshra.s32 s28, $0x2;
	s26 =	sadd.s32 $0x80, s26;
	[tilespmem:s25+$0x60] =	vst.add.f32.msk $0xffff, v1  }
0x773: {  	v1 =	vld.idx.msk [tilespmem:v0+s29+$0x30 ss:$0x1], $0xffff;
	p0 =	slt.u32 s26, $0x380  }
0x774: {  	v2 =	vld.idx.msk [tilespmem:v0+s29+$0xFFFFFFC0 ss:$0x1], $0xffff  }
0x775: {  	v3 =	vld.idx.msk [tilespmem:v0+s29+$0xFFFFFFD0 ss:$0x1], $0xffff  }
0x776: {  	v4 =	vld.idx.msk [tilespmem:v0+s29+$0xFFFFFFE0 ss:$0x1], $0xffff  }
0x777: {  	v5 =	vld.idx.msk [tilespmem:v0+s29+$0xFFFFFFF0 ss:$0x1], $0xffff  }
0x778: {  	s25 =	sadd.s32 s29, s23;
	v6 =	vld.idx.msk [tilespmem:v0+s29+$0x0 ss:$0x1], $0xffff  }
0x779: {  	[tilespmem:s25+$0x70] =	vst.add.f32.msk $0xffff, v1  }
0x77a: {  	v7 =	vld.idx.msk [tilespmem:v0+s29+$0x10 ss:$0x1], $0xffff  }
0x77b: {  	v1 =	vld.idx.msk [tilespmem:v0+s29+$0x20 ss:$0x1], $0xffff  }
0x77c: {  	[tilespmem:s25+$0x0] =	vst.add.f32.msk $0xffff, v2  }
.Ltmp90:
0x77d: {  	[tilespmem:s25+$0x10] =	vst.add.f32.msk $0xffff, v3;
	(pc) =	sbr.rel @p0 .LBB2_184-.Ltmp90, $4  }
0x77e: {  	[tilespmem:s25+$0x20] =	vst.add.f32.msk $0xffff, v4  }
0x77f: {  	[tilespmem:s25+$0x30] =	vst.add.f32.msk $0xffff, v5  }
0x780: {  	[tilespmem:s25+$0x40] =	vst.add.f32.msk $0xffff, v6  }
0x781: {  	s28 =	sadd.s32 $0x1000, s28;
	[tilespmem:s25+$0x50] =	vst.add.f32.msk $0xffff, v7  }
0x782: {  	s24 =	sadd.s32 $0x1, s24  }
0x783: {  	p0 =	sne.s32 s24, $0x8  }
.Ltmp91:
0x784: {  	_ = 	snop;
	(pc) =	sbr.rel @p0 .LBB2_183-.Ltmp91, $2  }
0x785: {  	_ =	sdelay $0x2  }
0x786: {  	[tilespmem:s25+$0x60] =	vst.add.f32.msk $0xffff, v1;
	s23 =	sadd.s32 $0x80, s23;
	s22 =	sadd.s32 $0x80, s22  }
0x787: {  	s20 =	sadd.s32 $0x1, s20  }
0x788: {  	p0 =	sne.s32 s20, $0x4  }
.Ltmp92:
0x789: {  	_ = 	snop;
	(pc) =	sbr.rel @p0 .LBB2_182-.Ltmp92, $2  }
0x78a: {  	_ =	sdelay $0x2  }
0x78b: {  	s21 =	sadd.s32 $0x2000, s21  }
0x78c: {  	[hbm4b:s3+s6] =	stream.strided.scatter [tilespmem:s12], [sflag:$0x6], $0x8000, s7, s6, $0x38;
	[tilespmem:$0x1C000] =	vst v63  }
0x78d: {  	_ =	swait.ge [sflag:s13], $0x2000  }
0x78e: {  	[sflag:s13] =	ssyncset.done $0x0  }
0x78f: {  	[sflag:s13] =	ssyncadd.s32 $0xFFFFE000  }
0x790: {  	_ =	swait.ge [sflag:s14], $0x8000  }
0x791: {  	[sflag:s14] =	ssyncset.done $0x0  }
0x792: {  	s20 =	simm.s32 $0x0;
	s21 =	simm.s32 $0xC000;
	[sflag:s14] =	ssyncadd.s32 $0xFFFF8000  }
.LBB2_188:
0x793: {  	s22 =	simm.s32 $0x2040;
	s23 =	smov.u32 s21;
	s24 =	simm.s32 $0x0  }
.LBB2_189:
0x794: {  	v0 =	vmov s22;
	_ =	sdelay $0x3  }
0x795: {  	s26 =	simm.s32 $0x0  }
0x796: {  	v1 =	vld.idx.msk [tilespmem:v0+s26+$0x30 ss:$0x1], $0xffff  }
0x797: {  	v2 =	vld.idx.msk [tilespmem:v0+s26+$0xFFFFFFC0 ss:$0x1], $0xffff  }
0x798: {  	v3 =	vld.idx.msk [tilespmem:v0+s26+$0xFFFFFFD0 ss:$0x1], $0xffff  }
0x799: {  	v4 =	vld.idx.msk [tilespmem:v0+s26+$0xFFFFFFE0 ss:$0x1], $0xffff  }
0x79a: {  	v5 =	vld.idx.msk [tilespmem:v0+s26+$0xFFFFFFF0 ss:$0x1], $0xffff  }
0x79b: {  	v6 =	vld.idx.msk [tilespmem:v0+s26+$0x0 ss:$0x1], $0xffff  }
0x79c: {  	s25 =	sadd.s32 $0x0, s23;
	v7 =	vld.idx.msk [tilespmem:v0+s26+$0x10 ss:$0x1], $0xffff  }
0x79d: {  	[tilespmem:s25+$0x70] =	vst.add.f32.msk $0xffff, v1  }
0x79e: {  	v1 =	vld.idx.msk [tilespmem:v0+s26+$0x20 ss:$0x1], $0xffff  }
0x79f: {  	[tilespmem:s25+$0x0] =	vst.add.f32.msk $0xffff, v2  }
0x7a0: {  	[tilespmem:s25+$0x10] =	vst.add.f32.msk $0xffff, v3  }
0x7a1: {  	[tilespmem:s25+$0x20] =	vst.add.f32.msk $0xffff, v4  }
0x7a2: {  	[tilespmem:s25+$0x30] =	vst.add.f32.msk $0xffff, v5  }
0x7a3: {  	[tilespmem:s25+$0x40] =	vst.add.f32.msk $0xffff, v6  }
0x7a4: {  	s28 =	simm.s32 $0x1000;
	s26 =	simm.s32 $0x0;
	[tilespmem:s25+$0x50] =	vst.add.f32.msk $0xffff, v7  }
.LBB2_190:
0x7a5: {  	s29 =	sshra.s32 s28, $0x2;
	s26 =	sadd.s32 $0x80, s26;
	[tilespmem:s25+$0x60] =	vst.add.f32.msk $0xffff, v1  }
0x7a6: {  	v1 =	vld.idx.msk [tilespmem:v0+s29+$0x30 ss:$0x1], $0xffff;
	p0 =	slt.u32 s26, $0x380  }
0x7a7: {  	v2 =	vld.idx.msk [tilespmem:v0+s29+$0xFFFFFFC0 ss:$0x1], $0xffff  }
0x7a8: {  	v3 =	vld.idx.msk [tilespmem:v0+s29+$0xFFFFFFD0 ss:$0x1], $0xffff  }
0x7a9: {  	v4 =	vld.idx.msk [tilespmem:v0+s29+$0xFFFFFFE0 ss:$0x1], $0xffff  }
0x7aa: {  	v5 =	vld.idx.msk [tilespmem:v0+s29+$0xFFFFFFF0 ss:$0x1], $0xffff  }
0x7ab: {  	s25 =	sadd.s32 s29, s23;
	v6 =	vld.idx.msk [tilespmem:v0+s29+$0x0 ss:$0x1], $0xffff  }
0x7ac: {  	[tilespmem:s25+$0x70] =	vst.add.f32.msk $0xffff, v1  }
0x7ad: {  	v7 =	vld.idx.msk [tilespmem:v0+s29+$0x10 ss:$0x1], $0xffff  }
0x7ae: {  	v1 =	vld.idx.msk [tilespmem:v0+s29+$0x20 ss:$0x1], $0xffff  }
0x7af: {  	[tilespmem:s25+$0x0] =	vst.add.f32.msk $0xffff, v2  }
.Ltmp93:
0x7b0: {  	[tilespmem:s25+$0x10] =	vst.add.f32.msk $0xffff, v3;
	(pc) =	sbr.rel @p0 .LBB2_190-.Ltmp93, $4  }
0x7b1: {  	[tilespmem:s25+$0x20] =	vst.add.f32.msk $0xffff, v4  }
0x7b2: {  	[tilespmem:s25+$0x30] =	vst.add.f32.msk $0xffff, v5  }
0x7b3: {  	[tilespmem:s25+$0x40] =	vst.add.f32.msk $0xffff, v6  }
0x7b4: {  	s28 =	sadd.s32 $0x1000, s28;
	[tilespmem:s25+$0x50] =	vst.add.f32.msk $0xffff, v7  }
0x7b5: {  	s24 =	sadd.s32 $0x1, s24  }
0x7b6: {  	p0 =	sne.s32 s24, $0x8  }
.Ltmp94:
0x7b7: {  	_ = 	snop;
	(pc) =	sbr.rel @p0 .LBB2_189-.Ltmp94, $2  }
0x7b8: {  	_ =	sdelay $0x2  }
0x7b9: {  	[tilespmem:s25+$0x60] =	vst.add.f32.msk $0xffff, v1;
	s23 =	sadd.s32 $0x80, s23;
	s22 =	sadd.s32 $0x80, s22  }
0x7ba: {  	s20 =	sadd.s32 $0x1, s20  }
0x7bb: {  	p0 =	sne.s32 s20, $0x4  }
.Ltmp95:
0x7bc: {  	_ = 	snop;
	(pc) =	sbr.rel @p0 .LBB2_188-.Ltmp95, $2  }
0x7bd: {  	_ =	sdelay $0x2  }
0x7be: {  	s21 =	sadd.s32 $0x2000, s21  }
0x7bf: {  	[hbm4b:s4+s6] =	stream.strided.scatter [tilespmem:s8], [sflag:$0x7], $0x8000, s7, s6, $0x38;
	[tilespmem:$0x1C000] =	vst v63  }
0x7c0: {  	_ =	swait.ge [sflag:s18], $0x8000  }
0x7c1: {  	[sflag:s18] =	ssyncset.done $0x0  }
0x7c2: {  	s19 =	sadd.s32 $0x1, s19;
	[sflag:s18] =	ssyncadd.s32 $0xFFFF8000  }
0x7c3: {  	p0 =	sne.s32 s19, s5;
	_ =	swait.ge [sflag:s15], $0x8000  }
.Ltmp96:
0x7c4: {  	[sflag:s15] =	ssyncset.done $0x0;
	(pc) =	sbr.rel @p0 .LBB2_1-.Ltmp96, $4  }
0x7c5: {  	[sflag:s15] =	ssyncadd.s32 $0xFFFF8000  }
0x7c6: {  	_ =	swait.ge [sflag:s17], $0x8000  }
0x7c7: {  	[sflag:s17] =	ssyncset.done $0x0  }
0x7c8: {  	[sflag:s17] =	ssyncadd.s32 $0xFFFF8000  }
0x7c9: {  	_ =	sfence.sel $0x180000  }
0x7ca: {  	[bflag:$0x0] =	sbarrier.arrive $0xFFFF  }
0x7cb: {  	_ =	strace $0x90000047  }
0x7cc: {  	s0 =	stileid.u32;
	[bflag:$0x2] =	sbarrier.arrive $0xFFFF  }
0x7cd: {  	p0 =	sne.s32 s0, $0x0;
	s0 =	rddreg [dreg:$0x3]  }
0x7ce: {  	s0 =	sadd.s32 @!p0 $0x100000, s0  }
0x7cf: {  	[sflag:s0] =	ssyncadd.tile.s32 @!p0 $0x1;
	_ =	shalt  }
.Lfunc_end2:
_tile_overlayer_lowered:
.L_overlay_start_2:
0x7d0: {  	(tag) =	ssettag $0x2  }
0x7d1: {  	s0 =	rddreg [dreg:$0x0];
	s2 =	stileid.u32  }
0x7d2: {  	s1 =	rddreg [dreg:$0x1];
	p0 =	sne.s32 s2, $0x0  }
0x7d3: {  	s3 =	rddreg [dreg:$0x2];
	[bflag:$0x3] =	sbarrier.arrive $0xFFFF;
	s2 =	simm.s32 @!p0 $0x1C09  }
0x7d4: {  	[timem:s3], [sflag:s2] =	dma.local @!p0 [hbm:s0], s1  }
0x7d5: {  	s0 =	simm.s32 @!p0 $0x9  }
0x7d6: {  	_ =	swait.ge @!p0 [sflag:s0], s1  }
0x7d7: {  	s1 =	ssub.s32 @!p0 $0x0, s1;
	[sflag:s0] =	ssyncset.done @!p0 $0x0  }
0x7d8: {  	[sflag:s0] =	ssyncadd.s32 @!p0 s1  }
0x7d9: {  	[bflag:$0x3] =	sbarrier.arrive $0xFFFF  }
0x7da: {  	_ =	shalt  }

</sc_bundles>
